<compile_context>
chip_gen: v7x
topology: tpu7x:2x2x1
jax: 0.10.2.dev20260603
libtpu: 0.0.44.dev20260713+nightly
codegen_flags: <defaults>
</compile_context>

<pallas_src>
import functools

import jax
import jax.numpy as jnp
from jax import lax
from jax.experimental import pallas as pl
from jax.experimental.pallas import tpu as pltpu
from jax.experimental.pallas import tpu_sc as plsc

N = 10000
E = 320000
D = 128
R = 200

NC = 2
NS = 16
NW = NC * NS
EPW = E // NW
B = 64
NFULL = EPW // B
TAIL = EPW - NFULL * B
NPAD = 10240
ROWS_PER_TILE = NPAD // NS
NZB = ROWS_PER_TILE // B
DEGW = 16
NSUPER = 6
SK = NFULL // NSUPER


def _sc_segment_sum(x, srcM, dstM, etM, srcT, dstT, etT, emb_rel, zrow,
                    zdeg, rows2d):
    mesh = plsc.VectorSubcoreMesh(
        core_axis_name="c", subcore_axis_name="s", num_cores=NC,
        num_subcores=NS)

    @functools.partial(
        pl.kernel,
        out_type=(
            jax.ShapeDtypeStruct((NC * NPAD, D), jnp.float32),
            jax.ShapeDtypeStruct((NW, NPAD), jnp.float32),
        ),
        mesh=mesh,
        compiler_params=pltpu.CompilerParams(needs_layout_passes=False),
        scratch_types=dict(
            srcA=pltpu.VMEM((SK, B), jnp.int32),
            dstA=pltpu.VMEM((SK, B), jnp.int32),
            etA=pltpu.VMEM((SK, B), jnp.int32),
            tsrc=pltpu.VMEM((TAIL,), jnp.int32),
            tdst=pltpu.VMEM((TAIL,), jnp.int32),
            tet=pltpu.VMEM((TAIL,), jnp.int32),
            xb0=pltpu.VMEM((B, D), jnp.float32),
            xb1=pltpu.VMEM((B, D), jnp.float32),
            rb0=pltpu.VMEM((B, D), jnp.float32),
            ones_v=pltpu.VMEM((16,), jnp.float32),
            deg_local=pltpu.VMEM((NPAD,), jnp.float32),
            acc_sh=pltpu.VMEM_SHARED((NPAD, D), jnp.float32),
            sem_x0=pltpu.SemaphoreType.DMA,
            sem_x1=pltpu.SemaphoreType.DMA,
            sem_r0=pltpu.SemaphoreType.DMA,
            sem_s=pltpu.SemaphoreType.DMA,
            sem_s2=pltpu.SemaphoreType.DMA,
        ),
    )
    def sc_kernel(x_hbm, srcM_hbm, dstM_hbm, etM_hbm, srcT_hbm, dstT_hbm,
                  etT_hbm, rel_hbm, zrow_hbm, zdeg_hbm, ones_hbm,
                  rows_hbm, acc_out, deg_out, *, srcA, dstA, etA,
                  tsrc, tdst, tet, xb0, xb1, rb0, ones_v, deg_local,
                  acc_sh, sem_x0, sem_x1, sem_r0, sem_s, sem_s2):
        cid = lax.axis_index("c")
        sid = lax.axis_index("s")
        wid = cid * NS + sid
        row0 = sid * ROWS_PER_TILE

        ci = pltpu.async_copy(rows_hbm.at[sid], srcA.at[pl.ds(0, NZB)],
                              sem_x0)
        pltpu.sync_copy(zrow_hbm, xb0)
        pltpu.sync_copy(zdeg_hbm, deg_local)
        ci.wait()
        zs = [pltpu.async_copy(xb0, acc_sh.at[srcA.at[j]], sem_s)
              for j in range(NZB)]
        for z in zs:
            z.wait()


        pltpu.sync_copy(srcT_hbm.at[wid], tsrc)
        pltpu.sync_copy(dstT_hbm.at[wid], tdst)
        pltpu.sync_copy(etT_hbm.at[wid], tet)
        pltpu.sync_copy(ones_hbm, ones_v)
        plsc.subcore_barrier()

        ones16 = ones_v[...]

        def count_degrees(idx_row, k):
            for g in range(B // 16):
                idx16 = idx_row[k, pl.ds(g * 16, 16)]
                plsc.addupdate_scatter(deg_local, [idx16], ones16)

        for s in range(NSUPER):
            ci0 = pltpu.async_copy(srcM_hbm.at[wid, s], srcA, sem_x0)
            ci1 = pltpu.async_copy(dstM_hbm.at[wid, s], dstA, sem_x1)
            ci2 = pltpu.async_copy(etM_hbm.at[wid, s], etA, sem_r0)
            ci0.wait()
            ci1.wait()
            ci2.wait()

            @pl.loop(0, SK, step=2)
            def _(kk):
                k0 = kk
                k1 = kk + 1
                cpx0 = pltpu.async_copy(x_hbm.at[srcA.at[k0]], xb0,
                                        sem_x0)
                cpx1 = pltpu.async_copy(x_hbm.at[srcA.at[k1]], xb1,
                                        sem_x1)
                cpr0 = pltpu.async_copy(rel_hbm.at[etA.at[k0]], rb0,
                                        sem_r0)
                cpx0.wait()
                s0 = pltpu.async_copy(xb0, acc_sh.at[dstA.at[k0]],
                                      sem_s2, add=True)
                cpr0.wait()
                s1 = pltpu.async_copy(rb0, acc_sh.at[dstA.at[k0]], sem_s,
                                      add=True)
                count_degrees(dstA, k0)
                s0.wait()
                cpr1 = pltpu.async_copy(rel_hbm.at[etA.at[k1]], xb0,
                                        sem_r0)
                cpx1.wait()
                s2 = pltpu.async_copy(xb1, acc_sh.at[dstA.at[k1]], sem_s,
                                      add=True)
                cpr1.wait()
                s3 = pltpu.async_copy(xb0, acc_sh.at[dstA.at[k1]], sem_s,
                                      add=True)
                count_degrees(dstA, k1)
                s1.wait()
                s2.wait()
                s3.wait()

        pltpu.async_copy(x_hbm.at[tsrc], xb0.at[pl.ds(0, TAIL)],
                         sem_x0).wait()
        pltpu.async_copy(rel_hbm.at[tet], rb0.at[pl.ds(0, TAIL)],
                         sem_r0).wait()
        pltpu.sync_copy(xb0.at[pl.ds(0, TAIL)], acc_sh.at[tdst], add=True)
        pltpu.sync_copy(rb0.at[pl.ds(0, TAIL)], acc_sh.at[tdst], add=True)
        plsc.addupdate_scatter(deg_local, [tdst[...]], ones16)
        plsc.subcore_barrier()

        out0 = cid * NPAD + row0
        pltpu.sync_copy(rows_hbm.at[sid], srcA.at[pl.ds(0, NZB)])
        bufs = (xb0, xb1)
        gsems = (sem_x0, sem_x1)
        ssems = (sem_s, sem_s2)
        stores = []
        for j in range(NZB):
            if j >= 2:
                stores[j - 2].wait()
            g = pltpu.async_copy(acc_sh.at[srcA.at[j]], bufs[j % 2],
                                 gsems[j % 2])
            g.wait()
            stores.append(pltpu.async_copy(
                bufs[j % 2], acc_out.at[pl.ds(out0 + j * B, B)],
                ssems[j % 2]))
        stores[NZB - 2].wait()
        stores[NZB - 1].wait()
        pltpu.sync_copy(deg_local, deg_out.at[wid])

    return sc_kernel(x, srcM, dstM, etM, srcT, dstT, etT, emb_rel, zrow,
                     zdeg, jnp.ones((16,), jnp.float32), rows2d)


def _tc_tail_body(acc_ref, deg_ref, x_ref, norm_ref, wn_ref, lw_ref,
                  elw_ref, lns_ref, lnb_ref, out_ref):
    accs = acc_ref[0] + acc_ref[1]
    h = jnp.dot(accs, wn_ref[...], preferred_element_type=jnp.float32)
    h = h * norm_ref[...]
    mean = jnp.mean(h, axis=1, keepdims=True)
    var = jnp.mean(jnp.square(h - mean), axis=1, keepdims=True)
    h = (h - mean) * lax.rsqrt(var + 1e-5) * lns_ref[...] + lnb_ref[...]
    deg = jnp.sum(deg_ref[...], axis=1, keepdims=True)
    xb = x_ref[...]
    xl = jnp.dot(xb, lw_ref[...], preferred_element_type=jnp.float32)
    xe = jnp.dot(xb, elw_ref[...], preferred_element_type=jnp.float32)
    out_ref[...] = h + jnp.where(deg > 0.0, xl, xe)


def _tc_tail(acc, deg, x, norm, wn, lw, elw, lns, lnb):
    rows = 1000
    grid = (N // rows,)
    return pl.pallas_call(
        _tc_tail_body,
        grid=grid,
        in_specs=[
            pl.BlockSpec((NC, rows, D), lambda i: (0, i, 0)),
            pl.BlockSpec((rows, NW), lambda i: (i, 0)),
            pl.BlockSpec((rows, D), lambda i: (i, 0)),
            pl.BlockSpec((rows, 1), lambda i: (i, 0)),
            pl.BlockSpec((D, D), lambda i: (0, 0)),
            pl.BlockSpec((D, D), lambda i: (0, 0)),
            pl.BlockSpec((D, D), lambda i: (0, 0)),
            pl.BlockSpec((1, D), lambda i: (0, 0)),
            pl.BlockSpec((1, D), lambda i: (0, 0)),
        ],
        out_specs=pl.BlockSpec((rows, D), lambda i: (i, 0)),
        out_shape=jax.ShapeDtypeStruct((N, D), jnp.float32),
    )(acc, deg, x, norm, wn, lw, elw, lns, lnb)


def kernel(x, edge_index, edge_type, norm, emb_rel, weight_neighbor,
           loop_weight, evolve_loop_weight, ln_scale, ln_bias):
    src2d = edge_index[0].reshape(NW, EPW)
    dst2d = edge_index[1].reshape(NW, EPW)
    et2d = edge_type.reshape(NW, EPW)
    srcM = src2d[:, :NFULL * B].reshape(NW, NSUPER, SK, B)
    dstM = dst2d[:, :NFULL * B].reshape(NW, NSUPER, SK, B)
    etM = et2d[:, :NFULL * B].reshape(NW, NSUPER, SK, B)
    srcT = src2d[:, NFULL * B:]
    dstT = dst2d[:, NFULL * B:]
    etT = et2d[:, NFULL * B:]
    zrow = jnp.zeros((B, D), jnp.float32)
    zdeg = jnp.zeros((NPAD,), jnp.float32)
    rows2d = jnp.arange(NPAD, dtype=jnp.int32).reshape(NS, NZB, B)
    acc2, deg2 = _sc_segment_sum(x, srcM, dstM, etM, srcT, dstT, etT,
                                 emb_rel, zrow, zdeg, rows2d)
    acc = acc2.reshape(NC, NPAD, D)
    deg_t = deg2.T
    return _tc_tail(acc, deg_t, x, norm, weight_neighbor, loop_weight,
                    evolve_loop_weight, ln_scale.reshape(1, D),
                    ln_bias.reshape(1, D))

# --- scband reference (transcript-rebuilt; emitter-appended) ---
"""Pipeline reference for scband-union-rgcnlayer-74431783240012 (READ-ONLY COPY).

The authoritative reference and input builder live on the scoring server;
editing this copy changes nothing except your own understanding.
"""

import jax, jax.numpy as jnp
import numpy as np

N = 10000
E = 320000
D = 128
R = 200


def _xavier(key, shape, gain):
    fan_in, fan_out = shape[0], shape[1]
    limit = gain * np.sqrt(6.0 / (fan_in + fan_out))
    return jax.random.uniform(key, shape, dtype=jnp.float32, minval=-limit, maxval=limit)


def setup_inputs(seed: int = 0) -> dict:
    key = jax.random.key(seed)
    ks = jax.random.split(key, 9)
    gain = np.sqrt(2.0)  # calculate_gain('relu')
    x = jax.random.normal(ks[0], (N, D), dtype=jnp.float32)
    edge_index = jax.random.randint(ks[1], (2, E), 0, N, dtype=jnp.int32)
    edge_type = jax.random.randint(ks[2], (E,), 0, R, dtype=jnp.int32)
    norm = jax.random.uniform(ks[3], (N, 1), dtype=jnp.float32)
    emb_rel = jax.random.normal(ks[4], (R, D), dtype=jnp.float32)
    weight_neighbor = _xavier(ks[5], (D, D), gain)
    loop_weight = _xavier(ks[6], (D, D), gain)
    evolve_loop_weight = _xavier(ks[7], (D, D), gain)
    ln_scale = jnp.ones((D,), dtype=jnp.float32)
    ln_bias = jnp.zeros((D,), dtype=jnp.float32)
    return {
        "x": x,
        "edge_index": edge_index,
        "edge_type": edge_type,
        "norm": norm,
        "emb_rel": emb_rel,
        "weight_neighbor": weight_neighbor,
        "loop_weight": loop_weight,
        "evolve_loop_weight": evolve_loop_weight,
        "ln_scale": ln_scale,
        "ln_bias": ln_bias,
    }


def reference(x, edge_index, edge_type, norm, emb_rel, weight_neighbor,
              loop_weight, evolve_loop_weight, ln_scale, ln_bias):
    src = edge_index[0]
    dst = edge_index[1]
    # msg_func: msg = (h_src + rel_emb[type]) @ weight_neighbor  (gather-heavy)
    msg = (jnp.take(x, src, axis=0) + jnp.take(emb_rel, edge_type, axis=0)) @ weight_neighbor
    # fn.sum over incoming edges -> scatter-add per destination node
    h = jax.ops.segment_sum(msg, dst, num_segments=N)
    # apply_func: h = h * norm
    h = h * norm
    # layer norm (torch LayerNorm: biased variance, eps=1e-5)
    mean = jnp.mean(h, axis=-1, keepdims=True)
    var = jnp.var(h, axis=-1, keepdims=True)
    h = (h - mean) / jnp.sqrt(var + 1e-5) * ln_scale + ln_bias
    # self-loop: nodes with in_degree > 0 use loop_weight, others evolve_loop_weight
    in_deg = jnp.zeros((N,), dtype=jnp.int32).at[dst].add(1)
    loop_message = jnp.where((in_deg > 0)[:, None], x @ loop_weight, x @ evolve_loop_weight)
    node_repr = h + loop_message
    # activation=None, dropout=0 -> identity
    return node_repr

if __name__ == "__main__":
    import jax
    _d = setup_inputs()
    print(jax.jit(kernel)(*tuple(_d.values())))

</pallas_src>

<mosaic_0001>
#map = affine_map<(d0, d1) -> (0, 0)>
#map1 = affine_map<(d0, d1) -> (0, 0, 0, 0)>
#map2 = affine_map<(d0, d1) -> (0)>
#map3 = affine_map<(d0, d1) -> (0, 0, 0)>
module attributes {stable_mosaic.version = 14 : i64} {
  func.func @sc_kernel(%arg0: i32, %arg1: i32, %arg2: memref<10000x128xf32, #tpu.memory_space<hbm>>, %arg3: memref<32x6x26x64xi32, #tpu.memory_space<hbm>>, %arg4: memref<32x6x26x64xi32, #tpu.memory_space<hbm>>, %arg5: memref<32x6x26x64xi32, #tpu.memory_space<hbm>>, %arg6: memref<32x16xi32, #tpu.memory_space<hbm>>, %arg7: memref<32x16xi32, #tpu.memory_space<hbm>>, %arg8: memref<32x16xi32, #tpu.memory_space<hbm>>, %arg9: memref<200x128xf32, #tpu.memory_space<hbm>>, %arg10: memref<64x128xf32, #tpu.memory_space<hbm>>, %arg11: memref<10240xf32, #tpu.memory_space<hbm>>, %arg12: memref<16xf32, #tpu.memory_space<hbm>>, %arg13: memref<16x10x64xi32, #tpu.memory_space<hbm>>, %arg14: memref<20480x128xf32, #tpu.memory_space<hbm>>, %arg15: memref<32x10240xf32, #tpu.memory_space<hbm>>, %arg16: memref<10240x128xf32, #tpu.memory_space<vmem_shared>>, %arg17: memref<10240xf32, #tpu.memory_space<vmem>>, %arg18: memref<26x64xi32, #tpu.memory_space<vmem>>, %arg19: memref<26x64xi32, #tpu.memory_space<vmem>>, %arg20: memref<16xf32, #tpu.memory_space<vmem>>, %arg21: memref<64x128xf32, #tpu.memory_space<vmem>>, %arg22: memref<!tpu.dma_semaphore, #tpu.memory_space<semaphore_mem>>, %arg23: memref<!tpu.dma_semaphore, #tpu.memory_space<semaphore_mem>>, %arg24: memref<!tpu.dma_semaphore, #tpu.memory_space<semaphore_mem>>, %arg25: memref<!tpu.dma_semaphore, #tpu.memory_space<semaphore_mem>>, %arg26: memref<!tpu.dma_semaphore, #tpu.memory_space<semaphore_mem>>, %arg27: memref<26x64xi32, #tpu.memory_space<vmem>>, %arg28: memref<16xi32, #tpu.memory_space<vmem>>, %arg29: memref<16xi32, #tpu.memory_space<vmem>>, %arg30: memref<16xi32, #tpu.memory_space<vmem>>, %arg31: memref<64x128xf32, #tpu.memory_space<vmem>>, %arg32: memref<64x128xf32, #tpu.memory_space<vmem>>) attributes {dimension_semantics = [#tpu.dimension_semantics<core_parallel>, #tpu.dimension_semantics<subcore_parallel>], iteration_bounds = array<i64: 2, 16>, scalar_prefetch = 0 : i64, scratch_operands = 17 : i64, tpu.core_type = #tpu.core_type<sc_vector_subcore>, window_params = [{transform_indices = #map}, {transform_indices = #map1}, {transform_indices = #map1}, {transform_indices = #map1}, {transform_indices = #map}, {transform_indices = #map}, {transform_indices = #map}, {transform_indices = #map}, {transform_indices = #map}, {transform_indices = #map2}, {transform_indices = #map2}, {transform_indices = #map3}, {transform_indices = #map}, {transform_indices = #map}]} {
    %mul3A = arith.constant 16 : i32
    %mul3A_0 = arith.muli %arg0, %mul3A : i32
    %add3A = arith.addi %mul3A_0, %arg1 : i32
    %mul3A_1 = arith.constant 640 : i32
    %mul3A_2 = arith.muli %arg1, %mul3A_1 : i32
    %dma_start3A = arith.constant 0 : i32
    %dma_start3A_3 = arith.constant 0 : i32
    %dma_start3A_4 = tpu.memref_slice %arg27[%dma_start3A, %dma_start3A_3] : memref<26x64xi32, #tpu.memory_space<vmem>> -> memref<10x64xi32, #tpu.memory_space<vmem>>
    %dma_start3A_5 = arith.constant 0 : i32
    %dma_start3A_6 = arith.constant 0 : i32
    %dma_start3A_7 = tpu.memref_slice %arg13[%arg1, %dma_start3A_5, %dma_start3A_6] : memref<16x10x64xi32, #tpu.memory_space<hbm>> -> memref<1x10x64xi32, #tpu.memory_space<hbm>>
    %dma_start3A_8 = tpu.memref_squeeze %dma_start3A_7 : memref<1x10x64xi32, #tpu.memory_space<hbm>> -> memref<10x64xi32, #tpu.memory_space<hbm>>
    %dma_start3A_9 = arith.constant 0 : i32
    %dma_start3A_10 = arith.constant 0 : i32
    %dma_start3A_11 = tpu.memref_slice %arg27[%dma_start3A_9, %dma_start3A_10] : memref<26x64xi32, #tpu.memory_space<vmem>> -> memref<10x64xi32, #tpu.memory_space<vmem>>
    %dma_start3A_12 = arith.constant 0 : i32
    %dma_start3A_13 = arith.constant 0 : i32
    %dma_start3A_14 = tpu.memref_slice %arg13[%arg1, %dma_start3A_12, %dma_start3A_13] : memref<16x10x64xi32, #tpu.memory_space<hbm>> -> memref<1x10x64xi32, #tpu.memory_space<hbm>>
    %dma_start3A_15 = tpu.memref_squeeze %dma_start3A_14 : memref<1x10x64xi32, #tpu.memory_space<hbm>> -> memref<10x64xi32, #tpu.memory_space<hbm>>
    tpu.enqueue_dma source(%dma_start3A_15 : memref<10x64xi32, #tpu.memory_space<hbm>>) target(%dma_start3A_11 : memref<10x64xi32, #tpu.memory_space<vmem>>) target_semaphore(%arg25 : memref<!tpu.dma_semaphore, #tpu.memory_space<semaphore_mem>>)
    "tpu.region"() ({
      %run_scoped3A = tpu.sem_alloc : memref<!tpu.dma_semaphore, #tpu.memory_space<semaphore_mem>>
      tpu.enqueue_dma source(%arg10 : memref<64x128xf32, #tpu.memory_space<hbm>>) target(%arg31 : memref<64x128xf32, #tpu.memory_space<vmem>>) target_semaphore(%run_scoped3A : memref<!tpu.dma_semaphore, #tpu.memory_space<semaphore_mem>>)
      tpu.wait_dma2 semaphore(%run_scoped3A : memref<!tpu.dma_semaphore, #tpu.memory_space<semaphore_mem>>) src(%arg10 : memref<64x128xf32, #tpu.memory_space<hbm>>) dst(%arg31 : memref<64x128xf32, #tpu.memory_space<vmem>>)
      tpu.yield
    }) : () -> ()
    "tpu.region"() ({
      %run_scoped3A = tpu.sem_alloc : memref<!tpu.dma_semaphore, #tpu.memory_space<semaphore_mem>>
      tpu.enqueue_dma source(%arg11 : memref<10240xf32, #tpu.memory_space<hbm>>) target(%arg17 : memref<10240xf32, #tpu.memory_space<vmem>>) target_semaphore(%run_scoped3A : memref<!tpu.dma_semaphore, #tpu.memory_space<semaphore_mem>>)
      tpu.wait_dma2 semaphore(%run_scoped3A : memref<!tpu.dma_semaphore, #tpu.memory_space<semaphore_mem>>) src(%arg11 : memref<10240xf32, #tpu.memory_space<hbm>>) dst(%arg17 : memref<10240xf32, #tpu.memory_space<vmem>>)
      tpu.yield
    }) : () -> ()
    %dma_wait3A = arith.constant 0 : i32
    %dma_wait3A_16 = arith.constant 0 : i32
    %dma_wait3A_17 = tpu.memref_slice %arg27[%dma_wait3A, %dma_wait3A_16] : memref<26x64xi32, #tpu.memory_space<vmem>> -> memref<10x64xi32, #tpu.memory_space<vmem>>
    %dma_wait3A_18 = arith.constant 0 : i32
    %dma_wait3A_19 = arith.constant 0 : i32
    %dma_wait3A_20 = tpu.memref_slice %arg13[%arg1, %dma_wait3A_18, %dma_wait3A_19] : memref<16x10x64xi32, #tpu.memory_space<hbm>> -> memref<1x10x64xi32, #tpu.memory_space<hbm>>
    %dma_wait3A_21 = tpu.memref_squeeze %dma_wait3A_20 : memref<1x10x64xi32, #tpu.memory_space<hbm>> -> memref<10x64xi32, #tpu.memory_space<hbm>>
    %dma_wait3A_22 = arith.constant 0 : i32
    %dma_wait3A_23 = arith.constant 0 : i32
    %dma_wait3A_24 = tpu.memref_slice %arg27[%dma_wait3A_22, %dma_wait3A_23] : memref<26x64xi32, #tpu.memory_space<vmem>> -> memref<10x64xi32, #tpu.memory_space<vmem>>
    %dma_wait3A_25 = arith.constant 0 : i32
    %dma_wait3A_26 = arith.constant 0 : i32
    %dma_wait3A_27 = tpu.memref_slice %arg13[%arg1, %dma_wait3A_25, %dma_wait3A_26] : memref<16x10x64xi32, #tpu.memory_space<hbm>> -> memref<1x10x64xi32, #tpu.memory_space<hbm>>
    %dma_wait3A_28 = tpu.memref_squeeze %dma_wait3A_27 : memref<1x10x64xi32, #tpu.memory_space<hbm>> -> memref<10x64xi32, #tpu.memory_space<hbm>>
    tpu.wait_dma2 semaphore(%arg25 : memref<!tpu.dma_semaphore, #tpu.memory_space<semaphore_mem>>) src(%dma_wait3A_28 : memref<10x64xi32, #tpu.memory_space<hbm>>) dst(%dma_wait3A_24 : memref<10x64xi32, #tpu.memory_space<vmem>>)
    %dma_start3A_29 = arith.constant 0 : i32
    %dma_start3A_30 = arith.constant 0 : i32
    %dma_start3A_31 = tpu.memref_slice %arg27[%dma_start3A_29, %dma_start3A_30] : memref<26x64xi32, #tpu.memory_space<vmem>> -> memref<1x64xi32, #tpu.memory_space<vmem>>
    %dma_start3A_32 = tpu.memref_squeeze %dma_start3A_31 : memref<1x64xi32, #tpu.memory_space<vmem>> -> memref<64xi32, #tpu.memory_space<vmem>>
    %dma_start3A_33 = arith.constant 0 : i32
    %dma_start3A_34 = arith.constant 0 : i32
    %dma_start3A_35 = tpu.memref_slice %arg16[%dma_start3A_33, %dma_start3A_34] : memref<10240x128xf32, #tpu.memory_space<vmem_shared>> -> memref<10240x128xf32, #tpu.memory_space<vmem_shared>>
    tpu.enqueue_indirect_dma source(%arg31 : memref<64x128xf32, #tpu.memory_space<vmem>>) target(%dma_start3A_35 : memref<10240x128xf32, #tpu.memory_space<vmem_shared>>) offsets(%dma_start3A_32 : memref<64xi32, #tpu.memory_space<vmem>>) semaphore(%arg23 : memref<!tpu.dma_semaphore, #tpu.memory_space<semaphore_mem>>)
    %dma_start3A_36 = arith.constant 1 : i32
    %dma_start3A_37 = arith.constant 0 : i32
    %dma_start3A_38 = tpu.memref_slice %arg27[%dma_start3A_36, %dma_start3A_37] : memref<26x64xi32, #tpu.memory_space<vmem>> -> memref<1x64xi32, #tpu.memory_space<vmem>>
    %dma_start3A_39 = tpu.memref_squeeze %dma_start3A_38 : memref<1x64xi32, #tpu.memory_space<vmem>> -> memref<64xi32, #tpu.memory_space<vmem>>
    %dma_start3A_40 = arith.constant 0 : i32
    %dma_start3A_41 = arith.constant 0 : i32
    %dma_start3A_42 = tpu.memref_slice %arg16[%dma_start3A_40, %dma_start3A_41] : memref<10240x128xf32, #tpu.memory_space<vmem_shared>> -> memref<10240x128xf32, #tpu.memory_space<vmem_shared>>
    tpu.enqueue_indirect_dma source(%arg31 : memref<64x128xf32, #tpu.memory_space<vmem>>) target(%dma_start3A_42 : memref<10240x128xf32, #tpu.memory_space<vmem_shared>>) offsets(%dma_start3A_39 : memref<64xi32, #tpu.memory_space<vmem>>) semaphore(%arg23 : memref<!tpu.dma_semaphore, #tpu.memory_space<semaphore_mem>>)
    %dma_start3A_43 = arith.constant 2 : i32
    %dma_start3A_44 = arith.constant 0 : i32
    %dma_start3A_45 = tpu.memref_slice %arg27[%dma_start3A_43, %dma_start3A_44] : memref<26x64xi32, #tpu.memory_space<vmem>> -> memref<1x64xi32, #tpu.memory_space<vmem>>
    %dma_start3A_46 = tpu.memref_squeeze %dma_start3A_45 : memref<1x64xi32, #tpu.memory_space<vmem>> -> memref<64xi32, #tpu.memory_space<vmem>>
    %dma_start3A_47 = arith.constant 0 : i32
    %dma_start3A_48 = arith.constant 0 : i32
    %dma_start3A_49 = tpu.memref_slice %arg16[%dma_start3A_47, %dma_start3A_48] : memref<10240x128xf32, #tpu.memory_space<vmem_shared>> -> memref<10240x128xf32, #tpu.memory_space<vmem_shared>>
    tpu.enqueue_indirect_dma source(%arg31 : memref<64x128xf32, #tpu.memory_space<vmem>>) target(%dma_start3A_49 : memref<10240x128xf32, #tpu.memory_space<vmem_shared>>) offsets(%dma_start3A_46 : memref<64xi32, #tpu.memory_space<vmem>>) semaphore(%arg23 : memref<!tpu.dma_semaphore, #tpu.memory_space<semaphore_mem>>)
    %dma_start3A_50 = arith.constant 3 : i32
    %dma_start3A_51 = arith.constant 0 : i32
    %dma_start3A_52 = tpu.memref_slice %arg27[%dma_start3A_50, %dma_start3A_51] : memref<26x64xi32, #tpu.memory_space<vmem>> -> memref<1x64xi32, #tpu.memory_space<vmem>>
    %dma_start3A_53 = tpu.memref_squeeze %dma_start3A_52 : memref<1x64xi32, #tpu.memory_space<vmem>> -> memref<64xi32, #tpu.memory_space<vmem>>
    %dma_start3A_54 = arith.constant 0 : i32
    %dma_start3A_55 = arith.constant 0 : i32
    %dma_start3A_56 = tpu.memref_slice %arg16[%dma_start3A_54, %dma_start3A_55] : memref<10240x128xf32, #tpu.memory_space<vmem_shared>> -> memref<10240x128xf32, #tpu.memory_space<vmem_shared>>
    tpu.enqueue_indirect_dma source(%arg31 : memref<64x128xf32, #tpu.memory_space<vmem>>) target(%dma_start3A_56 : memref<10240x128xf32, #tpu.memory_space<vmem_shared>>) offsets(%dma_start3A_53 : memref<64xi32, #tpu.memory_space<vmem>>) semaphore(%arg23 : memref<!tpu.dma_semaphore, #tpu.memory_space<semaphore_mem>>)
    %dma_start3A_57 = arith.constant 4 : i32
    %dma_start3A_58 = arith.constant 0 : i32
    %dma_start3A_59 = tpu.memref_slice %arg27[%dma_start3A_57, %dma_start3A_58] : memref<26x64xi32, #tpu.memory_space<vmem>> -> memref<1x64xi32, #tpu.memory_space<vmem>>
    %dma_start3A_60 = tpu.memref_squeeze %dma_start3A_59 : memref<1x64xi32, #tpu.memory_space<vmem>> -> memref<64xi32, #tpu.memory_space<vmem>>
    %dma_start3A_61 = arith.constant 0 : i32
    %dma_start3A_62 = arith.constant 0 : i32
    %dma_start3A_63 = tpu.memref_slice %arg16[%dma_start3A_61, %dma_start3A_62] : memref<10240x128xf32, #tpu.memory_space<vmem_shared>> -> memref<10240x128xf32, #tpu.memory_space<vmem_shared>>
    tpu.enqueue_indirect_dma source(%arg31 : memref<64x128xf32, #tpu.memory_space<vmem>>) target(%dma_start3A_63 : memref<10240x128xf32, #tpu.memory_space<vmem_shared>>) offsets(%dma_start3A_60 : memref<64xi32, #tpu.memory_space<vmem>>) semaphore(%arg23 : memref<!tpu.dma_semaphore, #tpu.memory_space<semaphore_mem>>)
    %dma_start3A_64 = arith.constant 5 : i32
    %dma_start3A_65 = arith.constant 0 : i32
    %dma_start3A_66 = tpu.memref_slice %arg27[%dma_start3A_64, %dma_start3A_65] : memref<26x64xi32, #tpu.memory_space<vmem>> -> memref<1x64xi32, #tpu.memory_space<vmem>>
    %dma_start3A_67 = tpu.memref_squeeze %dma_start3A_66 : memref<1x64xi32, #tpu.memory_space<vmem>> -> memref<64xi32, #tpu.memory_space<vmem>>
    %dma_start3A_68 = arith.constant 0 : i32
    %dma_start3A_69 = arith.constant 0 : i32
    %dma_start3A_70 = tpu.memref_slice %arg16[%dma_start3A_68, %dma_start3A_69] : memref<10240x128xf32, #tpu.memory_space<vmem_shared>> -> memref<10240x128xf32, #tpu.memory_space<vmem_shared>>
    tpu.enqueue_indirect_dma source(%arg31 : memref<64x128xf32, #tpu.memory_space<vmem>>) target(%dma_start3A_70 : memref<10240x128xf32, #tpu.memory_space<vmem_shared>>) offsets(%dma_start3A_67 : memref<64xi32, #tpu.memory_space<vmem>>) semaphore(%arg23 : memref<!tpu.dma_semaphore, #tpu.memory_space<semaphore_mem>>)
    %dma_start3A_71 = arith.constant 6 : i32
    %dma_start3A_72 = arith.constant 0 : i32
    %dma_start3A_73 = tpu.memref_slice %arg27[%dma_start3A_71, %dma_start3A_72] : memref<26x64xi32, #tpu.memory_space<vmem>> -> memref<1x64xi32, #tpu.memory_space<vmem>>
    %dma_start3A_74 = tpu.memref_squeeze %dma_start3A_73 : memref<1x64xi32, #tpu.memory_space<vmem>> -> memref<64xi32, #tpu.memory_space<vmem>>
    %dma_start3A_75 = arith.constant 0 : i32
    %dma_start3A_76 = arith.constant 0 : i32
    %dma_start3A_77 = tpu.memref_slice %arg16[%dma_start3A_75, %dma_start3A_76] : memref<10240x128xf32, #tpu.memory_space<vmem_shared>> -> memref<10240x128xf32, #tpu.memory_space<vmem_shared>>
    tpu.enqueue_indirect_dma source(%arg31 : memref<64x128xf32, #tpu.memory_space<vmem>>) target(%dma_start3A_77 : memref<10240x128xf32, #tpu.memory_space<vmem_shared>>) offsets(%dma_start3A_74 : memref<64xi32, #tpu.memory_space<vmem>>) semaphore(%arg23 : memref<!tpu.dma_semaphore, #tpu.memory_space<semaphore_mem>>)
    %dma_start3A_78 = arith.constant 7 : i32
    %dma_start3A_79 = arith.constant 0 : i32
    %dma_start3A_80 = tpu.memref_slice %arg27[%dma_start3A_78, %dma_start3A_79] : memref<26x64xi32, #tpu.memory_space<vmem>> -> memref<1x64xi32, #tpu.memory_space<vmem>>
    %dma_start3A_81 = tpu.memref_squeeze %dma_start3A_80 : memref<1x64xi32, #tpu.memory_space<vmem>> -> memref<64xi32, #tpu.memory_space<vmem>>
    %dma_start3A_82 = arith.constant 0 : i32
    %dma_start3A_83 = arith.constant 0 : i32
    %dma_start3A_84 = tpu.memref_slice %arg16[%dma_start3A_82, %dma_start3A_83] : memref<10240x128xf32, #tpu.memory_space<vmem_shared>> -> memref<10240x128xf32, #tpu.memory_space<vmem_shared>>
    tpu.enqueue_indirect_dma source(%arg31 : memref<64x128xf32, #tpu.memory_space<vmem>>) target(%dma_start3A_84 : memref<10240x128xf32, #tpu.memory_space<vmem_shared>>) offsets(%dma_start3A_81 : memref<64xi32, #tpu.memory_space<vmem>>) semaphore(%arg23 : memref<!tpu.dma_semaphore, #tpu.memory_space<semaphore_mem>>)
    %dma_start3A_85 = arith.constant 8 : i32
    %dma_start3A_86 = arith.constant 0 : i32
    %dma_start3A_87 = tpu.memref_slice %arg27[%dma_start3A_85, %dma_start3A_86] : memref<26x64xi32, #tpu.memory_space<vmem>> -> memref<1x64xi32, #tpu.memory_space<vmem>>
    %dma_start3A_88 = tpu.memref_squeeze %dma_start3A_87 : memref<1x64xi32, #tpu.memory_space<vmem>> -> memref<64xi32, #tpu.memory_space<vmem>>
    %dma_start3A_89 = arith.constant 0 : i32
    %dma_start3A_90 = arith.constant 0 : i32
    %dma_start3A_91 = tpu.memref_slice %arg16[%dma_start3A_89, %dma_start3A_90] : memref<10240x128xf32, #tpu.memory_space<vmem_shared>> -> memref<10240x128xf32, #tpu.memory_space<vmem_shared>>
    tpu.enqueue_indirect_dma source(%arg31 : memref<64x128xf32, #tpu.memory_space<vmem>>) target(%dma_start3A_91 : memref<10240x128xf32, #tpu.memory_space<vmem_shared>>) offsets(%dma_start3A_88 : memref<64xi32, #tpu.memory_space<vmem>>) semaphore(%arg23 : memref<!tpu.dma_semaphore, #tpu.memory_space<semaphore_mem>>)
    %dma_start3A_92 = arith.constant 9 : i32
    %dma_start3A_93 = arith.constant 0 : i32
    %dma_start3A_94 = tpu.memref_slice %arg27[%dma_start3A_92, %dma_start3A_93] : memref<26x64xi32, #tpu.memory_space<vmem>> -> memref<1x64xi32, #tpu.memory_space<vmem>>
    %dma_start3A_95 = tpu.memref_squeeze %dma_start3A_94 : memref<1x64xi32, #tpu.memory_space<vmem>> -> memref<64xi32, #tpu.memory_space<vmem>>
    %dma_start3A_96 = arith.constant 0 : i32
    %dma_start3A_97 = arith.constant 0 : i32
    %dma_start3A_98 = tpu.memref_slice %arg16[%dma_start3A_96, %dma_start3A_97] : memref<10240x128xf32, #tpu.memory_space<vmem_shared>> -> memref<10240x128xf32, #tpu.memory_space<vmem_shared>>
    tpu.enqueue_indirect_dma source(%arg31 : memref<64x128xf32, #tpu.memory_space<vmem>>) target(%dma_start3A_98 : memref<10240x128xf32, #tpu.memory_space<vmem_shared>>) offsets(%dma_start3A_95 : memref<64xi32, #tpu.memory_space<vmem>>) semaphore(%arg23 : memref<!tpu.dma_semaphore, #tpu.memory_space<semaphore_mem>>)
    %dma_wait3A_99 = arith.constant 0 : i32
    %dma_wait3A_100 = arith.constant 0 : i32
    %dma_wait3A_101 = tpu.memref_slice %arg27[%dma_wait3A_99, %dma_wait3A_100] : memref<26x64xi32, #tpu.memory_space<vmem>> -> memref<1x64xi32, #tpu.memory_space<vmem>>
    %dma_wait3A_102 = tpu.memref_squeeze %dma_wait3A_101 : memref<1x64xi32, #tpu.memory_space<vmem>> -> memref<64xi32, #tpu.memory_space<vmem>>
    %dma_wait3A_103 = arith.constant 0 : i32
    %dma_wait3A_104 = arith.constant 0 : i32
    %dma_wait3A_105 = tpu.memref_slice %arg16[%dma_wait3A_103, %dma_wait3A_104] : memref<10240x128xf32, #tpu.memory_space<vmem_shared>> -> memref<10240x128xf32, #tpu.memory_space<vmem_shared>>
    tpu.wait_indirect_dma semaphore(%arg23 : memref<!tpu.dma_semaphore, #tpu.memory_space<semaphore_mem>>) src(%arg31 : memref<64x128xf32, #tpu.memory_space<vmem>>) dst(%dma_wait3A_105 : memref<10240x128xf32, #tpu.memory_space<vmem_shared>>)
    %dma_wait3A_106 = arith.constant 1 : i32
    %dma_wait3A_107 = arith.constant 0 : i32
    %dma_wait3A_108 = tpu.memref_slice %arg27[%dma_wait3A_106, %dma_wait3A_107] : memref<26x64xi32, #tpu.memory_space<vmem>> -> memref<1x64xi32, #tpu.memory_space<vmem>>
    %dma_wait3A_109 = tpu.memref_squeeze %dma_wait3A_108 : memref<1x64xi32, #tpu.memory_space<vmem>> -> memref<64xi32, #tpu.memory_space<vmem>>
    %dma_wait3A_110 = arith.constant 0 : i32
    %dma_wait3A_111 = arith.constant 0 : i32
    %dma_wait3A_112 = tpu.memref_slice %arg16[%dma_wait3A_110, %dma_wait3A_111] : memref<10240x128xf32, #tpu.memory_space<vmem_shared>> -> memref<10240x128xf32, #tpu.memory_space<vmem_shared>>
    tpu.wait_indirect_dma semaphore(%arg23 : memref<!tpu.dma_semaphore, #tpu.memory_space<semaphore_mem>>) src(%arg31 : memref<64x128xf32, #tpu.memory_space<vmem>>) dst(%dma_wait3A_112 : memref<10240x128xf32, #tpu.memory_space<vmem_shared>>)
    %dma_wait3A_113 = arith.constant 2 : i32
    %dma_wait3A_114 = arith.constant 0 : i32
    %dma_wait3A_115 = tpu.memref_slice %arg27[%dma_wait3A_113, %dma_wait3A_114] : memref<26x64xi32, #tpu.memory_space<vmem>> -> memref<1x64xi32, #tpu.memory_space<vmem>>
    %dma_wait3A_116 = tpu.memref_squeeze %dma_wait3A_115 : memref<1x64xi32, #tpu.memory_space<vmem>> -> memref<64xi32, #tpu.memory_space<vmem>>
    %dma_wait3A_117 = arith.constant 0 : i32
    %dma_wait3A_118 = arith.constant 0 : i32
    %dma_wait3A_119 = tpu.memref_slice %arg16[%dma_wait3A_117, %dma_wait3A_118] : memref<10240x128xf32, #tpu.memory_space<vmem_shared>> -> memref<10240x128xf32, #tpu.memory_space<vmem_shared>>
    tpu.wait_indirect_dma semaphore(%arg23 : memref<!tpu.dma_semaphore, #tpu.memory_space<semaphore_mem>>) src(%arg31 : memref<64x128xf32, #tpu.memory_space<vmem>>) dst(%dma_wait3A_119 : memref<10240x128xf32, #tpu.memory_space<vmem_shared>>)
    %dma_wait3A_120 = arith.constant 3 : i32
    %dma_wait3A_121 = arith.constant 0 : i32
    %dma_wait3A_122 = tpu.memref_slice %arg27[%dma_wait3A_120, %dma_wait3A_121] : memref<26x64xi32, #tpu.memory_space<vmem>> -> memref<1x64xi32, #tpu.memory_space<vmem>>
    %dma_wait3A_123 = tpu.memref_squeeze %dma_wait3A_122 : memref<1x64xi32, #tpu.memory_space<vmem>> -> memref<64xi32, #tpu.memory_space<vmem>>
    %dma_wait3A_124 = arith.constant 0 : i32
    %dma_wait3A_125 = arith.constant 0 : i32
    %dma_wait3A_126 = tpu.memref_slice %arg16[%dma_wait3A_124, %dma_wait3A_125] : memref<10240x128xf32, #tpu.memory_space<vmem_shared>> -> memref<10240x128xf32, #tpu.memory_space<vmem_shared>>
    tpu.wait_indirect_dma semaphore(%arg23 : memref<!tpu.dma_semaphore, #tpu.memory_space<semaphore_mem>>) src(%arg31 : memref<64x128xf32, #tpu.memory_space<vmem>>) dst(%dma_wait3A_126 : memref<10240x128xf32, #tpu.memory_space<vmem_shared>>)
    %dma_wait3A_127 = arith.constant 4 : i32
    %dma_wait3A_128 = arith.constant 0 : i32
    %dma_wait3A_129 = tpu.memref_slice %arg27[%dma_wait3A_127, %dma_wait3A_128] : memref<26x64xi32, #tpu.memory_space<vmem>> -> memref<1x64xi32, #tpu.memory_space<vmem>>
    %dma_wait3A_130 = tpu.memref_squeeze %dma_wait3A_129 : memref<1x64xi32, #tpu.memory_space<vmem>> -> memref<64xi32, #tpu.memory_space<vmem>>
    %dma_wait3A_131 = arith.constant 0 : i32
    %dma_wait3A_132 = arith.constant 0 : i32
    %dma_wait3A_133 = tpu.memref_slice %arg16[%dma_wait3A_131, %dma_wait3A_132] : memref<10240x128xf32, #tpu.memory_space<vmem_shared>> -> memref<10240x128xf32, #tpu.memory_space<vmem_shared>>
    tpu.wait_indirect_dma semaphore(%arg23 : memref<!tpu.dma_semaphore, #tpu.memory_space<semaphore_mem>>) src(%arg31 : memref<64x128xf32, #tpu.memory_space<vmem>>) dst(%dma_wait3A_133 : memref<10240x128xf32, #tpu.memory_space<vmem_shared>>)
    %dma_wait3A_134 = arith.constant 5 : i32
    %dma_wait3A_135 = arith.constant 0 : i32
    %dma_wait3A_136 = tpu.memref_slice %arg27[%dma_wait3A_134, %dma_wait3A_135] : memref<26x64xi32, #tpu.memory_space<vmem>> -> memref<1x64xi32, #tpu.memory_space<vmem>>
    %dma_wait3A_137 = tpu.memref_squeeze %dma_wait3A_136 : memref<1x64xi32, #tpu.memory_space<vmem>> -> memref<64xi32, #tpu.memory_space<vmem>>
    %dma_wait3A_138 = arith.constant 0 : i32
    %dma_wait3A_139 = arith.constant 0 : i32
    %dma_wait3A_140 = tpu.memref_slice %arg16[%dma_wait3A_138, %dma_wait3A_139] : memref<10240x128xf32, #tpu.memory_space<vmem_shared>> -> memref<10240x128xf32, #tpu.memory_space<vmem_shared>>
    tpu.wait_indirect_dma semaphore(%arg23 : memref<!tpu.dma_semaphore, #tpu.memory_space<semaphore_mem>>) src(%arg31 : memref<64x128xf32, #tpu.memory_space<vmem>>) dst(%dma_wait3A_140 : memref<10240x128xf32, #tpu.memory_space<vmem_shared>>)
    %dma_wait3A_141 = arith.constant 6 : i32
    %dma_wait3A_142 = arith.constant 0 : i32
    %dma_wait3A_143 = tpu.memref_slice %arg27[%dma_wait3A_141, %dma_wait3A_142] : memref<26x64xi32, #tpu.memory_space<vmem>> -> memref<1x64xi32, #tpu.memory_space<vmem>>
    %dma_wait3A_144 = tpu.memref_squeeze %dma_wait3A_143 : memref<1x64xi32, #tpu.memory_space<vmem>> -> memref<64xi32, #tpu.memory_space<vmem>>
    %dma_wait3A_145 = arith.constant 0 : i32
    %dma_wait3A_146 = arith.constant 0 : i32
    %dma_wait3A_147 = tpu.memref_slice %arg16[%dma_wait3A_145, %dma_wait3A_146] : memref<10240x128xf32, #tpu.memory_space<vmem_shared>> -> memref<10240x128xf32, #tpu.memory_space<vmem_shared>>
    tpu.wait_indirect_dma semaphore(%arg23 : memref<!tpu.dma_semaphore, #tpu.memory_space<semaphore_mem>>) src(%arg31 : memref<64x128xf32, #tpu.memory_space<vmem>>) dst(%dma_wait3A_147 : memref<10240x128xf32, #tpu.memory_space<vmem_shared>>)
    %dma_wait3A_148 = arith.constant 7 : i32
    %dma_wait3A_149 = arith.constant 0 : i32
    %dma_wait3A_150 = tpu.memref_slice %arg27[%dma_wait3A_148, %dma_wait3A_149] : memref<26x64xi32, #tpu.memory_space<vmem>> -> memref<1x64xi32, #tpu.memory_space<vmem>>
    %dma_wait3A_151 = tpu.memref_squeeze %dma_wait3A_150 : memref<1x64xi32, #tpu.memory_space<vmem>> -> memref<64xi32, #tpu.memory_space<vmem>>
    %dma_wait3A_152 = arith.constant 0 : i32
    %dma_wait3A_153 = arith.constant 0 : i32
    %dma_wait3A_154 = tpu.memref_slice %arg16[%dma_wait3A_152, %dma_wait3A_153] : memref<10240x128xf32, #tpu.memory_space<vmem_shared>> -> memref<10240x128xf32, #tpu.memory_space<vmem_shared>>
    tpu.wait_indirect_dma semaphore(%arg23 : memref<!tpu.dma_semaphore, #tpu.memory_space<semaphore_mem>>) src(%arg31 : memref<64x128xf32, #tpu.memory_space<vmem>>) dst(%dma_wait3A_154 : memref<10240x128xf32, #tpu.memory_space<vmem_shared>>)
    %dma_wait3A_155 = arith.constant 8 : i32
    %dma_wait3A_156 = arith.constant 0 : i32
    %dma_wait3A_157 = tpu.memref_slice %arg27[%dma_wait3A_155, %dma_wait3A_156] : memref<26x64xi32, #tpu.memory_space<vmem>> -> memref<1x64xi32, #tpu.memory_space<vmem>>
    %dma_wait3A_158 = tpu.memref_squeeze %dma_wait3A_157 : memref<1x64xi32, #tpu.memory_space<vmem>> -> memref<64xi32, #tpu.memory_space<vmem>>
    %dma_wait3A_159 = arith.constant 0 : i32
    %dma_wait3A_160 = arith.constant 0 : i32
    %dma_wait3A_161 = tpu.memref_slice %arg16[%dma_wait3A_159, %dma_wait3A_160] : memref<10240x128xf32, #tpu.memory_space<vmem_shared>> -> memref<10240x128xf32, #tpu.memory_space<vmem_shared>>
    tpu.wait_indirect_dma semaphore(%arg23 : memref<!tpu.dma_semaphore, #tpu.memory_space<semaphore_mem>>) src(%arg31 : memref<64x128xf32, #tpu.memory_space<vmem>>) dst(%dma_wait3A_161 : memref<10240x128xf32, #tpu.memory_space<vmem_shared>>)
    %dma_wait3A_162 = arith.constant 9 : i32
    %dma_wait3A_163 = arith.constant 0 : i32
    %dma_wait3A_164 = tpu.memref_slice %arg27[%dma_wait3A_162, %dma_wait3A_163] : memref<26x64xi32, #tpu.memory_space<vmem>> -> memref<1x64xi32, #tpu.memory_space<vmem>>
    %dma_wait3A_165 = tpu.memref_squeeze %dma_wait3A_164 : memref<1x64xi32, #tpu.memory_space<vmem>> -> memref<64xi32, #tpu.memory_space<vmem>>
    %dma_wait3A_166 = arith.constant 0 : i32
    %dma_wait3A_167 = arith.constant 0 : i32
    %dma_wait3A_168 = tpu.memref_slice %arg16[%dma_wait3A_166, %dma_wait3A_167] : memref<10240x128xf32, #tpu.memory_space<vmem_shared>> -> memref<10240x128xf32, #tpu.memory_space<vmem_shared>>
    tpu.wait_indirect_dma semaphore(%arg23 : memref<!tpu.dma_semaphore, #tpu.memory_space<semaphore_mem>>) src(%arg31 : memref<64x128xf32, #tpu.memory_space<vmem>>) dst(%dma_wait3A_168 : memref<10240x128xf32, #tpu.memory_space<vmem_shared>>)
    "tpu.region"() ({
      %run_scoped3A = tpu.sem_alloc : memref<!tpu.dma_semaphore, #tpu.memory_space<semaphore_mem>>
      %dma_start3A_793 = arith.constant 0 : i32
      %dma_start3A_794 = tpu.memref_slice %arg6[%add3A, %dma_start3A_793] : memref<32x16xi32, #tpu.memory_space<hbm>> -> memref<1x16xi32, #tpu.memory_space<hbm>>
      %dma_start3A_795 = tpu.memref_squeeze %dma_start3A_794 : memref<1x16xi32, #tpu.memory_space<hbm>> -> memref<16xi32, #tpu.memory_space<hbm>>
      %dma_start3A_796 = arith.constant 0 : i32
      %dma_start3A_797 = tpu.memref_slice %arg6[%add3A, %dma_start3A_796] : memref<32x16xi32, #tpu.memory_space<hbm>> -> memref<1x16xi32, #tpu.memory_space<hbm>>
      %dma_start3A_798 = tpu.memref_squeeze %dma_start3A_797 : memref<1x16xi32, #tpu.memory_space<hbm>> -> memref<16xi32, #tpu.memory_space<hbm>>
      tpu.enqueue_dma source(%dma_start3A_798 : memref<16xi32, #tpu.memory_space<hbm>>) target(%arg30 : memref<16xi32, #tpu.memory_space<vmem>>) target_semaphore(%run_scoped3A : memref<!tpu.dma_semaphore, #tpu.memory_space<semaphore_mem>>)
      %dma_wait3A_799 = arith.constant 0 : i32
      %dma_wait3A_800 = tpu.memref_slice %arg6[%add3A, %dma_wait3A_799] : memref<32x16xi32, #tpu.memory_space<hbm>> -> memref<1x16xi32, #tpu.memory_space<hbm>>
      %dma_wait3A_801 = tpu.memref_squeeze %dma_wait3A_800 : memref<1x16xi32, #tpu.memory_space<hbm>> -> memref<16xi32, #tpu.memory_space<hbm>>
      %dma_wait3A_802 = arith.constant 0 : i32
      %dma_wait3A_803 = tpu.memref_slice %arg6[%add3A, %dma_wait3A_802] : memref<32x16xi32, #tpu.memory_space<hbm>> -> memref<1x16xi32, #tpu.memory_space<hbm>>
      %dma_wait3A_804 = tpu.memref_squeeze %dma_wait3A_803 : memref<1x16xi32, #tpu.memory_space<hbm>> -> memref<16xi32, #tpu.memory_space<hbm>>
      tpu.wait_dma2 semaphore(%run_scoped3A : memref<!tpu.dma_semaphore, #tpu.memory_space<semaphore_mem>>) src(%dma_wait3A_804 : memref<16xi32, #tpu.memory_space<hbm>>) dst(%arg30 : memref<16xi32, #tpu.memory_space<vmem>>)
      tpu.yield
    }) : () -> ()
    "tpu.region"() ({
      %run_scoped3A = tpu.sem_alloc : memref<!tpu.dma_semaphore, #tpu.memory_space<semaphore_mem>>
      %dma_start3A_793 = arith.constant 0 : i32
      %dma_start3A_794 = tpu.memref_slice %arg7[%add3A, %dma_start3A_793] : memref<32x16xi32, #tpu.memory_space<hbm>> -> memref<1x16xi32, #tpu.memory_space<hbm>>
      %dma_start3A_795 = tpu.memref_squeeze %dma_start3A_794 : memref<1x16xi32, #tpu.memory_space<hbm>> -> memref<16xi32, #tpu.memory_space<hbm>>
      %dma_start3A_796 = arith.constant 0 : i32
      %dma_start3A_797 = tpu.memref_slice %arg7[%add3A, %dma_start3A_796] : memref<32x16xi32, #tpu.memory_space<hbm>> -> memref<1x16xi32, #tpu.memory_space<hbm>>
      %dma_start3A_798 = tpu.memref_squeeze %dma_start3A_797 : memref<1x16xi32, #tpu.memory_space<hbm>> -> memref<16xi32, #tpu.memory_space<hbm>>
      tpu.enqueue_dma source(%dma_start3A_798 : memref<16xi32, #tpu.memory_space<hbm>>) target(%arg28 : memref<16xi32, #tpu.memory_space<vmem>>) target_semaphore(%run_scoped3A : memref<!tpu.dma_semaphore, #tpu.memory_space<semaphore_mem>>)
      %dma_wait3A_799 = arith.constant 0 : i32
      %dma_wait3A_800 = tpu.memref_slice %arg7[%add3A, %dma_wait3A_799] : memref<32x16xi32, #tpu.memory_space<hbm>> -> memref<1x16xi32, #tpu.memory_space<hbm>>
      %dma_wait3A_801 = tpu.memref_squeeze %dma_wait3A_800 : memref<1x16xi32, #tpu.memory_space<hbm>> -> memref<16xi32, #tpu.memory_space<hbm>>
      %dma_wait3A_802 = arith.constant 0 : i32
      %dma_wait3A_803 = tpu.memref_slice %arg7[%add3A, %dma_wait3A_802] : memref<32x16xi32, #tpu.memory_space<hbm>> -> memref<1x16xi32, #tpu.memory_space<hbm>>
      %dma_wait3A_804 = tpu.memref_squeeze %dma_wait3A_803 : memref<1x16xi32, #tpu.memory_space<hbm>> -> memref<16xi32, #tpu.memory_space<hbm>>
      tpu.wait_dma2 semaphore(%run_scoped3A : memref<!tpu.dma_semaphore, #tpu.memory_space<semaphore_mem>>) src(%dma_wait3A_804 : memref<16xi32, #tpu.memory_space<hbm>>) dst(%arg28 : memref<16xi32, #tpu.memory_space<vmem>>)
      tpu.yield
    }) : () -> ()
    "tpu.region"() ({
      %run_scoped3A = tpu.sem_alloc : memref<!tpu.dma_semaphore, #tpu.memory_space<semaphore_mem>>
      %dma_start3A_793 = arith.constant 0 : i32
      %dma_start3A_794 = tpu.memref_slice %arg8[%add3A, %dma_start3A_793] : memref<32x16xi32, #tpu.memory_space<hbm>> -> memref<1x16xi32, #tpu.memory_space<hbm>>
      %dma_start3A_795 = tpu.memref_squeeze %dma_start3A_794 : memref<1x16xi32, #tpu.memory_space<hbm>> -> memref<16xi32, #tpu.memory_space<hbm>>
      %dma_start3A_796 = arith.constant 0 : i32
      %dma_start3A_797 = tpu.memref_slice %arg8[%add3A, %dma_start3A_796] : memref<32x16xi32, #tpu.memory_space<hbm>> -> memref<1x16xi32, #tpu.memory_space<hbm>>
      %dma_start3A_798 = tpu.memref_squeeze %dma_start3A_797 : memref<1x16xi32, #tpu.memory_space<hbm>> -> memref<16xi32, #tpu.memory_space<hbm>>
      tpu.enqueue_dma source(%dma_start3A_798 : memref<16xi32, #tpu.memory_space<hbm>>) target(%arg29 : memref<16xi32, #tpu.memory_space<vmem>>) target_semaphore(%run_scoped3A : memref<!tpu.dma_semaphore, #tpu.memory_space<semaphore_mem>>)
      %dma_wait3A_799 = arith.constant 0 : i32
      %dma_wait3A_800 = tpu.memref_slice %arg8[%add3A, %dma_wait3A_799] : memref<32x16xi32, #tpu.memory_space<hbm>> -> memref<1x16xi32, #tpu.memory_space<hbm>>
      %dma_wait3A_801 = tpu.memref_squeeze %dma_wait3A_800 : memref<1x16xi32, #tpu.memory_space<hbm>> -> memref<16xi32, #tpu.memory_space<hbm>>
      %dma_wait3A_802 = arith.constant 0 : i32
      %dma_wait3A_803 = tpu.memref_slice %arg8[%add3A, %dma_wait3A_802] : memref<32x16xi32, #tpu.memory_space<hbm>> -> memref<1x16xi32, #tpu.memory_space<hbm>>
      %dma_wait3A_804 = tpu.memref_squeeze %dma_wait3A_803 : memref<1x16xi32, #tpu.memory_space<hbm>> -> memref<16xi32, #tpu.memory_space<hbm>>
      tpu.wait_dma2 semaphore(%run_scoped3A : memref<!tpu.dma_semaphore, #tpu.memory_space<semaphore_mem>>) src(%dma_wait3A_804 : memref<16xi32, #tpu.memory_space<hbm>>) dst(%arg29 : memref<16xi32, #tpu.memory_space<vmem>>)
      tpu.yield
    }) : () -> ()
    "tpu.region"() ({
      %run_scoped3A = tpu.sem_alloc : memref<!tpu.dma_semaphore, #tpu.memory_space<semaphore_mem>>
      tpu.enqueue_dma source(%arg12 : memref<16xf32, #tpu.memory_space<hbm>>) target(%arg20 : memref<16xf32, #tpu.memory_space<vmem>>) target_semaphore(%run_scoped3A : memref<!tpu.dma_semaphore, #tpu.memory_space<semaphore_mem>>)
      tpu.wait_dma2 semaphore(%run_scoped3A : memref<!tpu.dma_semaphore, #tpu.memory_space<semaphore_mem>>) src(%arg12 : memref<16xf32, #tpu.memory_space<hbm>>) dst(%arg20 : memref<16xf32, #tpu.memory_space<vmem>>)
      tpu.yield
    }) : () -> ()
    %barrier3A = arith.constant 0 : index
    tpu.barrier barrier_id(%barrier3A)
    %get3A = arith.constant 0 : index
    %get3A_169 = tpu.vector_load %arg20[%get3A] {strides = array<i32>} : memref<16xf32, #tpu.memory_space<vmem>>, vector<16xf32>,
    %dma_start3A_170 = arith.constant 0 : i32
    %dma_start3A_171 = arith.constant 0 : i32
    %dma_start3A_172 = arith.constant 0 : i32
    %dma_start3A_173 = tpu.memref_slice %arg3[%add3A, %dma_start3A_170, %dma_start3A_171, %dma_start3A_172] : memref<32x6x26x64xi32, #tpu.memory_space<hbm>> -> memref<1x1x26x64xi32, #tpu.memory_space<hbm>>
    %dma_start3A_174 = tpu.memref_squeeze %dma_start3A_173 : memref<1x1x26x64xi32, #tpu.memory_space<hbm>> -> memref<26x64xi32, #tpu.memory_space<hbm>>
    %dma_start3A_175 = arith.constant 0 : i32
    %dma_start3A_176 = arith.constant 0 : i32
    %dma_start3A_177 = tpu.memref_slice %arg3[%add3A, %dma_start3A_170, %dma_start3A_175, %dma_start3A_176] : memref<32x6x26x64xi32, #tpu.memory_space<hbm>> -> memref<1x1x26x64xi32, #tpu.memory_space<hbm>>
    %dma_start3A_178 = tpu.memref_squeeze %dma_start3A_177 : memref<1x1x26x64xi32, #tpu.memory_space<hbm>> -> memref<26x64xi32, #tpu.memory_space<hbm>>
    tpu.enqueue_dma source(%dma_start3A_178 : memref<26x64xi32, #tpu.memory_space<hbm>>) target(%arg27 : memref<26x64xi32, #tpu.memory_space<vmem>>) target_semaphore(%arg25 : memref<!tpu.dma_semaphore, #tpu.memory_space<semaphore_mem>>)
    %dma_start3A_179 = arith.constant 0 : i32
    %dma_start3A_180 = arith.constant 0 : i32
    %dma_start3A_181 = arith.constant 0 : i32
    %dma_start3A_182 = tpu.memref_slice %arg4[%add3A, %dma_start3A_179, %dma_start3A_180, %dma_start3A_181] : memref<32x6x26x64xi32, #tpu.memory_space<hbm>> -> memref<1x1x26x64xi32, #tpu.memory_space<hbm>>
    %dma_start3A_183 = tpu.memref_squeeze %dma_start3A_182 : memref<1x1x26x64xi32, #tpu.memory_space<hbm>> -> memref<26x64xi32, #tpu.memory_space<hbm>>
    %dma_start3A_184 = arith.constant 0 : i32
    %dma_start3A_185 = arith.constant 0 : i32
    %dma_start3A_186 = tpu.memref_slice %arg4[%add3A, %dma_start3A_179, %dma_start3A_184, %dma_start3A_185] : memref<32x6x26x64xi32, #tpu.memory_space<hbm>> -> memref<1x1x26x64xi32, #tpu.memory_space<hbm>>
    %dma_start3A_187 = tpu.memref_squeeze %dma_start3A_186 : memref<1x1x26x64xi32, #tpu.memory_space<hbm>> -> memref<26x64xi32, #tpu.memory_space<hbm>>
    tpu.enqueue_dma source(%dma_start3A_187 : memref<26x64xi32, #tpu.memory_space<hbm>>) target(%arg18 : memref<26x64xi32, #tpu.memory_space<vmem>>) target_semaphore(%arg26 : memref<!tpu.dma_semaphore, #tpu.memory_space<semaphore_mem>>)
    %dma_start3A_188 = arith.constant 0 : i32
    %dma_start3A_189 = arith.constant 0 : i32
    %dma_start3A_190 = arith.constant 0 : i32
    %dma_start3A_191 = tpu.memref_slice %arg5[%add3A, %dma_start3A_188, %dma_start3A_189, %dma_start3A_190] : memref<32x6x26x64xi32, #tpu.memory_space<hbm>> -> memref<1x1x26x64xi32, #tpu.memory_space<hbm>>
    %dma_start3A_192 = tpu.memref_squeeze %dma_start3A_191 : memref<1x1x26x64xi32, #tpu.memory_space<hbm>> -> memref<26x64xi32, #tpu.memory_space<hbm>>
    %dma_start3A_193 = arith.constant 0 : i32
    %dma_start3A_194 = arith.constant 0 : i32
    %dma_start3A_195 = tpu.memref_slice %arg5[%add3A, %dma_start3A_188, %dma_start3A_193, %dma_start3A_194] : memref<32x6x26x64xi32, #tpu.memory_space<hbm>> -> memref<1x1x26x64xi32, #tpu.memory_space<hbm>>
    %dma_start3A_196 = tpu.memref_squeeze %dma_start3A_195 : memref<1x1x26x64xi32, #tpu.memory_space<hbm>> -> memref<26x64xi32, #tpu.memory_space<hbm>>
    tpu.enqueue_dma source(%dma_start3A_196 : memref<26x64xi32, #tpu.memory_space<hbm>>) target(%arg19 : memref<26x64xi32, #tpu.memory_space<vmem>>) target_semaphore(%arg22 : memref<!tpu.dma_semaphore, #tpu.memory_space<semaphore_mem>>)
    %dma_wait3A_197 = arith.constant 0 : i32
    %dma_wait3A_198 = arith.constant 0 : i32
    %dma_wait3A_199 = arith.constant 0 : i32
    %dma_wait3A_200 = tpu.memref_slice %arg3[%add3A, %dma_wait3A_197, %dma_wait3A_198, %dma_wait3A_199] : memref<32x6x26x64xi32, #tpu.memory_space<hbm>> -> memref<1x1x26x64xi32, #tpu.memory_space<hbm>>
    %dma_wait3A_201 = tpu.memref_squeeze %dma_wait3A_200 : memref<1x1x26x64xi32, #tpu.memory_space<hbm>> -> memref<26x64xi32, #tpu.memory_space<hbm>>
    %dma_wait3A_202 = arith.constant 0 : i32
    %dma_wait3A_203 = arith.constant 0 : i32
    %dma_wait3A_204 = tpu.memref_slice %arg3[%add3A, %dma_wait3A_197, %dma_wait3A_202, %dma_wait3A_203] : memref<32x6x26x64xi32, #tpu.memory_space<hbm>> -> memref<1x1x26x64xi32, #tpu.memory_space<hbm>>
    %dma_wait3A_205 = tpu.memref_squeeze %dma_wait3A_204 : memref<1x1x26x64xi32, #tpu.memory_space<hbm>> -> memref<26x64xi32, #tpu.memory_space<hbm>>
    tpu.wait_dma2 semaphore(%arg25 : memref<!tpu.dma_semaphore, #tpu.memory_space<semaphore_mem>>) src(%dma_wait3A_205 : memref<26x64xi32, #tpu.memory_space<hbm>>) dst(%arg27 : memref<26x64xi32, #tpu.memory_space<vmem>>)
    %dma_wait3A_206 = arith.constant 0 : i32
    %dma_wait3A_207 = arith.constant 0 : i32
    %dma_wait3A_208 = arith.constant 0 : i32
    %dma_wait3A_209 = tpu.memref_slice %arg4[%add3A, %dma_wait3A_206, %dma_wait3A_207, %dma_wait3A_208] : memref<32x6x26x64xi32, #tpu.memory_space<hbm>> -> memref<1x1x26x64xi32, #tpu.memory_space<hbm>>
    %dma_wait3A_210 = tpu.memref_squeeze %dma_wait3A_209 : memref<1x1x26x64xi32, #tpu.memory_space<hbm>> -> memref<26x64xi32, #tpu.memory_space<hbm>>
    %dma_wait3A_211 = arith.constant 0 : i32
    %dma_wait3A_212 = arith.constant 0 : i32
    %dma_wait3A_213 = tpu.memref_slice %arg4[%add3A, %dma_wait3A_206, %dma_wait3A_211, %dma_wait3A_212] : memref<32x6x26x64xi32, #tpu.memory_space<hbm>> -> memref<1x1x26x64xi32, #tpu.memory_space<hbm>>
    %dma_wait3A_214 = tpu.memref_squeeze %dma_wait3A_213 : memref<1x1x26x64xi32, #tpu.memory_space<hbm>> -> memref<26x64xi32, #tpu.memory_space<hbm>>
    tpu.wait_dma2 semaphore(%arg26 : memref<!tpu.dma_semaphore, #tpu.memory_space<semaphore_mem>>) src(%dma_wait3A_214 : memref<26x64xi32, #tpu.memory_space<hbm>>) dst(%arg18 : memref<26x64xi32, #tpu.memory_space<vmem>>)
    %dma_wait3A_215 = arith.constant 0 : i32
    %dma_wait3A_216 = arith.constant 0 : i32
    %dma_wait3A_217 = arith.constant 0 : i32
    %dma_wait3A_218 = tpu.memref_slice %arg5[%add3A, %dma_wait3A_215, %dma_wait3A_216, %dma_wait3A_217] : memref<32x6x26x64xi32, #tpu.memory_space<hbm>> -> memref<1x1x26x64xi32, #tpu.memory_space<hbm>>
    %dma_wait3A_219 = tpu.memref_squeeze %dma_wait3A_218 : memref<1x1x26x64xi32, #tpu.memory_space<hbm>> -> memref<26x64xi32, #tpu.memory_space<hbm>>
    %dma_wait3A_220 = arith.constant 0 : i32
    %dma_wait3A_221 = arith.constant 0 : i32
    %dma_wait3A_222 = tpu.memref_slice %arg5[%add3A, %dma_wait3A_215, %dma_wait3A_220, %dma_wait3A_221] : memref<32x6x26x64xi32, #tpu.memory_space<hbm>> -> memref<1x1x26x64xi32, #tpu.memory_space<hbm>>
    %dma_wait3A_223 = tpu.memref_squeeze %dma_wait3A_222 : memref<1x1x26x64xi32, #tpu.memory_space<hbm>> -> memref<26x64xi32, #tpu.memory_space<hbm>>
    tpu.wait_dma2 semaphore(%arg22 : memref<!tpu.dma_semaphore, #tpu.memory_space<semaphore_mem>>) src(%dma_wait3A_223 : memref<26x64xi32, #tpu.memory_space<hbm>>) dst(%arg19 : memref<26x64xi32, #tpu.memory_space<vmem>>)
    %scan3A = arith.constant 0 : i32
    %scan3A_224 = arith.constant 13 : i32
    %scan3A_225 = arith.addi %scan3A, %scan3A_224 : i32
    %scan3A_226 = arith.constant 1 : i32
    scf.for %scan3A_793 = %scan3A to %scan3A_225 step %scan3A_226  : i32 {
      %mul3A_794 = arith.constant 2 : i32
      %mul3A_795 = arith.muli %scan3A_793, %mul3A_794 : i32
      %add3A_796 = arith.constant 0 : i32
      %add3A_797 = arith.addi %add3A_796, %mul3A_795 : i32
      %add3A_798 = arith.constant 1 : i32
      %add3A_799 = arith.addi %add3A_797, %add3A_798 : i32
      %dma_start3A_800 = arith.constant 0 : i32
      %dma_start3A_801 = tpu.memref_slice %arg27[%add3A_797, %dma_start3A_800] : memref<26x64xi32, #tpu.memory_space<vmem>> -> memref<1x64xi32, #tpu.memory_space<vmem>>
      %dma_start3A_802 = tpu.memref_squeeze %dma_start3A_801 : memref<1x64xi32, #tpu.memory_space<vmem>> -> memref<64xi32, #tpu.memory_space<vmem>>
      %dma_start3A_803 = arith.constant 0 : i32
      %dma_start3A_804 = arith.constant 0 : i32
      %dma_start3A_805 = tpu.memref_slice %arg2[%dma_start3A_803, %dma_start3A_804] : memref<10000x128xf32, #tpu.memory_space<hbm>> -> memref<10000x128xf32, #tpu.memory_space<hbm>>
      tpu.enqueue_indirect_dma source(%dma_start3A_805 : memref<10000x128xf32, #tpu.memory_space<hbm>>) target(%arg31 : memref<64x128xf32, #tpu.memory_space<vmem>>) offsets(%dma_start3A_802 : memref<64xi32, #tpu.memory_space<vmem>>) semaphore(%arg25 : memref<!tpu.dma_semaphore, #tpu.memory_space<semaphore_mem>>)
      %dma_start3A_806 = arith.constant 0 : i32
      %dma_start3A_807 = tpu.memref_slice %arg27[%add3A_799, %dma_start3A_806] : memref<26x64xi32, #tpu.memory_space<vmem>> -> memref<1x64xi32, #tpu.memory_space<vmem>>
      %dma_start3A_808 = tpu.memref_squeeze %dma_start3A_807 : memref<1x64xi32, #tpu.memory_space<vmem>> -> memref<64xi32, #tpu.memory_space<vmem>>
      %dma_start3A_809 = arith.constant 0 : i32
      %dma_start3A_810 = arith.constant 0 : i32
      %dma_start3A_811 = tpu.memref_slice %arg2[%dma_start3A_809, %dma_start3A_810] : memref<10000x128xf32, #tpu.memory_space<hbm>> -> memref<10000x128xf32, #tpu.memory_space<hbm>>
      tpu.enqueue_indirect_dma source(%dma_start3A_811 : memref<10000x128xf32, #tpu.memory_space<hbm>>) target(%arg32 : memref<64x128xf32, #tpu.memory_space<vmem>>) offsets(%dma_start3A_808 : memref<64xi32, #tpu.memory_space<vmem>>) semaphore(%arg26 : memref<!tpu.dma_semaphore, #tpu.memory_space<semaphore_mem>>)
      %dma_start3A_812 = arith.constant 0 : i32
      %dma_start3A_813 = tpu.memref_slice %arg19[%add3A_797, %dma_start3A_812] : memref<26x64xi32, #tpu.memory_space<vmem>> -> memref<1x64xi32, #tpu.memory_space<vmem>>
      %dma_start3A_814 = tpu.memref_squeeze %dma_start3A_813 : memref<1x64xi32, #tpu.memory_space<vmem>> -> memref<64xi32, #tpu.memory_space<vmem>>
      %dma_start3A_815 = arith.constant 0 : i32
      %dma_start3A_816 = arith.constant 0 : i32
      %dma_start3A_817 = tpu.memref_slice %arg9[%dma_start3A_815, %dma_start3A_816] : memref<200x128xf32, #tpu.memory_space<hbm>> -> memref<200x128xf32, #tpu.memory_space<hbm>>
      tpu.enqueue_indirect_dma source(%dma_start3A_817 : memref<200x128xf32, #tpu.memory_space<hbm>>) target(%arg21 : memref<64x128xf32, #tpu.memory_space<vmem>>) offsets(%dma_start3A_814 : memref<64xi32, #tpu.memory_space<vmem>>) semaphore(%arg22 : memref<!tpu.dma_semaphore, #tpu.memory_space<semaphore_mem>>)
      %dma_wait3A_818 = arith.constant 0 : i32
      %dma_wait3A_819 = tpu.memref_slice %arg27[%add3A_797, %dma_wait3A_818] : memref<26x64xi32, #tpu.memory_space<vmem>> -> memref<1x64xi32, #tpu.memory_space<vmem>>
      %dma_wait3A_820 = tpu.memref_squeeze %dma_wait3A_819 : memref<1x64xi32, #tpu.memory_space<vmem>> -> memref<64xi32, #tpu.memory_space<vmem>>
      %dma_wait3A_821 = arith.constant 0 : i32
      %dma_wait3A_822 = arith.constant 0 : i32
      %dma_wait3A_823 = tpu.memref_slice %arg2[%dma_wait3A_821, %dma_wait3A_822] : memref<10000x128xf32, #tpu.memory_space<hbm>> -> memref<10000x128xf32, #tpu.memory_space<hbm>>
      tpu.wait_indirect_dma semaphore(%arg25 : memref<!tpu.dma_semaphore, #tpu.memory_space<semaphore_mem>>) src(%dma_wait3A_823 : memref<10000x128xf32, #tpu.memory_space<hbm>>) dst(%arg31 : memref<64x128xf32, #tpu.memory_space<vmem>>)
      %dma_start3A_824 = arith.constant 0 : i32
      %dma_start3A_825 = tpu.memref_slice %arg18[%add3A_797, %dma_start3A_824] : memref<26x64xi32, #tpu.memory_space<vmem>> -> memref<1x64xi32, #tpu.memory_space<vmem>>
      %dma_start3A_826 = tpu.memref_squeeze %dma_start3A_825 : memref<1x64xi32, #tpu.memory_space<vmem>> -> memref<64xi32, #tpu.memory_space<vmem>>
      %dma_start3A_827 = arith.constant 0 : i32
      %dma_start3A_828 = arith.constant 0 : i32
      %dma_start3A_829 = tpu.memref_slice %arg16[%dma_start3A_827, %dma_start3A_828] : memref<10240x128xf32, #tpu.memory_space<vmem_shared>> -> memref<10240x128xf32, #tpu.memory_space<vmem_shared>>
      tpu.enqueue_indirect_dma source(%arg31 : memref<64x128xf32, #tpu.memory_space<vmem>>) target(%dma_start3A_829 : memref<10240x128xf32, #tpu.memory_space<vmem_shared>>) offsets(%dma_start3A_826 : memref<64xi32, #tpu.memory_space<vmem>>) semaphore(%arg24 : memref<!tpu.dma_semaphore, #tpu.memory_space<semaphore_mem>>) {add = true}
      %dma_wait3A_830 = arith.constant 0 : i32
      %dma_wait3A_831 = tpu.memref_slice %arg19[%add3A_797, %dma_wait3A_830] : memref<26x64xi32, #tpu.memory_space<vmem>> -> memref<1x64xi32, #tpu.memory_space<vmem>>
      %dma_wait3A_832 = tpu.memref_squeeze %dma_wait3A_831 : memref<1x64xi32, #tpu.memory_space<vmem>> -> memref<64xi32, #tpu.memory_space<vmem>>
      %dma_wait3A_833 = arith.constant 0 : i32
      %dma_wait3A_834 = arith.constant 0 : i32
      %dma_wait3A_835 = tpu.memref_slice %arg9[%dma_wait3A_833, %dma_wait3A_834] : memref<200x128xf32, #tpu.memory_space<hbm>> -> memref<200x128xf32, #tpu.memory_space<hbm>>
      tpu.wait_indirect_dma semaphore(%arg22 : memref<!tpu.dma_semaphore, #tpu.memory_space<semaphore_mem>>) src(%dma_wait3A_835 : memref<200x128xf32, #tpu.memory_space<hbm>>) dst(%arg21 : memref<64x128xf32, #tpu.memory_space<vmem>>)
      %dma_start3A_836 = arith.constant 0 : i32
      %dma_start3A_837 = tpu.memref_slice %arg18[%add3A_797, %dma_start3A_836] : memref<26x64xi32, #tpu.memory_space<vmem>> -> memref<1x64xi32, #tpu.memory_space<vmem>>
      %dma_start3A_838 = tpu.memref_squeeze %dma_start3A_837 : memref<1x64xi32, #tpu.memory_space<vmem>> -> memref<64xi32, #tpu.memory_space<vmem>>
      %dma_start3A_839 = arith.constant 0 : i32
      %dma_start3A_840 = arith.constant 0 : i32
      %dma_start3A_841 = tpu.memref_slice %arg16[%dma_start3A_839, %dma_start3A_840] : memref<10240x128xf32, #tpu.memory_space<vmem_shared>> -> memref<10240x128xf32, #tpu.memory_space<vmem_shared>>
      tpu.enqueue_indirect_dma source(%arg21 : memref<64x128xf32, #tpu.memory_space<vmem>>) target(%dma_start3A_841 : memref<10240x128xf32, #tpu.memory_space<vmem_shared>>) offsets(%dma_start3A_838 : memref<64xi32, #tpu.memory_space<vmem>>) semaphore(%arg23 : memref<!tpu.dma_semaphore, #tpu.memory_space<semaphore_mem>>) {add = true}
      %get3A_842 = arith.index_cast %add3A_797 : i32 to index
      %get3A_843 = arith.constant 0 : index
      %get3A_844 = tpu.vector_load %arg18[%get3A_842, %get3A_843] {strides = array<i32>} : memref<26x64xi32, #tpu.memory_space<vmem>>, vector<16xi32>,
      tpu.vector_store_idx %arg17[%get3A_844], %get3A_169 {add = true} : memref<10240xf32, #tpu.memory_space<vmem>>[vector<16xi32>], vector<16xf32>,
      %get3A_845 = arith.index_cast %add3A_797 : i32 to index
      %get3A_846 = arith.constant 16 : index
      %get3A_847 = tpu.vector_load %arg18[%get3A_845, %get3A_846] {strides = array<i32>} : memref<26x64xi32, #tpu.memory_space<vmem>>, vector<16xi32>,
      tpu.vector_store_idx %arg17[%get3A_847], %get3A_169 {add = true} : memref<10240xf32, #tpu.memory_space<vmem>>[vector<16xi32>], vector<16xf32>,
      %get3A_848 = arith.index_cast %add3A_797 : i32 to index
      %get3A_849 = arith.constant 32 : index
      %get3A_850 = tpu.vector_load %arg18[%get3A_848, %get3A_849] {strides = array<i32>} : memref<26x64xi32, #tpu.memory_space<vmem>>, vector<16xi32>,
      tpu.vector_store_idx %arg17[%get3A_850], %get3A_169 {add = true} : memref<10240xf32, #tpu.memory_space<vmem>>[vector<16xi32>], vector<16xf32>,
      %get3A_851 = arith.index_cast %add3A_797 : i32 to index
      %get3A_852 = arith.constant 48 : index
      %get3A_853 = tpu.vector_load %arg18[%get3A_851, %get3A_852] {strides = array<i32>} : memref<26x64xi32, #tpu.memory_space<vmem>>, vector<16xi32>,
      tpu.vector_store_idx %arg17[%get3A_853], %get3A_169 {add = true} : memref<10240xf32, #tpu.memory_space<vmem>>[vector<16xi32>], vector<16xf32>,
      %dma_wait3A_854 = arith.constant 0 : i32
      %dma_wait3A_855 = tpu.memref_slice %arg18[%add3A_797, %dma_wait3A_854] : memref<26x64xi32, #tpu.memory_space<vmem>> -> memref<1x64xi32, #tpu.memory_space<vmem>>
      %dma_wait3A_856 = tpu.memref_squeeze %dma_wait3A_855 : memref<1x64xi32, #tpu.memory_space<vmem>> -> memref<64xi32, #tpu.memory_space<vmem>>
      %dma_wait3A_857 = arith.constant 0 : i32
      %dma_wait3A_858 = arith.constant 0 : i32
      %dma_wait3A_859 = tpu.memref_slice %arg16[%dma_wait3A_857, %dma_wait3A_858] : memref<10240x128xf32, #tpu.memory_space<vmem_shared>> -> memref<10240x128xf32, #tpu.memory_space<vmem_shared>>
      tpu.wait_indirect_dma semaphore(%arg24 : memref<!tpu.dma_semaphore, #tpu.memory_space<semaphore_mem>>) src(%arg31 : memref<64x128xf32, #tpu.memory_space<vmem>>) dst(%dma_wait3A_859 : memref<10240x128xf32, #tpu.memory_space<vmem_shared>>)
      %dma_start3A_860 = arith.constant 0 : i32
      %dma_start3A_861 = tpu.memref_slice %arg19[%add3A_799, %dma_start3A_860] : memref<26x64xi32, #tpu.memory_space<vmem>> -> memref<1x64xi32, #tpu.memory_space<vmem>>
      %dma_start3A_862 = tpu.memref_squeeze %dma_start3A_861 : memref<1x64xi32, #tpu.memory_space<vmem>> -> memref<64xi32, #tpu.memory_space<vmem>>
      %dma_start3A_863 = arith.constant 0 : i32
      %dma_start3A_864 = arith.constant 0 : i32
      %dma_start3A_865 = tpu.memref_slice %arg9[%dma_start3A_863, %dma_start3A_864] : memref<200x128xf32, #tpu.memory_space<hbm>> -> memref<200x128xf32, #tpu.memory_space<hbm>>
      tpu.enqueue_indirect_dma source(%dma_start3A_865 : memref<200x128xf32, #tpu.memory_space<hbm>>) target(%arg31 : memref<64x128xf32, #tpu.memory_space<vmem>>) offsets(%dma_start3A_862 : memref<64xi32, #tpu.memory_space<vmem>>) semaphore(%arg22 : memref<!tpu.dma_semaphore, #tpu.memory_space<semaphore_mem>>)
      %dma_wait3A_866 = arith.constant 0 : i32
      %dma_wait3A_867 = tpu.memref_slice %arg27[%add3A_799, %dma_wait3A_866] : memref<26x64xi32, #tpu.memory_space<vmem>> -> memref<1x64xi32, #tpu.memory_space<vmem>>
      %dma_wait3A_868 = tpu.memref_squeeze %dma_wait3A_867 : memref<1x64xi32, #tpu.memory_space<vmem>> -> memref<64xi32, #tpu.memory_space<vmem>>
      %dma_wait3A_869 = arith.constant 0 : i32
      %dma_wait3A_870 = arith.constant 0 : i32
      %dma_wait3A_871 = tpu.memref_slice %arg2[%dma_wait3A_869, %dma_wait3A_870] : memref<10000x128xf32, #tpu.memory_space<hbm>> -> memref<10000x128xf32, #tpu.memory_space<hbm>>
      tpu.wait_indirect_dma semaphore(%arg26 : memref<!tpu.dma_semaphore, #tpu.memory_space<semaphore_mem>>) src(%dma_wait3A_871 : memref<10000x128xf32, #tpu.memory_space<hbm>>) dst(%arg32 : memref<64x128xf32, #tpu.memory_space<vmem>>)
      %dma_start3A_872 = arith.constant 0 : i32
      %dma_start3A_873 = tpu.memref_slice %arg18[%add3A_799, %dma_start3A_872] : memref<26x64xi32, #tpu.memory_space<vmem>> -> memref<1x64xi32, #tpu.memory_space<vmem>>
      %dma_start3A_874 = tpu.memref_squeeze %dma_start3A_873 : memref<1x64xi32, #tpu.memory_space<vmem>> -> memref<64xi32, #tpu.memory_space<vmem>>
      %dma_start3A_875 = arith.constant 0 : i32
      %dma_start3A_876 = arith.constant 0 : i32
      %dma_start3A_877 = tpu.memref_slice %arg16[%dma_start3A_875, %dma_start3A_876] : memref<10240x128xf32, #tpu.memory_space<vmem_shared>> -> memref<10240x128xf32, #tpu.memory_space<vmem_shared>>
      tpu.enqueue_indirect_dma source(%arg32 : memref<64x128xf32, #tpu.memory_space<vmem>>) target(%dma_start3A_877 : memref<10240x128xf32, #tpu.memory_space<vmem_shared>>) offsets(%dma_start3A_874 : memref<64xi32, #tpu.memory_space<vmem>>) semaphore(%arg23 : memref<!tpu.dma_semaphore, #tpu.memory_space<semaphore_mem>>) {add = true}
      %dma_wait3A_878 = arith.constant 0 : i32
      %dma_wait3A_879 = tpu.memref_slice %arg19[%add3A_799, %dma_wait3A_878] : memref<26x64xi32, #tpu.memory_space<vmem>> -> memref<1x64xi32, #tpu.memory_space<vmem>>
      %dma_wait3A_880 = tpu.memref_squeeze %dma_wait3A_879 : memref<1x64xi32, #tpu.memory_space<vmem>> -> memref<64xi32, #tpu.memory_space<vmem>>
      %dma_wait3A_881 = arith.constant 0 : i32
      %dma_wait3A_882 = arith.constant 0 : i32
      %dma_wait3A_883 = tpu.memref_slice %arg9[%dma_wait3A_881, %dma_wait3A_882] : memref<200x128xf32, #tpu.memory_space<hbm>> -> memref<200x128xf32, #tpu.memory_space<hbm>>
      tpu.wait_indirect_dma semaphore(%arg22 : memref<!tpu.dma_semaphore, #tpu.memory_space<semaphore_mem>>) src(%dma_wait3A_883 : memref<200x128xf32, #tpu.memory_space<hbm>>) dst(%arg31 : memref<64x128xf32, #tpu.memory_space<vmem>>)
      %dma_start3A_884 = arith.constant 0 : i32
      %dma_start3A_885 = tpu.memref_slice %arg18[%add3A_799, %dma_start3A_884] : memref<26x64xi32, #tpu.memory_space<vmem>> -> memref<1x64xi32, #tpu.memory_space<vmem>>
      %dma_start3A_886 = tpu.memref_squeeze %dma_start3A_885 : memref<1x64xi32, #tpu.memory_space<vmem>> -> memref<64xi32, #tpu.memory_space<vmem>>
      %dma_start3A_887 = arith.constant 0 : i32
      %dma_start3A_888 = arith.constant 0 : i32
      %dma_start3A_889 = tpu.memref_slice %arg16[%dma_start3A_887, %dma_start3A_888] : memref<10240x128xf32, #tpu.memory_space<vmem_shared>> -> memref<10240x128xf32, #tpu.memory_space<vmem_shared>>
      tpu.enqueue_indirect_dma source(%arg31 : memref<64x128xf32, #tpu.memory_space<vmem>>) target(%dma_start3A_889 : memref<10240x128xf32, #tpu.memory_space<vmem_shared>>) offsets(%dma_start3A_886 : memref<64xi32, #tpu.memory_space<vmem>>) semaphore(%arg23 : memref<!tpu.dma_semaphore, #tpu.memory_space<semaphore_mem>>) {add = true}
      %get3A_890 = arith.index_cast %add3A_799 : i32 to index
      %get3A_891 = arith.constant 0 : index
      %get3A_892 = tpu.vector_load %arg18[%get3A_890, %get3A_891] {strides = array<i32>} : memref<26x64xi32, #tpu.memory_space<vmem>>, vector<16xi32>,
      tpu.vector_store_idx %arg17[%get3A_892], %get3A_169 {add = true} : memref<10240xf32, #tpu.memory_space<vmem>>[vector<16xi32>], vector<16xf32>,
      %get3A_893 = arith.index_cast %add3A_799 : i32 to index
      %get3A_894 = arith.constant 16 : index
      %get3A_895 = tpu.vector_load %arg18[%get3A_893, %get3A_894] {strides = array<i32>} : memref<26x64xi32, #tpu.memory_space<vmem>>, vector<16xi32>,
      tpu.vector_store_idx %arg17[%get3A_895], %get3A_169 {add = true} : memref<10240xf32, #tpu.memory_space<vmem>>[vector<16xi32>], vector<16xf32>,
      %get3A_896 = arith.index_cast %add3A_799 : i32 to index
      %get3A_897 = arith.constant 32 : index
      %get3A_898 = tpu.vector_load %arg18[%get3A_896, %get3A_897] {strides = array<i32>} : memref<26x64xi32, #tpu.memory_space<vmem>>, vector<16xi32>,
      tpu.vector_store_idx %arg17[%get3A_898], %get3A_169 {add = true} : memref<10240xf32, #tpu.memory_space<vmem>>[vector<16xi32>], vector<16xf32>,
      %get3A_899 = arith.index_cast %add3A_799 : i32 to index
      %get3A_900 = arith.constant 48 : index
      %get3A_901 = tpu.vector_load %arg18[%get3A_899, %get3A_900] {strides = array<i32>} : memref<26x64xi32, #tpu.memory_space<vmem>>, vector<16xi32>,
      tpu.vector_store_idx %arg17[%get3A_901], %get3A_169 {add = true} : memref<10240xf32, #tpu.memory_space<vmem>>[vector<16xi32>], vector<16xf32>,
      %dma_wait3A_902 = arith.constant 0 : i32
      %dma_wait3A_903 = tpu.memref_slice %arg18[%add3A_797, %dma_wait3A_902] : memref<26x64xi32, #tpu.memory_space<vmem>> -> memref<1x64xi32, #tpu.memory_space<vmem>>
      %dma_wait3A_904 = tpu.memref_squeeze %dma_wait3A_903 : memref<1x64xi32, #tpu.memory_space<vmem>> -> memref<64xi32, #tpu.memory_space<vmem>>
      %dma_wait3A_905 = arith.constant 0 : i32
      %dma_wait3A_906 = arith.constant 0 : i32
      %dma_wait3A_907 = tpu.memref_slice %arg16[%dma_wait3A_905, %dma_wait3A_906] : memref<10240x128xf32, #tpu.memory_space<vmem_shared>> -> memref<10240x128xf32, #tpu.memory_space<vmem_shared>>
      tpu.wait_indirect_dma semaphore(%arg23 : memref<!tpu.dma_semaphore, #tpu.memory_space<semaphore_mem>>) src(%arg21 : memref<64x128xf32, #tpu.memory_space<vmem>>) dst(%dma_wait3A_907 : memref<10240x128xf32, #tpu.memory_space<vmem_shared>>)
      %dma_wait3A_908 = arith.constant 0 : i32
      %dma_wait3A_909 = tpu.memref_slice %arg18[%add3A_799, %dma_wait3A_908] : memref<26x64xi32, #tpu.memory_space<vmem>> -> memref<1x64xi32, #tpu.memory_space<vmem>>
      %dma_wait3A_910 = tpu.memref_squeeze %dma_wait3A_909 : memref<1x64xi32, #tpu.memory_space<vmem>> -> memref<64xi32, #tpu.memory_space<vmem>>
      %dma_wait3A_911 = arith.constant 0 : i32
      %dma_wait3A_912 = arith.constant 0 : i32
      %dma_wait3A_913 = tpu.memref_slice %arg16[%dma_wait3A_911, %dma_wait3A_912] : memref<10240x128xf32, #tpu.memory_space<vmem_shared>> -> memref<10240x128xf32, #tpu.memory_space<vmem_shared>>
      tpu.wait_indirect_dma semaphore(%arg23 : memref<!tpu.dma_semaphore, #tpu.memory_space<semaphore_mem>>) src(%arg32 : memref<64x128xf32, #tpu.memory_space<vmem>>) dst(%dma_wait3A_913 : memref<10240x128xf32, #tpu.memory_space<vmem_shared>>)
      %dma_wait3A_914 = arith.constant 0 : i32
      %dma_wait3A_915 = tpu.memref_slice %arg18[%add3A_799, %dma_wait3A_914] : memref<26x64xi32, #tpu.memory_space<vmem>> -> memref<1x64xi32, #tpu.memory_space<vmem>>
      %dma_wait3A_916 = tpu.memref_squeeze %dma_wait3A_915 : memref<1x64xi32, #tpu.memory_space<vmem>> -> memref<64xi32, #tpu.memory_space<vmem>>
      %dma_wait3A_917 = arith.constant 0 : i32
      %dma_wait3A_918 = arith.constant 0 : i32
      %dma_wait3A_919 = tpu.memref_slice %arg16[%dma_wait3A_917, %dma_wait3A_918] : memref<10240x128xf32, #tpu.memory_space<vmem_shared>> -> memref<10240x128xf32, #tpu.memory_space<vmem_shared>>
      tpu.wait_indirect_dma semaphore(%arg23 : memref<!tpu.dma_semaphore, #tpu.memory_space<semaphore_mem>>) src(%arg31 : memref<64x128xf32, #tpu.memory_space<vmem>>) dst(%dma_wait3A_919 : memref<10240x128xf32, #tpu.memory_space<vmem_shared>>)
    }
    %scan3A_227 = arith.constant 13 : i32
    %dma_start3A_228 = arith.constant 1 : i32
    %dma_start3A_229 = arith.constant 0 : i32
    %dma_start3A_230 = arith.constant 0 : i32
    %dma_start3A_231 = tpu.memref_slice %arg3[%add3A, %dma_start3A_228, %dma_start3A_229, %dma_start3A_230] : memref<32x6x26x64xi32, #tpu.memory_space<hbm>> -> memref<1x1x26x64xi32, #tpu.memory_space<hbm>>
    %dma_start3A_232 = tpu.memref_squeeze %dma_start3A_231 : memref<1x1x26x64xi32, #tpu.memory_space<hbm>> -> memref<26x64xi32, #tpu.memory_space<hbm>>
    %dma_start3A_233 = arith.constant 0 : i32
    %dma_start3A_234 = arith.constant 0 : i32
    %dma_start3A_235 = tpu.memref_slice %arg3[%add3A, %dma_start3A_228, %dma_start3A_233, %dma_start3A_234] : memref<32x6x26x64xi32, #tpu.memory_space<hbm>> -> memref<1x1x26x64xi32, #tpu.memory_space<hbm>>
    %dma_start3A_236 = tpu.memref_squeeze %dma_start3A_235 : memref<1x1x26x64xi32, #tpu.memory_space<hbm>> -> memref<26x64xi32, #tpu.memory_space<hbm>>
    tpu.enqueue_dma source(%dma_start3A_236 : memref<26x64xi32, #tpu.memory_space<hbm>>) target(%arg27 : memref<26x64xi32, #tpu.memory_space<vmem>>) target_semaphore(%arg25 : memref<!tpu.dma_semaphore, #tpu.memory_space<semaphore_mem>>)
    %dma_start3A_237 = arith.constant 1 : i32
    %dma_start3A_238 = arith.constant 0 : i32
    %dma_start3A_239 = arith.constant 0 : i32
    %dma_start3A_240 = tpu.memref_slice %arg4[%add3A, %dma_start3A_237, %dma_start3A_238, %dma_start3A_239] : memref<32x6x26x64xi32, #tpu.memory_space<hbm>> -> memref<1x1x26x64xi32, #tpu.memory_space<hbm>>
    %dma_start3A_241 = tpu.memref_squeeze %dma_start3A_240 : memref<1x1x26x64xi32, #tpu.memory_space<hbm>> -> memref<26x64xi32, #tpu.memory_space<hbm>>
    %dma_start3A_242 = arith.constant 0 : i32
    %dma_start3A_243 = arith.constant 0 : i32
    %dma_start3A_244 = tpu.memref_slice %arg4[%add3A, %dma_start3A_237, %dma_start3A_242, %dma_start3A_243] : memref<32x6x26x64xi32, #tpu.memory_space<hbm>> -> memref<1x1x26x64xi32, #tpu.memory_space<hbm>>
    %dma_start3A_245 = tpu.memref_squeeze %dma_start3A_244 : memref<1x1x26x64xi32, #tpu.memory_space<hbm>> -> memref<26x64xi32, #tpu.memory_space<hbm>>
    tpu.enqueue_dma source(%dma_start3A_245 : memref<26x64xi32, #tpu.memory_space<hbm>>) target(%arg18 : memref<26x64xi32, #tpu.memory_space<vmem>>) target_semaphore(%arg26 : memref<!tpu.dma_semaphore, #tpu.memory_space<semaphore_mem>>)
    %dma_start3A_246 = arith.constant 1 : i32
    %dma_start3A_247 = arith.constant 0 : i32
    %dma_start3A_248 = arith.constant 0 : i32
    %dma_start3A_249 = tpu.memref_slice %arg5[%add3A, %dma_start3A_246, %dma_start3A_247, %dma_start3A_248] : memref<32x6x26x64xi32, #tpu.memory_space<hbm>> -> memref<1x1x26x64xi32, #tpu.memory_space<hbm>>
    %dma_start3A_250 = tpu.memref_squeeze %dma_start3A_249 : memref<1x1x26x64xi32, #tpu.memory_space<hbm>> -> memref<26x64xi32, #tpu.memory_space<hbm>>
    %dma_start3A_251 = arith.constant 0 : i32
    %dma_start3A_252 = arith.constant 0 : i32
    %dma_start3A_253 = tpu.memref_slice %arg5[%add3A, %dma_start3A_246, %dma_start3A_251, %dma_start3A_252] : memref<32x6x26x64xi32, #tpu.memory_space<hbm>> -> memref<1x1x26x64xi32, #tpu.memory_space<hbm>>
    %dma_start3A_254 = tpu.memref_squeeze %dma_start3A_253 : memref<1x1x26x64xi32, #tpu.memory_space<hbm>> -> memref<26x64xi32, #tpu.memory_space<hbm>>
    tpu.enqueue_dma source(%dma_start3A_254 : memref<26x64xi32, #tpu.memory_space<hbm>>) target(%arg19 : memref<26x64xi32, #tpu.memory_space<vmem>>) target_semaphore(%arg22 : memref<!tpu.dma_semaphore, #tpu.memory_space<semaphore_mem>>)
    %dma_wait3A_255 = arith.constant 1 : i32
    %dma_wait3A_256 = arith.constant 0 : i32
    %dma_wait3A_257 = arith.constant 0 : i32
    %dma_wait3A_258 = tpu.memref_slice %arg3[%add3A, %dma_wait3A_255, %dma_wait3A_256, %dma_wait3A_257] : memref<32x6x26x64xi32, #tpu.memory_space<hbm>> -> memref<1x1x26x64xi32, #tpu.memory_space<hbm>>
    %dma_wait3A_259 = tpu.memref_squeeze %dma_wait3A_258 : memref<1x1x26x64xi32, #tpu.memory_space<hbm>> -> memref<26x64xi32, #tpu.memory_space<hbm>>
    %dma_wait3A_260 = arith.constant 0 : i32
    %dma_wait3A_261 = arith.constant 0 : i32
    %dma_wait3A_262 = tpu.memref_slice %arg3[%add3A, %dma_wait3A_255, %dma_wait3A_260, %dma_wait3A_261] : memref<32x6x26x64xi32, #tpu.memory_space<hbm>> -> memref<1x1x26x64xi32, #tpu.memory_space<hbm>>
    %dma_wait3A_263 = tpu.memref_squeeze %dma_wait3A_262 : memref<1x1x26x64xi32, #tpu.memory_space<hbm>> -> memref<26x64xi32, #tpu.memory_space<hbm>>
    tpu.wait_dma2 semaphore(%arg25 : memref<!tpu.dma_semaphore, #tpu.memory_space<semaphore_mem>>) src(%dma_wait3A_263 : memref<26x64xi32, #tpu.memory_space<hbm>>) dst(%arg27 : memref<26x64xi32, #tpu.memory_space<vmem>>)
    %dma_wait3A_264 = arith.constant 1 : i32
    %dma_wait3A_265 = arith.constant 0 : i32
    %dma_wait3A_266 = arith.constant 0 : i32
    %dma_wait3A_267 = tpu.memref_slice %arg4[%add3A, %dma_wait3A_264, %dma_wait3A_265, %dma_wait3A_266] : memref<32x6x26x64xi32, #tpu.memory_space<hbm>> -> memref<1x1x26x64xi32, #tpu.memory_space<hbm>>
    %dma_wait3A_268 = tpu.memref_squeeze %dma_wait3A_267 : memref<1x1x26x64xi32, #tpu.memory_space<hbm>> -> memref<26x64xi32, #tpu.memory_space<hbm>>
    %dma_wait3A_269 = arith.constant 0 : i32
    %dma_wait3A_270 = arith.constant 0 : i32
    %dma_wait3A_271 = tpu.memref_slice %arg4[%add3A, %dma_wait3A_264, %dma_wait3A_269, %dma_wait3A_270] : memref<32x6x26x64xi32, #tpu.memory_space<hbm>> -> memref<1x1x26x64xi32, #tpu.memory_space<hbm>>
    %dma_wait3A_272 = tpu.memref_squeeze %dma_wait3A_271 : memref<1x1x26x64xi32, #tpu.memory_space<hbm>> -> memref<26x64xi32, #tpu.memory_space<hbm>>
    tpu.wait_dma2 semaphore(%arg26 : memref<!tpu.dma_semaphore, #tpu.memory_space<semaphore_mem>>) src(%dma_wait3A_272 : memref<26x64xi32, #tpu.memory_space<hbm>>) dst(%arg18 : memref<26x64xi32, #tpu.memory_space<vmem>>)
    %dma_wait3A_273 = arith.constant 1 : i32
    %dma_wait3A_274 = arith.constant 0 : i32
    %dma_wait3A_275 = arith.constant 0 : i32
    %dma_wait3A_276 = tpu.memref_slice %arg5[%add3A, %dma_wait3A_273, %dma_wait3A_274, %dma_wait3A_275] : memref<32x6x26x64xi32, #tpu.memory_space<hbm>> -> memref<1x1x26x64xi32, #tpu.memory_space<hbm>>
    %dma_wait3A_277 = tpu.memref_squeeze %dma_wait3A_276 : memref<1x1x26x64xi32, #tpu.memory_space<hbm>> -> memref<26x64xi32, #tpu.memory_space<hbm>>
    %dma_wait3A_278 = arith.constant 0 : i32
    %dma_wait3A_279 = arith.constant 0 : i32
    %dma_wait3A_280 = tpu.memref_slice %arg5[%add3A, %dma_wait3A_273, %dma_wait3A_278, %dma_wait3A_279] : memref<32x6x26x64xi32, #tpu.memory_space<hbm>> -> memref<1x1x26x64xi32, #tpu.memory_space<hbm>>
    %dma_wait3A_281 = tpu.memref_squeeze %dma_wait3A_280 : memref<1x1x26x64xi32, #tpu.memory_space<hbm>> -> memref<26x64xi32, #tpu.memory_space<hbm>>
    tpu.wait_dma2 semaphore(%arg22 : memref<!tpu.dma_semaphore, #tpu.memory_space<semaphore_mem>>) src(%dma_wait3A_281 : memref<26x64xi32, #tpu.memory_space<hbm>>) dst(%arg19 : memref<26x64xi32, #tpu.memory_space<vmem>>)
    %scan3A_282 = arith.constant 0 : i32
    %scan3A_283 = arith.constant 13 : i32
    %scan3A_284 = arith.addi %scan3A_282, %scan3A_283 : i32
    %scan3A_285 = arith.constant 1 : i32
    scf.for %scan3A_793 = %scan3A_282 to %scan3A_284 step %scan3A_285  : i32 {
      %mul3A_794 = arith.constant 2 : i32
      %mul3A_795 = arith.muli %scan3A_793, %mul3A_794 : i32
      %add3A_796 = arith.constant 0 : i32
      %add3A_797 = arith.addi %add3A_796, %mul3A_795 : i32
      %add3A_798 = arith.constant 1 : i32
      %add3A_799 = arith.addi %add3A_797, %add3A_798 : i32
      %dma_start3A_800 = arith.constant 0 : i32
      %dma_start3A_801 = tpu.memref_slice %arg27[%add3A_797, %dma_start3A_800] : memref<26x64xi32, #tpu.memory_space<vmem>> -> memref<1x64xi32, #tpu.memory_space<vmem>>
      %dma_start3A_802 = tpu.memref_squeeze %dma_start3A_801 : memref<1x64xi32, #tpu.memory_space<vmem>> -> memref<64xi32, #tpu.memory_space<vmem>>
      %dma_start3A_803 = arith.constant 0 : i32
      %dma_start3A_804 = arith.constant 0 : i32
      %dma_start3A_805 = tpu.memref_slice %arg2[%dma_start3A_803, %dma_start3A_804] : memref<10000x128xf32, #tpu.memory_space<hbm>> -> memref<10000x128xf32, #tpu.memory_space<hbm>>
      tpu.enqueue_indirect_dma source(%dma_start3A_805 : memref<10000x128xf32, #tpu.memory_space<hbm>>) target(%arg31 : memref<64x128xf32, #tpu.memory_space<vmem>>) offsets(%dma_start3A_802 : memref<64xi32, #tpu.memory_space<vmem>>) semaphore(%arg25 : memref<!tpu.dma_semaphore, #tpu.memory_space<semaphore_mem>>)
      %dma_start3A_806 = arith.constant 0 : i32
      %dma_start3A_807 = tpu.memref_slice %arg27[%add3A_799, %dma_start3A_806] : memref<26x64xi32, #tpu.memory_space<vmem>> -> memref<1x64xi32, #tpu.memory_space<vmem>>
      %dma_start3A_808 = tpu.memref_squeeze %dma_start3A_807 : memref<1x64xi32, #tpu.memory_space<vmem>> -> memref<64xi32, #tpu.memory_space<vmem>>
      %dma_start3A_809 = arith.constant 0 : i32
      %dma_start3A_810 = arith.constant 0 : i32
      %dma_start3A_811 = tpu.memref_slice %arg2[%dma_start3A_809, %dma_start3A_810] : memref<10000x128xf32, #tpu.memory_space<hbm>> -> memref<10000x128xf32, #tpu.memory_space<hbm>>
      tpu.enqueue_indirect_dma source(%dma_start3A_811 : memref<10000x128xf32, #tpu.memory_space<hbm>>) target(%arg32 : memref<64x128xf32, #tpu.memory_space<vmem>>) offsets(%dma_start3A_808 : memref<64xi32, #tpu.memory_space<vmem>>) semaphore(%arg26 : memref<!tpu.dma_semaphore, #tpu.memory_space<semaphore_mem>>)
      %dma_start3A_812 = arith.constant 0 : i32
      %dma_start3A_813 = tpu.memref_slice %arg19[%add3A_797, %dma_start3A_812] : memref<26x64xi32, #tpu.memory_space<vmem>> -> memref<1x64xi32, #tpu.memory_space<vmem>>
      %dma_start3A_814 = tpu.memref_squeeze %dma_start3A_813 : memref<1x64xi32, #tpu.memory_space<vmem>> -> memref<64xi32, #tpu.memory_space<vmem>>
      %dma_start3A_815 = arith.constant 0 : i32
      %dma_start3A_816 = arith.constant 0 : i32
      %dma_start3A_817 = tpu.memref_slice %arg9[%dma_start3A_815, %dma_start3A_816] : memref<200x128xf32, #tpu.memory_space<hbm>> -> memref<200x128xf32, #tpu.memory_space<hbm>>
      tpu.enqueue_indirect_dma source(%dma_start3A_817 : memref<200x128xf32, #tpu.memory_space<hbm>>) target(%arg21 : memref<64x128xf32, #tpu.memory_space<vmem>>) offsets(%dma_start3A_814 : memref<64xi32, #tpu.memory_space<vmem>>) semaphore(%arg22 : memref<!tpu.dma_semaphore, #tpu.memory_space<semaphore_mem>>)
      %dma_wait3A_818 = arith.constant 0 : i32
      %dma_wait3A_819 = tpu.memref_slice %arg27[%add3A_797, %dma_wait3A_818] : memref<26x64xi32, #tpu.memory_space<vmem>> -> memref<1x64xi32, #tpu.memory_space<vmem>>
      %dma_wait3A_820 = tpu.memref_squeeze %dma_wait3A_819 : memref<1x64xi32, #tpu.memory_space<vmem>> -> memref<64xi32, #tpu.memory_space<vmem>>
      %dma_wait3A_821 = arith.constant 0 : i32
      %dma_wait3A_822 = arith.constant 0 : i32
      %dma_wait3A_823 = tpu.memref_slice %arg2[%dma_wait3A_821, %dma_wait3A_822] : memref<10000x128xf32, #tpu.memory_space<hbm>> -> memref<10000x128xf32, #tpu.memory_space<hbm>>
      tpu.wait_indirect_dma semaphore(%arg25 : memref<!tpu.dma_semaphore, #tpu.memory_space<semaphore_mem>>) src(%dma_wait3A_823 : memref<10000x128xf32, #tpu.memory_space<hbm>>) dst(%arg31 : memref<64x128xf32, #tpu.memory_space<vmem>>)
      %dma_start3A_824 = arith.constant 0 : i32
      %dma_start3A_825 = tpu.memref_slice %arg18[%add3A_797, %dma_start3A_824] : memref<26x64xi32, #tpu.memory_space<vmem>> -> memref<1x64xi32, #tpu.memory_space<vmem>>
      %dma_start3A_826 = tpu.memref_squeeze %dma_start3A_825 : memref<1x64xi32, #tpu.memory_space<vmem>> -> memref<64xi32, #tpu.memory_space<vmem>>
      %dma_start3A_827 = arith.constant 0 : i32
      %dma_start3A_828 = arith.constant 0 : i32
      %dma_start3A_829 = tpu.memref_slice %arg16[%dma_start3A_827, %dma_start3A_828] : memref<10240x128xf32, #tpu.memory_space<vmem_shared>> -> memref<10240x128xf32, #tpu.memory_space<vmem_shared>>
      tpu.enqueue_indirect_dma source(%arg31 : memref<64x128xf32, #tpu.memory_space<vmem>>) target(%dma_start3A_829 : memref<10240x128xf32, #tpu.memory_space<vmem_shared>>) offsets(%dma_start3A_826 : memref<64xi32, #tpu.memory_space<vmem>>) semaphore(%arg24 : memref<!tpu.dma_semaphore, #tpu.memory_space<semaphore_mem>>) {add = true}
      %dma_wait3A_830 = arith.constant 0 : i32
      %dma_wait3A_831 = tpu.memref_slice %arg19[%add3A_797, %dma_wait3A_830] : memref<26x64xi32, #tpu.memory_space<vmem>> -> memref<1x64xi32, #tpu.memory_space<vmem>>
      %dma_wait3A_832 = tpu.memref_squeeze %dma_wait3A_831 : memref<1x64xi32, #tpu.memory_space<vmem>> -> memref<64xi32, #tpu.memory_space<vmem>>
      %dma_wait3A_833 = arith.constant 0 : i32
      %dma_wait3A_834 = arith.constant 0 : i32
      %dma_wait3A_835 = tpu.memref_slice %arg9[%dma_wait3A_833, %dma_wait3A_834] : memref<200x128xf32, #tpu.memory_space<hbm>> -> memref<200x128xf32, #tpu.memory_space<hbm>>
      tpu.wait_indirect_dma semaphore(%arg22 : memref<!tpu.dma_semaphore, #tpu.memory_space<semaphore_mem>>) src(%dma_wait3A_835 : memref<200x128xf32, #tpu.memory_space<hbm>>) dst(%arg21 : memref<64x128xf32, #tpu.memory_space<vmem>>)
      %dma_start3A_836 = arith.constant 0 : i32
      %dma_start3A_837 = tpu.memref_slice %arg18[%add3A_797, %dma_start3A_836] : memref<26x64xi32, #tpu.memory_space<vmem>> -> memref<1x64xi32, #tpu.memory_space<vmem>>
      %dma_start3A_838 = tpu.memref_squeeze %dma_start3A_837 : memref<1x64xi32, #tpu.memory_space<vmem>> -> memref<64xi32, #tpu.memory_space<vmem>>
      %dma_start3A_839 = arith.constant 0 : i32
      %dma_start3A_840 = arith.constant 0 : i32
      %dma_start3A_841 = tpu.memref_slice %arg16[%dma_start3A_839, %dma_start3A_840] : memref<10240x128xf32, #tpu.memory_space<vmem_shared>> -> memref<10240x128xf32, #tpu.memory_space<vmem_shared>>
      tpu.enqueue_indirect_dma source(%arg21 : memref<64x128xf32, #tpu.memory_space<vmem>>) target(%dma_start3A_841 : memref<10240x128xf32, #tpu.memory_space<vmem_shared>>) offsets(%dma_start3A_838 : memref<64xi32, #tpu.memory_space<vmem>>) semaphore(%arg23 : memref<!tpu.dma_semaphore, #tpu.memory_space<semaphore_mem>>) {add = true}
      %get3A_842 = arith.index_cast %add3A_797 : i32 to index
      %get3A_843 = arith.constant 0 : index
      %get3A_844 = tpu.vector_load %arg18[%get3A_842, %get3A_843] {strides = array<i32>} : memref<26x64xi32, #tpu.memory_space<vmem>>, vector<16xi32>,
      tpu.vector_store_idx %arg17[%get3A_844], %get3A_169 {add = true} : memref<10240xf32, #tpu.memory_space<vmem>>[vector<16xi32>], vector<16xf32>,
      %get3A_845 = arith.index_cast %add3A_797 : i32 to index
      %get3A_846 = arith.constant 16 : index
      %get3A_847 = tpu.vector_load %arg18[%get3A_845, %get3A_846] {strides = array<i32>} : memref<26x64xi32, #tpu.memory_space<vmem>>, vector<16xi32>,
      tpu.vector_store_idx %arg17[%get3A_847], %get3A_169 {add = true} : memref<10240xf32, #tpu.memory_space<vmem>>[vector<16xi32>], vector<16xf32>,
      %get3A_848 = arith.index_cast %add3A_797 : i32 to index
      %get3A_849 = arith.constant 32 : index
      %get3A_850 = tpu.vector_load %arg18[%get3A_848, %get3A_849] {strides = array<i32>} : memref<26x64xi32, #tpu.memory_space<vmem>>, vector<16xi32>,
      tpu.vector_store_idx %arg17[%get3A_850], %get3A_169 {add = true} : memref<10240xf32, #tpu.memory_space<vmem>>[vector<16xi32>], vector<16xf32>,
      %get3A_851 = arith.index_cast %add3A_797 : i32 to index
      %get3A_852 = arith.constant 48 : index
      %get3A_853 = tpu.vector_load %arg18[%get3A_851, %get3A_852] {strides = array<i32>} : memref<26x64xi32, #tpu.memory_space<vmem>>, vector<16xi32>,
      tpu.vector_store_idx %arg17[%get3A_853], %get3A_169 {add = true} : memref<10240xf32, #tpu.memory_space<vmem>>[vector<16xi32>], vector<16xf32>,
      %dma_wait3A_854 = arith.constant 0 : i32
      %dma_wait3A_855 = tpu.memref_slice %arg18[%add3A_797, %dma_wait3A_854] : memref<26x64xi32, #tpu.memory_space<vmem>> -> memref<1x64xi32, #tpu.memory_space<vmem>>
      %dma_wait3A_856 = tpu.memref_squeeze %dma_wait3A_855 : memref<1x64xi32, #tpu.memory_space<vmem>> -> memref<64xi32, #tpu.memory_space<vmem>>
      %dma_wait3A_857 = arith.constant 0 : i32
      %dma_wait3A_858 = arith.constant 0 : i32
      %dma_wait3A_859 = tpu.memref_slice %arg16[%dma_wait3A_857, %dma_wait3A_858] : memref<10240x128xf32, #tpu.memory_space<vmem_shared>> -> memref<10240x128xf32, #tpu.memory_space<vmem_shared>>
      tpu.wait_indirect_dma semaphore(%arg24 : memref<!tpu.dma_semaphore, #tpu.memory_space<semaphore_mem>>) src(%arg31 : memref<64x128xf32, #tpu.memory_space<vmem>>) dst(%dma_wait3A_859 : memref<10240x128xf32, #tpu.memory_space<vmem_shared>>)
      %dma_start3A_860 = arith.constant 0 : i32
      %dma_start3A_861 = tpu.memref_slice %arg19[%add3A_799, %dma_start3A_860] : memref<26x64xi32, #tpu.memory_space<vmem>> -> memref<1x64xi32, #tpu.memory_space<vmem>>
      %dma_start3A_862 = tpu.memref_squeeze %dma_start3A_861 : memref<1x64xi32, #tpu.memory_space<vmem>> -> memref<64xi32, #tpu.memory_space<vmem>>
      %dma_start3A_863 = arith.constant 0 : i32
      %dma_start3A_864 = arith.constant 0 : i32
      %dma_start3A_865 = tpu.memref_slice %arg9[%dma_start3A_863, %dma_start3A_864] : memref<200x128xf32, #tpu.memory_space<hbm>> -> memref<200x128xf32, #tpu.memory_space<hbm>>
      tpu.enqueue_indirect_dma source(%dma_start3A_865 : memref<200x128xf32, #tpu.memory_space<hbm>>) target(%arg31 : memref<64x128xf32, #tpu.memory_space<vmem>>) offsets(%dma_start3A_862 : memref<64xi32, #tpu.memory_space<vmem>>) semaphore(%arg22 : memref<!tpu.dma_semaphore, #tpu.memory_space<semaphore_mem>>)
      %dma_wait3A_866 = arith.constant 0 : i32
      %dma_wait3A_867 = tpu.memref_slice %arg27[%add3A_799, %dma_wait3A_866] : memref<26x64xi32, #tpu.memory_space<vmem>> -> memref<1x64xi32, #tpu.memory_space<vmem>>
      %dma_wait3A_868 = tpu.memref_squeeze %dma_wait3A_867 : memref<1x64xi32, #tpu.memory_space<vmem>> -> memref<64xi32, #tpu.memory_space<vmem>>
      %dma_wait3A_869 = arith.constant 0 : i32
      %dma_wait3A_870 = arith.constant 0 : i32
      %dma_wait3A_871 = tpu.memref_slice %arg2[%dma_wait3A_869, %dma_wait3A_870] : memref<10000x128xf32, #tpu.memory_space<hbm>> -> memref<10000x128xf32, #tpu.memory_space<hbm>>
      tpu.wait_indirect_dma semaphore(%arg26 : memref<!tpu.dma_semaphore, #tpu.memory_space<semaphore_mem>>) src(%dma_wait3A_871 : memref<10000x128xf32, #tpu.memory_space<hbm>>) dst(%arg32 : memref<64x128xf32, #tpu.memory_space<vmem>>)
      %dma_start3A_872 = arith.constant 0 : i32
      %dma_start3A_873 = tpu.memref_slice %arg18[%add3A_799, %dma_start3A_872] : memref<26x64xi32, #tpu.memory_space<vmem>> -> memref<1x64xi32, #tpu.memory_space<vmem>>
      %dma_start3A_874 = tpu.memref_squeeze %dma_start3A_873 : memref<1x64xi32, #tpu.memory_space<vmem>> -> memref<64xi32, #tpu.memory_space<vmem>>
      %dma_start3A_875 = arith.constant 0 : i32
      %dma_start3A_876 = arith.constant 0 : i32
      %dma_start3A_877 = tpu.memref_slice %arg16[%dma_start3A_875, %dma_start3A_876] : memref<10240x128xf32, #tpu.memory_space<vmem_shared>> -> memref<10240x128xf32, #tpu.memory_space<vmem_shared>>
      tpu.enqueue_indirect_dma source(%arg32 : memref<64x128xf32, #tpu.memory_space<vmem>>) target(%dma_start3A_877 : memref<10240x128xf32, #tpu.memory_space<vmem_shared>>) offsets(%dma_start3A_874 : memref<64xi32, #tpu.memory_space<vmem>>) semaphore(%arg23 : memref<!tpu.dma_semaphore, #tpu.memory_space<semaphore_mem>>) {add = true}
      %dma_wait3A_878 = arith.constant 0 : i32
      %dma_wait3A_879 = tpu.memref_slice %arg19[%add3A_799, %dma_wait3A_878] : memref<26x64xi32, #tpu.memory_space<vmem>> -> memref<1x64xi32, #tpu.memory_space<vmem>>
      %dma_wait3A_880 = tpu.memref_squeeze %dma_wait3A_879 : memref<1x64xi32, #tpu.memory_space<vmem>> -> memref<64xi32, #tpu.memory_space<vmem>>
      %dma_wait3A_881 = arith.constant 0 : i32
      %dma_wait3A_882 = arith.constant 0 : i32
      %dma_wait3A_883 = tpu.memref_slice %arg9[%dma_wait3A_881, %dma_wait3A_882] : memref<200x128xf32, #tpu.memory_space<hbm>> -> memref<200x128xf32, #tpu.memory_space<hbm>>
      tpu.wait_indirect_dma semaphore(%arg22 : memref<!tpu.dma_semaphore, #tpu.memory_space<semaphore_mem>>) src(%dma_wait3A_883 : memref<200x128xf32, #tpu.memory_space<hbm>>) dst(%arg31 : memref<64x128xf32, #tpu.memory_space<vmem>>)
      %dma_start3A_884 = arith.constant 0 : i32
      %dma_start3A_885 = tpu.memref_slice %arg18[%add3A_799, %dma_start3A_884] : memref<26x64xi32, #tpu.memory_space<vmem>> -> memref<1x64xi32, #tpu.memory_space<vmem>>
      %dma_start3A_886 = tpu.memref_squeeze %dma_start3A_885 : memref<1x64xi32, #tpu.memory_space<vmem>> -> memref<64xi32, #tpu.memory_space<vmem>>
      %dma_start3A_887 = arith.constant 0 : i32
      %dma_start3A_888 = arith.constant 0 : i32
      %dma_start3A_889 = tpu.memref_slice %arg16[%dma_start3A_887, %dma_start3A_888] : memref<10240x128xf32, #tpu.memory_space<vmem_shared>> -> memref<10240x128xf32, #tpu.memory_space<vmem_shared>>
      tpu.enqueue_indirect_dma source(%arg31 : memref<64x128xf32, #tpu.memory_space<vmem>>) target(%dma_start3A_889 : memref<10240x128xf32, #tpu.memory_space<vmem_shared>>) offsets(%dma_start3A_886 : memref<64xi32, #tpu.memory_space<vmem>>) semaphore(%arg23 : memref<!tpu.dma_semaphore, #tpu.memory_space<semaphore_mem>>) {add = true}
      %get3A_890 = arith.index_cast %add3A_799 : i32 to index
      %get3A_891 = arith.constant 0 : index
      %get3A_892 = tpu.vector_load %arg18[%get3A_890, %get3A_891] {strides = array<i32>} : memref<26x64xi32, #tpu.memory_space<vmem>>, vector<16xi32>,
      tpu.vector_store_idx %arg17[%get3A_892], %get3A_169 {add = true} : memref<10240xf32, #tpu.memory_space<vmem>>[vector<16xi32>], vector<16xf32>,
      %get3A_893 = arith.index_cast %add3A_799 : i32 to index
      %get3A_894 = arith.constant 16 : index
      %get3A_895 = tpu.vector_load %arg18[%get3A_893, %get3A_894] {strides = array<i32>} : memref<26x64xi32, #tpu.memory_space<vmem>>, vector<16xi32>,
      tpu.vector_store_idx %arg17[%get3A_895], %get3A_169 {add = true} : memref<10240xf32, #tpu.memory_space<vmem>>[vector<16xi32>], vector<16xf32>,
      %get3A_896 = arith.index_cast %add3A_799 : i32 to index
      %get3A_897 = arith.constant 32 : index
      %get3A_898 = tpu.vector_load %arg18[%get3A_896, %get3A_897] {strides = array<i32>} : memref<26x64xi32, #tpu.memory_space<vmem>>, vector<16xi32>,
      tpu.vector_store_idx %arg17[%get3A_898], %get3A_169 {add = true} : memref<10240xf32, #tpu.memory_space<vmem>>[vector<16xi32>], vector<16xf32>,
      %get3A_899 = arith.index_cast %add3A_799 : i32 to index
      %get3A_900 = arith.constant 48 : index
      %get3A_901 = tpu.vector_load %arg18[%get3A_899, %get3A_900] {strides = array<i32>} : memref<26x64xi32, #tpu.memory_space<vmem>>, vector<16xi32>,
      tpu.vector_store_idx %arg17[%get3A_901], %get3A_169 {add = true} : memref<10240xf32, #tpu.memory_space<vmem>>[vector<16xi32>], vector<16xf32>,
      %dma_wait3A_902 = arith.constant 0 : i32
      %dma_wait3A_903 = tpu.memref_slice %arg18[%add3A_797, %dma_wait3A_902] : memref<26x64xi32, #tpu.memory_space<vmem>> -> memref<1x64xi32, #tpu.memory_space<vmem>>
      %dma_wait3A_904 = tpu.memref_squeeze %dma_wait3A_903 : memref<1x64xi32, #tpu.memory_space<vmem>> -> memref<64xi32, #tpu.memory_space<vmem>>
      %dma_wait3A_905 = arith.constant 0 : i32
      %dma_wait3A_906 = arith.constant 0 : i32
      %dma_wait3A_907 = tpu.memref_slice %arg16[%dma_wait3A_905, %dma_wait3A_906] : memref<10240x128xf32, #tpu.memory_space<vmem_shared>> -> memref<10240x128xf32, #tpu.memory_space<vmem_shared>>
      tpu.wait_indirect_dma semaphore(%arg23 : memref<!tpu.dma_semaphore, #tpu.memory_space<semaphore_mem>>) src(%arg21 : memref<64x128xf32, #tpu.memory_space<vmem>>) dst(%dma_wait3A_907 : memref<10240x128xf32, #tpu.memory_space<vmem_shared>>)
      %dma_wait3A_908 = arith.constant 0 : i32
      %dma_wait3A_909 = tpu.memref_slice %arg18[%add3A_799, %dma_wait3A_908] : memref<26x64xi32, #tpu.memory_space<vmem>> -> memref<1x64xi32, #tpu.memory_space<vmem>>
      %dma_wait3A_910 = tpu.memref_squeeze %dma_wait3A_909 : memref<1x64xi32, #tpu.memory_space<vmem>> -> memref<64xi32, #tpu.memory_space<vmem>>
      %dma_wait3A_911 = arith.constant 0 : i32
      %dma_wait3A_912 = arith.constant 0 : i32
      %dma_wait3A_913 = tpu.memref_slice %arg16[%dma_wait3A_911, %dma_wait3A_912] : memref<10240x128xf32, #tpu.memory_space<vmem_shared>> -> memref<10240x128xf32, #tpu.memory_space<vmem_shared>>
      tpu.wait_indirect_dma semaphore(%arg23 : memref<!tpu.dma_semaphore, #tpu.memory_space<semaphore_mem>>) src(%arg32 : memref<64x128xf32, #tpu.memory_space<vmem>>) dst(%dma_wait3A_913 : memref<10240x128xf32, #tpu.memory_space<vmem_shared>>)
      %dma_wait3A_914 = arith.constant 0 : i32
      %dma_wait3A_915 = tpu.memref_slice %arg18[%add3A_799, %dma_wait3A_914] : memref<26x64xi32, #tpu.memory_space<vmem>> -> memref<1x64xi32, #tpu.memory_space<vmem>>
      %dma_wait3A_916 = tpu.memref_squeeze %dma_wait3A_915 : memref<1x64xi32, #tpu.memory_space<vmem>> -> memref<64xi32, #tpu.memory_space<vmem>>
      %dma_wait3A_917 = arith.constant 0 : i32
      %dma_wait3A_918 = arith.constant 0 : i32
      %dma_wait3A_919 = tpu.memref_slice %arg16[%dma_wait3A_917, %dma_wait3A_918] : memref<10240x128xf32, #tpu.memory_space<vmem_shared>> -> memref<10240x128xf32, #tpu.memory_space<vmem_shared>>
      tpu.wait_indirect_dma semaphore(%arg23 : memref<!tpu.dma_semaphore, #tpu.memory_space<semaphore_mem>>) src(%arg31 : memref<64x128xf32, #tpu.memory_space<vmem>>) dst(%dma_wait3A_919 : memref<10240x128xf32, #tpu.memory_space<vmem_shared>>)
    }
    %scan3A_286 = arith.constant 13 : i32
    %dma_start3A_287 = arith.constant 2 : i32
    %dma_start3A_288 = arith.constant 0 : i32
    %dma_start3A_289 = arith.constant 0 : i32
    %dma_start3A_290 = tpu.memref_slice %arg3[%add3A, %dma_start3A_287, %dma_start3A_288, %dma_start3A_289] : memref<32x6x26x64xi32, #tpu.memory_space<hbm>> -> memref<1x1x26x64xi32, #tpu.memory_space<hbm>>
    %dma_start3A_291 = tpu.memref_squeeze %dma_start3A_290 : memref<1x1x26x64xi32, #tpu.memory_space<hbm>> -> memref<26x64xi32, #tpu.memory_space<hbm>>
    %dma_start3A_292 = arith.constant 0 : i32
    %dma_start3A_293 = arith.constant 0 : i32
    %dma_start3A_294 = tpu.memref_slice %arg3[%add3A, %dma_start3A_287, %dma_start3A_292, %dma_start3A_293] : memref<32x6x26x64xi32, #tpu.memory_space<hbm>> -> memref<1x1x26x64xi32, #tpu.memory_space<hbm>>
    %dma_start3A_295 = tpu.memref_squeeze %dma_start3A_294 : memref<1x1x26x64xi32, #tpu.memory_space<hbm>> -> memref<26x64xi32, #tpu.memory_space<hbm>>
    tpu.enqueue_dma source(%dma_start3A_295 : memref<26x64xi32, #tpu.memory_space<hbm>>) target(%arg27 : memref<26x64xi32, #tpu.memory_space<vmem>>) target_semaphore(%arg25 : memref<!tpu.dma_semaphore, #tpu.memory_space<semaphore_mem>>)
    %dma_start3A_296 = arith.constant 2 : i32
    %dma_start3A_297 = arith.constant 0 : i32
    %dma_start3A_298 = arith.constant 0 : i32
    %dma_start3A_299 = tpu.memref_slice %arg4[%add3A, %dma_start3A_296, %dma_start3A_297, %dma_start3A_298] : memref<32x6x26x64xi32, #tpu.memory_space<hbm>> -> memref<1x1x26x64xi32, #tpu.memory_space<hbm>>
    %dma_start3A_300 = tpu.memref_squeeze %dma_start3A_299 : memref<1x1x26x64xi32, #tpu.memory_space<hbm>> -> memref<26x64xi32, #tpu.memory_space<hbm>>
    %dma_start3A_301 = arith.constant 0 : i32
    %dma_start3A_302 = arith.constant 0 : i32
    %dma_start3A_303 = tpu.memref_slice %arg4[%add3A, %dma_start3A_296, %dma_start3A_301, %dma_start3A_302] : memref<32x6x26x64xi32, #tpu.memory_space<hbm>> -> memref<1x1x26x64xi32, #tpu.memory_space<hbm>>
    %dma_start3A_304 = tpu.memref_squeeze %dma_start3A_303 : memref<1x1x26x64xi32, #tpu.memory_space<hbm>> -> memref<26x64xi32, #tpu.memory_space<hbm>>
    tpu.enqueue_dma source(%dma_start3A_304 : memref<26x64xi32, #tpu.memory_space<hbm>>) target(%arg18 : memref<26x64xi32, #tpu.memory_space<vmem>>) target_semaphore(%arg26 : memref<!tpu.dma_semaphore, #tpu.memory_space<semaphore_mem>>)
    %dma_start3A_305 = arith.constant 2 : i32
    %dma_start3A_306 = arith.constant 0 : i32
    %dma_start3A_307 = arith.constant 0 : i32
    %dma_start3A_308 = tpu.memref_slice %arg5[%add3A, %dma_start3A_305, %dma_start3A_306, %dma_start3A_307] : memref<32x6x26x64xi32, #tpu.memory_space<hbm>> -> memref<1x1x26x64xi32, #tpu.memory_space<hbm>>
    %dma_start3A_309 = tpu.memref_squeeze %dma_start3A_308 : memref<1x1x26x64xi32, #tpu.memory_space<hbm>> -> memref<26x64xi32, #tpu.memory_space<hbm>>
    %dma_start3A_310 = arith.constant 0 : i32
    %dma_start3A_311 = arith.constant 0 : i32
    %dma_start3A_312 = tpu.memref_slice %arg5[%add3A, %dma_start3A_305, %dma_start3A_310, %dma_start3A_311] : memref<32x6x26x64xi32, #tpu.memory_space<hbm>> -> memref<1x1x26x64xi32, #tpu.memory_space<hbm>>
    %dma_start3A_313 = tpu.memref_squeeze %dma_start3A_312 : memref<1x1x26x64xi32, #tpu.memory_space<hbm>> -> memref<26x64xi32, #tpu.memory_space<hbm>>
    tpu.enqueue_dma source(%dma_start3A_313 : memref<26x64xi32, #tpu.memory_space<hbm>>) target(%arg19 : memref<26x64xi32, #tpu.memory_space<vmem>>) target_semaphore(%arg22 : memref<!tpu.dma_semaphore, #tpu.memory_space<semaphore_mem>>)
    %dma_wait3A_314 = arith.constant 2 : i32
    %dma_wait3A_315 = arith.constant 0 : i32
    %dma_wait3A_316 = arith.constant 0 : i32
    %dma_wait3A_317 = tpu.memref_slice %arg3[%add3A, %dma_wait3A_314, %dma_wait3A_315, %dma_wait3A_316] : memref<32x6x26x64xi32, #tpu.memory_space<hbm>> -> memref<1x1x26x64xi32, #tpu.memory_space<hbm>>
    %dma_wait3A_318 = tpu.memref_squeeze %dma_wait3A_317 : memref<1x1x26x64xi32, #tpu.memory_space<hbm>> -> memref<26x64xi32, #tpu.memory_space<hbm>>
    %dma_wait3A_319 = arith.constant 0 : i32
    %dma_wait3A_320 = arith.constant 0 : i32
    %dma_wait3A_321 = tpu.memref_slice %arg3[%add3A, %dma_wait3A_314, %dma_wait3A_319, %dma_wait3A_320] : memref<32x6x26x64xi32, #tpu.memory_space<hbm>> -> memref<1x1x26x64xi32, #tpu.memory_space<hbm>>
    %dma_wait3A_322 = tpu.memref_squeeze %dma_wait3A_321 : memref<1x1x26x64xi32, #tpu.memory_space<hbm>> -> memref<26x64xi32, #tpu.memory_space<hbm>>
    tpu.wait_dma2 semaphore(%arg25 : memref<!tpu.dma_semaphore, #tpu.memory_space<semaphore_mem>>) src(%dma_wait3A_322 : memref<26x64xi32, #tpu.memory_space<hbm>>) dst(%arg27 : memref<26x64xi32, #tpu.memory_space<vmem>>)
    %dma_wait3A_323 = arith.constant 2 : i32
    %dma_wait3A_324 = arith.constant 0 : i32
    %dma_wait3A_325 = arith.constant 0 : i32
    %dma_wait3A_326 = tpu.memref_slice %arg4[%add3A, %dma_wait3A_323, %dma_wait3A_324, %dma_wait3A_325] : memref<32x6x26x64xi32, #tpu.memory_space<hbm>> -> memref<1x1x26x64xi32, #tpu.memory_space<hbm>>
    %dma_wait3A_327 = tpu.memref_squeeze %dma_wait3A_326 : memref<1x1x26x64xi32, #tpu.memory_space<hbm>> -> memref<26x64xi32, #tpu.memory_space<hbm>>
    %dma_wait3A_328 = arith.constant 0 : i32
    %dma_wait3A_329 = arith.constant 0 : i32
    %dma_wait3A_330 = tpu.memref_slice %arg4[%add3A, %dma_wait3A_323, %dma_wait3A_328, %dma_wait3A_329] : memref<32x6x26x64xi32, #tpu.memory_space<hbm>> -> memref<1x1x26x64xi32, #tpu.memory_space<hbm>>
    %dma_wait3A_331 = tpu.memref_squeeze %dma_wait3A_330 : memref<1x1x26x64xi32, #tpu.memory_space<hbm>> -> memref<26x64xi32, #tpu.memory_space<hbm>>
    tpu.wait_dma2 semaphore(%arg26 : memref<!tpu.dma_semaphore, #tpu.memory_space<semaphore_mem>>) src(%dma_wait3A_331 : memref<26x64xi32, #tpu.memory_space<hbm>>) dst(%arg18 : memref<26x64xi32, #tpu.memory_space<vmem>>)
    %dma_wait3A_332 = arith.constant 2 : i32
    %dma_wait3A_333 = arith.constant 0 : i32
    %dma_wait3A_334 = arith.constant 0 : i32
    %dma_wait3A_335 = tpu.memref_slice %arg5[%add3A, %dma_wait3A_332, %dma_wait3A_333, %dma_wait3A_334] : memref<32x6x26x64xi32, #tpu.memory_space<hbm>> -> memref<1x1x26x64xi32, #tpu.memory_space<hbm>>
    %dma_wait3A_336 = tpu.memref_squeeze %dma_wait3A_335 : memref<1x1x26x64xi32, #tpu.memory_space<hbm>> -> memref<26x64xi32, #tpu.memory_space<hbm>>
    %dma_wait3A_337 = arith.constant 0 : i32
    %dma_wait3A_338 = arith.constant 0 : i32
    %dma_wait3A_339 = tpu.memref_slice %arg5[%add3A, %dma_wait3A_332, %dma_wait3A_337, %dma_wait3A_338] : memref<32x6x26x64xi32, #tpu.memory_space<hbm>> -> memref<1x1x26x64xi32, #tpu.memory_space<hbm>>
    %dma_wait3A_340 = tpu.memref_squeeze %dma_wait3A_339 : memref<1x1x26x64xi32, #tpu.memory_space<hbm>> -> memref<26x64xi32, #tpu.memory_space<hbm>>
    tpu.wait_dma2 semaphore(%arg22 : memref<!tpu.dma_semaphore, #tpu.memory_space<semaphore_mem>>) src(%dma_wait3A_340 : memref<26x64xi32, #tpu.memory_space<hbm>>) dst(%arg19 : memref<26x64xi32, #tpu.memory_space<vmem>>)
    %scan3A_341 = arith.constant 0 : i32
    %scan3A_342 = arith.constant 13 : i32
    %scan3A_343 = arith.addi %scan3A_341, %scan3A_342 : i32
    %scan3A_344 = arith.constant 1 : i32
    scf.for %scan3A_793 = %scan3A_341 to %scan3A_343 step %scan3A_344  : i32 {
      %mul3A_794 = arith.constant 2 : i32
      %mul3A_795 = arith.muli %scan3A_793, %mul3A_794 : i32
      %add3A_796 = arith.constant 0 : i32
      %add3A_797 = arith.addi %add3A_796, %mul3A_795 : i32
      %add3A_798 = arith.constant 1 : i32
      %add3A_799 = arith.addi %add3A_797, %add3A_798 : i32
      %dma_start3A_800 = arith.constant 0 : i32
      %dma_start3A_801 = tpu.memref_slice %arg27[%add3A_797, %dma_start3A_800] : memref<26x64xi32, #tpu.memory_space<vmem>> -> memref<1x64xi32, #tpu.memory_space<vmem>>
      %dma_start3A_802 = tpu.memref_squeeze %dma_start3A_801 : memref<1x64xi32, #tpu.memory_space<vmem>> -> memref<64xi32, #tpu.memory_space<vmem>>
      %dma_start3A_803 = arith.constant 0 : i32
      %dma_start3A_804 = arith.constant 0 : i32
      %dma_start3A_805 = tpu.memref_slice %arg2[%dma_start3A_803, %dma_start3A_804] : memref<10000x128xf32, #tpu.memory_space<hbm>> -> memref<10000x128xf32, #tpu.memory_space<hbm>>
      tpu.enqueue_indirect_dma source(%dma_start3A_805 : memref<10000x128xf32, #tpu.memory_space<hbm>>) target(%arg31 : memref<64x128xf32, #tpu.memory_space<vmem>>) offsets(%dma_start3A_802 : memref<64xi32, #tpu.memory_space<vmem>>) semaphore(%arg25 : memref<!tpu.dma_semaphore, #tpu.memory_space<semaphore_mem>>)
      %dma_start3A_806 = arith.constant 0 : i32
      %dma_start3A_807 = tpu.memref_slice %arg27[%add3A_799, %dma_start3A_806] : memref<26x64xi32, #tpu.memory_space<vmem>> -> memref<1x64xi32, #tpu.memory_space<vmem>>
      %dma_start3A_808 = tpu.memref_squeeze %dma_start3A_807 : memref<1x64xi32, #tpu.memory_space<vmem>> -> memref<64xi32, #tpu.memory_space<vmem>>
      %dma_start3A_809 = arith.constant 0 : i32
      %dma_start3A_810 = arith.constant 0 : i32
      %dma_start3A_811 = tpu.memref_slice %arg2[%dma_start3A_809, %dma_start3A_810] : memref<10000x128xf32, #tpu.memory_space<hbm>> -> memref<10000x128xf32, #tpu.memory_space<hbm>>
      tpu.enqueue_indirect_dma source(%dma_start3A_811 : memref<10000x128xf32, #tpu.memory_space<hbm>>) target(%arg32 : memref<64x128xf32, #tpu.memory_space<vmem>>) offsets(%dma_start3A_808 : memref<64xi32, #tpu.memory_space<vmem>>) semaphore(%arg26 : memref<!tpu.dma_semaphore, #tpu.memory_space<semaphore_mem>>)
      %dma_start3A_812 = arith.constant 0 : i32
      %dma_start3A_813 = tpu.memref_slice %arg19[%add3A_797, %dma_start3A_812] : memref<26x64xi32, #tpu.memory_space<vmem>> -> memref<1x64xi32, #tpu.memory_space<vmem>>
      %dma_start3A_814 = tpu.memref_squeeze %dma_start3A_813 : memref<1x64xi32, #tpu.memory_space<vmem>> -> memref<64xi32, #tpu.memory_space<vmem>>
      %dma_start3A_815 = arith.constant 0 : i32
      %dma_start3A_816 = arith.constant 0 : i32
      %dma_start3A_817 = tpu.memref_slice %arg9[%dma_start3A_815, %dma_start3A_816] : memref<200x128xf32, #tpu.memory_space<hbm>> -> memref<200x128xf32, #tpu.memory_space<hbm>>
      tpu.enqueue_indirect_dma source(%dma_start3A_817 : memref<200x128xf32, #tpu.memory_space<hbm>>) target(%arg21 : memref<64x128xf32, #tpu.memory_space<vmem>>) offsets(%dma_start3A_814 : memref<64xi32, #tpu.memory_space<vmem>>) semaphore(%arg22 : memref<!tpu.dma_semaphore, #tpu.memory_space<semaphore_mem>>)
      %dma_wait3A_818 = arith.constant 0 : i32
      %dma_wait3A_819 = tpu.memref_slice %arg27[%add3A_797, %dma_wait3A_818] : memref<26x64xi32, #tpu.memory_space<vmem>> -> memref<1x64xi32, #tpu.memory_space<vmem>>
      %dma_wait3A_820 = tpu.memref_squeeze %dma_wait3A_819 : memref<1x64xi32, #tpu.memory_space<vmem>> -> memref<64xi32, #tpu.memory_space<vmem>>
      %dma_wait3A_821 = arith.constant 0 : i32
      %dma_wait3A_822 = arith.constant 0 : i32
      %dma_wait3A_823 = tpu.memref_slice %arg2[%dma_wait3A_821, %dma_wait3A_822] : memref<10000x128xf32, #tpu.memory_space<hbm>> -> memref<10000x128xf32, #tpu.memory_space<hbm>>
      tpu.wait_indirect_dma semaphore(%arg25 : memref<!tpu.dma_semaphore, #tpu.memory_space<semaphore_mem>>) src(%dma_wait3A_823 : memref<10000x128xf32, #tpu.memory_space<hbm>>) dst(%arg31 : memref<64x128xf32, #tpu.memory_space<vmem>>)
      %dma_start3A_824 = arith.constant 0 : i32
      %dma_start3A_825 = tpu.memref_slice %arg18[%add3A_797, %dma_start3A_824] : memref<26x64xi32, #tpu.memory_space<vmem>> -> memref<1x64xi32, #tpu.memory_space<vmem>>
      %dma_start3A_826 = tpu.memref_squeeze %dma_start3A_825 : memref<1x64xi32, #tpu.memory_space<vmem>> -> memref<64xi32, #tpu.memory_space<vmem>>
      %dma_start3A_827 = arith.constant 0 : i32
      %dma_start3A_828 = arith.constant 0 : i32
      %dma_start3A_829 = tpu.memref_slice %arg16[%dma_start3A_827, %dma_start3A_828] : memref<10240x128xf32, #tpu.memory_space<vmem_shared>> -> memref<10240x128xf32, #tpu.memory_space<vmem_shared>>
      tpu.enqueue_indirect_dma source(%arg31 : memref<64x128xf32, #tpu.memory_space<vmem>>) target(%dma_start3A_829 : memref<10240x128xf32, #tpu.memory_space<vmem_shared>>) offsets(%dma_start3A_826 : memref<64xi32, #tpu.memory_space<vmem>>) semaphore(%arg24 : memref<!tpu.dma_semaphore, #tpu.memory_space<semaphore_mem>>) {add = true}
      %dma_wait3A_830 = arith.constant 0 : i32
      %dma_wait3A_831 = tpu.memref_slice %arg19[%add3A_797, %dma_wait3A_830] : memref<26x64xi32, #tpu.memory_space<vmem>> -> memref<1x64xi32, #tpu.memory_space<vmem>>
      %dma_wait3A_832 = tpu.memref_squeeze %dma_wait3A_831 : memref<1x64xi32, #tpu.memory_space<vmem>> -> memref<64xi32, #tpu.memory_space<vmem>>
      %dma_wait3A_833 = arith.constant 0 : i32
      %dma_wait3A_834 = arith.constant 0 : i32
      %dma_wait3A_835 = tpu.memref_slice %arg9[%dma_wait3A_833, %dma_wait3A_834] : memref<200x128xf32, #tpu.memory_space<hbm>> -> memref<200x128xf32, #tpu.memory_space<hbm>>
      tpu.wait_indirect_dma semaphore(%arg22 : memref<!tpu.dma_semaphore, #tpu.memory_space<semaphore_mem>>) src(%dma_wait3A_835 : memref<200x128xf32, #tpu.memory_space<hbm>>) dst(%arg21 : memref<64x128xf32, #tpu.memory_space<vmem>>)
      %dma_start3A_836 = arith.constant 0 : i32
      %dma_start3A_837 = tpu.memref_slice %arg18[%add3A_797, %dma_start3A_836] : memref<26x64xi32, #tpu.memory_space<vmem>> -> memref<1x64xi32, #tpu.memory_space<vmem>>
      %dma_start3A_838 = tpu.memref_squeeze %dma_start3A_837 : memref<1x64xi32, #tpu.memory_space<vmem>> -> memref<64xi32, #tpu.memory_space<vmem>>
      %dma_start3A_839 = arith.constant 0 : i32
      %dma_start3A_840 = arith.constant 0 : i32
      %dma_start3A_841 = tpu.memref_slice %arg16[%dma_start3A_839, %dma_start3A_840] : memref<10240x128xf32, #tpu.memory_space<vmem_shared>> -> memref<10240x128xf32, #tpu.memory_space<vmem_shared>>
      tpu.enqueue_indirect_dma source(%arg21 : memref<64x128xf32, #tpu.memory_space<vmem>>) target(%dma_start3A_841 : memref<10240x128xf32, #tpu.memory_space<vmem_shared>>) offsets(%dma_start3A_838 : memref<64xi32, #tpu.memory_space<vmem>>) semaphore(%arg23 : memref<!tpu.dma_semaphore, #tpu.memory_space<semaphore_mem>>) {add = true}
      %get3A_842 = arith.index_cast %add3A_797 : i32 to index
      %get3A_843 = arith.constant 0 : index
      %get3A_844 = tpu.vector_load %arg18[%get3A_842, %get3A_843] {strides = array<i32>} : memref<26x64xi32, #tpu.memory_space<vmem>>, vector<16xi32>,
      tpu.vector_store_idx %arg17[%get3A_844], %get3A_169 {add = true} : memref<10240xf32, #tpu.memory_space<vmem>>[vector<16xi32>], vector<16xf32>,
      %get3A_845 = arith.index_cast %add3A_797 : i32 to index
      %get3A_846 = arith.constant 16 : index
      %get3A_847 = tpu.vector_load %arg18[%get3A_845, %get3A_846] {strides = array<i32>} : memref<26x64xi32, #tpu.memory_space<vmem>>, vector<16xi32>,
      tpu.vector_store_idx %arg17[%get3A_847], %get3A_169 {add = true} : memref<10240xf32, #tpu.memory_space<vmem>>[vector<16xi32>], vector<16xf32>,
      %get3A_848 = arith.index_cast %add3A_797 : i32 to index
      %get3A_849 = arith.constant 32 : index
      %get3A_850 = tpu.vector_load %arg18[%get3A_848, %get3A_849] {strides = array<i32>} : memref<26x64xi32, #tpu.memory_space<vmem>>, vector<16xi32>,
      tpu.vector_store_idx %arg17[%get3A_850], %get3A_169 {add = true} : memref<10240xf32, #tpu.memory_space<vmem>>[vector<16xi32>], vector<16xf32>,
      %get3A_851 = arith.index_cast %add3A_797 : i32 to index
      %get3A_852 = arith.constant 48 : index
      %get3A_853 = tpu.vector_load %arg18[%get3A_851, %get3A_852] {strides = array<i32>} : memref<26x64xi32, #tpu.memory_space<vmem>>, vector<16xi32>,
      tpu.vector_store_idx %arg17[%get3A_853], %get3A_169 {add = true} : memref<10240xf32, #tpu.memory_space<vmem>>[vector<16xi32>], vector<16xf32>,
      %dma_wait3A_854 = arith.constant 0 : i32
      %dma_wait3A_855 = tpu.memref_slice %arg18[%add3A_797, %dma_wait3A_854] : memref<26x64xi32, #tpu.memory_space<vmem>> -> memref<1x64xi32, #tpu.memory_space<vmem>>
      %dma_wait3A_856 = tpu.memref_squeeze %dma_wait3A_855 : memref<1x64xi32, #tpu.memory_space<vmem>> -> memref<64xi32, #tpu.memory_space<vmem>>
      %dma_wait3A_857 = arith.constant 0 : i32
      %dma_wait3A_858 = arith.constant 0 : i32
      %dma_wait3A_859 = tpu.memref_slice %arg16[%dma_wait3A_857, %dma_wait3A_858] : memref<10240x128xf32, #tpu.memory_space<vmem_shared>> -> memref<10240x128xf32, #tpu.memory_space<vmem_shared>>
      tpu.wait_indirect_dma semaphore(%arg24 : memref<!tpu.dma_semaphore, #tpu.memory_space<semaphore_mem>>) src(%arg31 : memref<64x128xf32, #tpu.memory_space<vmem>>) dst(%dma_wait3A_859 : memref<10240x128xf32, #tpu.memory_space<vmem_shared>>)
      %dma_start3A_860 = arith.constant 0 : i32
      %dma_start3A_861 = tpu.memref_slice %arg19[%add3A_799, %dma_start3A_860] : memref<26x64xi32, #tpu.memory_space<vmem>> -> memref<1x64xi32, #tpu.memory_space<vmem>>
      %dma_start3A_862 = tpu.memref_squeeze %dma_start3A_861 : memref<1x64xi32, #tpu.memory_space<vmem>> -> memref<64xi32, #tpu.memory_space<vmem>>
      %dma_start3A_863 = arith.constant 0 : i32
      %dma_start3A_864 = arith.constant 0 : i32
      %dma_start3A_865 = tpu.memref_slice %arg9[%dma_start3A_863, %dma_start3A_864] : memref<200x128xf32, #tpu.memory_space<hbm>> -> memref<200x128xf32, #tpu.memory_space<hbm>>
      tpu.enqueue_indirect_dma source(%dma_start3A_865 : memref<200x128xf32, #tpu.memory_space<hbm>>) target(%arg31 : memref<64x128xf32, #tpu.memory_space<vmem>>) offsets(%dma_start3A_862 : memref<64xi32, #tpu.memory_space<vmem>>) semaphore(%arg22 : memref<!tpu.dma_semaphore, #tpu.memory_space<semaphore_mem>>)
      %dma_wait3A_866 = arith.constant 0 : i32
      %dma_wait3A_867 = tpu.memref_slice %arg27[%add3A_799, %dma_wait3A_866] : memref<26x64xi32, #tpu.memory_space<vmem>> -> memref<1x64xi32, #tpu.memory_space<vmem>>
      %dma_wait3A_868 = tpu.memref_squeeze %dma_wait3A_867 : memref<1x64xi32, #tpu.memory_space<vmem>> -> memref<64xi32, #tpu.memory_space<vmem>>
      %dma_wait3A_869 = arith.constant 0 : i32
      %dma_wait3A_870 = arith.constant 0 : i32
      %dma_wait3A_871 = tpu.memref_slice %arg2[%dma_wait3A_869, %dma_wait3A_870] : memref<10000x128xf32, #tpu.memory_space<hbm>> -> memref<10000x128xf32, #tpu.memory_space<hbm>>
      tpu.wait_indirect_dma semaphore(%arg26 : memref<!tpu.dma_semaphore, #tpu.memory_space<semaphore_mem>>) src(%dma_wait3A_871 : memref<10000x128xf32, #tpu.memory_space<hbm>>) dst(%arg32 : memref<64x128xf32, #tpu.memory_space<vmem>>)
      %dma_start3A_872 = arith.constant 0 : i32
      %dma_start3A_873 = tpu.memref_slice %arg18[%add3A_799, %dma_start3A_872] : memref<26x64xi32, #tpu.memory_space<vmem>> -> memref<1x64xi32, #tpu.memory_space<vmem>>
      %dma_start3A_874 = tpu.memref_squeeze %dma_start3A_873 : memref<1x64xi32, #tpu.memory_space<vmem>> -> memref<64xi32, #tpu.memory_space<vmem>>
      %dma_start3A_875 = arith.constant 0 : i32
      %dma_start3A_876 = arith.constant 0 : i32
      %dma_start3A_877 = tpu.memref_slice %arg16[%dma_start3A_875, %dma_start3A_876] : memref<10240x128xf32, #tpu.memory_space<vmem_shared>> -> memref<10240x128xf32, #tpu.memory_space<vmem_shared>>
      tpu.enqueue_indirect_dma source(%arg32 : memref<64x128xf32, #tpu.memory_space<vmem>>) target(%dma_start3A_877 : memref<10240x128xf32, #tpu.memory_space<vmem_shared>>) offsets(%dma_start3A_874 : memref<64xi32, #tpu.memory_space<vmem>>) semaphore(%arg23 : memref<!tpu.dma_semaphore, #tpu.memory_space<semaphore_mem>>) {add = true}
      %dma_wait3A_878 = arith.constant 0 : i32
      %dma_wait3A_879 = tpu.memref_slice %arg19[%add3A_799, %dma_wait3A_878] : memref<26x64xi32, #tpu.memory_space<vmem>> -> memref<1x64xi32, #tpu.memory_space<vmem>>
      %dma_wait3A_880 = tpu.memref_squeeze %dma_wait3A_879 : memref<1x64xi32, #tpu.memory_space<vmem>> -> memref<64xi32, #tpu.memory_space<vmem>>
      %dma_wait3A_881 = arith.constant 0 : i32
      %dma_wait3A_882 = arith.constant 0 : i32
      %dma_wait3A_883 = tpu.memref_slice %arg9[%dma_wait3A_881, %dma_wait3A_882] : memref<200x128xf32, #tpu.memory_space<hbm>> -> memref<200x128xf32, #tpu.memory_space<hbm>>
      tpu.wait_indirect_dma semaphore(%arg22 : memref<!tpu.dma_semaphore, #tpu.memory_space<semaphore_mem>>) src(%dma_wait3A_883 : memref<200x128xf32, #tpu.memory_space<hbm>>) dst(%arg31 : memref<64x128xf32, #tpu.memory_space<vmem>>)
      %dma_start3A_884 = arith.constant 0 : i32
      %dma_start3A_885 = tpu.memref_slice %arg18[%add3A_799, %dma_start3A_884] : memref<26x64xi32, #tpu.memory_space<vmem>> -> memref<1x64xi32, #tpu.memory_space<vmem>>
      %dma_start3A_886 = tpu.memref_squeeze %dma_start3A_885 : memref<1x64xi32, #tpu.memory_space<vmem>> -> memref<64xi32, #tpu.memory_space<vmem>>
      %dma_start3A_887 = arith.constant 0 : i32
      %dma_start3A_888 = arith.constant 0 : i32
      %dma_start3A_889 = tpu.memref_slice %arg16[%dma_start3A_887, %dma_start3A_888] : memref<10240x128xf32, #tpu.memory_space<vmem_shared>> -> memref<10240x128xf32, #tpu.memory_space<vmem_shared>>
      tpu.enqueue_indirect_dma source(%arg31 : memref<64x128xf32, #tpu.memory_space<vmem>>) target(%dma_start3A_889 : memref<10240x128xf32, #tpu.memory_space<vmem_shared>>) offsets(%dma_start3A_886 : memref<64xi32, #tpu.memory_space<vmem>>) semaphore(%arg23 : memref<!tpu.dma_semaphore, #tpu.memory_space<semaphore_mem>>) {add = true}
      %get3A_890 = arith.index_cast %add3A_799 : i32 to index
      %get3A_891 = arith.constant 0 : index
      %get3A_892 = tpu.vector_load %arg18[%get3A_890, %get3A_891] {strides = array<i32>} : memref<26x64xi32, #tpu.memory_space<vmem>>, vector<16xi32>,
      tpu.vector_store_idx %arg17[%get3A_892], %get3A_169 {add = true} : memref<10240xf32, #tpu.memory_space<vmem>>[vector<16xi32>], vector<16xf32>,
      %get3A_893 = arith.index_cast %add3A_799 : i32 to index
      %get3A_894 = arith.constant 16 : index
      %get3A_895 = tpu.vector_load %arg18[%get3A_893, %get3A_894] {strides = array<i32>} : memref<26x64xi32, #tpu.memory_space<vmem>>, vector<16xi32>,
      tpu.vector_store_idx %arg17[%get3A_895], %get3A_169 {add = true} : memref<10240xf32, #tpu.memory_space<vmem>>[vector<16xi32>], vector<16xf32>,
      %get3A_896 = arith.index_cast %add3A_799 : i32 to index
      %get3A_897 = arith.constant 32 : index
      %get3A_898 = tpu.vector_load %arg18[%get3A_896, %get3A_897] {strides = array<i32>} : memref<26x64xi32, #tpu.memory_space<vmem>>, vector<16xi32>,
      tpu.vector_store_idx %arg17[%get3A_898], %get3A_169 {add = true} : memref<10240xf32, #tpu.memory_space<vmem>>[vector<16xi32>], vector<16xf32>,
      %get3A_899 = arith.index_cast %add3A_799 : i32 to index
      %get3A_900 = arith.constant 48 : index
      %get3A_901 = tpu.vector_load %arg18[%get3A_899, %get3A_900] {strides = array<i32>} : memref<26x64xi32, #tpu.memory_space<vmem>>, vector<16xi32>,
      tpu.vector_store_idx %arg17[%get3A_901], %get3A_169 {add = true} : memref<10240xf32, #tpu.memory_space<vmem>>[vector<16xi32>], vector<16xf32>,
      %dma_wait3A_902 = arith.constant 0 : i32
      %dma_wait3A_903 = tpu.memref_slice %arg18[%add3A_797, %dma_wait3A_902] : memref<26x64xi32, #tpu.memory_space<vmem>> -> memref<1x64xi32, #tpu.memory_space<vmem>>
      %dma_wait3A_904 = tpu.memref_squeeze %dma_wait3A_903 : memref<1x64xi32, #tpu.memory_space<vmem>> -> memref<64xi32, #tpu.memory_space<vmem>>
      %dma_wait3A_905 = arith.constant 0 : i32
      %dma_wait3A_906 = arith.constant 0 : i32
      %dma_wait3A_907 = tpu.memref_slice %arg16[%dma_wait3A_905, %dma_wait3A_906] : memref<10240x128xf32, #tpu.memory_space<vmem_shared>> -> memref<10240x128xf32, #tpu.memory_space<vmem_shared>>
      tpu.wait_indirect_dma semaphore(%arg23 : memref<!tpu.dma_semaphore, #tpu.memory_space<semaphore_mem>>) src(%arg21 : memref<64x128xf32, #tpu.memory_space<vmem>>) dst(%dma_wait3A_907 : memref<10240x128xf32, #tpu.memory_space<vmem_shared>>)
      %dma_wait3A_908 = arith.constant 0 : i32
      %dma_wait3A_909 = tpu.memref_slice %arg18[%add3A_799, %dma_wait3A_908] : memref<26x64xi32, #tpu.memory_space<vmem>> -> memref<1x64xi32, #tpu.memory_space<vmem>>
      %dma_wait3A_910 = tpu.memref_squeeze %dma_wait3A_909 : memref<1x64xi32, #tpu.memory_space<vmem>> -> memref<64xi32, #tpu.memory_space<vmem>>
      %dma_wait3A_911 = arith.constant 0 : i32
      %dma_wait3A_912 = arith.constant 0 : i32
      %dma_wait3A_913 = tpu.memref_slice %arg16[%dma_wait3A_911, %dma_wait3A_912] : memref<10240x128xf32, #tpu.memory_space<vmem_shared>> -> memref<10240x128xf32, #tpu.memory_space<vmem_shared>>
      tpu.wait_indirect_dma semaphore(%arg23 : memref<!tpu.dma_semaphore, #tpu.memory_space<semaphore_mem>>) src(%arg32 : memref<64x128xf32, #tpu.memory_space<vmem>>) dst(%dma_wait3A_913 : memref<10240x128xf32, #tpu.memory_space<vmem_shared>>)
      %dma_wait3A_914 = arith.constant 0 : i32
      %dma_wait3A_915 = tpu.memref_slice %arg18[%add3A_799, %dma_wait3A_914] : memref<26x64xi32, #tpu.memory_space<vmem>> -> memref<1x64xi32, #tpu.memory_space<vmem>>
      %dma_wait3A_916 = tpu.memref_squeeze %dma_wait3A_915 : memref<1x64xi32, #tpu.memory_space<vmem>> -> memref<64xi32, #tpu.memory_space<vmem>>
      %dma_wait3A_917 = arith.constant 0 : i32
      %dma_wait3A_918 = arith.constant 0 : i32
      %dma_wait3A_919 = tpu.memref_slice %arg16[%dma_wait3A_917, %dma_wait3A_918] : memref<10240x128xf32, #tpu.memory_space<vmem_shared>> -> memref<10240x128xf32, #tpu.memory_space<vmem_shared>>
      tpu.wait_indirect_dma semaphore(%arg23 : memref<!tpu.dma_semaphore, #tpu.memory_space<semaphore_mem>>) src(%arg31 : memref<64x128xf32, #tpu.memory_space<vmem>>) dst(%dma_wait3A_919 : memref<10240x128xf32, #tpu.memory_space<vmem_shared>>)
    }
    %scan3A_345 = arith.constant 13 : i32
    %dma_start3A_346 = arith.constant 3 : i32
    %dma_start3A_347 = arith.constant 0 : i32
    %dma_start3A_348 = arith.constant 0 : i32
    %dma_start3A_349 = tpu.memref_slice %arg3[%add3A, %dma_start3A_346, %dma_start3A_347, %dma_start3A_348] : memref<32x6x26x64xi32, #tpu.memory_space<hbm>> -> memref<1x1x26x64xi32, #tpu.memory_space<hbm>>
    %dma_start3A_350 = tpu.memref_squeeze %dma_start3A_349 : memref<1x1x26x64xi32, #tpu.memory_space<hbm>> -> memref<26x64xi32, #tpu.memory_space<hbm>>
    %dma_start3A_351 = arith.constant 0 : i32
    %dma_start3A_352 = arith.constant 0 : i32
    %dma_start3A_353 = tpu.memref_slice %arg3[%add3A, %dma_start3A_346, %dma_start3A_351, %dma_start3A_352] : memref<32x6x26x64xi32, #tpu.memory_space<hbm>> -> memref<1x1x26x64xi32, #tpu.memory_space<hbm>>
    %dma_start3A_354 = tpu.memref_squeeze %dma_start3A_353 : memref<1x1x26x64xi32, #tpu.memory_space<hbm>> -> memref<26x64xi32, #tpu.memory_space<hbm>>
    tpu.enqueue_dma source(%dma_start3A_354 : memref<26x64xi32, #tpu.memory_space<hbm>>) target(%arg27 : memref<26x64xi32, #tpu.memory_space<vmem>>) target_semaphore(%arg25 : memref<!tpu.dma_semaphore, #tpu.memory_space<semaphore_mem>>)
    %dma_start3A_355 = arith.constant 3 : i32
    %dma_start3A_356 = arith.constant 0 : i32
    %dma_start3A_357 = arith.constant 0 : i32
    %dma_start3A_358 = tpu.memref_slice %arg4[%add3A, %dma_start3A_355, %dma_start3A_356, %dma_start3A_357] : memref<32x6x26x64xi32, #tpu.memory_space<hbm>> -> memref<1x1x26x64xi32, #tpu.memory_space<hbm>>
    %dma_start3A_359 = tpu.memref_squeeze %dma_start3A_358 : memref<1x1x26x64xi32, #tpu.memory_space<hbm>> -> memref<26x64xi32, #tpu.memory_space<hbm>>
    %dma_start3A_360 = arith.constant 0 : i32
    %dma_start3A_361 = arith.constant 0 : i32
    %dma_start3A_362 = tpu.memref_slice %arg4[%add3A, %dma_start3A_355, %dma_start3A_360, %dma_start3A_361] : memref<32x6x26x64xi32, #tpu.memory_space<hbm>> -> memref<1x1x26x64xi32, #tpu.memory_space<hbm>>
    %dma_start3A_363 = tpu.memref_squeeze %dma_start3A_362 : memref<1x1x26x64xi32, #tpu.memory_space<hbm>> -> memref<26x64xi32, #tpu.memory_space<hbm>>
    tpu.enqueue_dma source(%dma_start3A_363 : memref<26x64xi32, #tpu.memory_space<hbm>>) target(%arg18 : memref<26x64xi32, #tpu.memory_space<vmem>>) target_semaphore(%arg26 : memref<!tpu.dma_semaphore, #tpu.memory_space<semaphore_mem>>)
    %dma_start3A_364 = arith.constant 3 : i32
    %dma_start3A_365 = arith.constant 0 : i32
    %dma_start3A_366 = arith.constant 0 : i32
    %dma_start3A_367 = tpu.memref_slice %arg5[%add3A, %dma_start3A_364, %dma_start3A_365, %dma_start3A_366] : memref<32x6x26x64xi32, #tpu.memory_space<hbm>> -> memref<1x1x26x64xi32, #tpu.memory_space<hbm>>
    %dma_start3A_368 = tpu.memref_squeeze %dma_start3A_367 : memref<1x1x26x64xi32, #tpu.memory_space<hbm>> -> memref<26x64xi32, #tpu.memory_space<hbm>>
    %dma_start3A_369 = arith.constant 0 : i32
    %dma_start3A_370 = arith.constant 0 : i32
    %dma_start3A_371 = tpu.memref_slice %arg5[%add3A, %dma_start3A_364, %dma_start3A_369, %dma_start3A_370] : memref<32x6x26x64xi32, #tpu.memory_space<hbm>> -> memref<1x1x26x64xi32, #tpu.memory_space<hbm>>
    %dma_start3A_372 = tpu.memref_squeeze %dma_start3A_371 : memref<1x1x26x64xi32, #tpu.memory_space<hbm>> -> memref<26x64xi32, #tpu.memory_space<hbm>>
    tpu.enqueue_dma source(%dma_start3A_372 : memref<26x64xi32, #tpu.memory_space<hbm>>) target(%arg19 : memref<26x64xi32, #tpu.memory_space<vmem>>) target_semaphore(%arg22 : memref<!tpu.dma_semaphore, #tpu.memory_space<semaphore_mem>>)
    %dma_wait3A_373 = arith.constant 3 : i32
    %dma_wait3A_374 = arith.constant 0 : i32
    %dma_wait3A_375 = arith.constant 0 : i32
    %dma_wait3A_376 = tpu.memref_slice %arg3[%add3A, %dma_wait3A_373, %dma_wait3A_374, %dma_wait3A_375] : memref<32x6x26x64xi32, #tpu.memory_space<hbm>> -> memref<1x1x26x64xi32, #tpu.memory_space<hbm>>
    %dma_wait3A_377 = tpu.memref_squeeze %dma_wait3A_376 : memref<1x1x26x64xi32, #tpu.memory_space<hbm>> -> memref<26x64xi32, #tpu.memory_space<hbm>>
    %dma_wait3A_378 = arith.constant 0 : i32
    %dma_wait3A_379 = arith.constant 0 : i32
    %dma_wait3A_380 = tpu.memref_slice %arg3[%add3A, %dma_wait3A_373, %dma_wait3A_378, %dma_wait3A_379] : memref<32x6x26x64xi32, #tpu.memory_space<hbm>> -> memref<1x1x26x64xi32, #tpu.memory_space<hbm>>
    %dma_wait3A_381 = tpu.memref_squeeze %dma_wait3A_380 : memref<1x1x26x64xi32, #tpu.memory_space<hbm>> -> memref<26x64xi32, #tpu.memory_space<hbm>>
    tpu.wait_dma2 semaphore(%arg25 : memref<!tpu.dma_semaphore, #tpu.memory_space<semaphore_mem>>) src(%dma_wait3A_381 : memref<26x64xi32, #tpu.memory_space<hbm>>) dst(%arg27 : memref<26x64xi32, #tpu.memory_space<vmem>>)
    %dma_wait3A_382 = arith.constant 3 : i32
    %dma_wait3A_383 = arith.constant 0 : i32
    %dma_wait3A_384 = arith.constant 0 : i32
    %dma_wait3A_385 = tpu.memref_slice %arg4[%add3A, %dma_wait3A_382, %dma_wait3A_383, %dma_wait3A_384] : memref<32x6x26x64xi32, #tpu.memory_space<hbm>> -> memref<1x1x26x64xi32, #tpu.memory_space<hbm>>
    %dma_wait3A_386 = tpu.memref_squeeze %dma_wait3A_385 : memref<1x1x26x64xi32, #tpu.memory_space<hbm>> -> memref<26x64xi32, #tpu.memory_space<hbm>>
    %dma_wait3A_387 = arith.constant 0 : i32
    %dma_wait3A_388 = arith.constant 0 : i32
    %dma_wait3A_389 = tpu.memref_slice %arg4[%add3A, %dma_wait3A_382, %dma_wait3A_387, %dma_wait3A_388] : memref<32x6x26x64xi32, #tpu.memory_space<hbm>> -> memref<1x1x26x64xi32, #tpu.memory_space<hbm>>
    %dma_wait3A_390 = tpu.memref_squeeze %dma_wait3A_389 : memref<1x1x26x64xi32, #tpu.memory_space<hbm>> -> memref<26x64xi32, #tpu.memory_space<hbm>>
    tpu.wait_dma2 semaphore(%arg26 : memref<!tpu.dma_semaphore, #tpu.memory_space<semaphore_mem>>) src(%dma_wait3A_390 : memref<26x64xi32, #tpu.memory_space<hbm>>) dst(%arg18 : memref<26x64xi32, #tpu.memory_space<vmem>>)
    %dma_wait3A_391 = arith.constant 3 : i32
    %dma_wait3A_392 = arith.constant 0 : i32
    %dma_wait3A_393 = arith.constant 0 : i32
    %dma_wait3A_394 = tpu.memref_slice %arg5[%add3A, %dma_wait3A_391, %dma_wait3A_392, %dma_wait3A_393] : memref<32x6x26x64xi32, #tpu.memory_space<hbm>> -> memref<1x1x26x64xi32, #tpu.memory_space<hbm>>
    %dma_wait3A_395 = tpu.memref_squeeze %dma_wait3A_394 : memref<1x1x26x64xi32, #tpu.memory_space<hbm>> -> memref<26x64xi32, #tpu.memory_space<hbm>>
    %dma_wait3A_396 = arith.constant 0 : i32
    %dma_wait3A_397 = arith.constant 0 : i32
    %dma_wait3A_398 = tpu.memref_slice %arg5[%add3A, %dma_wait3A_391, %dma_wait3A_396, %dma_wait3A_397] : memref<32x6x26x64xi32, #tpu.memory_space<hbm>> -> memref<1x1x26x64xi32, #tpu.memory_space<hbm>>
    %dma_wait3A_399 = tpu.memref_squeeze %dma_wait3A_398 : memref<1x1x26x64xi32, #tpu.memory_space<hbm>> -> memref<26x64xi32, #tpu.memory_space<hbm>>
    tpu.wait_dma2 semaphore(%arg22 : memref<!tpu.dma_semaphore, #tpu.memory_space<semaphore_mem>>) src(%dma_wait3A_399 : memref<26x64xi32, #tpu.memory_space<hbm>>) dst(%arg19 : memref<26x64xi32, #tpu.memory_space<vmem>>)
    %scan3A_400 = arith.constant 0 : i32
    %scan3A_401 = arith.constant 13 : i32
    %scan3A_402 = arith.addi %scan3A_400, %scan3A_401 : i32
    %scan3A_403 = arith.constant 1 : i32
    scf.for %scan3A_793 = %scan3A_400 to %scan3A_402 step %scan3A_403  : i32 {
      %mul3A_794 = arith.constant 2 : i32
      %mul3A_795 = arith.muli %scan3A_793, %mul3A_794 : i32
      %add3A_796 = arith.constant 0 : i32
      %add3A_797 = arith.addi %add3A_796, %mul3A_795 : i32
      %add3A_798 = arith.constant 1 : i32
      %add3A_799 = arith.addi %add3A_797, %add3A_798 : i32
      %dma_start3A_800 = arith.constant 0 : i32
      %dma_start3A_801 = tpu.memref_slice %arg27[%add3A_797, %dma_start3A_800] : memref<26x64xi32, #tpu.memory_space<vmem>> -> memref<1x64xi32, #tpu.memory_space<vmem>>
      %dma_start3A_802 = tpu.memref_squeeze %dma_start3A_801 : memref<1x64xi32, #tpu.memory_space<vmem>> -> memref<64xi32, #tpu.memory_space<vmem>>
      %dma_start3A_803 = arith.constant 0 : i32
      %dma_start3A_804 = arith.constant 0 : i32
      %dma_start3A_805 = tpu.memref_slice %arg2[%dma_start3A_803, %dma_start3A_804] : memref<10000x128xf32, #tpu.memory_space<hbm>> -> memref<10000x128xf32, #tpu.memory_space<hbm>>
      tpu.enqueue_indirect_dma source(%dma_start3A_805 : memref<10000x128xf32, #tpu.memory_space<hbm>>) target(%arg31 : memref<64x128xf32, #tpu.memory_space<vmem>>) offsets(%dma_start3A_802 : memref<64xi32, #tpu.memory_space<vmem>>) semaphore(%arg25 : memref<!tpu.dma_semaphore, #tpu.memory_space<semaphore_mem>>)
      %dma_start3A_806 = arith.constant 0 : i32
      %dma_start3A_807 = tpu.memref_slice %arg27[%add3A_799, %dma_start3A_806] : memref<26x64xi32, #tpu.memory_space<vmem>> -> memref<1x64xi32, #tpu.memory_space<vmem>>
      %dma_start3A_808 = tpu.memref_squeeze %dma_start3A_807 : memref<1x64xi32, #tpu.memory_space<vmem>> -> memref<64xi32, #tpu.memory_space<vmem>>
      %dma_start3A_809 = arith.constant 0 : i32
      %dma_start3A_810 = arith.constant 0 : i32
      %dma_start3A_811 = tpu.memref_slice %arg2[%dma_start3A_809, %dma_start3A_810] : memref<10000x128xf32, #tpu.memory_space<hbm>> -> memref<10000x128xf32, #tpu.memory_space<hbm>>
      tpu.enqueue_indirect_dma source(%dma_start3A_811 : memref<10000x128xf32, #tpu.memory_space<hbm>>) target(%arg32 : memref<64x128xf32, #tpu.memory_space<vmem>>) offsets(%dma_start3A_808 : memref<64xi32, #tpu.memory_space<vmem>>) semaphore(%arg26 : memref<!tpu.dma_semaphore, #tpu.memory_space<semaphore_mem>>)
      %dma_start3A_812 = arith.constant 0 : i32
      %dma_start3A_813 = tpu.memref_slice %arg19[%add3A_797, %dma_start3A_812] : memref<26x64xi32, #tpu.memory_space<vmem>> -> memref<1x64xi32, #tpu.memory_space<vmem>>
      %dma_start3A_814 = tpu.memref_squeeze %dma_start3A_813 : memref<1x64xi32, #tpu.memory_space<vmem>> -> memref<64xi32, #tpu.memory_space<vmem>>
      %dma_start3A_815 = arith.constant 0 : i32
      %dma_start3A_816 = arith.constant 0 : i32
      %dma_start3A_817 = tpu.memref_slice %arg9[%dma_start3A_815, %dma_start3A_816] : memref<200x128xf32, #tpu.memory_space<hbm>> -> memref<200x128xf32, #tpu.memory_space<hbm>>
      tpu.enqueue_indirect_dma source(%dma_start3A_817 : memref<200x128xf32, #tpu.memory_space<hbm>>) target(%arg21 : memref<64x128xf32, #tpu.memory_space<vmem>>) offsets(%dma_start3A_814 : memref<64xi32, #tpu.memory_space<vmem>>) semaphore(%arg22 : memref<!tpu.dma_semaphore, #tpu.memory_space<semaphore_mem>>)
      %dma_wait3A_818 = arith.constant 0 : i32
      %dma_wait3A_819 = tpu.memref_slice %arg27[%add3A_797, %dma_wait3A_818] : memref<26x64xi32, #tpu.memory_space<vmem>> -> memref<1x64xi32, #tpu.memory_space<vmem>>
      %dma_wait3A_820 = tpu.memref_squeeze %dma_wait3A_819 : memref<1x64xi32, #tpu.memory_space<vmem>> -> memref<64xi32, #tpu.memory_space<vmem>>
      %dma_wait3A_821 = arith.constant 0 : i32
      %dma_wait3A_822 = arith.constant 0 : i32
      %dma_wait3A_823 = tpu.memref_slice %arg2[%dma_wait3A_821, %dma_wait3A_822] : memref<10000x128xf32, #tpu.memory_space<hbm>> -> memref<10000x128xf32, #tpu.memory_space<hbm>>
      tpu.wait_indirect_dma semaphore(%arg25 : memref<!tpu.dma_semaphore, #tpu.memory_space<semaphore_mem>>) src(%dma_wait3A_823 : memref<10000x128xf32, #tpu.memory_space<hbm>>) dst(%arg31 : memref<64x128xf32, #tpu.memory_space<vmem>>)
      %dma_start3A_824 = arith.constant 0 : i32
      %dma_start3A_825 = tpu.memref_slice %arg18[%add3A_797, %dma_start3A_824] : memref<26x64xi32, #tpu.memory_space<vmem>> -> memref<1x64xi32, #tpu.memory_space<vmem>>
      %dma_start3A_826 = tpu.memref_squeeze %dma_start3A_825 : memref<1x64xi32, #tpu.memory_space<vmem>> -> memref<64xi32, #tpu.memory_space<vmem>>
      %dma_start3A_827 = arith.constant 0 : i32
      %dma_start3A_828 = arith.constant 0 : i32
      %dma_start3A_829 = tpu.memref_slice %arg16[%dma_start3A_827, %dma_start3A_828] : memref<10240x128xf32, #tpu.memory_space<vmem_shared>> -> memref<10240x128xf32, #tpu.memory_space<vmem_shared>>
      tpu.enqueue_indirect_dma source(%arg31 : memref<64x128xf32, #tpu.memory_space<vmem>>) target(%dma_start3A_829 : memref<10240x128xf32, #tpu.memory_space<vmem_shared>>) offsets(%dma_start3A_826 : memref<64xi32, #tpu.memory_space<vmem>>) semaphore(%arg24 : memref<!tpu.dma_semaphore, #tpu.memory_space<semaphore_mem>>) {add = true}
      %dma_wait3A_830 = arith.constant 0 : i32
      %dma_wait3A_831 = tpu.memref_slice %arg19[%add3A_797, %dma_wait3A_830] : memref<26x64xi32, #tpu.memory_space<vmem>> -> memref<1x64xi32, #tpu.memory_space<vmem>>
      %dma_wait3A_832 = tpu.memref_squeeze %dma_wait3A_831 : memref<1x64xi32, #tpu.memory_space<vmem>> -> memref<64xi32, #tpu.memory_space<vmem>>
      %dma_wait3A_833 = arith.constant 0 : i32
      %dma_wait3A_834 = arith.constant 0 : i32
      %dma_wait3A_835 = tpu.memref_slice %arg9[%dma_wait3A_833, %dma_wait3A_834] : memref<200x128xf32, #tpu.memory_space<hbm>> -> memref<200x128xf32, #tpu.memory_space<hbm>>
      tpu.wait_indirect_dma semaphore(%arg22 : memref<!tpu.dma_semaphore, #tpu.memory_space<semaphore_mem>>) src(%dma_wait3A_835 : memref<200x128xf32, #tpu.memory_space<hbm>>) dst(%arg21 : memref<64x128xf32, #tpu.memory_space<vmem>>)
      %dma_start3A_836 = arith.constant 0 : i32
      %dma_start3A_837 = tpu.memref_slice %arg18[%add3A_797, %dma_start3A_836] : memref<26x64xi32, #tpu.memory_space<vmem>> -> memref<1x64xi32, #tpu.memory_space<vmem>>
      %dma_start3A_838 = tpu.memref_squeeze %dma_start3A_837 : memref<1x64xi32, #tpu.memory_space<vmem>> -> memref<64xi32, #tpu.memory_space<vmem>>
      %dma_start3A_839 = arith.constant 0 : i32
      %dma_start3A_840 = arith.constant 0 : i32
      %dma_start3A_841 = tpu.memref_slice %arg16[%dma_start3A_839, %dma_start3A_840] : memref<10240x128xf32, #tpu.memory_space<vmem_shared>> -> memref<10240x128xf32, #tpu.memory_space<vmem_shared>>
      tpu.enqueue_indirect_dma source(%arg21 : memref<64x128xf32, #tpu.memory_space<vmem>>) target(%dma_start3A_841 : memref<10240x128xf32, #tpu.memory_space<vmem_shared>>) offsets(%dma_start3A_838 : memref<64xi32, #tpu.memory_space<vmem>>) semaphore(%arg23 : memref<!tpu.dma_semaphore, #tpu.memory_space<semaphore_mem>>) {add = true}
      %get3A_842 = arith.index_cast %add3A_797 : i32 to index
      %get3A_843 = arith.constant 0 : index
      %get3A_844 = tpu.vector_load %arg18[%get3A_842, %get3A_843] {strides = array<i32>} : memref<26x64xi32, #tpu.memory_space<vmem>>, vector<16xi32>,
      tpu.vector_store_idx %arg17[%get3A_844], %get3A_169 {add = true} : memref<10240xf32, #tpu.memory_space<vmem>>[vector<16xi32>], vector<16xf32>,
      %get3A_845 = arith.index_cast %add3A_797 : i32 to index
      %get3A_846 = arith.constant 16 : index
      %get3A_847 = tpu.vector_load %arg18[%get3A_845, %get3A_846] {strides = array<i32>} : memref<26x64xi32, #tpu.memory_space<vmem>>, vector<16xi32>,
      tpu.vector_store_idx %arg17[%get3A_847], %get3A_169 {add = true} : memref<10240xf32, #tpu.memory_space<vmem>>[vector<16xi32>], vector<16xf32>,
      %get3A_848 = arith.index_cast %add3A_797 : i32 to index
      %get3A_849 = arith.constant 32 : index
      %get3A_850 = tpu.vector_load %arg18[%get3A_848, %get3A_849] {strides = array<i32>} : memref<26x64xi32, #tpu.memory_space<vmem>>, vector<16xi32>,
      tpu.vector_store_idx %arg17[%get3A_850], %get3A_169 {add = true} : memref<10240xf32, #tpu.memory_space<vmem>>[vector<16xi32>], vector<16xf32>,
      %get3A_851 = arith.index_cast %add3A_797 : i32 to index
      %get3A_852 = arith.constant 48 : index
      %get3A_853 = tpu.vector_load %arg18[%get3A_851, %get3A_852] {strides = array<i32>} : memref<26x64xi32, #tpu.memory_space<vmem>>, vector<16xi32>,
      tpu.vector_store_idx %arg17[%get3A_853], %get3A_169 {add = true} : memref<10240xf32, #tpu.memory_space<vmem>>[vector<16xi32>], vector<16xf32>,
      %dma_wait3A_854 = arith.constant 0 : i32
      %dma_wait3A_855 = tpu.memref_slice %arg18[%add3A_797, %dma_wait3A_854] : memref<26x64xi32, #tpu.memory_space<vmem>> -> memref<1x64xi32, #tpu.memory_space<vmem>>
      %dma_wait3A_856 = tpu.memref_squeeze %dma_wait3A_855 : memref<1x64xi32, #tpu.memory_space<vmem>> -> memref<64xi32, #tpu.memory_space<vmem>>
      %dma_wait3A_857 = arith.constant 0 : i32
      %dma_wait3A_858 = arith.constant 0 : i32
      %dma_wait3A_859 = tpu.memref_slice %arg16[%dma_wait3A_857, %dma_wait3A_858] : memref<10240x128xf32, #tpu.memory_space<vmem_shared>> -> memref<10240x128xf32, #tpu.memory_space<vmem_shared>>
      tpu.wait_indirect_dma semaphore(%arg24 : memref<!tpu.dma_semaphore, #tpu.memory_space<semaphore_mem>>) src(%arg31 : memref<64x128xf32, #tpu.memory_space<vmem>>) dst(%dma_wait3A_859 : memref<10240x128xf32, #tpu.memory_space<vmem_shared>>)
      %dma_start3A_860 = arith.constant 0 : i32
      %dma_start3A_861 = tpu.memref_slice %arg19[%add3A_799, %dma_start3A_860] : memref<26x64xi32, #tpu.memory_space<vmem>> -> memref<1x64xi32, #tpu.memory_space<vmem>>
      %dma_start3A_862 = tpu.memref_squeeze %dma_start3A_861 : memref<1x64xi32, #tpu.memory_space<vmem>> -> memref<64xi32, #tpu.memory_space<vmem>>
      %dma_start3A_863 = arith.constant 0 : i32
      %dma_start3A_864 = arith.constant 0 : i32
      %dma_start3A_865 = tpu.memref_slice %arg9[%dma_start3A_863, %dma_start3A_864] : memref<200x128xf32, #tpu.memory_space<hbm>> -> memref<200x128xf32, #tpu.memory_space<hbm>>
      tpu.enqueue_indirect_dma source(%dma_start3A_865 : memref<200x128xf32, #tpu.memory_space<hbm>>) target(%arg31 : memref<64x128xf32, #tpu.memory_space<vmem>>) offsets(%dma_start3A_862 : memref<64xi32, #tpu.memory_space<vmem>>) semaphore(%arg22 : memref<!tpu.dma_semaphore, #tpu.memory_space<semaphore_mem>>)
      %dma_wait3A_866 = arith.constant 0 : i32
      %dma_wait3A_867 = tpu.memref_slice %arg27[%add3A_799, %dma_wait3A_866] : memref<26x64xi32, #tpu.memory_space<vmem>> -> memref<1x64xi32, #tpu.memory_space<vmem>>
      %dma_wait3A_868 = tpu.memref_squeeze %dma_wait3A_867 : memref<1x64xi32, #tpu.memory_space<vmem>> -> memref<64xi32, #tpu.memory_space<vmem>>
      %dma_wait3A_869 = arith.constant 0 : i32
      %dma_wait3A_870 = arith.constant 0 : i32
      %dma_wait3A_871 = tpu.memref_slice %arg2[%dma_wait3A_869, %dma_wait3A_870] : memref<10000x128xf32, #tpu.memory_space<hbm>> -> memref<10000x128xf32, #tpu.memory_space<hbm>>
      tpu.wait_indirect_dma semaphore(%arg26 : memref<!tpu.dma_semaphore, #tpu.memory_space<semaphore_mem>>) src(%dma_wait3A_871 : memref<10000x128xf32, #tpu.memory_space<hbm>>) dst(%arg32 : memref<64x128xf32, #tpu.memory_space<vmem>>)
      %dma_start3A_872 = arith.constant 0 : i32
      %dma_start3A_873 = tpu.memref_slice %arg18[%add3A_799, %dma_start3A_872] : memref<26x64xi32, #tpu.memory_space<vmem>> -> memref<1x64xi32, #tpu.memory_space<vmem>>
      %dma_start3A_874 = tpu.memref_squeeze %dma_start3A_873 : memref<1x64xi32, #tpu.memory_space<vmem>> -> memref<64xi32, #tpu.memory_space<vmem>>
      %dma_start3A_875 = arith.constant 0 : i32
      %dma_start3A_876 = arith.constant 0 : i32
      %dma_start3A_877 = tpu.memref_slice %arg16[%dma_start3A_875, %dma_start3A_876] : memref<10240x128xf32, #tpu.memory_space<vmem_shared>> -> memref<10240x128xf32, #tpu.memory_space<vmem_shared>>
      tpu.enqueue_indirect_dma source(%arg32 : memref<64x128xf32, #tpu.memory_space<vmem>>) target(%dma_start3A_877 : memref<10240x128xf32, #tpu.memory_space<vmem_shared>>) offsets(%dma_start3A_874 : memref<64xi32, #tpu.memory_space<vmem>>) semaphore(%arg23 : memref<!tpu.dma_semaphore, #tpu.memory_space<semaphore_mem>>) {add = true}
      %dma_wait3A_878 = arith.constant 0 : i32
      %dma_wait3A_879 = tpu.memref_slice %arg19[%add3A_799, %dma_wait3A_878] : memref<26x64xi32, #tpu.memory_space<vmem>> -> memref<1x64xi32, #tpu.memory_space<vmem>>
      %dma_wait3A_880 = tpu.memref_squeeze %dma_wait3A_879 : memref<1x64xi32, #tpu.memory_space<vmem>> -> memref<64xi32, #tpu.memory_space<vmem>>
      %dma_wait3A_881 = arith.constant 0 : i32
      %dma_wait3A_882 = arith.constant 0 : i32
      %dma_wait3A_883 = tpu.memref_slice %arg9[%dma_wait3A_881, %dma_wait3A_882] : memref<200x128xf32, #tpu.memory_space<hbm>> -> memref<200x128xf32, #tpu.memory_space<hbm>>
      tpu.wait_indirect_dma semaphore(%arg22 : memref<!tpu.dma_semaphore, #tpu.memory_space<semaphore_mem>>) src(%dma_wait3A_883 : memref<200x128xf32, #tpu.memory_space<hbm>>) dst(%arg31 : memref<64x128xf32, #tpu.memory_space<vmem>>)
      %dma_start3A_884 = arith.constant 0 : i32
      %dma_start3A_885 = tpu.memref_slice %arg18[%add3A_799, %dma_start3A_884] : memref<26x64xi32, #tpu.memory_space<vmem>> -> memref<1x64xi32, #tpu.memory_space<vmem>>
      %dma_start3A_886 = tpu.memref_squeeze %dma_start3A_885 : memref<1x64xi32, #tpu.memory_space<vmem>> -> memref<64xi32, #tpu.memory_space<vmem>>
      %dma_start3A_887 = arith.constant 0 : i32
      %dma_start3A_888 = arith.constant 0 : i32
      %dma_start3A_889 = tpu.memref_slice %arg16[%dma_start3A_887, %dma_start3A_888] : memref<10240x128xf32, #tpu.memory_space<vmem_shared>> -> memref<10240x128xf32, #tpu.memory_space<vmem_shared>>
      tpu.enqueue_indirect_dma source(%arg31 : memref<64x128xf32, #tpu.memory_space<vmem>>) target(%dma_start3A_889 : memref<10240x128xf32, #tpu.memory_space<vmem_shared>>) offsets(%dma_start3A_886 : memref<64xi32, #tpu.memory_space<vmem>>) semaphore(%arg23 : memref<!tpu.dma_semaphore, #tpu.memory_space<semaphore_mem>>) {add = true}
      %get3A_890 = arith.index_cast %add3A_799 : i32 to index
      %get3A_891 = arith.constant 0 : index
      %get3A_892 = tpu.vector_load %arg18[%get3A_890, %get3A_891] {strides = array<i32>} : memref<26x64xi32, #tpu.memory_space<vmem>>, vector<16xi32>,
      tpu.vector_store_idx %arg17[%get3A_892], %get3A_169 {add = true} : memref<10240xf32, #tpu.memory_space<vmem>>[vector<16xi32>], vector<16xf32>,
      %get3A_893 = arith.index_cast %add3A_799 : i32 to index
      %get3A_894 = arith.constant 16 : index
      %get3A_895 = tpu.vector_load %arg18[%get3A_893, %get3A_894] {strides = array<i32>} : memref<26x64xi32, #tpu.memory_space<vmem>>, vector<16xi32>,
      tpu.vector_store_idx %arg17[%get3A_895], %get3A_169 {add = true} : memref<10240xf32, #tpu.memory_space<vmem>>[vector<16xi32>], vector<16xf32>,
      %get3A_896 = arith.index_cast %add3A_799 : i32 to index
      %get3A_897 = arith.constant 32 : index
      %get3A_898 = tpu.vector_load %arg18[%get3A_896, %get3A_897] {strides = array<i32>} : memref<26x64xi32, #tpu.memory_space<vmem>>, vector<16xi32>,
      tpu.vector_store_idx %arg17[%get3A_898], %get3A_169 {add = true} : memref<10240xf32, #tpu.memory_space<vmem>>[vector<16xi32>], vector<16xf32>,
      %get3A_899 = arith.index_cast %add3A_799 : i32 to index
      %get3A_900 = arith.constant 48 : index
      %get3A_901 = tpu.vector_load %arg18[%get3A_899, %get3A_900] {strides = array<i32>} : memref<26x64xi32, #tpu.memory_space<vmem>>, vector<16xi32>,
      tpu.vector_store_idx %arg17[%get3A_901], %get3A_169 {add = true} : memref<10240xf32, #tpu.memory_space<vmem>>[vector<16xi32>], vector<16xf32>,
      %dma_wait3A_902 = arith.constant 0 : i32
      %dma_wait3A_903 = tpu.memref_slice %arg18[%add3A_797, %dma_wait3A_902] : memref<26x64xi32, #tpu.memory_space<vmem>> -> memref<1x64xi32, #tpu.memory_space<vmem>>
      %dma_wait3A_904 = tpu.memref_squeeze %dma_wait3A_903 : memref<1x64xi32, #tpu.memory_space<vmem>> -> memref<64xi32, #tpu.memory_space<vmem>>
      %dma_wait3A_905 = arith.constant 0 : i32
      %dma_wait3A_906 = arith.constant 0 : i32
      %dma_wait3A_907 = tpu.memref_slice %arg16[%dma_wait3A_905, %dma_wait3A_906] : memref<10240x128xf32, #tpu.memory_space<vmem_shared>> -> memref<10240x128xf32, #tpu.memory_space<vmem_shared>>
      tpu.wait_indirect_dma semaphore(%arg23 : memref<!tpu.dma_semaphore, #tpu.memory_space<semaphore_mem>>) src(%arg21 : memref<64x128xf32, #tpu.memory_space<vmem>>) dst(%dma_wait3A_907 : memref<10240x128xf32, #tpu.memory_space<vmem_shared>>)
      %dma_wait3A_908 = arith.constant 0 : i32
      %dma_wait3A_909 = tpu.memref_slice %arg18[%add3A_799, %dma_wait3A_908] : memref<26x64xi32, #tpu.memory_space<vmem>> -> memref<1x64xi32, #tpu.memory_space<vmem>>
      %dma_wait3A_910 = tpu.memref_squeeze %dma_wait3A_909 : memref<1x64xi32, #tpu.memory_space<vmem>> -> memref<64xi32, #tpu.memory_space<vmem>>
      %dma_wait3A_911 = arith.constant 0 : i32
      %dma_wait3A_912 = arith.constant 0 : i32
      %dma_wait3A_913 = tpu.memref_slice %arg16[%dma_wait3A_911, %dma_wait3A_912] : memref<10240x128xf32, #tpu.memory_space<vmem_shared>> -> memref<10240x128xf32, #tpu.memory_space<vmem_shared>>
      tpu.wait_indirect_dma semaphore(%arg23 : memref<!tpu.dma_semaphore, #tpu.memory_space<semaphore_mem>>) src(%arg32 : memref<64x128xf32, #tpu.memory_space<vmem>>) dst(%dma_wait3A_913 : memref<10240x128xf32, #tpu.memory_space<vmem_shared>>)
      %dma_wait3A_914 = arith.constant 0 : i32
      %dma_wait3A_915 = tpu.memref_slice %arg18[%add3A_799, %dma_wait3A_914] : memref<26x64xi32, #tpu.memory_space<vmem>> -> memref<1x64xi32, #tpu.memory_space<vmem>>
      %dma_wait3A_916 = tpu.memref_squeeze %dma_wait3A_915 : memref<1x64xi32, #tpu.memory_space<vmem>> -> memref<64xi32, #tpu.memory_space<vmem>>
      %dma_wait3A_917 = arith.constant 0 : i32
      %dma_wait3A_918 = arith.constant 0 : i32
      %dma_wait3A_919 = tpu.memref_slice %arg16[%dma_wait3A_917, %dma_wait3A_918] : memref<10240x128xf32, #tpu.memory_space<vmem_shared>> -> memref<10240x128xf32, #tpu.memory_space<vmem_shared>>
      tpu.wait_indirect_dma semaphore(%arg23 : memref<!tpu.dma_semaphore, #tpu.memory_space<semaphore_mem>>) src(%arg31 : memref<64x128xf32, #tpu.memory_space<vmem>>) dst(%dma_wait3A_919 : memref<10240x128xf32, #tpu.memory_space<vmem_shared>>)
    }
    %scan3A_404 = arith.constant 13 : i32
    %dma_start3A_405 = arith.constant 4 : i32
    %dma_start3A_406 = arith.constant 0 : i32
    %dma_start3A_407 = arith.constant 0 : i32
    %dma_start3A_408 = tpu.memref_slice %arg3[%add3A, %dma_start3A_405, %dma_start3A_406, %dma_start3A_407] : memref<32x6x26x64xi32, #tpu.memory_space<hbm>> -> memref<1x1x26x64xi32, #tpu.memory_space<hbm>>
    %dma_start3A_409 = tpu.memref_squeeze %dma_start3A_408 : memref<1x1x26x64xi32, #tpu.memory_space<hbm>> -> memref<26x64xi32, #tpu.memory_space<hbm>>
    %dma_start3A_410 = arith.constant 0 : i32
    %dma_start3A_411 = arith.constant 0 : i32
    %dma_start3A_412 = tpu.memref_slice %arg3[%add3A, %dma_start3A_405, %dma_start3A_410, %dma_start3A_411] : memref<32x6x26x64xi32, #tpu.memory_space<hbm>> -> memref<1x1x26x64xi32, #tpu.memory_space<hbm>>
    %dma_start3A_413 = tpu.memref_squeeze %dma_start3A_412 : memref<1x1x26x64xi32, #tpu.memory_space<hbm>> -> memref<26x64xi32, #tpu.memory_space<hbm>>
    tpu.enqueue_dma source(%dma_start3A_413 : memref<26x64xi32, #tpu.memory_space<hbm>>) target(%arg27 : memref<26x64xi32, #tpu.memory_space<vmem>>) target_semaphore(%arg25 : memref<!tpu.dma_semaphore, #tpu.memory_space<semaphore_mem>>)
    %dma_start3A_414 = arith.constant 4 : i32
    %dma_start3A_415 = arith.constant 0 : i32
    %dma_start3A_416 = arith.constant 0 : i32
    %dma_start3A_417 = tpu.memref_slice %arg4[%add3A, %dma_start3A_414, %dma_start3A_415, %dma_start3A_416] : memref<32x6x26x64xi32, #tpu.memory_space<hbm>> -> memref<1x1x26x64xi32, #tpu.memory_space<hbm>>
    %dma_start3A_418 = tpu.memref_squeeze %dma_start3A_417 : memref<1x1x26x64xi32, #tpu.memory_space<hbm>> -> memref<26x64xi32, #tpu.memory_space<hbm>>
    %dma_start3A_419 = arith.constant 0 : i32
    %dma_start3A_420 = arith.constant 0 : i32
    %dma_start3A_421 = tpu.memref_slice %arg4[%add3A, %dma_start3A_414, %dma_start3A_419, %dma_start3A_420] : memref<32x6x26x64xi32, #tpu.memory_space<hbm>> -> memref<1x1x26x64xi32, #tpu.memory_space<hbm>>
    %dma_start3A_422 = tpu.memref_squeeze %dma_start3A_421 : memref<1x1x26x64xi32, #tpu.memory_space<hbm>> -> memref<26x64xi32, #tpu.memory_space<hbm>>
    tpu.enqueue_dma source(%dma_start3A_422 : memref<26x64xi32, #tpu.memory_space<hbm>>) target(%arg18 : memref<26x64xi32, #tpu.memory_space<vmem>>) target_semaphore(%arg26 : memref<!tpu.dma_semaphore, #tpu.memory_space<semaphore_mem>>)
    %dma_start3A_423 = arith.constant 4 : i32
    %dma_start3A_424 = arith.constant 0 : i32
    %dma_start3A_425 = arith.constant 0 : i32
    %dma_start3A_426 = tpu.memref_slice %arg5[%add3A, %dma_start3A_423, %dma_start3A_424, %dma_start3A_425] : memref<32x6x26x64xi32, #tpu.memory_space<hbm>> -> memref<1x1x26x64xi32, #tpu.memory_space<hbm>>
    %dma_start3A_427 = tpu.memref_squeeze %dma_start3A_426 : memref<1x1x26x64xi32, #tpu.memory_space<hbm>> -> memref<26x64xi32, #tpu.memory_space<hbm>>
    %dma_start3A_428 = arith.constant 0 : i32
    %dma_start3A_429 = arith.constant 0 : i32
    %dma_start3A_430 = tpu.memref_slice %arg5[%add3A, %dma_start3A_423, %dma_start3A_428, %dma_start3A_429] : memref<32x6x26x64xi32, #tpu.memory_space<hbm>> -> memref<1x1x26x64xi32, #tpu.memory_space<hbm>>
    %dma_start3A_431 = tpu.memref_squeeze %dma_start3A_430 : memref<1x1x26x64xi32, #tpu.memory_space<hbm>> -> memref<26x64xi32, #tpu.memory_space<hbm>>
    tpu.enqueue_dma source(%dma_start3A_431 : memref<26x64xi32, #tpu.memory_space<hbm>>) target(%arg19 : memref<26x64xi32, #tpu.memory_space<vmem>>) target_semaphore(%arg22 : memref<!tpu.dma_semaphore, #tpu.memory_space<semaphore_mem>>)
    %dma_wait3A_432 = arith.constant 4 : i32
    %dma_wait3A_433 = arith.constant 0 : i32
    %dma_wait3A_434 = arith.constant 0 : i32
    %dma_wait3A_435 = tpu.memref_slice %arg3[%add3A, %dma_wait3A_432, %dma_wait3A_433, %dma_wait3A_434] : memref<32x6x26x64xi32, #tpu.memory_space<hbm>> -> memref<1x1x26x64xi32, #tpu.memory_space<hbm>>
    %dma_wait3A_436 = tpu.memref_squeeze %dma_wait3A_435 : memref<1x1x26x64xi32, #tpu.memory_space<hbm>> -> memref<26x64xi32, #tpu.memory_space<hbm>>
    %dma_wait3A_437 = arith.constant 0 : i32
    %dma_wait3A_438 = arith.constant 0 : i32
    %dma_wait3A_439 = tpu.memref_slice %arg3[%add3A, %dma_wait3A_432, %dma_wait3A_437, %dma_wait3A_438] : memref<32x6x26x64xi32, #tpu.memory_space<hbm>> -> memref<1x1x26x64xi32, #tpu.memory_space<hbm>>
    %dma_wait3A_440 = tpu.memref_squeeze %dma_wait3A_439 : memref<1x1x26x64xi32, #tpu.memory_space<hbm>> -> memref<26x64xi32, #tpu.memory_space<hbm>>
    tpu.wait_dma2 semaphore(%arg25 : memref<!tpu.dma_semaphore, #tpu.memory_space<semaphore_mem>>) src(%dma_wait3A_440 : memref<26x64xi32, #tpu.memory_space<hbm>>) dst(%arg27 : memref<26x64xi32, #tpu.memory_space<vmem>>)
    %dma_wait3A_441 = arith.constant 4 : i32
    %dma_wait3A_442 = arith.constant 0 : i32
    %dma_wait3A_443 = arith.constant 0 : i32
    %dma_wait3A_444 = tpu.memref_slice %arg4[%add3A, %dma_wait3A_441, %dma_wait3A_442, %dma_wait3A_443] : memref<32x6x26x64xi32, #tpu.memory_space<hbm>> -> memref<1x1x26x64xi32, #tpu.memory_space<hbm>>
    %dma_wait3A_445 = tpu.memref_squeeze %dma_wait3A_444 : memref<1x1x26x64xi32, #tpu.memory_space<hbm>> -> memref<26x64xi32, #tpu.memory_space<hbm>>
    %dma_wait3A_446 = arith.constant 0 : i32
    %dma_wait3A_447 = arith.constant 0 : i32
    %dma_wait3A_448 = tpu.memref_slice %arg4[%add3A, %dma_wait3A_441, %dma_wait3A_446, %dma_wait3A_447] : memref<32x6x26x64xi32, #tpu.memory_space<hbm>> -> memref<1x1x26x64xi32, #tpu.memory_space<hbm>>
    %dma_wait3A_449 = tpu.memref_squeeze %dma_wait3A_448 : memref<1x1x26x64xi32, #tpu.memory_space<hbm>> -> memref<26x64xi32, #tpu.memory_space<hbm>>
    tpu.wait_dma2 semaphore(%arg26 : memref<!tpu.dma_semaphore, #tpu.memory_space<semaphore_mem>>) src(%dma_wait3A_449 : memref<26x64xi32, #tpu.memory_space<hbm>>) dst(%arg18 : memref<26x64xi32, #tpu.memory_space<vmem>>)
    %dma_wait3A_450 = arith.constant 4 : i32
    %dma_wait3A_451 = arith.constant 0 : i32
    %dma_wait3A_452 = arith.constant 0 : i32
    %dma_wait3A_453 = tpu.memref_slice %arg5[%add3A, %dma_wait3A_450, %dma_wait3A_451, %dma_wait3A_452] : memref<32x6x26x64xi32, #tpu.memory_space<hbm>> -> memref<1x1x26x64xi32, #tpu.memory_space<hbm>>
    %dma_wait3A_454 = tpu.memref_squeeze %dma_wait3A_453 : memref<1x1x26x64xi32, #tpu.memory_space<hbm>> -> memref<26x64xi32, #tpu.memory_space<hbm>>
    %dma_wait3A_455 = arith.constant 0 : i32
    %dma_wait3A_456 = arith.constant 0 : i32
    %dma_wait3A_457 = tpu.memref_slice %arg5[%add3A, %dma_wait3A_450, %dma_wait3A_455, %dma_wait3A_456] : memref<32x6x26x64xi32, #tpu.memory_space<hbm>> -> memref<1x1x26x64xi32, #tpu.memory_space<hbm>>
    %dma_wait3A_458 = tpu.memref_squeeze %dma_wait3A_457 : memref<1x1x26x64xi32, #tpu.memory_space<hbm>> -> memref<26x64xi32, #tpu.memory_space<hbm>>
    tpu.wait_dma2 semaphore(%arg22 : memref<!tpu.dma_semaphore, #tpu.memory_space<semaphore_mem>>) src(%dma_wait3A_458 : memref<26x64xi32, #tpu.memory_space<hbm>>) dst(%arg19 : memref<26x64xi32, #tpu.memory_space<vmem>>)
    %scan3A_459 = arith.constant 0 : i32
    %scan3A_460 = arith.constant 13 : i32
    %scan3A_461 = arith.addi %scan3A_459, %scan3A_460 : i32
    %scan3A_462 = arith.constant 1 : i32
    scf.for %scan3A_793 = %scan3A_459 to %scan3A_461 step %scan3A_462  : i32 {
      %mul3A_794 = arith.constant 2 : i32
      %mul3A_795 = arith.muli %scan3A_793, %mul3A_794 : i32
      %add3A_796 = arith.constant 0 : i32
      %add3A_797 = arith.addi %add3A_796, %mul3A_795 : i32
      %add3A_798 = arith.constant 1 : i32
      %add3A_799 = arith.addi %add3A_797, %add3A_798 : i32
      %dma_start3A_800 = arith.constant 0 : i32
      %dma_start3A_801 = tpu.memref_slice %arg27[%add3A_797, %dma_start3A_800] : memref<26x64xi32, #tpu.memory_space<vmem>> -> memref<1x64xi32, #tpu.memory_space<vmem>>
      %dma_start3A_802 = tpu.memref_squeeze %dma_start3A_801 : memref<1x64xi32, #tpu.memory_space<vmem>> -> memref<64xi32, #tpu.memory_space<vmem>>
      %dma_start3A_803 = arith.constant 0 : i32
      %dma_start3A_804 = arith.constant 0 : i32
      %dma_start3A_805 = tpu.memref_slice %arg2[%dma_start3A_803, %dma_start3A_804] : memref<10000x128xf32, #tpu.memory_space<hbm>> -> memref<10000x128xf32, #tpu.memory_space<hbm>>
      tpu.enqueue_indirect_dma source(%dma_start3A_805 : memref<10000x128xf32, #tpu.memory_space<hbm>>) target(%arg31 : memref<64x128xf32, #tpu.memory_space<vmem>>) offsets(%dma_start3A_802 : memref<64xi32, #tpu.memory_space<vmem>>) semaphore(%arg25 : memref<!tpu.dma_semaphore, #tpu.memory_space<semaphore_mem>>)
      %dma_start3A_806 = arith.constant 0 : i32
      %dma_start3A_807 = tpu.memref_slice %arg27[%add3A_799, %dma_start3A_806] : memref<26x64xi32, #tpu.memory_space<vmem>> -> memref<1x64xi32, #tpu.memory_space<vmem>>
      %dma_start3A_808 = tpu.memref_squeeze %dma_start3A_807 : memref<1x64xi32, #tpu.memory_space<vmem>> -> memref<64xi32, #tpu.memory_space<vmem>>
      %dma_start3A_809 = arith.constant 0 : i32
      %dma_start3A_810 = arith.constant 0 : i32
      %dma_start3A_811 = tpu.memref_slice %arg2[%dma_start3A_809, %dma_start3A_810] : memref<10000x128xf32, #tpu.memory_space<hbm>> -> memref<10000x128xf32, #tpu.memory_space<hbm>>
      tpu.enqueue_indirect_dma source(%dma_start3A_811 : memref<10000x128xf32, #tpu.memory_space<hbm>>) target(%arg32 : memref<64x128xf32, #tpu.memory_space<vmem>>) offsets(%dma_start3A_808 : memref<64xi32, #tpu.memory_space<vmem>>) semaphore(%arg26 : memref<!tpu.dma_semaphore, #tpu.memory_space<semaphore_mem>>)
      %dma_start3A_812 = arith.constant 0 : i32
      %dma_start3A_813 = tpu.memref_slice %arg19[%add3A_797, %dma_start3A_812] : memref<26x64xi32, #tpu.memory_space<vmem>> -> memref<1x64xi32, #tpu.memory_space<vmem>>
      %dma_start3A_814 = tpu.memref_squeeze %dma_start3A_813 : memref<1x64xi32, #tpu.memory_space<vmem>> -> memref<64xi32, #tpu.memory_space<vmem>>
      %dma_start3A_815 = arith.constant 0 : i32
      %dma_start3A_816 = arith.constant 0 : i32
      %dma_start3A_817 = tpu.memref_slice %arg9[%dma_start3A_815, %dma_start3A_816] : memref<200x128xf32, #tpu.memory_space<hbm>> -> memref<200x128xf32, #tpu.memory_space<hbm>>
      tpu.enqueue_indirect_dma source(%dma_start3A_817 : memref<200x128xf32, #tpu.memory_space<hbm>>) target(%arg21 : memref<64x128xf32, #tpu.memory_space<vmem>>) offsets(%dma_start3A_814 : memref<64xi32, #tpu.memory_space<vmem>>) semaphore(%arg22 : memref<!tpu.dma_semaphore, #tpu.memory_space<semaphore_mem>>)
      %dma_wait3A_818 = arith.constant 0 : i32
      %dma_wait3A_819 = tpu.memref_slice %arg27[%add3A_797, %dma_wait3A_818] : memref<26x64xi32, #tpu.memory_space<vmem>> -> memref<1x64xi32, #tpu.memory_space<vmem>>
      %dma_wait3A_820 = tpu.memref_squeeze %dma_wait3A_819 : memref<1x64xi32, #tpu.memory_space<vmem>> -> memref<64xi32, #tpu.memory_space<vmem>>
      %dma_wait3A_821 = arith.constant 0 : i32
      %dma_wait3A_822 = arith.constant 0 : i32
      %dma_wait3A_823 = tpu.memref_slice %arg2[%dma_wait3A_821, %dma_wait3A_822] : memref<10000x128xf32, #tpu.memory_space<hbm>> -> memref<10000x128xf32, #tpu.memory_space<hbm>>
      tpu.wait_indirect_dma semaphore(%arg25 : memref<!tpu.dma_semaphore, #tpu.memory_space<semaphore_mem>>) src(%dma_wait3A_823 : memref<10000x128xf32, #tpu.memory_space<hbm>>) dst(%arg31 : memref<64x128xf32, #tpu.memory_space<vmem>>)
      %dma_start3A_824 = arith.constant 0 : i32
      %dma_start3A_825 = tpu.memref_slice %arg18[%add3A_797, %dma_start3A_824] : memref<26x64xi32, #tpu.memory_space<vmem>> -> memref<1x64xi32, #tpu.memory_space<vmem>>
      %dma_start3A_826 = tpu.memref_squeeze %dma_start3A_825 : memref<1x64xi32, #tpu.memory_space<vmem>> -> memref<64xi32, #tpu.memory_space<vmem>>
      %dma_start3A_827 = arith.constant 0 : i32
      %dma_start3A_828 = arith.constant 0 : i32
      %dma_start3A_829 = tpu.memref_slice %arg16[%dma_start3A_827, %dma_start3A_828] : memref<10240x128xf32, #tpu.memory_space<vmem_shared>> -> memref<10240x128xf32, #tpu.memory_space<vmem_shared>>
      tpu.enqueue_indirect_dma source(%arg31 : memref<64x128xf32, #tpu.memory_space<vmem>>) target(%dma_start3A_829 : memref<10240x128xf32, #tpu.memory_space<vmem_shared>>) offsets(%dma_start3A_826 : memref<64xi32, #tpu.memory_space<vmem>>) semaphore(%arg24 : memref<!tpu.dma_semaphore, #tpu.memory_space<semaphore_mem>>) {add = true}
      %dma_wait3A_830 = arith.constant 0 : i32
      %dma_wait3A_831 = tpu.memref_slice %arg19[%add3A_797, %dma_wait3A_830] : memref<26x64xi32, #tpu.memory_space<vmem>> -> memref<1x64xi32, #tpu.memory_space<vmem>>
      %dma_wait3A_832 = tpu.memref_squeeze %dma_wait3A_831 : memref<1x64xi32, #tpu.memory_space<vmem>> -> memref<64xi32, #tpu.memory_space<vmem>>
      %dma_wait3A_833 = arith.constant 0 : i32
      %dma_wait3A_834 = arith.constant 0 : i32
      %dma_wait3A_835 = tpu.memref_slice %arg9[%dma_wait3A_833, %dma_wait3A_834] : memref<200x128xf32, #tpu.memory_space<hbm>> -> memref<200x128xf32, #tpu.memory_space<hbm>>
      tpu.wait_indirect_dma semaphore(%arg22 : memref<!tpu.dma_semaphore, #tpu.memory_space<semaphore_mem>>) src(%dma_wait3A_835 : memref<200x128xf32, #tpu.memory_space<hbm>>) dst(%arg21 : memref<64x128xf32, #tpu.memory_space<vmem>>)
      %dma_start3A_836 = arith.constant 0 : i32
      %dma_start3A_837 = tpu.memref_slice %arg18[%add3A_797, %dma_start3A_836] : memref<26x64xi32, #tpu.memory_space<vmem>> -> memref<1x64xi32, #tpu.memory_space<vmem>>
      %dma_start3A_838 = tpu.memref_squeeze %dma_start3A_837 : memref<1x64xi32, #tpu.memory_space<vmem>> -> memref<64xi32, #tpu.memory_space<vmem>>
      %dma_start3A_839 = arith.constant 0 : i32
      %dma_start3A_840 = arith.constant 0 : i32
      %dma_start3A_841 = tpu.memref_slice %arg16[%dma_start3A_839, %dma_start3A_840] : memref<10240x128xf32, #tpu.memory_space<vmem_shared>> -> memref<10240x128xf32, #tpu.memory_space<vmem_shared>>
      tpu.enqueue_indirect_dma source(%arg21 : memref<64x128xf32, #tpu.memory_space<vmem>>) target(%dma_start3A_841 : memref<10240x128xf32, #tpu.memory_space<vmem_shared>>) offsets(%dma_start3A_838 : memref<64xi32, #tpu.memory_space<vmem>>) semaphore(%arg23 : memref<!tpu.dma_semaphore, #tpu.memory_space<semaphore_mem>>) {add = true}
      %get3A_842 = arith.index_cast %add3A_797 : i32 to index
      %get3A_843 = arith.constant 0 : index
      %get3A_844 = tpu.vector_load %arg18[%get3A_842, %get3A_843] {strides = array<i32>} : memref<26x64xi32, #tpu.memory_space<vmem>>, vector<16xi32>,
      tpu.vector_store_idx %arg17[%get3A_844], %get3A_169 {add = true} : memref<10240xf32, #tpu.memory_space<vmem>>[vector<16xi32>], vector<16xf32>,
      %get3A_845 = arith.index_cast %add3A_797 : i32 to index
      %get3A_846 = arith.constant 16 : index
      %get3A_847 = tpu.vector_load %arg18[%get3A_845, %get3A_846] {strides = array<i32>} : memref<26x64xi32, #tpu.memory_space<vmem>>, vector<16xi32>,
      tpu.vector_store_idx %arg17[%get3A_847], %get3A_169 {add = true} : memref<10240xf32, #tpu.memory_space<vmem>>[vector<16xi32>], vector<16xf32>,
      %get3A_848 = arith.index_cast %add3A_797 : i32 to index
      %get3A_849 = arith.constant 32 : index
      %get3A_850 = tpu.vector_load %arg18[%get3A_848, %get3A_849] {strides = array<i32>} : memref<26x64xi32, #tpu.memory_space<vmem>>, vector<16xi32>,
      tpu.vector_store_idx %arg17[%get3A_850], %get3A_169 {add = true} : memref<10240xf32, #tpu.memory_space<vmem>>[vector<16xi32>], vector<16xf32>,
      %get3A_851 = arith.index_cast %add3A_797 : i32 to index
      %get3A_852 = arith.constant 48 : index
      %get3A_853 = tpu.vector_load %arg18[%get3A_851, %get3A_852] {strides = array<i32>} : memref<26x64xi32, #tpu.memory_space<vmem>>, vector<16xi32>,
      tpu.vector_store_idx %arg17[%get3A_853], %get3A_169 {add = true} : memref<10240xf32, #tpu.memory_space<vmem>>[vector<16xi32>], vector<16xf32>,
      %dma_wait3A_854 = arith.constant 0 : i32
      %dma_wait3A_855 = tpu.memref_slice %arg18[%add3A_797, %dma_wait3A_854] : memref<26x64xi32, #tpu.memory_space<vmem>> -> memref<1x64xi32, #tpu.memory_space<vmem>>
      %dma_wait3A_856 = tpu.memref_squeeze %dma_wait3A_855 : memref<1x64xi32, #tpu.memory_space<vmem>> -> memref<64xi32, #tpu.memory_space<vmem>>
      %dma_wait3A_857 = arith.constant 0 : i32
      %dma_wait3A_858 = arith.constant 0 : i32
      %dma_wait3A_859 = tpu.memref_slice %arg16[%dma_wait3A_857, %dma_wait3A_858] : memref<10240x128xf32, #tpu.memory_space<vmem_shared>> -> memref<10240x128xf32, #tpu.memory_space<vmem_shared>>
      tpu.wait_indirect_dma semaphore(%arg24 : memref<!tpu.dma_semaphore, #tpu.memory_space<semaphore_mem>>) src(%arg31 : memref<64x128xf32, #tpu.memory_space<vmem>>) dst(%dma_wait3A_859 : memref<10240x128xf32, #tpu.memory_space<vmem_shared>>)
      %dma_start3A_860 = arith.constant 0 : i32
      %dma_start3A_861 = tpu.memref_slice %arg19[%add3A_799, %dma_start3A_860] : memref<26x64xi32, #tpu.memory_space<vmem>> -> memref<1x64xi32, #tpu.memory_space<vmem>>
      %dma_start3A_862 = tpu.memref_squeeze %dma_start3A_861 : memref<1x64xi32, #tpu.memory_space<vmem>> -> memref<64xi32, #tpu.memory_space<vmem>>
      %dma_start3A_863 = arith.constant 0 : i32
      %dma_start3A_864 = arith.constant 0 : i32
      %dma_start3A_865 = tpu.memref_slice %arg9[%dma_start3A_863, %dma_start3A_864] : memref<200x128xf32, #tpu.memory_space<hbm>> -> memref<200x128xf32, #tpu.memory_space<hbm>>
      tpu.enqueue_indirect_dma source(%dma_start3A_865 : memref<200x128xf32, #tpu.memory_space<hbm>>) target(%arg31 : memref<64x128xf32, #tpu.memory_space<vmem>>) offsets(%dma_start3A_862 : memref<64xi32, #tpu.memory_space<vmem>>) semaphore(%arg22 : memref<!tpu.dma_semaphore, #tpu.memory_space<semaphore_mem>>)
      %dma_wait3A_866 = arith.constant 0 : i32
      %dma_wait3A_867 = tpu.memref_slice %arg27[%add3A_799, %dma_wait3A_866] : memref<26x64xi32, #tpu.memory_space<vmem>> -> memref<1x64xi32, #tpu.memory_space<vmem>>
      %dma_wait3A_868 = tpu.memref_squeeze %dma_wait3A_867 : memref<1x64xi32, #tpu.memory_space<vmem>> -> memref<64xi32, #tpu.memory_space<vmem>>
      %dma_wait3A_869 = arith.constant 0 : i32
      %dma_wait3A_870 = arith.constant 0 : i32
      %dma_wait3A_871 = tpu.memref_slice %arg2[%dma_wait3A_869, %dma_wait3A_870] : memref<10000x128xf32, #tpu.memory_space<hbm>> -> memref<10000x128xf32, #tpu.memory_space<hbm>>
      tpu.wait_indirect_dma semaphore(%arg26 : memref<!tpu.dma_semaphore, #tpu.memory_space<semaphore_mem>>) src(%dma_wait3A_871 : memref<10000x128xf32, #tpu.memory_space<hbm>>) dst(%arg32 : memref<64x128xf32, #tpu.memory_space<vmem>>)
      %dma_start3A_872 = arith.constant 0 : i32
      %dma_start3A_873 = tpu.memref_slice %arg18[%add3A_799, %dma_start3A_872] : memref<26x64xi32, #tpu.memory_space<vmem>> -> memref<1x64xi32, #tpu.memory_space<vmem>>
      %dma_start3A_874 = tpu.memref_squeeze %dma_start3A_873 : memref<1x64xi32, #tpu.memory_space<vmem>> -> memref<64xi32, #tpu.memory_space<vmem>>
      %dma_start3A_875 = arith.constant 0 : i32
      %dma_start3A_876 = arith.constant 0 : i32
      %dma_start3A_877 = tpu.memref_slice %arg16[%dma_start3A_875, %dma_start3A_876] : memref<10240x128xf32, #tpu.memory_space<vmem_shared>> -> memref<10240x128xf32, #tpu.memory_space<vmem_shared>>
      tpu.enqueue_indirect_dma source(%arg32 : memref<64x128xf32, #tpu.memory_space<vmem>>) target(%dma_start3A_877 : memref<10240x128xf32, #tpu.memory_space<vmem_shared>>) offsets(%dma_start3A_874 : memref<64xi32, #tpu.memory_space<vmem>>) semaphore(%arg23 : memref<!tpu.dma_semaphore, #tpu.memory_space<semaphore_mem>>) {add = true}
      %dma_wait3A_878 = arith.constant 0 : i32
      %dma_wait3A_879 = tpu.memref_slice %arg19[%add3A_799, %dma_wait3A_878] : memref<26x64xi32, #tpu.memory_space<vmem>> -> memref<1x64xi32, #tpu.memory_space<vmem>>
      %dma_wait3A_880 = tpu.memref_squeeze %dma_wait3A_879 : memref<1x64xi32, #tpu.memory_space<vmem>> -> memref<64xi32, #tpu.memory_space<vmem>>
      %dma_wait3A_881 = arith.constant 0 : i32
      %dma_wait3A_882 = arith.constant 0 : i32
      %dma_wait3A_883 = tpu.memref_slice %arg9[%dma_wait3A_881, %dma_wait3A_882] : memref<200x128xf32, #tpu.memory_space<hbm>> -> memref<200x128xf32, #tpu.memory_space<hbm>>
      tpu.wait_indirect_dma semaphore(%arg22 : memref<!tpu.dma_semaphore, #tpu.memory_space<semaphore_mem>>) src(%dma_wait3A_883 : memref<200x128xf32, #tpu.memory_space<hbm>>) dst(%arg31 : memref<64x128xf32, #tpu.memory_space<vmem>>)
      %dma_start3A_884 = arith.constant 0 : i32
      %dma_start3A_885 = tpu.memref_slice %arg18[%add3A_799, %dma_start3A_884] : memref<26x64xi32, #tpu.memory_space<vmem>> -> memref<1x64xi32, #tpu.memory_space<vmem>>
      %dma_start3A_886 = tpu.memref_squeeze %dma_start3A_885 : memref<1x64xi32, #tpu.memory_space<vmem>> -> memref<64xi32, #tpu.memory_space<vmem>>
      %dma_start3A_887 = arith.constant 0 : i32
      %dma_start3A_888 = arith.constant 0 : i32
      %dma_start3A_889 = tpu.memref_slice %arg16[%dma_start3A_887, %dma_start3A_888] : memref<10240x128xf32, #tpu.memory_space<vmem_shared>> -> memref<10240x128xf32, #tpu.memory_space<vmem_shared>>
      tpu.enqueue_indirect_dma source(%arg31 : memref<64x128xf32, #tpu.memory_space<vmem>>) target(%dma_start3A_889 : memref<10240x128xf32, #tpu.memory_space<vmem_shared>>) offsets(%dma_start3A_886 : memref<64xi32, #tpu.memory_space<vmem>>) semaphore(%arg23 : memref<!tpu.dma_semaphore, #tpu.memory_space<semaphore_mem>>) {add = true}
      %get3A_890 = arith.index_cast %add3A_799 : i32 to index
      %get3A_891 = arith.constant 0 : index
      %get3A_892 = tpu.vector_load %arg18[%get3A_890, %get3A_891] {strides = array<i32>} : memref<26x64xi32, #tpu.memory_space<vmem>>, vector<16xi32>,
      tpu.vector_store_idx %arg17[%get3A_892], %get3A_169 {add = true} : memref<10240xf32, #tpu.memory_space<vmem>>[vector<16xi32>], vector<16xf32>,
      %get3A_893 = arith.index_cast %add3A_799 : i32 to index
      %get3A_894 = arith.constant 16 : index
      %get3A_895 = tpu.vector_load %arg18[%get3A_893, %get3A_894] {strides = array<i32>} : memref<26x64xi32, #tpu.memory_space<vmem>>, vector<16xi32>,
      tpu.vector_store_idx %arg17[%get3A_895], %get3A_169 {add = true} : memref<10240xf32, #tpu.memory_space<vmem>>[vector<16xi32>], vector<16xf32>,
      %get3A_896 = arith.index_cast %add3A_799 : i32 to index
      %get3A_897 = arith.constant 32 : index
      %get3A_898 = tpu.vector_load %arg18[%get3A_896, %get3A_897] {strides = array<i32>} : memref<26x64xi32, #tpu.memory_space<vmem>>, vector<16xi32>,
      tpu.vector_store_idx %arg17[%get3A_898], %get3A_169 {add = true} : memref<10240xf32, #tpu.memory_space<vmem>>[vector<16xi32>], vector<16xf32>,
      %get3A_899 = arith.index_cast %add3A_799 : i32 to index
      %get3A_900 = arith.constant 48 : index
      %get3A_901 = tpu.vector_load %arg18[%get3A_899, %get3A_900] {strides = array<i32>} : memref<26x64xi32, #tpu.memory_space<vmem>>, vector<16xi32>,
      tpu.vector_store_idx %arg17[%get3A_901], %get3A_169 {add = true} : memref<10240xf32, #tpu.memory_space<vmem>>[vector<16xi32>], vector<16xf32>,
      %dma_wait3A_902 = arith.constant 0 : i32
      %dma_wait3A_903 = tpu.memref_slice %arg18[%add3A_797, %dma_wait3A_902] : memref<26x64xi32, #tpu.memory_space<vmem>> -> memref<1x64xi32, #tpu.memory_space<vmem>>
      %dma_wait3A_904 = tpu.memref_squeeze %dma_wait3A_903 : memref<1x64xi32, #tpu.memory_space<vmem>> -> memref<64xi32, #tpu.memory_space<vmem>>
      %dma_wait3A_905 = arith.constant 0 : i32
      %dma_wait3A_906 = arith.constant 0 : i32
      %dma_wait3A_907 = tpu.memref_slice %arg16[%dma_wait3A_905, %dma_wait3A_906] : memref<10240x128xf32, #tpu.memory_space<vmem_shared>> -> memref<10240x128xf32, #tpu.memory_space<vmem_shared>>
      tpu.wait_indirect_dma semaphore(%arg23 : memref<!tpu.dma_semaphore, #tpu.memory_space<semaphore_mem>>) src(%arg21 : memref<64x128xf32, #tpu.memory_space<vmem>>) dst(%dma_wait3A_907 : memref<10240x128xf32, #tpu.memory_space<vmem_shared>>)
      %dma_wait3A_908 = arith.constant 0 : i32
      %dma_wait3A_909 = tpu.memref_slice %arg18[%add3A_799, %dma_wait3A_908] : memref<26x64xi32, #tpu.memory_space<vmem>> -> memref<1x64xi32, #tpu.memory_space<vmem>>
      %dma_wait3A_910 = tpu.memref_squeeze %dma_wait3A_909 : memref<1x64xi32, #tpu.memory_space<vmem>> -> memref<64xi32, #tpu.memory_space<vmem>>
      %dma_wait3A_911 = arith.constant 0 : i32
      %dma_wait3A_912 = arith.constant 0 : i32
      %dma_wait3A_913 = tpu.memref_slice %arg16[%dma_wait3A_911, %dma_wait3A_912] : memref<10240x128xf32, #tpu.memory_space<vmem_shared>> -> memref<10240x128xf32, #tpu.memory_space<vmem_shared>>
      tpu.wait_indirect_dma semaphore(%arg23 : memref<!tpu.dma_semaphore, #tpu.memory_space<semaphore_mem>>) src(%arg32 : memref<64x128xf32, #tpu.memory_space<vmem>>) dst(%dma_wait3A_913 : memref<10240x128xf32, #tpu.memory_space<vmem_shared>>)
      %dma_wait3A_914 = arith.constant 0 : i32
      %dma_wait3A_915 = tpu.memref_slice %arg18[%add3A_799, %dma_wait3A_914] : memref<26x64xi32, #tpu.memory_space<vmem>> -> memref<1x64xi32, #tpu.memory_space<vmem>>
      %dma_wait3A_916 = tpu.memref_squeeze %dma_wait3A_915 : memref<1x64xi32, #tpu.memory_space<vmem>> -> memref<64xi32, #tpu.memory_space<vmem>>
      %dma_wait3A_917 = arith.constant 0 : i32
      %dma_wait3A_918 = arith.constant 0 : i32
      %dma_wait3A_919 = tpu.memref_slice %arg16[%dma_wait3A_917, %dma_wait3A_918] : memref<10240x128xf32, #tpu.memory_space<vmem_shared>> -> memref<10240x128xf32, #tpu.memory_space<vmem_shared>>
      tpu.wait_indirect_dma semaphore(%arg23 : memref<!tpu.dma_semaphore, #tpu.memory_space<semaphore_mem>>) src(%arg31 : memref<64x128xf32, #tpu.memory_space<vmem>>) dst(%dma_wait3A_919 : memref<10240x128xf32, #tpu.memory_space<vmem_shared>>)
    }
    %scan3A_463 = arith.constant 13 : i32
    %dma_start3A_464 = arith.constant 5 : i32
    %dma_start3A_465 = arith.constant 0 : i32
    %dma_start3A_466 = arith.constant 0 : i32
    %dma_start3A_467 = tpu.memref_slice %arg3[%add3A, %dma_start3A_464, %dma_start3A_465, %dma_start3A_466] : memref<32x6x26x64xi32, #tpu.memory_space<hbm>> -> memref<1x1x26x64xi32, #tpu.memory_space<hbm>>
    %dma_start3A_468 = tpu.memref_squeeze %dma_start3A_467 : memref<1x1x26x64xi32, #tpu.memory_space<hbm>> -> memref<26x64xi32, #tpu.memory_space<hbm>>
    %dma_start3A_469 = arith.constant 0 : i32
    %dma_start3A_470 = arith.constant 0 : i32
    %dma_start3A_471 = tpu.memref_slice %arg3[%add3A, %dma_start3A_464, %dma_start3A_469, %dma_start3A_470] : memref<32x6x26x64xi32, #tpu.memory_space<hbm>> -> memref<1x1x26x64xi32, #tpu.memory_space<hbm>>
    %dma_start3A_472 = tpu.memref_squeeze %dma_start3A_471 : memref<1x1x26x64xi32, #tpu.memory_space<hbm>> -> memref<26x64xi32, #tpu.memory_space<hbm>>
    tpu.enqueue_dma source(%dma_start3A_472 : memref<26x64xi32, #tpu.memory_space<hbm>>) target(%arg27 : memref<26x64xi32, #tpu.memory_space<vmem>>) target_semaphore(%arg25 : memref<!tpu.dma_semaphore, #tpu.memory_space<semaphore_mem>>)
    %dma_start3A_473 = arith.constant 5 : i32
    %dma_start3A_474 = arith.constant 0 : i32
    %dma_start3A_475 = arith.constant 0 : i32
    %dma_start3A_476 = tpu.memref_slice %arg4[%add3A, %dma_start3A_473, %dma_start3A_474, %dma_start3A_475] : memref<32x6x26x64xi32, #tpu.memory_space<hbm>> -> memref<1x1x26x64xi32, #tpu.memory_space<hbm>>
    %dma_start3A_477 = tpu.memref_squeeze %dma_start3A_476 : memref<1x1x26x64xi32, #tpu.memory_space<hbm>> -> memref<26x64xi32, #tpu.memory_space<hbm>>
    %dma_start3A_478 = arith.constant 0 : i32
    %dma_start3A_479 = arith.constant 0 : i32
    %dma_start3A_480 = tpu.memref_slice %arg4[%add3A, %dma_start3A_473, %dma_start3A_478, %dma_start3A_479] : memref<32x6x26x64xi32, #tpu.memory_space<hbm>> -> memref<1x1x26x64xi32, #tpu.memory_space<hbm>>
    %dma_start3A_481 = tpu.memref_squeeze %dma_start3A_480 : memref<1x1x26x64xi32, #tpu.memory_space<hbm>> -> memref<26x64xi32, #tpu.memory_space<hbm>>
    tpu.enqueue_dma source(%dma_start3A_481 : memref<26x64xi32, #tpu.memory_space<hbm>>) target(%arg18 : memref<26x64xi32, #tpu.memory_space<vmem>>) target_semaphore(%arg26 : memref<!tpu.dma_semaphore, #tpu.memory_space<semaphore_mem>>)
    %dma_start3A_482 = arith.constant 5 : i32
    %dma_start3A_483 = arith.constant 0 : i32
    %dma_start3A_484 = arith.constant 0 : i32
    %dma_start3A_485 = tpu.memref_slice %arg5[%add3A, %dma_start3A_482, %dma_start3A_483, %dma_start3A_484] : memref<32x6x26x64xi32, #tpu.memory_space<hbm>> -> memref<1x1x26x64xi32, #tpu.memory_space<hbm>>
    %dma_start3A_486 = tpu.memref_squeeze %dma_start3A_485 : memref<1x1x26x64xi32, #tpu.memory_space<hbm>> -> memref<26x64xi32, #tpu.memory_space<hbm>>
    %dma_start3A_487 = arith.constant 0 : i32
    %dma_start3A_488 = arith.constant 0 : i32
    %dma_start3A_489 = tpu.memref_slice %arg5[%add3A, %dma_start3A_482, %dma_start3A_487, %dma_start3A_488] : memref<32x6x26x64xi32, #tpu.memory_space<hbm>> -> memref<1x1x26x64xi32, #tpu.memory_space<hbm>>
    %dma_start3A_490 = tpu.memref_squeeze %dma_start3A_489 : memref<1x1x26x64xi32, #tpu.memory_space<hbm>> -> memref<26x64xi32, #tpu.memory_space<hbm>>
    tpu.enqueue_dma source(%dma_start3A_490 : memref<26x64xi32, #tpu.memory_space<hbm>>) target(%arg19 : memref<26x64xi32, #tpu.memory_space<vmem>>) target_semaphore(%arg22 : memref<!tpu.dma_semaphore, #tpu.memory_space<semaphore_mem>>)
    %dma_wait3A_491 = arith.constant 5 : i32
    %dma_wait3A_492 = arith.constant 0 : i32
    %dma_wait3A_493 = arith.constant 0 : i32
    %dma_wait3A_494 = tpu.memref_slice %arg3[%add3A, %dma_wait3A_491, %dma_wait3A_492, %dma_wait3A_493] : memref<32x6x26x64xi32, #tpu.memory_space<hbm>> -> memref<1x1x26x64xi32, #tpu.memory_space<hbm>>
    %dma_wait3A_495 = tpu.memref_squeeze %dma_wait3A_494 : memref<1x1x26x64xi32, #tpu.memory_space<hbm>> -> memref<26x64xi32, #tpu.memory_space<hbm>>
    %dma_wait3A_496 = arith.constant 0 : i32
    %dma_wait3A_497 = arith.constant 0 : i32
    %dma_wait3A_498 = tpu.memref_slice %arg3[%add3A, %dma_wait3A_491, %dma_wait3A_496, %dma_wait3A_497] : memref<32x6x26x64xi32, #tpu.memory_space<hbm>> -> memref<1x1x26x64xi32, #tpu.memory_space<hbm>>
    %dma_wait3A_499 = tpu.memref_squeeze %dma_wait3A_498 : memref<1x1x26x64xi32, #tpu.memory_space<hbm>> -> memref<26x64xi32, #tpu.memory_space<hbm>>
    tpu.wait_dma2 semaphore(%arg25 : memref<!tpu.dma_semaphore, #tpu.memory_space<semaphore_mem>>) src(%dma_wait3A_499 : memref<26x64xi32, #tpu.memory_space<hbm>>) dst(%arg27 : memref<26x64xi32, #tpu.memory_space<vmem>>)
    %dma_wait3A_500 = arith.constant 5 : i32
    %dma_wait3A_501 = arith.constant 0 : i32
    %dma_wait3A_502 = arith.constant 0 : i32
    %dma_wait3A_503 = tpu.memref_slice %arg4[%add3A, %dma_wait3A_500, %dma_wait3A_501, %dma_wait3A_502] : memref<32x6x26x64xi32, #tpu.memory_space<hbm>> -> memref<1x1x26x64xi32, #tpu.memory_space<hbm>>
    %dma_wait3A_504 = tpu.memref_squeeze %dma_wait3A_503 : memref<1x1x26x64xi32, #tpu.memory_space<hbm>> -> memref<26x64xi32, #tpu.memory_space<hbm>>
    %dma_wait3A_505 = arith.constant 0 : i32
    %dma_wait3A_506 = arith.constant 0 : i32
    %dma_wait3A_507 = tpu.memref_slice %arg4[%add3A, %dma_wait3A_500, %dma_wait3A_505, %dma_wait3A_506] : memref<32x6x26x64xi32, #tpu.memory_space<hbm>> -> memref<1x1x26x64xi32, #tpu.memory_space<hbm>>
    %dma_wait3A_508 = tpu.memref_squeeze %dma_wait3A_507 : memref<1x1x26x64xi32, #tpu.memory_space<hbm>> -> memref<26x64xi32, #tpu.memory_space<hbm>>
    tpu.wait_dma2 semaphore(%arg26 : memref<!tpu.dma_semaphore, #tpu.memory_space<semaphore_mem>>) src(%dma_wait3A_508 : memref<26x64xi32, #tpu.memory_space<hbm>>) dst(%arg18 : memref<26x64xi32, #tpu.memory_space<vmem>>)
    %dma_wait3A_509 = arith.constant 5 : i32
    %dma_wait3A_510 = arith.constant 0 : i32
    %dma_wait3A_511 = arith.constant 0 : i32
    %dma_wait3A_512 = tpu.memref_slice %arg5[%add3A, %dma_wait3A_509, %dma_wait3A_510, %dma_wait3A_511] : memref<32x6x26x64xi32, #tpu.memory_space<hbm>> -> memref<1x1x26x64xi32, #tpu.memory_space<hbm>>
    %dma_wait3A_513 = tpu.memref_squeeze %dma_wait3A_512 : memref<1x1x26x64xi32, #tpu.memory_space<hbm>> -> memref<26x64xi32, #tpu.memory_space<hbm>>
    %dma_wait3A_514 = arith.constant 0 : i32
    %dma_wait3A_515 = arith.constant 0 : i32
    %dma_wait3A_516 = tpu.memref_slice %arg5[%add3A, %dma_wait3A_509, %dma_wait3A_514, %dma_wait3A_515] : memref<32x6x26x64xi32, #tpu.memory_space<hbm>> -> memref<1x1x26x64xi32, #tpu.memory_space<hbm>>
    %dma_wait3A_517 = tpu.memref_squeeze %dma_wait3A_516 : memref<1x1x26x64xi32, #tpu.memory_space<hbm>> -> memref<26x64xi32, #tpu.memory_space<hbm>>
    tpu.wait_dma2 semaphore(%arg22 : memref<!tpu.dma_semaphore, #tpu.memory_space<semaphore_mem>>) src(%dma_wait3A_517 : memref<26x64xi32, #tpu.memory_space<hbm>>) dst(%arg19 : memref<26x64xi32, #tpu.memory_space<vmem>>)
    %scan3A_518 = arith.constant 0 : i32
    %scan3A_519 = arith.constant 13 : i32
    %scan3A_520 = arith.addi %scan3A_518, %scan3A_519 : i32
    %scan3A_521 = arith.constant 1 : i32
    scf.for %scan3A_793 = %scan3A_518 to %scan3A_520 step %scan3A_521  : i32 {
      %mul3A_794 = arith.constant 2 : i32
      %mul3A_795 = arith.muli %scan3A_793, %mul3A_794 : i32
      %add3A_796 = arith.constant 0 : i32
      %add3A_797 = arith.addi %add3A_796, %mul3A_795 : i32
      %add3A_798 = arith.constant 1 : i32
      %add3A_799 = arith.addi %add3A_797, %add3A_798 : i32
      %dma_start3A_800 = arith.constant 0 : i32
      %dma_start3A_801 = tpu.memref_slice %arg27[%add3A_797, %dma_start3A_800] : memref<26x64xi32, #tpu.memory_space<vmem>> -> memref<1x64xi32, #tpu.memory_space<vmem>>
      %dma_start3A_802 = tpu.memref_squeeze %dma_start3A_801 : memref<1x64xi32, #tpu.memory_space<vmem>> -> memref<64xi32, #tpu.memory_space<vmem>>
      %dma_start3A_803 = arith.constant 0 : i32
      %dma_start3A_804 = arith.constant 0 : i32
      %dma_start3A_805 = tpu.memref_slice %arg2[%dma_start3A_803, %dma_start3A_804] : memref<10000x128xf32, #tpu.memory_space<hbm>> -> memref<10000x128xf32, #tpu.memory_space<hbm>>
      tpu.enqueue_indirect_dma source(%dma_start3A_805 : memref<10000x128xf32, #tpu.memory_space<hbm>>) target(%arg31 : memref<64x128xf32, #tpu.memory_space<vmem>>) offsets(%dma_start3A_802 : memref<64xi32, #tpu.memory_space<vmem>>) semaphore(%arg25 : memref<!tpu.dma_semaphore, #tpu.memory_space<semaphore_mem>>)
      %dma_start3A_806 = arith.constant 0 : i32
      %dma_start3A_807 = tpu.memref_slice %arg27[%add3A_799, %dma_start3A_806] : memref<26x64xi32, #tpu.memory_space<vmem>> -> memref<1x64xi32, #tpu.memory_space<vmem>>
      %dma_start3A_808 = tpu.memref_squeeze %dma_start3A_807 : memref<1x64xi32, #tpu.memory_space<vmem>> -> memref<64xi32, #tpu.memory_space<vmem>>
      %dma_start3A_809 = arith.constant 0 : i32
      %dma_start3A_810 = arith.constant 0 : i32
      %dma_start3A_811 = tpu.memref_slice %arg2[%dma_start3A_809, %dma_start3A_810] : memref<10000x128xf32, #tpu.memory_space<hbm>> -> memref<10000x128xf32, #tpu.memory_space<hbm>>
      tpu.enqueue_indirect_dma source(%dma_start3A_811 : memref<10000x128xf32, #tpu.memory_space<hbm>>) target(%arg32 : memref<64x128xf32, #tpu.memory_space<vmem>>) offsets(%dma_start3A_808 : memref<64xi32, #tpu.memory_space<vmem>>) semaphore(%arg26 : memref<!tpu.dma_semaphore, #tpu.memory_space<semaphore_mem>>)
      %dma_start3A_812 = arith.constant 0 : i32
      %dma_start3A_813 = tpu.memref_slice %arg19[%add3A_797, %dma_start3A_812] : memref<26x64xi32, #tpu.memory_space<vmem>> -> memref<1x64xi32, #tpu.memory_space<vmem>>
      %dma_start3A_814 = tpu.memref_squeeze %dma_start3A_813 : memref<1x64xi32, #tpu.memory_space<vmem>> -> memref<64xi32, #tpu.memory_space<vmem>>
      %dma_start3A_815 = arith.constant 0 : i32
      %dma_start3A_816 = arith.constant 0 : i32
      %dma_start3A_817 = tpu.memref_slice %arg9[%dma_start3A_815, %dma_start3A_816] : memref<200x128xf32, #tpu.memory_space<hbm>> -> memref<200x128xf32, #tpu.memory_space<hbm>>
      tpu.enqueue_indirect_dma source(%dma_start3A_817 : memref<200x128xf32, #tpu.memory_space<hbm>>) target(%arg21 : memref<64x128xf32, #tpu.memory_space<vmem>>) offsets(%dma_start3A_814 : memref<64xi32, #tpu.memory_space<vmem>>) semaphore(%arg22 : memref<!tpu.dma_semaphore, #tpu.memory_space<semaphore_mem>>)
      %dma_wait3A_818 = arith.constant 0 : i32
      %dma_wait3A_819 = tpu.memref_slice %arg27[%add3A_797, %dma_wait3A_818] : memref<26x64xi32, #tpu.memory_space<vmem>> -> memref<1x64xi32, #tpu.memory_space<vmem>>
      %dma_wait3A_820 = tpu.memref_squeeze %dma_wait3A_819 : memref<1x64xi32, #tpu.memory_space<vmem>> -> memref<64xi32, #tpu.memory_space<vmem>>
      %dma_wait3A_821 = arith.constant 0 : i32
      %dma_wait3A_822 = arith.constant 0 : i32
      %dma_wait3A_823 = tpu.memref_slice %arg2[%dma_wait3A_821, %dma_wait3A_822] : memref<10000x128xf32, #tpu.memory_space<hbm>> -> memref<10000x128xf32, #tpu.memory_space<hbm>>
      tpu.wait_indirect_dma semaphore(%arg25 : memref<!tpu.dma_semaphore, #tpu.memory_space<semaphore_mem>>) src(%dma_wait3A_823 : memref<10000x128xf32, #tpu.memory_space<hbm>>) dst(%arg31 : memref<64x128xf32, #tpu.memory_space<vmem>>)
      %dma_start3A_824 = arith.constant 0 : i32
      %dma_start3A_825 = tpu.memref_slice %arg18[%add3A_797, %dma_start3A_824] : memref<26x64xi32, #tpu.memory_space<vmem>> -> memref<1x64xi32, #tpu.memory_space<vmem>>
      %dma_start3A_826 = tpu.memref_squeeze %dma_start3A_825 : memref<1x64xi32, #tpu.memory_space<vmem>> -> memref<64xi32, #tpu.memory_space<vmem>>
      %dma_start3A_827 = arith.constant 0 : i32
      %dma_start3A_828 = arith.constant 0 : i32
      %dma_start3A_829 = tpu.memref_slice %arg16[%dma_start3A_827, %dma_start3A_828] : memref<10240x128xf32, #tpu.memory_space<vmem_shared>> -> memref<10240x128xf32, #tpu.memory_space<vmem_shared>>
      tpu.enqueue_indirect_dma source(%arg31 : memref<64x128xf32, #tpu.memory_space<vmem>>) target(%dma_start3A_829 : memref<10240x128xf32, #tpu.memory_space<vmem_shared>>) offsets(%dma_start3A_826 : memref<64xi32, #tpu.memory_space<vmem>>) semaphore(%arg24 : memref<!tpu.dma_semaphore, #tpu.memory_space<semaphore_mem>>) {add = true}
      %dma_wait3A_830 = arith.constant 0 : i32
      %dma_wait3A_831 = tpu.memref_slice %arg19[%add3A_797, %dma_wait3A_830] : memref<26x64xi32, #tpu.memory_space<vmem>> -> memref<1x64xi32, #tpu.memory_space<vmem>>
      %dma_wait3A_832 = tpu.memref_squeeze %dma_wait3A_831 : memref<1x64xi32, #tpu.memory_space<vmem>> -> memref<64xi32, #tpu.memory_space<vmem>>
      %dma_wait3A_833 = arith.constant 0 : i32
      %dma_wait3A_834 = arith.constant 0 : i32
      %dma_wait3A_835 = tpu.memref_slice %arg9[%dma_wait3A_833, %dma_wait3A_834] : memref<200x128xf32, #tpu.memory_space<hbm>> -> memref<200x128xf32, #tpu.memory_space<hbm>>
      tpu.wait_indirect_dma semaphore(%arg22 : memref<!tpu.dma_semaphore, #tpu.memory_space<semaphore_mem>>) src(%dma_wait3A_835 : memref<200x128xf32, #tpu.memory_space<hbm>>) dst(%arg21 : memref<64x128xf32, #tpu.memory_space<vmem>>)
      %dma_start3A_836 = arith.constant 0 : i32
      %dma_start3A_837 = tpu.memref_slice %arg18[%add3A_797, %dma_start3A_836] : memref<26x64xi32, #tpu.memory_space<vmem>> -> memref<1x64xi32, #tpu.memory_space<vmem>>
      %dma_start3A_838 = tpu.memref_squeeze %dma_start3A_837 : memref<1x64xi32, #tpu.memory_space<vmem>> -> memref<64xi32, #tpu.memory_space<vmem>>
      %dma_start3A_839 = arith.constant 0 : i32
      %dma_start3A_840 = arith.constant 0 : i32
      %dma_start3A_841 = tpu.memref_slice %arg16[%dma_start3A_839, %dma_start3A_840] : memref<10240x128xf32, #tpu.memory_space<vmem_shared>> -> memref<10240x128xf32, #tpu.memory_space<vmem_shared>>
      tpu.enqueue_indirect_dma source(%arg21 : memref<64x128xf32, #tpu.memory_space<vmem>>) target(%dma_start3A_841 : memref<10240x128xf32, #tpu.memory_space<vmem_shared>>) offsets(%dma_start3A_838 : memref<64xi32, #tpu.memory_space<vmem>>) semaphore(%arg23 : memref<!tpu.dma_semaphore, #tpu.memory_space<semaphore_mem>>) {add = true}
      %get3A_842 = arith.index_cast %add3A_797 : i32 to index
      %get3A_843 = arith.constant 0 : index
      %get3A_844 = tpu.vector_load %arg18[%get3A_842, %get3A_843] {strides = array<i32>} : memref<26x64xi32, #tpu.memory_space<vmem>>, vector<16xi32>,
      tpu.vector_store_idx %arg17[%get3A_844], %get3A_169 {add = true} : memref<10240xf32, #tpu.memory_space<vmem>>[vector<16xi32>], vector<16xf32>,
      %get3A_845 = arith.index_cast %add3A_797 : i32 to index
      %get3A_846 = arith.constant 16 : index
      %get3A_847 = tpu.vector_load %arg18[%get3A_845, %get3A_846] {strides = array<i32>} : memref<26x64xi32, #tpu.memory_space<vmem>>, vector<16xi32>,
      tpu.vector_store_idx %arg17[%get3A_847], %get3A_169 {add = true} : memref<10240xf32, #tpu.memory_space<vmem>>[vector<16xi32>], vector<16xf32>,
      %get3A_848 = arith.index_cast %add3A_797 : i32 to index
      %get3A_849 = arith.constant 32 : index
      %get3A_850 = tpu.vector_load %arg18[%get3A_848, %get3A_849] {strides = array<i32>} : memref<26x64xi32, #tpu.memory_space<vmem>>, vector<16xi32>,
      tpu.vector_store_idx %arg17[%get3A_850], %get3A_169 {add = true} : memref<10240xf32, #tpu.memory_space<vmem>>[vector<16xi32>], vector<16xf32>,
      %get3A_851 = arith.index_cast %add3A_797 : i32 to index
      %get3A_852 = arith.constant 48 : index
      %get3A_853 = tpu.vector_load %arg18[%get3A_851, %get3A_852] {strides = array<i32>} : memref<26x64xi32, #tpu.memory_space<vmem>>, vector<16xi32>,
      tpu.vector_store_idx %arg17[%get3A_853], %get3A_169 {add = true} : memref<10240xf32, #tpu.memory_space<vmem>>[vector<16xi32>], vector<16xf32>,
      %dma_wait3A_854 = arith.constant 0 : i32
      %dma_wait3A_855 = tpu.memref_slice %arg18[%add3A_797, %dma_wait3A_854] : memref<26x64xi32, #tpu.memory_space<vmem>> -> memref<1x64xi32, #tpu.memory_space<vmem>>
      %dma_wait3A_856 = tpu.memref_squeeze %dma_wait3A_855 : memref<1x64xi32, #tpu.memory_space<vmem>> -> memref<64xi32, #tpu.memory_space<vmem>>
      %dma_wait3A_857 = arith.constant 0 : i32
      %dma_wait3A_858 = arith.constant 0 : i32
      %dma_wait3A_859 = tpu.memref_slice %arg16[%dma_wait3A_857, %dma_wait3A_858] : memref<10240x128xf32, #tpu.memory_space<vmem_shared>> -> memref<10240x128xf32, #tpu.memory_space<vmem_shared>>
      tpu.wait_indirect_dma semaphore(%arg24 : memref<!tpu.dma_semaphore, #tpu.memory_space<semaphore_mem>>) src(%arg31 : memref<64x128xf32, #tpu.memory_space<vmem>>) dst(%dma_wait3A_859 : memref<10240x128xf32, #tpu.memory_space<vmem_shared>>)
      %dma_start3A_860 = arith.constant 0 : i32
      %dma_start3A_861 = tpu.memref_slice %arg19[%add3A_799, %dma_start3A_860] : memref<26x64xi32, #tpu.memory_space<vmem>> -> memref<1x64xi32, #tpu.memory_space<vmem>>
      %dma_start3A_862 = tpu.memref_squeeze %dma_start3A_861 : memref<1x64xi32, #tpu.memory_space<vmem>> -> memref<64xi32, #tpu.memory_space<vmem>>
      %dma_start3A_863 = arith.constant 0 : i32
      %dma_start3A_864 = arith.constant 0 : i32
      %dma_start3A_865 = tpu.memref_slice %arg9[%dma_start3A_863, %dma_start3A_864] : memref<200x128xf32, #tpu.memory_space<hbm>> -> memref<200x128xf32, #tpu.memory_space<hbm>>
      tpu.enqueue_indirect_dma source(%dma_start3A_865 : memref<200x128xf32, #tpu.memory_space<hbm>>) target(%arg31 : memref<64x128xf32, #tpu.memory_space<vmem>>) offsets(%dma_start3A_862 : memref<64xi32, #tpu.memory_space<vmem>>) semaphore(%arg22 : memref<!tpu.dma_semaphore, #tpu.memory_space<semaphore_mem>>)
      %dma_wait3A_866 = arith.constant 0 : i32
      %dma_wait3A_867 = tpu.memref_slice %arg27[%add3A_799, %dma_wait3A_866] : memref<26x64xi32, #tpu.memory_space<vmem>> -> memref<1x64xi32, #tpu.memory_space<vmem>>
      %dma_wait3A_868 = tpu.memref_squeeze %dma_wait3A_867 : memref<1x64xi32, #tpu.memory_space<vmem>> -> memref<64xi32, #tpu.memory_space<vmem>>
      %dma_wait3A_869 = arith.constant 0 : i32
      %dma_wait3A_870 = arith.constant 0 : i32
      %dma_wait3A_871 = tpu.memref_slice %arg2[%dma_wait3A_869, %dma_wait3A_870] : memref<10000x128xf32, #tpu.memory_space<hbm>> -> memref<10000x128xf32, #tpu.memory_space<hbm>>
      tpu.wait_indirect_dma semaphore(%arg26 : memref<!tpu.dma_semaphore, #tpu.memory_space<semaphore_mem>>) src(%dma_wait3A_871 : memref<10000x128xf32, #tpu.memory_space<hbm>>) dst(%arg32 : memref<64x128xf32, #tpu.memory_space<vmem>>)
      %dma_start3A_872 = arith.constant 0 : i32
      %dma_start3A_873 = tpu.memref_slice %arg18[%add3A_799, %dma_start3A_872] : memref<26x64xi32, #tpu.memory_space<vmem>> -> memref<1x64xi32, #tpu.memory_space<vmem>>
      %dma_start3A_874 = tpu.memref_squeeze %dma_start3A_873 : memref<1x64xi32, #tpu.memory_space<vmem>> -> memref<64xi32, #tpu.memory_space<vmem>>
      %dma_start3A_875 = arith.constant 0 : i32
      %dma_start3A_876 = arith.constant 0 : i32
      %dma_start3A_877 = tpu.memref_slice %arg16[%dma_start3A_875, %dma_start3A_876] : memref<10240x128xf32, #tpu.memory_space<vmem_shared>> -> memref<10240x128xf32, #tpu.memory_space<vmem_shared>>
      tpu.enqueue_indirect_dma source(%arg32 : memref<64x128xf32, #tpu.memory_space<vmem>>) target(%dma_start3A_877 : memref<10240x128xf32, #tpu.memory_space<vmem_shared>>) offsets(%dma_start3A_874 : memref<64xi32, #tpu.memory_space<vmem>>) semaphore(%arg23 : memref<!tpu.dma_semaphore, #tpu.memory_space<semaphore_mem>>) {add = true}
      %dma_wait3A_878 = arith.constant 0 : i32
      %dma_wait3A_879 = tpu.memref_slice %arg19[%add3A_799, %dma_wait3A_878] : memref<26x64xi32, #tpu.memory_space<vmem>> -> memref<1x64xi32, #tpu.memory_space<vmem>>
      %dma_wait3A_880 = tpu.memref_squeeze %dma_wait3A_879 : memref<1x64xi32, #tpu.memory_space<vmem>> -> memref<64xi32, #tpu.memory_space<vmem>>
      %dma_wait3A_881 = arith.constant 0 : i32
      %dma_wait3A_882 = arith.constant 0 : i32
      %dma_wait3A_883 = tpu.memref_slice %arg9[%dma_wait3A_881, %dma_wait3A_882] : memref<200x128xf32, #tpu.memory_space<hbm>> -> memref<200x128xf32, #tpu.memory_space<hbm>>
      tpu.wait_indirect_dma semaphore(%arg22 : memref<!tpu.dma_semaphore, #tpu.memory_space<semaphore_mem>>) src(%dma_wait3A_883 : memref<200x128xf32, #tpu.memory_space<hbm>>) dst(%arg31 : memref<64x128xf32, #tpu.memory_space<vmem>>)
      %dma_start3A_884 = arith.constant 0 : i32
      %dma_start3A_885 = tpu.memref_slice %arg18[%add3A_799, %dma_start3A_884] : memref<26x64xi32, #tpu.memory_space<vmem>> -> memref<1x64xi32, #tpu.memory_space<vmem>>
      %dma_start3A_886 = tpu.memref_squeeze %dma_start3A_885 : memref<1x64xi32, #tpu.memory_space<vmem>> -> memref<64xi32, #tpu.memory_space<vmem>>
      %dma_start3A_887 = arith.constant 0 : i32
      %dma_start3A_888 = arith.constant 0 : i32
      %dma_start3A_889 = tpu.memref_slice %arg16[%dma_start3A_887, %dma_start3A_888] : memref<10240x128xf32, #tpu.memory_space<vmem_shared>> -> memref<10240x128xf32, #tpu.memory_space<vmem_shared>>
      tpu.enqueue_indirect_dma source(%arg31 : memref<64x128xf32, #tpu.memory_space<vmem>>) target(%dma_start3A_889 : memref<10240x128xf32, #tpu.memory_space<vmem_shared>>) offsets(%dma_start3A_886 : memref<64xi32, #tpu.memory_space<vmem>>) semaphore(%arg23 : memref<!tpu.dma_semaphore, #tpu.memory_space<semaphore_mem>>) {add = true}
      %get3A_890 = arith.index_cast %add3A_799 : i32 to index
      %get3A_891 = arith.constant 0 : index
      %get3A_892 = tpu.vector_load %arg18[%get3A_890, %get3A_891] {strides = array<i32>} : memref<26x64xi32, #tpu.memory_space<vmem>>, vector<16xi32>,
      tpu.vector_store_idx %arg17[%get3A_892], %get3A_169 {add = true} : memref<10240xf32, #tpu.memory_space<vmem>>[vector<16xi32>], vector<16xf32>,
      %get3A_893 = arith.index_cast %add3A_799 : i32 to index
      %get3A_894 = arith.constant 16 : index
      %get3A_895 = tpu.vector_load %arg18[%get3A_893, %get3A_894] {strides = array<i32>} : memref<26x64xi32, #tpu.memory_space<vmem>>, vector<16xi32>,
      tpu.vector_store_idx %arg17[%get3A_895], %get3A_169 {add = true} : memref<10240xf32, #tpu.memory_space<vmem>>[vector<16xi32>], vector<16xf32>,
      %get3A_896 = arith.index_cast %add3A_799 : i32 to index
      %get3A_897 = arith.constant 32 : index
      %get3A_898 = tpu.vector_load %arg18[%get3A_896, %get3A_897] {strides = array<i32>} : memref<26x64xi32, #tpu.memory_space<vmem>>, vector<16xi32>,
      tpu.vector_store_idx %arg17[%get3A_898], %get3A_169 {add = true} : memref<10240xf32, #tpu.memory_space<vmem>>[vector<16xi32>], vector<16xf32>,
      %get3A_899 = arith.index_cast %add3A_799 : i32 to index
      %get3A_900 = arith.constant 48 : index
      %get3A_901 = tpu.vector_load %arg18[%get3A_899, %get3A_900] {strides = array<i32>} : memref<26x64xi32, #tpu.memory_space<vmem>>, vector<16xi32>,
      tpu.vector_store_idx %arg17[%get3A_901], %get3A_169 {add = true} : memref<10240xf32, #tpu.memory_space<vmem>>[vector<16xi32>], vector<16xf32>,
      %dma_wait3A_902 = arith.constant 0 : i32
      %dma_wait3A_903 = tpu.memref_slice %arg18[%add3A_797, %dma_wait3A_902] : memref<26x64xi32, #tpu.memory_space<vmem>> -> memref<1x64xi32, #tpu.memory_space<vmem>>
      %dma_wait3A_904 = tpu.memref_squeeze %dma_wait3A_903 : memref<1x64xi32, #tpu.memory_space<vmem>> -> memref<64xi32, #tpu.memory_space<vmem>>
      %dma_wait3A_905 = arith.constant 0 : i32
      %dma_wait3A_906 = arith.constant 0 : i32
      %dma_wait3A_907 = tpu.memref_slice %arg16[%dma_wait3A_905, %dma_wait3A_906] : memref<10240x128xf32, #tpu.memory_space<vmem_shared>> -> memref<10240x128xf32, #tpu.memory_space<vmem_shared>>
      tpu.wait_indirect_dma semaphore(%arg23 : memref<!tpu.dma_semaphore, #tpu.memory_space<semaphore_mem>>) src(%arg21 : memref<64x128xf32, #tpu.memory_space<vmem>>) dst(%dma_wait3A_907 : memref<10240x128xf32, #tpu.memory_space<vmem_shared>>)
      %dma_wait3A_908 = arith.constant 0 : i32
      %dma_wait3A_909 = tpu.memref_slice %arg18[%add3A_799, %dma_wait3A_908] : memref<26x64xi32, #tpu.memory_space<vmem>> -> memref<1x64xi32, #tpu.memory_space<vmem>>
      %dma_wait3A_910 = tpu.memref_squeeze %dma_wait3A_909 : memref<1x64xi32, #tpu.memory_space<vmem>> -> memref<64xi32, #tpu.memory_space<vmem>>
      %dma_wait3A_911 = arith.constant 0 : i32
      %dma_wait3A_912 = arith.constant 0 : i32
      %dma_wait3A_913 = tpu.memref_slice %arg16[%dma_wait3A_911, %dma_wait3A_912] : memref<10240x128xf32, #tpu.memory_space<vmem_shared>> -> memref<10240x128xf32, #tpu.memory_space<vmem_shared>>
      tpu.wait_indirect_dma semaphore(%arg23 : memref<!tpu.dma_semaphore, #tpu.memory_space<semaphore_mem>>) src(%arg32 : memref<64x128xf32, #tpu.memory_space<vmem>>) dst(%dma_wait3A_913 : memref<10240x128xf32, #tpu.memory_space<vmem_shared>>)
      %dma_wait3A_914 = arith.constant 0 : i32
      %dma_wait3A_915 = tpu.memref_slice %arg18[%add3A_799, %dma_wait3A_914] : memref<26x64xi32, #tpu.memory_space<vmem>> -> memref<1x64xi32, #tpu.memory_space<vmem>>
      %dma_wait3A_916 = tpu.memref_squeeze %dma_wait3A_915 : memref<1x64xi32, #tpu.memory_space<vmem>> -> memref<64xi32, #tpu.memory_space<vmem>>
      %dma_wait3A_917 = arith.constant 0 : i32
      %dma_wait3A_918 = arith.constant 0 : i32
      %dma_wait3A_919 = tpu.memref_slice %arg16[%dma_wait3A_917, %dma_wait3A_918] : memref<10240x128xf32, #tpu.memory_space<vmem_shared>> -> memref<10240x128xf32, #tpu.memory_space<vmem_shared>>
      tpu.wait_indirect_dma semaphore(%arg23 : memref<!tpu.dma_semaphore, #tpu.memory_space<semaphore_mem>>) src(%arg31 : memref<64x128xf32, #tpu.memory_space<vmem>>) dst(%dma_wait3A_919 : memref<10240x128xf32, #tpu.memory_space<vmem_shared>>)
    }
    %scan3A_522 = arith.constant 13 : i32
    %dma_start3A_523 = arith.constant 0 : i32
    %dma_start3A_524 = arith.constant 0 : i32
    %dma_start3A_525 = tpu.memref_slice %arg31[%dma_start3A_523, %dma_start3A_524] : memref<64x128xf32, #tpu.memory_space<vmem>> -> memref<16x128xf32, #tpu.memory_space<vmem>>
    %dma_start3A_526 = arith.constant 0 : i32
    %dma_start3A_527 = arith.constant 0 : i32
    %dma_start3A_528 = tpu.memref_slice %arg2[%dma_start3A_526, %dma_start3A_527] : memref<10000x128xf32, #tpu.memory_space<hbm>> -> memref<10000x128xf32, #tpu.memory_space<hbm>>
    tpu.enqueue_indirect_dma source(%dma_start3A_528 : memref<10000x128xf32, #tpu.memory_space<hbm>>) target(%dma_start3A_525 : memref<16x128xf32, #tpu.memory_space<vmem>>) offsets(%arg30 : memref<16xi32, #tpu.memory_space<vmem>>) semaphore(%arg25 : memref<!tpu.dma_semaphore, #tpu.memory_space<semaphore_mem>>)
    %dma_wait3A_529 = arith.constant 0 : i32
    %dma_wait3A_530 = arith.constant 0 : i32
    %dma_wait3A_531 = tpu.memref_slice %arg31[%dma_wait3A_529, %dma_wait3A_530] : memref<64x128xf32, #tpu.memory_space<vmem>> -> memref<16x128xf32, #tpu.memory_space<vmem>>
    %dma_wait3A_532 = arith.constant 0 : i32
    %dma_wait3A_533 = arith.constant 0 : i32
    %dma_wait3A_534 = tpu.memref_slice %arg2[%dma_wait3A_532, %dma_wait3A_533] : memref<10000x128xf32, #tpu.memory_space<hbm>> -> memref<10000x128xf32, #tpu.memory_space<hbm>>
    tpu.wait_indirect_dma semaphore(%arg25 : memref<!tpu.dma_semaphore, #tpu.memory_space<semaphore_mem>>) src(%dma_wait3A_534 : memref<10000x128xf32, #tpu.memory_space<hbm>>) dst(%dma_wait3A_531 : memref<16x128xf32, #tpu.memory_space<vmem>>)
    %dma_start3A_535 = arith.constant 0 : i32
    %dma_start3A_536 = arith.constant 0 : i32
    %dma_start3A_537 = tpu.memref_slice %arg21[%dma_start3A_535, %dma_start3A_536] : memref<64x128xf32, #tpu.memory_space<vmem>> -> memref<16x128xf32, #tpu.memory_space<vmem>>
    %dma_start3A_538 = arith.constant 0 : i32
    %dma_start3A_539 = arith.constant 0 : i32
    %dma_start3A_540 = tpu.memref_slice %arg9[%dma_start3A_538, %dma_start3A_539] : memref<200x128xf32, #tpu.memory_space<hbm>> -> memref<200x128xf32, #tpu.memory_space<hbm>>
    tpu.enqueue_indirect_dma source(%dma_start3A_540 : memref<200x128xf32, #tpu.memory_space<hbm>>) target(%dma_start3A_537 : memref<16x128xf32, #tpu.memory_space<vmem>>) offsets(%arg29 : memref<16xi32, #tpu.memory_space<vmem>>) semaphore(%arg22 : memref<!tpu.dma_semaphore, #tpu.memory_space<semaphore_mem>>)
    %dma_wait3A_541 = arith.constant 0 : i32
    %dma_wait3A_542 = arith.constant 0 : i32
    %dma_wait3A_543 = tpu.memref_slice %arg21[%dma_wait3A_541, %dma_wait3A_542] : memref<64x128xf32, #tpu.memory_space<vmem>> -> memref<16x128xf32, #tpu.memory_space<vmem>>
    %dma_wait3A_544 = arith.constant 0 : i32
    %dma_wait3A_545 = arith.constant 0 : i32
    %dma_wait3A_546 = tpu.memref_slice %arg9[%dma_wait3A_544, %dma_wait3A_545] : memref<200x128xf32, #tpu.memory_space<hbm>> -> memref<200x128xf32, #tpu.memory_space<hbm>>
    tpu.wait_indirect_dma semaphore(%arg22 : memref<!tpu.dma_semaphore, #tpu.memory_space<semaphore_mem>>) src(%dma_wait3A_546 : memref<200x128xf32, #tpu.memory_space<hbm>>) dst(%dma_wait3A_543 : memref<16x128xf32, #tpu.memory_space<vmem>>)
    "tpu.region"() ({
      %run_scoped3A = tpu.sem_alloc : memref<!tpu.dma_semaphore, #tpu.memory_space<semaphore_mem>>
      %dma_start3A_793 = arith.constant 0 : i32
      %dma_start3A_794 = arith.constant 0 : i32
      %dma_start3A_795 = tpu.memref_slice %arg31[%dma_start3A_793, %dma_start3A_794] : memref<64x128xf32, #tpu.memory_space<vmem>> -> memref<16x128xf32, #tpu.memory_space<vmem>>
      %dma_start3A_796 = arith.constant 0 : i32
      %dma_start3A_797 = arith.constant 0 : i32
      %dma_start3A_798 = tpu.memref_slice %arg16[%dma_start3A_796, %dma_start3A_797] : memref<10240x128xf32, #tpu.memory_space<vmem_shared>> -> memref<10240x128xf32, #tpu.memory_space<vmem_shared>>
      tpu.enqueue_indirect_dma source(%dma_start3A_795 : memref<16x128xf32, #tpu.memory_space<vmem>>) target(%dma_start3A_798 : memref<10240x128xf32, #tpu.memory_space<vmem_shared>>) offsets(%arg28 : memref<16xi32, #tpu.memory_space<vmem>>) semaphore(%run_scoped3A : memref<!tpu.dma_semaphore, #tpu.memory_space<semaphore_mem>>) {add = true}
      %dma_wait3A_799 = arith.constant 0 : i32
      %dma_wait3A_800 = arith.constant 0 : i32
      %dma_wait3A_801 = tpu.memref_slice %arg31[%dma_wait3A_799, %dma_wait3A_800] : memref<64x128xf32, #tpu.memory_space<vmem>> -> memref<16x128xf32, #tpu.memory_space<vmem>>
      %dma_wait3A_802 = arith.constant 0 : i32
      %dma_wait3A_803 = arith.constant 0 : i32
      %dma_wait3A_804 = tpu.memref_slice %arg16[%dma_wait3A_802, %dma_wait3A_803] : memref<10240x128xf32, #tpu.memory_space<vmem_shared>> -> memref<10240x128xf32, #tpu.memory_space<vmem_shared>>
      tpu.wait_indirect_dma semaphore(%run_scoped3A : memref<!tpu.dma_semaphore, #tpu.memory_space<semaphore_mem>>) src(%dma_wait3A_801 : memref<16x128xf32, #tpu.memory_space<vmem>>) dst(%dma_wait3A_804 : memref<10240x128xf32, #tpu.memory_space<vmem_shared>>)
      tpu.yield
    }) : () -> ()
    "tpu.region"() ({
      %run_scoped3A = tpu.sem_alloc : memref<!tpu.dma_semaphore, #tpu.memory_space<semaphore_mem>>
      %dma_start3A_793 = arith.constant 0 : i32
      %dma_start3A_794 = arith.constant 0 : i32
      %dma_start3A_795 = tpu.memref_slice %arg21[%dma_start3A_793, %dma_start3A_794] : memref<64x128xf32, #tpu.memory_space<vmem>> -> memref<16x128xf32, #tpu.memory_space<vmem>>
      %dma_start3A_796 = arith.constant 0 : i32
      %dma_start3A_797 = arith.constant 0 : i32
      %dma_start3A_798 = tpu.memref_slice %arg16[%dma_start3A_796, %dma_start3A_797] : memref<10240x128xf32, #tpu.memory_space<vmem_shared>> -> memref<10240x128xf32, #tpu.memory_space<vmem_shared>>
      tpu.enqueue_indirect_dma source(%dma_start3A_795 : memref<16x128xf32, #tpu.memory_space<vmem>>) target(%dma_start3A_798 : memref<10240x128xf32, #tpu.memory_space<vmem_shared>>) offsets(%arg28 : memref<16xi32, #tpu.memory_space<vmem>>) semaphore(%run_scoped3A : memref<!tpu.dma_semaphore, #tpu.memory_space<semaphore_mem>>) {add = true}
      %dma_wait3A_799 = arith.constant 0 : i32
      %dma_wait3A_800 = arith.constant 0 : i32
      %dma_wait3A_801 = tpu.memref_slice %arg21[%dma_wait3A_799, %dma_wait3A_800] : memref<64x128xf32, #tpu.memory_space<vmem>> -> memref<16x128xf32, #tpu.memory_space<vmem>>
      %dma_wait3A_802 = arith.constant 0 : i32
      %dma_wait3A_803 = arith.constant 0 : i32
      %dma_wait3A_804 = tpu.memref_slice %arg16[%dma_wait3A_802, %dma_wait3A_803] : memref<10240x128xf32, #tpu.memory_space<vmem_shared>> -> memref<10240x128xf32, #tpu.memory_space<vmem_shared>>
      tpu.wait_indirect_dma semaphore(%run_scoped3A : memref<!tpu.dma_semaphore, #tpu.memory_space<semaphore_mem>>) src(%dma_wait3A_801 : memref<16x128xf32, #tpu.memory_space<vmem>>) dst(%dma_wait3A_804 : memref<10240x128xf32, #tpu.memory_space<vmem_shared>>)
      tpu.yield
    }) : () -> ()
    %get3A_547 = arith.constant 0 : index
    %get3A_548 = tpu.vector_load %arg28[%get3A_547] {strides = array<i32>} : memref<16xi32, #tpu.memory_space<vmem>>, vector<16xi32>,
    tpu.vector_store_idx %arg17[%get3A_548], %get3A_169 {add = true} : memref<10240xf32, #tpu.memory_space<vmem>>[vector<16xi32>], vector<16xf32>,
    %barrier3A_549 = arith.constant 0 : index
    tpu.barrier barrier_id(%barrier3A_549)
    %mul3A_550 = arith.constant 10240 : i32
    %mul3A_551 = arith.muli %arg0, %mul3A_550 : i32
    %add3A_552 = arith.addi %mul3A_551, %mul3A_2 : i32
    "tpu.region"() ({
      %run_scoped3A = tpu.sem_alloc : memref<!tpu.dma_semaphore, #tpu.memory_space<semaphore_mem>>
      %dma_start3A_793 = arith.constant 0 : i32
      %dma_start3A_794 = arith.constant 0 : i32
      %dma_start3A_795 = tpu.memref_slice %arg27[%dma_start3A_793, %dma_start3A_794] : memref<26x64xi32, #tpu.memory_space<vmem>> -> memref<10x64xi32, #tpu.memory_space<vmem>>
      %dma_start3A_796 = arith.constant 0 : i32
      %dma_start3A_797 = arith.constant 0 : i32
      %dma_start3A_798 = tpu.memref_slice %arg13[%arg1, %dma_start3A_796, %dma_start3A_797] : memref<16x10x64xi32, #tpu.memory_space<hbm>> -> memref<1x10x64xi32, #tpu.memory_space<hbm>>
      %dma_start3A_799 = tpu.memref_squeeze %dma_start3A_798 : memref<1x10x64xi32, #tpu.memory_space<hbm>> -> memref<10x64xi32, #tpu.memory_space<hbm>>
      %dma_start3A_800 = arith.constant 0 : i32
      %dma_start3A_801 = arith.constant 0 : i32
      %dma_start3A_802 = tpu.memref_slice %arg27[%dma_start3A_800, %dma_start3A_801] : memref<26x64xi32, #tpu.memory_space<vmem>> -> memref<10x64xi32, #tpu.memory_space<vmem>>
      %dma_start3A_803 = arith.constant 0 : i32
      %dma_start3A_804 = arith.constant 0 : i32
      %dma_start3A_805 = tpu.memref_slice %arg13[%arg1, %dma_start3A_803, %dma_start3A_804] : memref<16x10x64xi32, #tpu.memory_space<hbm>> -> memref<1x10x64xi32, #tpu.memory_space<hbm>>
      %dma_start3A_806 = tpu.memref_squeeze %dma_start3A_805 : memref<1x10x64xi32, #tpu.memory_space<hbm>> -> memref<10x64xi32, #tpu.memory_space<hbm>>
      tpu.enqueue_dma source(%dma_start3A_806 : memref<10x64xi32, #tpu.memory_space<hbm>>) target(%dma_start3A_802 : memref<10x64xi32, #tpu.memory_space<vmem>>) target_semaphore(%run_scoped3A : memref<!tpu.dma_semaphore, #tpu.memory_space<semaphore_mem>>)
      %dma_wait3A_807 = arith.constant 0 : i32
      %dma_wait3A_808 = arith.constant 0 : i32
      %dma_wait3A_809 = tpu.memref_slice %arg27[%dma_wait3A_807, %dma_wait3A_808] : memref<26x64xi32, #tpu.memory_space<vmem>> -> memref<10x64xi32, #tpu.memory_space<vmem>>
      %dma_wait3A_810 = arith.constant 0 : i32
      %dma_wait3A_811 = arith.constant 0 : i32
      %dma_wait3A_812 = tpu.memref_slice %arg13[%arg1, %dma_wait3A_810, %dma_wait3A_811] : memref<16x10x64xi32, #tpu.memory_space<hbm>> -> memref<1x10x64xi32, #tpu.memory_space<hbm>>
      %dma_wait3A_813 = tpu.memref_squeeze %dma_wait3A_812 : memref<1x10x64xi32, #tpu.memory_space<hbm>> -> memref<10x64xi32, #tpu.memory_space<hbm>>
      %dma_wait3A_814 = arith.constant 0 : i32
      %dma_wait3A_815 = arith.constant 0 : i32
      %dma_wait3A_816 = tpu.memref_slice %arg27[%dma_wait3A_814, %dma_wait3A_815] : memref<26x64xi32, #tpu.memory_space<vmem>> -> memref<10x64xi32, #tpu.memory_space<vmem>>
      %dma_wait3A_817 = arith.constant 0 : i32
      %dma_wait3A_818 = arith.constant 0 : i32
      %dma_wait3A_819 = tpu.memref_slice %arg13[%arg1, %dma_wait3A_817, %dma_wait3A_818] : memref<16x10x64xi32, #tpu.memory_space<hbm>> -> memref<1x10x64xi32, #tpu.memory_space<hbm>>
      %dma_wait3A_820 = tpu.memref_squeeze %dma_wait3A_819 : memref<1x10x64xi32, #tpu.memory_space<hbm>> -> memref<10x64xi32, #tpu.memory_space<hbm>>
      tpu.wait_dma2 semaphore(%run_scoped3A : memref<!tpu.dma_semaphore, #tpu.memory_space<semaphore_mem>>) src(%dma_wait3A_820 : memref<10x64xi32, #tpu.memory_space<hbm>>) dst(%dma_wait3A_816 : memref<10x64xi32, #tpu.memory_space<vmem>>)
      tpu.yield
    }) : () -> ()
    %dma_start3A_553 = arith.constant 0 : i32
    %dma_start3A_554 = arith.constant 0 : i32
    %dma_start3A_555 = tpu.memref_slice %arg27[%dma_start3A_553, %dma_start3A_554] : memref<26x64xi32, #tpu.memory_space<vmem>> -> memref<1x64xi32, #tpu.memory_space<vmem>>
    %dma_start3A_556 = tpu.memref_squeeze %dma_start3A_555 : memref<1x64xi32, #tpu.memory_space<vmem>> -> memref<64xi32, #tpu.memory_space<vmem>>
    %dma_start3A_557 = arith.constant 0 : i32
    %dma_start3A_558 = arith.constant 0 : i32
    %dma_start3A_559 = tpu.memref_slice %arg16[%dma_start3A_557, %dma_start3A_558] : memref<10240x128xf32, #tpu.memory_space<vmem_shared>> -> memref<10240x128xf32, #tpu.memory_space<vmem_shared>>
    tpu.enqueue_indirect_dma source(%dma_start3A_559 : memref<10240x128xf32, #tpu.memory_space<vmem_shared>>) target(%arg31 : memref<64x128xf32, #tpu.memory_space<vmem>>) offsets(%dma_start3A_556 : memref<64xi32, #tpu.memory_space<vmem>>) semaphore(%arg25 : memref<!tpu.dma_semaphore, #tpu.memory_space<semaphore_mem>>)
    %dma_wait3A_560 = arith.constant 0 : i32
    %dma_wait3A_561 = arith.constant 0 : i32
    %dma_wait3A_562 = tpu.memref_slice %arg27[%dma_wait3A_560, %dma_wait3A_561] : memref<26x64xi32, #tpu.memory_space<vmem>> -> memref<1x64xi32, #tpu.memory_space<vmem>>
    %dma_wait3A_563 = tpu.memref_squeeze %dma_wait3A_562 : memref<1x64xi32, #tpu.memory_space<vmem>> -> memref<64xi32, #tpu.memory_space<vmem>>
    %dma_wait3A_564 = arith.constant 0 : i32
    %dma_wait3A_565 = arith.constant 0 : i32
    %dma_wait3A_566 = tpu.memref_slice %arg16[%dma_wait3A_564, %dma_wait3A_565] : memref<10240x128xf32, #tpu.memory_space<vmem_shared>> -> memref<10240x128xf32, #tpu.memory_space<vmem_shared>>
    tpu.wait_indirect_dma semaphore(%arg25 : memref<!tpu.dma_semaphore, #tpu.memory_space<semaphore_mem>>) src(%dma_wait3A_566 : memref<10240x128xf32, #tpu.memory_space<vmem_shared>>) dst(%arg31 : memref<64x128xf32, #tpu.memory_space<vmem>>)
    %add3A_567 = arith.constant 0 : i32
    %add3A_568 = arith.addi %add3A_552, %add3A_567 : i32
    %dma_start3A_569 = arith.constant 0 : i32
    %dma_start3A_570 = tpu.memref_slice %arg14[%add3A_568, %dma_start3A_569] : memref<20480x128xf32, #tpu.memory_space<hbm>> -> memref<64x128xf32, #tpu.memory_space<hbm>>
    %dma_start3A_571 = arith.constant 0 : i32
    %dma_start3A_572 = tpu.memref_slice %arg14[%add3A_568, %dma_start3A_571] : memref<20480x128xf32, #tpu.memory_space<hbm>> -> memref<64x128xf32, #tpu.memory_space<hbm>>
    tpu.enqueue_dma source(%arg31 : memref<64x128xf32, #tpu.memory_space<vmem>>) target(%dma_start3A_572 : memref<64x128xf32, #tpu.memory_space<hbm>>) target_semaphore(%arg23 : memref<!tpu.dma_semaphore, #tpu.memory_space<semaphore_mem>>)
    %dma_start3A_573 = arith.constant 1 : i32
    %dma_start3A_574 = arith.constant 0 : i32
    %dma_start3A_575 = tpu.memref_slice %arg27[%dma_start3A_573, %dma_start3A_574] : memref<26x64xi32, #tpu.memory_space<vmem>> -> memref<1x64xi32, #tpu.memory_space<vmem>>
    %dma_start3A_576 = tpu.memref_squeeze %dma_start3A_575 : memref<1x64xi32, #tpu.memory_space<vmem>> -> memref<64xi32, #tpu.memory_space<vmem>>
    %dma_start3A_577 = arith.constant 0 : i32
    %dma_start3A_578 = arith.constant 0 : i32
    %dma_start3A_579 = tpu.memref_slice %arg16[%dma_start3A_577, %dma_start3A_578] : memref<10240x128xf32, #tpu.memory_space<vmem_shared>> -> memref<10240x128xf32, #tpu.memory_space<vmem_shared>>
    tpu.enqueue_indirect_dma source(%dma_start3A_579 : memref<10240x128xf32, #tpu.memory_space<vmem_shared>>) target(%arg32 : memref<64x128xf32, #tpu.memory_space<vmem>>) offsets(%dma_start3A_576 : memref<64xi32, #tpu.memory_space<vmem>>) semaphore(%arg26 : memref<!tpu.dma_semaphore, #tpu.memory_space<semaphore_mem>>)
    %dma_wait3A_580 = arith.constant 1 : i32
    %dma_wait3A_581 = arith.constant 0 : i32
    %dma_wait3A_582 = tpu.memref_slice %arg27[%dma_wait3A_580, %dma_wait3A_581] : memref<26x64xi32, #tpu.memory_space<vmem>> -> memref<1x64xi32, #tpu.memory_space<vmem>>
    %dma_wait3A_583 = tpu.memref_squeeze %dma_wait3A_582 : memref<1x64xi32, #tpu.memory_space<vmem>> -> memref<64xi32, #tpu.memory_space<vmem>>
    %dma_wait3A_584 = arith.constant 0 : i32
    %dma_wait3A_585 = arith.constant 0 : i32
    %dma_wait3A_586 = tpu.memref_slice %arg16[%dma_wait3A_584, %dma_wait3A_585] : memref<10240x128xf32, #tpu.memory_space<vmem_shared>> -> memref<10240x128xf32, #tpu.memory_space<vmem_shared>>
    tpu.wait_indirect_dma semaphore(%arg26 : memref<!tpu.dma_semaphore, #tpu.memory_space<semaphore_mem>>) src(%dma_wait3A_586 : memref<10240x128xf32, #tpu.memory_space<vmem_shared>>) dst(%arg32 : memref<64x128xf32, #tpu.memory_space<vmem>>)
    %add3A_587 = arith.constant 64 : i32
    %add3A_588 = arith.addi %add3A_552, %add3A_587 : i32
    %dma_start3A_589 = arith.constant 0 : i32
    %dma_start3A_590 = tpu.memref_slice %arg14[%add3A_588, %dma_start3A_589] : memref<20480x128xf32, #tpu.memory_space<hbm>> -> memref<64x128xf32, #tpu.memory_space<hbm>>
    %dma_start3A_591 = arith.constant 0 : i32
    %dma_start3A_592 = tpu.memref_slice %arg14[%add3A_588, %dma_start3A_591] : memref<20480x128xf32, #tpu.memory_space<hbm>> -> memref<64x128xf32, #tpu.memory_space<hbm>>
    tpu.enqueue_dma source(%arg32 : memref<64x128xf32, #tpu.memory_space<vmem>>) target(%dma_start3A_592 : memref<64x128xf32, #tpu.memory_space<hbm>>) target_semaphore(%arg24 : memref<!tpu.dma_semaphore, #tpu.memory_space<semaphore_mem>>)
    %dma_wait3A_593 = arith.constant 0 : i32
    %dma_wait3A_594 = tpu.memref_slice %arg14[%add3A_568, %dma_wait3A_593] : memref<20480x128xf32, #tpu.memory_space<hbm>> -> memref<64x128xf32, #tpu.memory_space<hbm>>
    %dma_wait3A_595 = arith.constant 0 : i32
    %dma_wait3A_596 = tpu.memref_slice %arg14[%add3A_568, %dma_wait3A_595] : memref<20480x128xf32, #tpu.memory_space<hbm>> -> memref<64x128xf32, #tpu.memory_space<hbm>>
    tpu.wait_dma2 semaphore(%arg23 : memref<!tpu.dma_semaphore, #tpu.memory_space<semaphore_mem>>) src(%arg31 : memref<64x128xf32, #tpu.memory_space<vmem>>) dst(%dma_wait3A_596 : memref<64x128xf32, #tpu.memory_space<hbm>>)
    %dma_start3A_597 = arith.constant 2 : i32
    %dma_start3A_598 = arith.constant 0 : i32
    %dma_start3A_599 = tpu.memref_slice %arg27[%dma_start3A_597, %dma_start3A_598] : memref<26x64xi32, #tpu.memory_space<vmem>> -> memref<1x64xi32, #tpu.memory_space<vmem>>
    %dma_start3A_600 = tpu.memref_squeeze %dma_start3A_599 : memref<1x64xi32, #tpu.memory_space<vmem>> -> memref<64xi32, #tpu.memory_space<vmem>>
    %dma_start3A_601 = arith.constant 0 : i32
    %dma_start3A_602 = arith.constant 0 : i32
    %dma_start3A_603 = tpu.memref_slice %arg16[%dma_start3A_601, %dma_start3A_602] : memref<10240x128xf32, #tpu.memory_space<vmem_shared>> -> memref<10240x128xf32, #tpu.memory_space<vmem_shared>>
    tpu.enqueue_indirect_dma source(%dma_start3A_603 : memref<10240x128xf32, #tpu.memory_space<vmem_shared>>) target(%arg31 : memref<64x128xf32, #tpu.memory_space<vmem>>) offsets(%dma_start3A_600 : memref<64xi32, #tpu.memory_space<vmem>>) semaphore(%arg25 : memref<!tpu.dma_semaphore, #tpu.memory_space<semaphore_mem>>)
    %dma_wait3A_604 = arith.constant 2 : i32
    %dma_wait3A_605 = arith.constant 0 : i32
    %dma_wait3A_606 = tpu.memref_slice %arg27[%dma_wait3A_604, %dma_wait3A_605] : memref<26x64xi32, #tpu.memory_space<vmem>> -> memref<1x64xi32, #tpu.memory_space<vmem>>
    %dma_wait3A_607 = tpu.memref_squeeze %dma_wait3A_606 : memref<1x64xi32, #tpu.memory_space<vmem>> -> memref<64xi32, #tpu.memory_space<vmem>>
    %dma_wait3A_608 = arith.constant 0 : i32
    %dma_wait3A_609 = arith.constant 0 : i32
    %dma_wait3A_610 = tpu.memref_slice %arg16[%dma_wait3A_608, %dma_wait3A_609] : memref<10240x128xf32, #tpu.memory_space<vmem_shared>> -> memref<10240x128xf32, #tpu.memory_space<vmem_shared>>
    tpu.wait_indirect_dma semaphore(%arg25 : memref<!tpu.dma_semaphore, #tpu.memory_space<semaphore_mem>>) src(%dma_wait3A_610 : memref<10240x128xf32, #tpu.memory_space<vmem_shared>>) dst(%arg31 : memref<64x128xf32, #tpu.memory_space<vmem>>)
    %add3A_611 = arith.constant 128 : i32
    %add3A_612 = arith.addi %add3A_552, %add3A_611 : i32
    %dma_start3A_613 = arith.constant 0 : i32
    %dma_start3A_614 = tpu.memref_slice %arg14[%add3A_612, %dma_start3A_613] : memref<20480x128xf32, #tpu.memory_space<hbm>> -> memref<64x128xf32, #tpu.memory_space<hbm>>
    %dma_start3A_615 = arith.constant 0 : i32
    %dma_start3A_616 = tpu.memref_slice %arg14[%add3A_612, %dma_start3A_615] : memref<20480x128xf32, #tpu.memory_space<hbm>> -> memref<64x128xf32, #tpu.memory_space<hbm>>
    tpu.enqueue_dma source(%arg31 : memref<64x128xf32, #tpu.memory_space<vmem>>) target(%dma_start3A_616 : memref<64x128xf32, #tpu.memory_space<hbm>>) target_semaphore(%arg23 : memref<!tpu.dma_semaphore, #tpu.memory_space<semaphore_mem>>)
    %dma_wait3A_617 = arith.constant 0 : i32
    %dma_wait3A_618 = tpu.memref_slice %arg14[%add3A_588, %dma_wait3A_617] : memref<20480x128xf32, #tpu.memory_space<hbm>> -> memref<64x128xf32, #tpu.memory_space<hbm>>
    %dma_wait3A_619 = arith.constant 0 : i32
    %dma_wait3A_620 = tpu.memref_slice %arg14[%add3A_588, %dma_wait3A_619] : memref<20480x128xf32, #tpu.memory_space<hbm>> -> memref<64x128xf32, #tpu.memory_space<hbm>>
    tpu.wait_dma2 semaphore(%arg24 : memref<!tpu.dma_semaphore, #tpu.memory_space<semaphore_mem>>) src(%arg32 : memref<64x128xf32, #tpu.memory_space<vmem>>) dst(%dma_wait3A_620 : memref<64x128xf32, #tpu.memory_space<hbm>>)
    %dma_start3A_621 = arith.constant 3 : i32
    %dma_start3A_622 = arith.constant 0 : i32
    %dma_start3A_623 = tpu.memref_slice %arg27[%dma_start3A_621, %dma_start3A_622] : memref<26x64xi32, #tpu.memory_space<vmem>> -> memref<1x64xi32, #tpu.memory_space<vmem>>
    %dma_start3A_624 = tpu.memref_squeeze %dma_start3A_623 : memref<1x64xi32, #tpu.memory_space<vmem>> -> memref<64xi32, #tpu.memory_space<vmem>>
    %dma_start3A_625 = arith.constant 0 : i32
    %dma_start3A_626 = arith.constant 0 : i32
    %dma_start3A_627 = tpu.memref_slice %arg16[%dma_start3A_625, %dma_start3A_626] : memref<10240x128xf32, #tpu.memory_space<vmem_shared>> -> memref<10240x128xf32, #tpu.memory_space<vmem_shared>>
    tpu.enqueue_indirect_dma source(%dma_start3A_627 : memref<10240x128xf32, #tpu.memory_space<vmem_shared>>) target(%arg32 : memref<64x128xf32, #tpu.memory_space<vmem>>) offsets(%dma_start3A_624 : memref<64xi32, #tpu.memory_space<vmem>>) semaphore(%arg26 : memref<!tpu.dma_semaphore, #tpu.memory_space<semaphore_mem>>)
    %dma_wait3A_628 = arith.constant 3 : i32
    %dma_wait3A_629 = arith.constant 0 : i32
    %dma_wait3A_630 = tpu.memref_slice %arg27[%dma_wait3A_628, %dma_wait3A_629] : memref<26x64xi32, #tpu.memory_space<vmem>> -> memref<1x64xi32, #tpu.memory_space<vmem>>
    %dma_wait3A_631 = tpu.memref_squeeze %dma_wait3A_630 : memref<1x64xi32, #tpu.memory_space<vmem>> -> memref<64xi32, #tpu.memory_space<vmem>>
    %dma_wait3A_632 = arith.constant 0 : i32
    %dma_wait3A_633 = arith.constant 0 : i32
    %dma_wait3A_634 = tpu.memref_slice %arg16[%dma_wait3A_632, %dma_wait3A_633] : memref<10240x128xf32, #tpu.memory_space<vmem_shared>> -> memref<10240x128xf32, #tpu.memory_space<vmem_shared>>
    tpu.wait_indirect_dma semaphore(%arg26 : memref<!tpu.dma_semaphore, #tpu.memory_space<semaphore_mem>>) src(%dma_wait3A_634 : memref<10240x128xf32, #tpu.memory_space<vmem_shared>>) dst(%arg32 : memref<64x128xf32, #tpu.memory_space<vmem>>)
    %add3A_635 = arith.constant 192 : i32
    %add3A_636 = arith.addi %add3A_552, %add3A_635 : i32
    %dma_start3A_637 = arith.constant 0 : i32
    %dma_start3A_638 = tpu.memref_slice %arg14[%add3A_636, %dma_start3A_637] : memref<20480x128xf32, #tpu.memory_space<hbm>> -> memref<64x128xf32, #tpu.memory_space<hbm>>
    %dma_start3A_639 = arith.constant 0 : i32
    %dma_start3A_640 = tpu.memref_slice %arg14[%add3A_636, %dma_start3A_639] : memref<20480x128xf32, #tpu.memory_space<hbm>> -> memref<64x128xf32, #tpu.memory_space<hbm>>
    tpu.enqueue_dma source(%arg32 : memref<64x128xf32, #tpu.memory_space<vmem>>) target(%dma_start3A_640 : memref<64x128xf32, #tpu.memory_space<hbm>>) target_semaphore(%arg24 : memref<!tpu.dma_semaphore, #tpu.memory_space<semaphore_mem>>)
    %dma_wait3A_641 = arith.constant 0 : i32
    %dma_wait3A_642 = tpu.memref_slice %arg14[%add3A_612, %dma_wait3A_641] : memref<20480x128xf32, #tpu.memory_space<hbm>> -> memref<64x128xf32, #tpu.memory_space<hbm>>
    %dma_wait3A_643 = arith.constant 0 : i32
    %dma_wait3A_644 = tpu.memref_slice %arg14[%add3A_612, %dma_wait3A_643] : memref<20480x128xf32, #tpu.memory_space<hbm>> -> memref<64x128xf32, #tpu.memory_space<hbm>>
    tpu.wait_dma2 semaphore(%arg23 : memref<!tpu.dma_semaphore, #tpu.memory_space<semaphore_mem>>) src(%arg31 : memref<64x128xf32, #tpu.memory_space<vmem>>) dst(%dma_wait3A_644 : memref<64x128xf32, #tpu.memory_space<hbm>>)
    %dma_start3A_645 = arith.constant 4 : i32
    %dma_start3A_646 = arith.constant 0 : i32
    %dma_start3A_647 = tpu.memref_slice %arg27[%dma_start3A_645, %dma_start3A_646] : memref<26x64xi32, #tpu.memory_space<vmem>> -> memref<1x64xi32, #tpu.memory_space<vmem>>
    %dma_start3A_648 = tpu.memref_squeeze %dma_start3A_647 : memref<1x64xi32, #tpu.memory_space<vmem>> -> memref<64xi32, #tpu.memory_space<vmem>>
    %dma_start3A_649 = arith.constant 0 : i32
    %dma_start3A_650 = arith.constant 0 : i32
    %dma_start3A_651 = tpu.memref_slice %arg16[%dma_start3A_649, %dma_start3A_650] : memref<10240x128xf32, #tpu.memory_space<vmem_shared>> -> memref<10240x128xf32, #tpu.memory_space<vmem_shared>>
    tpu.enqueue_indirect_dma source(%dma_start3A_651 : memref<10240x128xf32, #tpu.memory_space<vmem_shared>>) target(%arg31 : memref<64x128xf32, #tpu.memory_space<vmem>>) offsets(%dma_start3A_648 : memref<64xi32, #tpu.memory_space<vmem>>) semaphore(%arg25 : memref<!tpu.dma_semaphore, #tpu.memory_space<semaphore_mem>>)
    %dma_wait3A_652 = arith.constant 4 : i32
    %dma_wait3A_653 = arith.constant 0 : i32
    %dma_wait3A_654 = tpu.memref_slice %arg27[%dma_wait3A_652, %dma_wait3A_653] : memref<26x64xi32, #tpu.memory_space<vmem>> -> memref<1x64xi32, #tpu.memory_space<vmem>>
    %dma_wait3A_655 = tpu.memref_squeeze %dma_wait3A_654 : memref<1x64xi32, #tpu.memory_space<vmem>> -> memref<64xi32, #tpu.memory_space<vmem>>
    %dma_wait3A_656 = arith.constant 0 : i32
    %dma_wait3A_657 = arith.constant 0 : i32
    %dma_wait3A_658 = tpu.memref_slice %arg16[%dma_wait3A_656, %dma_wait3A_657] : memref<10240x128xf32, #tpu.memory_space<vmem_shared>> -> memref<10240x128xf32, #tpu.memory_space<vmem_shared>>
    tpu.wait_indirect_dma semaphore(%arg25 : memref<!tpu.dma_semaphore, #tpu.memory_space<semaphore_mem>>) src(%dma_wait3A_658 : memref<10240x128xf32, #tpu.memory_space<vmem_shared>>) dst(%arg31 : memref<64x128xf32, #tpu.memory_space<vmem>>)
    %add3A_659 = arith.constant 256 : i32
    %add3A_660 = arith.addi %add3A_552, %add3A_659 : i32
    %dma_start3A_661 = arith.constant 0 : i32
    %dma_start3A_662 = tpu.memref_slice %arg14[%add3A_660, %dma_start3A_661] : memref<20480x128xf32, #tpu.memory_space<hbm>> -> memref<64x128xf32, #tpu.memory_space<hbm>>
    %dma_start3A_663 = arith.constant 0 : i32
    %dma_start3A_664 = tpu.memref_slice %arg14[%add3A_660, %dma_start3A_663] : memref<20480x128xf32, #tpu.memory_space<hbm>> -> memref<64x128xf32, #tpu.memory_space<hbm>>
    tpu.enqueue_dma source(%arg31 : memref<64x128xf32, #tpu.memory_space<vmem>>) target(%dma_start3A_664 : memref<64x128xf32, #tpu.memory_space<hbm>>) target_semaphore(%arg23 : memref<!tpu.dma_semaphore, #tpu.memory_space<semaphore_mem>>)
    %dma_wait3A_665 = arith.constant 0 : i32
    %dma_wait3A_666 = tpu.memref_slice %arg14[%add3A_636, %dma_wait3A_665] : memref<20480x128xf32, #tpu.memory_space<hbm>> -> memref<64x128xf32, #tpu.memory_space<hbm>>
    %dma_wait3A_667 = arith.constant 0 : i32
    %dma_wait3A_668 = tpu.memref_slice %arg14[%add3A_636, %dma_wait3A_667] : memref<20480x128xf32, #tpu.memory_space<hbm>> -> memref<64x128xf32, #tpu.memory_space<hbm>>
    tpu.wait_dma2 semaphore(%arg24 : memref<!tpu.dma_semaphore, #tpu.memory_space<semaphore_mem>>) src(%arg32 : memref<64x128xf32, #tpu.memory_space<vmem>>) dst(%dma_wait3A_668 : memref<64x128xf32, #tpu.memory_space<hbm>>)
    %dma_start3A_669 = arith.constant 5 : i32
    %dma_start3A_670 = arith.constant 0 : i32
    %dma_start3A_671 = tpu.memref_slice %arg27[%dma_start3A_669, %dma_start3A_670] : memref<26x64xi32, #tpu.memory_space<vmem>> -> memref<1x64xi32, #tpu.memory_space<vmem>>
    %dma_start3A_672 = tpu.memref_squeeze %dma_start3A_671 : memref<1x64xi32, #tpu.memory_space<vmem>> -> memref<64xi32, #tpu.memory_space<vmem>>
    %dma_start3A_673 = arith.constant 0 : i32
    %dma_start3A_674 = arith.constant 0 : i32
    %dma_start3A_675 = tpu.memref_slice %arg16[%dma_start3A_673, %dma_start3A_674] : memref<10240x128xf32, #tpu.memory_space<vmem_shared>> -> memref<10240x128xf32, #tpu.memory_space<vmem_shared>>
    tpu.enqueue_indirect_dma source(%dma_start3A_675 : memref<10240x128xf32, #tpu.memory_space<vmem_shared>>) target(%arg32 : memref<64x128xf32, #tpu.memory_space<vmem>>) offsets(%dma_start3A_672 : memref<64xi32, #tpu.memory_space<vmem>>) semaphore(%arg26 : memref<!tpu.dma_semaphore, #tpu.memory_space<semaphore_mem>>)
    %dma_wait3A_676 = arith.constant 5 : i32
    %dma_wait3A_677 = arith.constant 0 : i32
    %dma_wait3A_678 = tpu.memref_slice %arg27[%dma_wait3A_676, %dma_wait3A_677] : memref<26x64xi32, #tpu.memory_space<vmem>> -> memref<1x64xi32, #tpu.memory_space<vmem>>
    %dma_wait3A_679 = tpu.memref_squeeze %dma_wait3A_678 : memref<1x64xi32, #tpu.memory_space<vmem>> -> memref<64xi32, #tpu.memory_space<vmem>>
    %dma_wait3A_680 = arith.constant 0 : i32
    %dma_wait3A_681 = arith.constant 0 : i32
    %dma_wait3A_682 = tpu.memref_slice %arg16[%dma_wait3A_680, %dma_wait3A_681] : memref<10240x128xf32, #tpu.memory_space<vmem_shared>> -> memref<10240x128xf32, #tpu.memory_space<vmem_shared>>
    tpu.wait_indirect_dma semaphore(%arg26 : memref<!tpu.dma_semaphore, #tpu.memory_space<semaphore_mem>>) src(%dma_wait3A_682 : memref<10240x128xf32, #tpu.memory_space<vmem_shared>>) dst(%arg32 : memref<64x128xf32, #tpu.memory_space<vmem>>)
    %add3A_683 = arith.constant 320 : i32
    %add3A_684 = arith.addi %add3A_552, %add3A_683 : i32
    %dma_start3A_685 = arith.constant 0 : i32
    %dma_start3A_686 = tpu.memref_slice %arg14[%add3A_684, %dma_start3A_685] : memref<20480x128xf32, #tpu.memory_space<hbm>> -> memref<64x128xf32, #tpu.memory_space<hbm>>
    %dma_start3A_687 = arith.constant 0 : i32
    %dma_start3A_688 = tpu.memref_slice %arg14[%add3A_684, %dma_start3A_687] : memref<20480x128xf32, #tpu.memory_space<hbm>> -> memref<64x128xf32, #tpu.memory_space<hbm>>
    tpu.enqueue_dma source(%arg32 : memref<64x128xf32, #tpu.memory_space<vmem>>) target(%dma_start3A_688 : memref<64x128xf32, #tpu.memory_space<hbm>>) target_semaphore(%arg24 : memref<!tpu.dma_semaphore, #tpu.memory_space<semaphore_mem>>)
    %dma_wait3A_689 = arith.constant 0 : i32
    %dma_wait3A_690 = tpu.memref_slice %arg14[%add3A_660, %dma_wait3A_689] : memref<20480x128xf32, #tpu.memory_space<hbm>> -> memref<64x128xf32, #tpu.memory_space<hbm>>
    %dma_wait3A_691 = arith.constant 0 : i32
    %dma_wait3A_692 = tpu.memref_slice %arg14[%add3A_660, %dma_wait3A_691] : memref<20480x128xf32, #tpu.memory_space<hbm>> -> memref<64x128xf32, #tpu.memory_space<hbm>>
    tpu.wait_dma2 semaphore(%arg23 : memref<!tpu.dma_semaphore, #tpu.memory_space<semaphore_mem>>) src(%arg31 : memref<64x128xf32, #tpu.memory_space<vmem>>) dst(%dma_wait3A_692 : memref<64x128xf32, #tpu.memory_space<hbm>>)
    %dma_start3A_693 = arith.constant 6 : i32
    %dma_start3A_694 = arith.constant 0 : i32
    %dma_start3A_695 = tpu.memref_slice %arg27[%dma_start3A_693, %dma_start3A_694] : memref<26x64xi32, #tpu.memory_space<vmem>> -> memref<1x64xi32, #tpu.memory_space<vmem>>
    %dma_start3A_696 = tpu.memref_squeeze %dma_start3A_695 : memref<1x64xi32, #tpu.memory_space<vmem>> -> memref<64xi32, #tpu.memory_space<vmem>>
    %dma_start3A_697 = arith.constant 0 : i32
    %dma_start3A_698 = arith.constant 0 : i32
    %dma_start3A_699 = tpu.memref_slice %arg16[%dma_start3A_697, %dma_start3A_698] : memref<10240x128xf32, #tpu.memory_space<vmem_shared>> -> memref<10240x128xf32, #tpu.memory_space<vmem_shared>>
    tpu.enqueue_indirect_dma source(%dma_start3A_699 : memref<10240x128xf32, #tpu.memory_space<vmem_shared>>) target(%arg31 : memref<64x128xf32, #tpu.memory_space<vmem>>) offsets(%dma_start3A_696 : memref<64xi32, #tpu.memory_space<vmem>>) semaphore(%arg25 : memref<!tpu.dma_semaphore, #tpu.memory_space<semaphore_mem>>)
    %dma_wait3A_700 = arith.constant 6 : i32
    %dma_wait3A_701 = arith.constant 0 : i32
    %dma_wait3A_702 = tpu.memref_slice %arg27[%dma_wait3A_700, %dma_wait3A_701] : memref<26x64xi32, #tpu.memory_space<vmem>> -> memref<1x64xi32, #tpu.memory_space<vmem>>
    %dma_wait3A_703 = tpu.memref_squeeze %dma_wait3A_702 : memref<1x64xi32, #tpu.memory_space<vmem>> -> memref<64xi32, #tpu.memory_space<vmem>>
    %dma_wait3A_704 = arith.constant 0 : i32
    %dma_wait3A_705 = arith.constant 0 : i32
    %dma_wait3A_706 = tpu.memref_slice %arg16[%dma_wait3A_704, %dma_wait3A_705] : memref<10240x128xf32, #tpu.memory_space<vmem_shared>> -> memref<10240x128xf32, #tpu.memory_space<vmem_shared>>
    tpu.wait_indirect_dma semaphore(%arg25 : memref<!tpu.dma_semaphore, #tpu.memory_space<semaphore_mem>>) src(%dma_wait3A_706 : memref<10240x128xf32, #tpu.memory_space<vmem_shared>>) dst(%arg31 : memref<64x128xf32, #tpu.memory_space<vmem>>)
    %add3A_707 = arith.constant 384 : i32
    %add3A_708 = arith.addi %add3A_552, %add3A_707 : i32
    %dma_start3A_709 = arith.constant 0 : i32
    %dma_start3A_710 = tpu.memref_slice %arg14[%add3A_708, %dma_start3A_709] : memref<20480x128xf32, #tpu.memory_space<hbm>> -> memref<64x128xf32, #tpu.memory_space<hbm>>
    %dma_start3A_711 = arith.constant 0 : i32
    %dma_start3A_712 = tpu.memref_slice %arg14[%add3A_708, %dma_start3A_711] : memref<20480x128xf32, #tpu.memory_space<hbm>> -> memref<64x128xf32, #tpu.memory_space<hbm>>
    tpu.enqueue_dma source(%arg31 : memref<64x128xf32, #tpu.memory_space<vmem>>) target(%dma_start3A_712 : memref<64x128xf32, #tpu.memory_space<hbm>>) target_semaphore(%arg23 : memref<!tpu.dma_semaphore, #tpu.memory_space<semaphore_mem>>)
    %dma_wait3A_713 = arith.constant 0 : i32
    %dma_wait3A_714 = tpu.memref_slice %arg14[%add3A_684, %dma_wait3A_713] : memref<20480x128xf32, #tpu.memory_space<hbm>> -> memref<64x128xf32, #tpu.memory_space<hbm>>
    %dma_wait3A_715 = arith.constant 0 : i32
    %dma_wait3A_716 = tpu.memref_slice %arg14[%add3A_684, %dma_wait3A_715] : memref<20480x128xf32, #tpu.memory_space<hbm>> -> memref<64x128xf32, #tpu.memory_space<hbm>>
    tpu.wait_dma2 semaphore(%arg24 : memref<!tpu.dma_semaphore, #tpu.memory_space<semaphore_mem>>) src(%arg32 : memref<64x128xf32, #tpu.memory_space<vmem>>) dst(%dma_wait3A_716 : memref<64x128xf32, #tpu.memory_space<hbm>>)
    %dma_start3A_717 = arith.constant 7 : i32
    %dma_start3A_718 = arith.constant 0 : i32
    %dma_start3A_719 = tpu.memref_slice %arg27[%dma_start3A_717, %dma_start3A_718] : memref<26x64xi32, #tpu.memory_space<vmem>> -> memref<1x64xi32, #tpu.memory_space<vmem>>
    %dma_start3A_720 = tpu.memref_squeeze %dma_start3A_719 : memref<1x64xi32, #tpu.memory_space<vmem>> -> memref<64xi32, #tpu.memory_space<vmem>>
    %dma_start3A_721 = arith.constant 0 : i32
    %dma_start3A_722 = arith.constant 0 : i32
    %dma_start3A_723 = tpu.memref_slice %arg16[%dma_start3A_721, %dma_start3A_722] : memref<10240x128xf32, #tpu.memory_space<vmem_shared>> -> memref<10240x128xf32, #tpu.memory_space<vmem_shared>>
    tpu.enqueue_indirect_dma source(%dma_start3A_723 : memref<10240x128xf32, #tpu.memory_space<vmem_shared>>) target(%arg32 : memref<64x128xf32, #tpu.memory_space<vmem>>) offsets(%dma_start3A_720 : memref<64xi32, #tpu.memory_space<vmem>>) semaphore(%arg26 : memref<!tpu.dma_semaphore, #tpu.memory_space<semaphore_mem>>)
    %dma_wait3A_724 = arith.constant 7 : i32
    %dma_wait3A_725 = arith.constant 0 : i32
    %dma_wait3A_726 = tpu.memref_slice %arg27[%dma_wait3A_724, %dma_wait3A_725] : memref<26x64xi32, #tpu.memory_space<vmem>> -> memref<1x64xi32, #tpu.memory_space<vmem>>
    %dma_wait3A_727 = tpu.memref_squeeze %dma_wait3A_726 : memref<1x64xi32, #tpu.memory_space<vmem>> -> memref<64xi32, #tpu.memory_space<vmem>>
    %dma_wait3A_728 = arith.constant 0 : i32
    %dma_wait3A_729 = arith.constant 0 : i32
    %dma_wait3A_730 = tpu.memref_slice %arg16[%dma_wait3A_728, %dma_wait3A_729] : memref<10240x128xf32, #tpu.memory_space<vmem_shared>> -> memref<10240x128xf32, #tpu.memory_space<vmem_shared>>
    tpu.wait_indirect_dma semaphore(%arg26 : memref<!tpu.dma_semaphore, #tpu.memory_space<semaphore_mem>>) src(%dma_wait3A_730 : memref<10240x128xf32, #tpu.memory_space<vmem_shared>>) dst(%arg32 : memref<64x128xf32, #tpu.memory_space<vmem>>)
    %add3A_731 = arith.constant 448 : i32
    %add3A_732 = arith.addi %add3A_552, %add3A_731 : i32
    %dma_start3A_733 = arith.constant 0 : i32
    %dma_start3A_734 = tpu.memref_slice %arg14[%add3A_732, %dma_start3A_733] : memref<20480x128xf32, #tpu.memory_space<hbm>> -> memref<64x128xf32, #tpu.memory_space<hbm>>
    %dma_start3A_735 = arith.constant 0 : i32
    %dma_start3A_736 = tpu.memref_slice %arg14[%add3A_732, %dma_start3A_735] : memref<20480x128xf32, #tpu.memory_space<hbm>> -> memref<64x128xf32, #tpu.memory_space<hbm>>
    tpu.enqueue_dma source(%arg32 : memref<64x128xf32, #tpu.memory_space<vmem>>) target(%dma_start3A_736 : memref<64x128xf32, #tpu.memory_space<hbm>>) target_semaphore(%arg24 : memref<!tpu.dma_semaphore, #tpu.memory_space<semaphore_mem>>)
    %dma_wait3A_737 = arith.constant 0 : i32
    %dma_wait3A_738 = tpu.memref_slice %arg14[%add3A_708, %dma_wait3A_737] : memref<20480x128xf32, #tpu.memory_space<hbm>> -> memref<64x128xf32, #tpu.memory_space<hbm>>
    %dma_wait3A_739 = arith.constant 0 : i32
    %dma_wait3A_740 = tpu.memref_slice %arg14[%add3A_708, %dma_wait3A_739] : memref<20480x128xf32, #tpu.memory_space<hbm>> -> memref<64x128xf32, #tpu.memory_space<hbm>>
    tpu.wait_dma2 semaphore(%arg23 : memref<!tpu.dma_semaphore, #tpu.memory_space<semaphore_mem>>) src(%arg31 : memref<64x128xf32, #tpu.memory_space<vmem>>) dst(%dma_wait3A_740 : memref<64x128xf32, #tpu.memory_space<hbm>>)
    %dma_start3A_741 = arith.constant 8 : i32
    %dma_start3A_742 = arith.constant 0 : i32
    %dma_start3A_743 = tpu.memref_slice %arg27[%dma_start3A_741, %dma_start3A_742] : memref<26x64xi32, #tpu.memory_space<vmem>> -> memref<1x64xi32, #tpu.memory_space<vmem>>
    %dma_start3A_744 = tpu.memref_squeeze %dma_start3A_743 : memref<1x64xi32, #tpu.memory_space<vmem>> -> memref<64xi32, #tpu.memory_space<vmem>>
    %dma_start3A_745 = arith.constant 0 : i32
    %dma_start3A_746 = arith.constant 0 : i32
    %dma_start3A_747 = tpu.memref_slice %arg16[%dma_start3A_745, %dma_start3A_746] : memref<10240x128xf32, #tpu.memory_space<vmem_shared>> -> memref<10240x128xf32, #tpu.memory_space<vmem_shared>>
    tpu.enqueue_indirect_dma source(%dma_start3A_747 : memref<10240x128xf32, #tpu.memory_space<vmem_shared>>) target(%arg31 : memref<64x128xf32, #tpu.memory_space<vmem>>) offsets(%dma_start3A_744 : memref<64xi32, #tpu.memory_space<vmem>>) semaphore(%arg25 : memref<!tpu.dma_semaphore, #tpu.memory_space<semaphore_mem>>)
    %dma_wait3A_748 = arith.constant 8 : i32
    %dma_wait3A_749 = arith.constant 0 : i32
    %dma_wait3A_750 = tpu.memref_slice %arg27[%dma_wait3A_748, %dma_wait3A_749] : memref<26x64xi32, #tpu.memory_space<vmem>> -> memref<1x64xi32, #tpu.memory_space<vmem>>
    %dma_wait3A_751 = tpu.memref_squeeze %dma_wait3A_750 : memref<1x64xi32, #tpu.memory_space<vmem>> -> memref<64xi32, #tpu.memory_space<vmem>>
    %dma_wait3A_752 = arith.constant 0 : i32
    %dma_wait3A_753 = arith.constant 0 : i32
    %dma_wait3A_754 = tpu.memref_slice %arg16[%dma_wait3A_752, %dma_wait3A_753] : memref<10240x128xf32, #tpu.memory_space<vmem_shared>> -> memref<10240x128xf32, #tpu.memory_space<vmem_shared>>
    tpu.wait_indirect_dma semaphore(%arg25 : memref<!tpu.dma_semaphore, #tpu.memory_space<semaphore_mem>>) src(%dma_wait3A_754 : memref<10240x128xf32, #tpu.memory_space<vmem_shared>>) dst(%arg31 : memref<64x128xf32, #tpu.memory_space<vmem>>)
    %add3A_755 = arith.constant 512 : i32
    %add3A_756 = arith.addi %add3A_552, %add3A_755 : i32
    %dma_start3A_757 = arith.constant 0 : i32
    %dma_start3A_758 = tpu.memref_slice %arg14[%add3A_756, %dma_start3A_757] : memref<20480x128xf32, #tpu.memory_space<hbm>> -> memref<64x128xf32, #tpu.memory_space<hbm>>
    %dma_start3A_759 = arith.constant 0 : i32
    %dma_start3A_760 = tpu.memref_slice %arg14[%add3A_756, %dma_start3A_759] : memref<20480x128xf32, #tpu.memory_space<hbm>> -> memref<64x128xf32, #tpu.memory_space<hbm>>
    tpu.enqueue_dma source(%arg31 : memref<64x128xf32, #tpu.memory_space<vmem>>) target(%dma_start3A_760 : memref<64x128xf32, #tpu.memory_space<hbm>>) target_semaphore(%arg23 : memref<!tpu.dma_semaphore, #tpu.memory_space<semaphore_mem>>)
    %dma_wait3A_761 = arith.constant 0 : i32
    %dma_wait3A_762 = tpu.memref_slice %arg14[%add3A_732, %dma_wait3A_761] : memref<20480x128xf32, #tpu.memory_space<hbm>> -> memref<64x128xf32, #tpu.memory_space<hbm>>
    %dma_wait3A_763 = arith.constant 0 : i32
    %dma_wait3A_764 = tpu.memref_slice %arg14[%add3A_732, %dma_wait3A_763] : memref<20480x128xf32, #tpu.memory_space<hbm>> -> memref<64x128xf32, #tpu.memory_space<hbm>>
    tpu.wait_dma2 semaphore(%arg24 : memref<!tpu.dma_semaphore, #tpu.memory_space<semaphore_mem>>) src(%arg32 : memref<64x128xf32, #tpu.memory_space<vmem>>) dst(%dma_wait3A_764 : memref<64x128xf32, #tpu.memory_space<hbm>>)
    %dma_start3A_765 = arith.constant 9 : i32
    %dma_start3A_766 = arith.constant 0 : i32
    %dma_start3A_767 = tpu.memref_slice %arg27[%dma_start3A_765, %dma_start3A_766] : memref<26x64xi32, #tpu.memory_space<vmem>> -> memref<1x64xi32, #tpu.memory_space<vmem>>
    %dma_start3A_768 = tpu.memref_squeeze %dma_start3A_767 : memref<1x64xi32, #tpu.memory_space<vmem>> -> memref<64xi32, #tpu.memory_space<vmem>>
    %dma_start3A_769 = arith.constant 0 : i32
    %dma_start3A_770 = arith.constant 0 : i32
    %dma_start3A_771 = tpu.memref_slice %arg16[%dma_start3A_769, %dma_start3A_770] : memref<10240x128xf32, #tpu.memory_space<vmem_shared>> -> memref<10240x128xf32, #tpu.memory_space<vmem_shared>>
    tpu.enqueue_indirect_dma source(%dma_start3A_771 : memref<10240x128xf32, #tpu.memory_space<vmem_shared>>) target(%arg32 : memref<64x128xf32, #tpu.memory_space<vmem>>) offsets(%dma_start3A_768 : memref<64xi32, #tpu.memory_space<vmem>>) semaphore(%arg26 : memref<!tpu.dma_semaphore, #tpu.memory_space<semaphore_mem>>)
    %dma_wait3A_772 = arith.constant 9 : i32
    %dma_wait3A_773 = arith.constant 0 : i32
    %dma_wait3A_774 = tpu.memref_slice %arg27[%dma_wait3A_772, %dma_wait3A_773] : memref<26x64xi32, #tpu.memory_space<vmem>> -> memref<1x64xi32, #tpu.memory_space<vmem>>
    %dma_wait3A_775 = tpu.memref_squeeze %dma_wait3A_774 : memref<1x64xi32, #tpu.memory_space<vmem>> -> memref<64xi32, #tpu.memory_space<vmem>>
    %dma_wait3A_776 = arith.constant 0 : i32
    %dma_wait3A_777 = arith.constant 0 : i32
    %dma_wait3A_778 = tpu.memref_slice %arg16[%dma_wait3A_776, %dma_wait3A_777] : memref<10240x128xf32, #tpu.memory_space<vmem_shared>> -> memref<10240x128xf32, #tpu.memory_space<vmem_shared>>
    tpu.wait_indirect_dma semaphore(%arg26 : memref<!tpu.dma_semaphore, #tpu.memory_space<semaphore_mem>>) src(%dma_wait3A_778 : memref<10240x128xf32, #tpu.memory_space<vmem_shared>>) dst(%arg32 : memref<64x128xf32, #tpu.memory_space<vmem>>)
    %add3A_779 = arith.constant 576 : i32
    %add3A_780 = arith.addi %add3A_552, %add3A_779 : i32
    %dma_start3A_781 = arith.constant 0 : i32
    %dma_start3A_782 = tpu.memref_slice %arg14[%add3A_780, %dma_start3A_781] : memref<20480x128xf32, #tpu.memory_space<hbm>> -> memref<64x128xf32, #tpu.memory_space<hbm>>
    %dma_start3A_783 = arith.constant 0 : i32
    %dma_start3A_784 = tpu.memref_slice %arg14[%add3A_780, %dma_start3A_783] : memref<20480x128xf32, #tpu.memory_space<hbm>> -> memref<64x128xf32, #tpu.memory_space<hbm>>
    tpu.enqueue_dma source(%arg32 : memref<64x128xf32, #tpu.memory_space<vmem>>) target(%dma_start3A_784 : memref<64x128xf32, #tpu.memory_space<hbm>>) target_semaphore(%arg24 : memref<!tpu.dma_semaphore, #tpu.memory_space<semaphore_mem>>)
    %dma_wait3A_785 = arith.constant 0 : i32
    %dma_wait3A_786 = tpu.memref_slice %arg14[%add3A_756, %dma_wait3A_785] : memref<20480x128xf32, #tpu.memory_space<hbm>> -> memref<64x128xf32, #tpu.memory_space<hbm>>
    %dma_wait3A_787 = arith.constant 0 : i32
    %dma_wait3A_788 = tpu.memref_slice %arg14[%add3A_756, %dma_wait3A_787] : memref<20480x128xf32, #tpu.memory_space<hbm>> -> memref<64x128xf32, #tpu.memory_space<hbm>>
    tpu.wait_dma2 semaphore(%arg23 : memref<!tpu.dma_semaphore, #tpu.memory_space<semaphore_mem>>) src(%arg31 : memref<64x128xf32, #tpu.memory_space<vmem>>) dst(%dma_wait3A_788 : memref<64x128xf32, #tpu.memory_space<hbm>>)
    %dma_wait3A_789 = arith.constant 0 : i32
    %dma_wait3A_790 = tpu.memref_slice %arg14[%add3A_780, %dma_wait3A_789] : memref<20480x128xf32, #tpu.memory_space<hbm>> -> memref<64x128xf32, #tpu.memory_space<hbm>>
    %dma_wait3A_791 = arith.constant 0 : i32
    %dma_wait3A_792 = tpu.memref_slice %arg14[%add3A_780, %dma_wait3A_791] : memref<20480x128xf32, #tpu.memory_space<hbm>> -> memref<64x128xf32, #tpu.memory_space<hbm>>
    tpu.wait_dma2 semaphore(%arg24 : memref<!tpu.dma_semaphore, #tpu.memory_space<semaphore_mem>>) src(%arg32 : memref<64x128xf32, #tpu.memory_space<vmem>>) dst(%dma_wait3A_792 : memref<64x128xf32, #tpu.memory_space<hbm>>)
    "tpu.region"() ({
      %run_scoped3A = tpu.sem_alloc : memref<!tpu.dma_semaphore, #tpu.memory_space<semaphore_mem>>
      %dma_start3A_793 = arith.constant 0 : i32
      %dma_start3A_794 = tpu.memref_slice %arg15[%add3A, %dma_start3A_793] : memref<32x10240xf32, #tpu.memory_space<hbm>> -> memref<1x10240xf32, #tpu.memory_space<hbm>>
      %dma_start3A_795 = tpu.memref_squeeze %dma_start3A_794 : memref<1x10240xf32, #tpu.memory_space<hbm>> -> memref<10240xf32, #tpu.memory_space<hbm>>
      %dma_start3A_796 = arith.constant 0 : i32
      %dma_start3A_797 = tpu.memref_slice %arg15[%add3A, %dma_start3A_796] : memref<32x10240xf32, #tpu.memory_space<hbm>> -> memref<1x10240xf32, #tpu.memory_space<hbm>>
      %dma_start3A_798 = tpu.memref_squeeze %dma_start3A_797 : memref<1x10240xf32, #tpu.memory_space<hbm>> -> memref<10240xf32, #tpu.memory_space<hbm>>
      tpu.enqueue_dma source(%arg17 : memref<10240xf32, #tpu.memory_space<vmem>>) target(%dma_start3A_798 : memref<10240xf32, #tpu.memory_space<hbm>>) target_semaphore(%run_scoped3A : memref<!tpu.dma_semaphore, #tpu.memory_space<semaphore_mem>>)
      %dma_wait3A_799 = arith.constant 0 : i32
      %dma_wait3A_800 = tpu.memref_slice %arg15[%add3A, %dma_wait3A_799] : memref<32x10240xf32, #tpu.memory_space<hbm>> -> memref<1x10240xf32, #tpu.memory_space<hbm>>
      %dma_wait3A_801 = tpu.memref_squeeze %dma_wait3A_800 : memref<1x10240xf32, #tpu.memory_space<hbm>> -> memref<10240xf32, #tpu.memory_space<hbm>>
      %dma_wait3A_802 = arith.constant 0 : i32
      %dma_wait3A_803 = tpu.memref_slice %arg15[%add3A, %dma_wait3A_802] : memref<32x10240xf32, #tpu.memory_space<hbm>> -> memref<1x10240xf32, #tpu.memory_space<hbm>>
      %dma_wait3A_804 = tpu.memref_squeeze %dma_wait3A_803 : memref<1x10240xf32, #tpu.memory_space<hbm>> -> memref<10240xf32, #tpu.memory_space<hbm>>
      tpu.wait_dma2 semaphore(%run_scoped3A : memref<!tpu.dma_semaphore, #tpu.memory_space<semaphore_mem>>) src(%arg17 : memref<10240xf32, #tpu.memory_space<vmem>>) dst(%dma_wait3A_804 : memref<10240xf32, #tpu.memory_space<hbm>>)
      tpu.yield
    }) : () -> ()
    return
  }
}

module attributes {stable_mosaic.version = 14 : i64} {
  func.func @_tc_tail_body(%arg0: i32, %arg1: memref<2x1000x128xf32, #tpu.memory_space<vmem>>, %arg2: memref<1000x32xf32, #tpu.memory_space<vmem>>, %arg3: memref<1000x128xf32, #tpu.memory_space<vmem>>, %arg4: memref<1000x1xf32, #tpu.memory_space<vmem>>, %arg5: memref<128x128xf32, #tpu.memory_space<vmem>>, %arg6: memref<128x128xf32, #tpu.memory_space<vmem>>, %arg7: memref<128x128xf32, #tpu.memory_space<vmem>>, %arg8: memref<1x128xf32, #tpu.memory_space<vmem>>, %arg9: memref<1x128xf32, #tpu.memory_space<vmem>>, %arg10: memref<1000x128xf32, #tpu.memory_space<vmem>>) attributes {dimension_semantics = [#tpu.dimension_semantics<arbitrary>], iteration_bounds = array<i64: 10>, scalar_prefetch = 0 : i64, scratch_operands = 0 : i64, tpu.core_type = #tpu.core_type<tc>, window_params = [{transform_indices = @transform_0, window_bounds = array<i64: 2, 1000, 128>}, {transform_indices = @transform_1, window_bounds = array<i64: 1000, 32>}, {transform_indices = @transform_2, window_bounds = array<i64: 1000, 128>}, {transform_indices = @transform_3, window_bounds = array<i64: 1000, 1>}, {pipeline_mode = #tpu.pipeline_mode<synchronous>, transform_indices = @transform_4, window_bounds = array<i64: 128, 128>}, {pipeline_mode = #tpu.pipeline_mode<synchronous>, transform_indices = @transform_5, window_bounds = array<i64: 128, 128>}, {pipeline_mode = #tpu.pipeline_mode<synchronous>, transform_indices = @transform_6, window_bounds = array<i64: 128, 128>}, {pipeline_mode = #tpu.pipeline_mode<synchronous>, transform_indices = @transform_7, window_bounds = array<i64: 1, 128>}, {pipeline_mode = #tpu.pipeline_mode<synchronous>, transform_indices = @transform_8, window_bounds = array<i64: 1, 128>}, {transform_indices = @transform_9, window_bounds = array<i64: 1000, 128>}]} {
    %get3A = arith.constant 0 : index
    %get3A_0 = arith.constant 0 : index
    %get3A_1 = arith.constant 0 : index
    %get3A_2 = vector.load %arg1[%get3A, %get3A_0, %get3A_1] : memref<2x1000x128xf32, #tpu.memory_space<vmem>>, vector<1x1000x128xf32>
    %get3A_3 = vector.shape_cast %get3A_2 : vector<1x1000x128xf32> to vector<1000x128xf32>
    %get3A_4 = arith.constant 1 : index
    %get3A_5 = arith.constant 0 : index
    %get3A_6 = arith.constant 0 : index
    %get3A_7 = vector.load %arg1[%get3A_4, %get3A_5, %get3A_6] : memref<2x1000x128xf32, #tpu.memory_space<vmem>>, vector<1x1000x128xf32>
    %get3A_8 = vector.shape_cast %get3A_7 : vector<1x1000x128xf32> to vector<1000x128xf32>
    %add3A = arith.addf %get3A_3, %get3A_8 : vector<1000x128xf32>
    %get3A_9 = arith.constant 0 : index
    %get3A_10 = arith.constant 0 : index
    %get3A_11 = vector.load %arg5[%get3A_9, %get3A_10] : memref<128x128xf32, #tpu.memory_space<vmem>>, vector<128x128xf32>
    %dot_general3A = arith.constant dense<0.000000e+00> : vector<1000x128xf32>
    %dot_general3A_12 = tpu.matmul %add3A, %get3A_11, %dot_general3A {dimension_numbers = #tpu.dot_dimension_numbers<[1], [0], [0], [1], [0, 0, 1, 1], [], []>, transpose_lhs_hint = false} : vector<1000x128xf32>, vector<128x128xf32>, vector<1000x128xf32> -> vector<1000x128xf32>
    %get3A_13 = arith.constant 0 : index
    %get3A_14 = arith.constant 0 : index
    %get3A_15 = vector.load %arg4[%get3A_13, %get3A_14] : memref<1000x1xf32, #tpu.memory_space<vmem>>, vector<1000x1xf32>
    %mul3A = vector.broadcast %get3A_15 : vector<1000x1xf32> to vector<1000x128xf32>
    %mul3A_16 = arith.mulf %dot_general3A_12, %mul3A : vector<1000x128xf32>
    %reduce_sum3A = arith.constant dense<0.000000e+00> : vector<1000xf32>
    %reduce_sum3A_17 = vector.multi_reduction <add>, %mul3A_16, %reduce_sum3A [1] : vector<1000x128xf32> to vector<1000xf32>
    %broadcast_in_dim3A = vector.shape_cast %reduce_sum3A_17 : vector<1000xf32> to vector<1000x1xf32>
    %div3A = arith.constant 1.280000e+02 : f32
    %div3A_18 = vector.broadcast %div3A : f32 to vector<1000x1xf32>
    %div3A_19 = arith.divf %broadcast_in_dim3A, %div3A_18 : vector<1000x1xf32>
    %sub3A = vector.broadcast %div3A_19 : vector<1000x1xf32> to vector<1000x128xf32>
    %sub3A_20 = arith.subf %mul3A_16, %sub3A : vector<1000x128xf32>
    %square3A = arith.mulf %sub3A_20, %sub3A_20 : vector<1000x128xf32>
    %reduce_sum3A_21 = arith.constant dense<0.000000e+00> : vector<1000xf32>
    %reduce_sum3A_22 = vector.multi_reduction <add>, %square3A, %reduce_sum3A_21 [1] : vector<1000x128xf32> to vector<1000xf32>
    %broadcast_in_dim3A_23 = vector.shape_cast %reduce_sum3A_22 : vector<1000xf32> to vector<1000x1xf32>
    %div3A_24 = arith.constant 1.280000e+02 : f32
    %div3A_25 = vector.broadcast %div3A_24 : f32 to vector<1000x1xf32>
    %div3A_26 = arith.divf %broadcast_in_dim3A_23, %div3A_25 : vector<1000x1xf32>
    %sub3A_27 = vector.broadcast %div3A_19 : vector<1000x1xf32> to vector<1000x128xf32>
    %sub3A_28 = arith.subf %mul3A_16, %sub3A_27 : vector<1000x128xf32>
    %add3A_29 = arith.constant 9.99999974E-6 : f32
    %add3A_30 = vector.broadcast %add3A_29 : f32 to vector<1000x1xf32>
    %add3A_31 = arith.addf %div3A_26, %add3A_30 : vector<1000x1xf32>
    %rsqrt3A = math.rsqrt %add3A_31 : vector<1000x1xf32>
    %mul3A_32 = vector.broadcast %rsqrt3A : vector<1000x1xf32> to vector<1000x128xf32>
    %mul3A_33 = arith.mulf %sub3A_28, %mul3A_32 : vector<1000x128xf32>
    %get3A_34 = arith.constant 0 : index
    %get3A_35 = arith.constant 0 : index
    %get3A_36 = vector.load %arg8[%get3A_34, %get3A_35] : memref<1x128xf32, #tpu.memory_space<vmem>>, vector<1x128xf32>
    %mul3A_37 = vector.broadcast %get3A_36 : vector<1x128xf32> to vector<1000x128xf32>
    %mul3A_38 = arith.mulf %mul3A_33, %mul3A_37 : vector<1000x128xf32>
    %get3A_39 = arith.constant 0 : index
    %get3A_40 = arith.constant 0 : index
    %get3A_41 = vector.load %arg9[%get3A_39, %get3A_40] : memref<1x128xf32, #tpu.memory_space<vmem>>, vector<1x128xf32>
    %add3A_42 = vector.broadcast %get3A_41 : vector<1x128xf32> to vector<1000x128xf32>
    %add3A_43 = arith.addf %mul3A_38, %add3A_42 : vector<1000x128xf32>
    %get3A_44 = arith.constant 0 : index
    %get3A_45 = arith.constant 0 : index
    %get3A_46 = vector.load %arg2[%get3A_44, %get3A_45] : memref<1000x32xf32, #tpu.memory_space<vmem>>, vector<1000x32xf32>
    %reduce_sum3A_47 = arith.constant dense<0.000000e+00> : vector<1000xf32>
    %reduce_sum3A_48 = vector.multi_reduction <add>, %get3A_46, %reduce_sum3A_47 [1] : vector<1000x32xf32> to vector<1000xf32>
    %broadcast_in_dim3A_49 = vector.shape_cast %reduce_sum3A_48 : vector<1000xf32> to vector<1000x1xf32>
    %get3A_50 = arith.constant 0 : index
    %get3A_51 = arith.constant 0 : index
    %get3A_52 = vector.load %arg3[%get3A_50, %get3A_51] : memref<1000x128xf32, #tpu.memory_space<vmem>>, vector<1000x128xf32>
    %get3A_53 = arith.constant 0 : index
    %get3A_54 = arith.constant 0 : index
    %get3A_55 = vector.load %arg6[%get3A_53, %get3A_54] : memref<128x128xf32, #tpu.memory_space<vmem>>, vector<128x128xf32>
    %dot_general3A_56 = arith.constant dense<0.000000e+00> : vector<1000x128xf32>
    %dot_general3A_57 = tpu.matmul %get3A_52, %get3A_55, %dot_general3A_56 {dimension_numbers = #tpu.dot_dimension_numbers<[1], [0], [0], [1], [0, 0, 1, 1], [], []>, transpose_lhs_hint = false} : vector<1000x128xf32>, vector<128x128xf32>, vector<1000x128xf32> -> vector<1000x128xf32>
    %get3A_58 = arith.constant 0 : index
    %get3A_59 = arith.constant 0 : index
    %get3A_60 = vector.load %arg7[%get3A_58, %get3A_59] : memref<128x128xf32, #tpu.memory_space<vmem>>, vector<128x128xf32>
    %dot_general3A_61 = arith.constant dense<0.000000e+00> : vector<1000x128xf32>
    %dot_general3A_62 = tpu.matmul %get3A_52, %get3A_60, %dot_general3A_61 {dimension_numbers = #tpu.dot_dimension_numbers<[1], [0], [0], [1], [0, 0, 1, 1], [], []>, transpose_lhs_hint = false} : vector<1000x128xf32>, vector<128x128xf32>, vector<1000x128xf32> -> vector<1000x128xf32>
    %gt3A = arith.constant 0.000000e+00 : f32
    %gt3A_63 = vector.broadcast %gt3A : f32 to vector<1000x1xf32>
    %gt3A_64 = arith.cmpf ogt, %broadcast_in_dim3A_49, %gt3A_63 : vector<1000x1xf32>
    %broadcast_in_dim3A_65 = vector.shape_cast %gt3A_64 : vector<1000x1xi1> to vector<1000x1xi1>
    %broadcast_in_dim3A_66 = vector.broadcast %broadcast_in_dim3A_65 : vector<1000x1xi1> to vector<1000x128xi1>
    %select_n3A = arith.select %broadcast_in_dim3A_66, %dot_general3A_57, %dot_general3A_62 : vector<1000x128xi1>, vector<1000x128xf32>
    %add3A_67 = arith.addf %add3A_43, %select_n3A : vector<1000x128xf32>
    %swap3A = arith.constant 0 : index
    %swap3A_68 = arith.constant 0 : index
    %swap3A_69 = vector.load %arg10[%swap3A, %swap3A_68] : memref<1000x128xf32, #tpu.memory_space<vmem>>, vector<1000x128xf32>
    tpu.vector_store %arg10[%swap3A, %swap3A_68], %add3A_67 {strides = array<i32>} : memref<1000x128xf32, #tpu.memory_space<vmem>>, vector<1000x128xf32>,
    return
  }
  func.func @transform_0(%arg0: i32) -> (i32, i32, i32) {
    %c0_i32 = arith.constant 0 : i32
    %c0_i32_0 = arith.constant 0 : i32
    %c0_i32_1 = arith.constant 0 : i32
    return %c0_i32, %arg0, %c0_i32_0 : i32, i32, i32
  }
  func.func @transform_1(%arg0: i32) -> (i32, i32) {
    %c0_i32 = arith.constant 0 : i32
    %c0_i32_0 = arith.constant 0 : i32
    return %arg0, %c0_i32 : i32, i32
  }
  func.func @transform_2(%arg0: i32) -> (i32, i32) {
    %c0_i32 = arith.constant 0 : i32
    %c0_i32_0 = arith.constant 0 : i32
    return %arg0, %c0_i32 : i32, i32
  }
  func.func @transform_3(%arg0: i32) -> (i32, i32) {
    %c0_i32 = arith.constant 0 : i32
    %c0_i32_0 = arith.constant 0 : i32
    return %arg0, %c0_i32 : i32, i32
  }
  func.func @transform_4(%arg0: i32) -> (i32, i32) {
    %c0_i32 = arith.constant 0 : i32
    %c0_i32_0 = arith.constant 0 : i32
    %c0_i32_1 = arith.constant 0 : i32
    return %c0_i32, %c0_i32_0 : i32, i32
  }
  func.func @transform_5(%arg0: i32) -> (i32, i32) {
    %c0_i32 = arith.constant 0 : i32
    %c0_i32_0 = arith.constant 0 : i32
    %c0_i32_1 = arith.constant 0 : i32
    return %c0_i32, %c0_i32_0 : i32, i32
  }
  func.func @transform_6(%arg0: i32) -> (i32, i32) {
    %c0_i32 = arith.constant 0 : i32
    %c0_i32_0 = arith.constant 0 : i32
    %c0_i32_1 = arith.constant 0 : i32
    return %c0_i32, %c0_i32_0 : i32, i32
  }
  func.func @transform_7(%arg0: i32) -> (i32, i32) {
    %c0_i32 = arith.constant 0 : i32
    %c0_i32_0 = arith.constant 0 : i32
    %c0_i32_1 = arith.constant 0 : i32
    return %c0_i32, %c0_i32_0 : i32, i32
  }
  func.func @transform_8(%arg0: i32) -> (i32, i32) {
    %c0_i32 = arith.constant 0 : i32
    %c0_i32_0 = arith.constant 0 : i32
    %c0_i32_1 = arith.constant 0 : i32
    return %c0_i32, %c0_i32_0 : i32, i32
  }
  func.func @transform_9(%arg0: i32) -> (i32, i32) {
    %c0_i32 = arith.constant 0 : i32
    %c0_i32_0 = arith.constant 0 : i32
    return %arg0, %c0_i32 : i32, i32
  }
}

</mosaic_0001>

<sc_bundles>
// kernel: kernel.4.cloned.1.call-start
scs
__scs_entry_jumppad:
0x0: {  	(pc) =	sbr.rel $0x88, $3  }
0x1: {  	(tag) =	ssettag $0x0;
	lr =	simm.s32 $0x1  }
0x2: {  	[smem:$0x3F97] =	sst lr;
	_ =	strace $0xD0000000  }
0x3: {  	_ = 	snop  }
0x4: {  	_ = 	snop  }
0x5: {  	_ = 	snop  }
0x6: {  	_ = 	snop  }
0x7: {  	_ = 	snop  }
__scs_overlays_trampoline_lowered:
0x8: {  	[smem:$0x3FA6] =	sst s0  }
0x9: {  	[smem:$0x3FA7] =	sst s1  }
0xa: {  	[smem:$0x3FA8] =	sst s2  }
0xb: {  	[smem:$0x3FA9] =	sst s3  }
0xc: {  	[smem:$0x3FAA] =	sst s4  }
0xd: {  	[smem:$0x3FAB] =	sst s5  }
0xe: {  	[smem:$0x3FAC] =	sst s6  }
0xf: {  	[smem:$0x3FAD] =	sst s7  }
0x10: {  	[smem:$0x3FAE] =	sst s8  }
0x11: {  	[smem:$0x3FAF] =	sst s9;
	s0 =	simm.s32 @!p0 $0x0  }
0x12: {  	s1 =	sld [smem:$0x3F95];
	s0 =	simm.s32 @p0 $0x1  }
0x13: {  	[smem:$0x3FB0] =	sst s0;
	s0 =	simm.s32 @!p1 $0x0  }
0x14: {  	s2 =	sld [smem:$0x3F94];
	s0 =	simm.s32 @p1 $0x1  }
0x15: {  	[smem:$0x3FB1] =	sst s0;
	s0 =	simm.s32 @!p2 $0x0  }
0x16: {  	s3 =	sld [smem:$0x3FDB];
	s0 =	simm.s32 @p2 $0x1  }
0x17: {  	s4 =	simm.s32 $0x1BF5;
	[smem:$0x3FB3] =	sst s0  }
0x18: {  	s0 =	sld [smem:$0x3F96];
	_ =	swait.ge [sflag:s4], $0x0  }
0x19: {  	s7 =	sld [smem:$0x3F97]  }
0x1a: {  	s8 =	sadd.s32 $0xFFFFE003, lr  }
0x1b: {  	s9 =	sadd.s32 $0xFFFFFEF7, lr;
	s5 =	simm.s32 $0xFFFFFFFF;
	p2 =	slt.u32 s8, $0xFFFFF086  }
0x1c: {  	p1 =	slt.u32 s9, $0xF7A;
	s5 =	simm.s32 @!p2 $0x0  }
0x1d: {  	s5 =	simm.s32 @p1 $0x1;
	p0 =	seq.s32 s7, s2  }
0x1e: {  	s7 =	smul.u32 @!p0 $0xF7A, s2;
	p2 =	seq.s32 @!p0 s5, $0x0  }
0x1f: {  	s9 =	smul.u32 $0xF7A, s1;
	s8 =	simm.s32 @!p0 $0x1BF5;
	p2 =	por !p2, p0  }
0x20: {  	[sflag:s8] =	ssyncset.s32 @!p0 $0xFFFFF086;
	s6 =	sadd.s32 @!p0 s3, s7;
	s7 =	simm.s32 @!p0 $0x108  }
0x21: {  	s3 =	sadd.s32 s3, s9;
	s6 =	sadd.s32 @!p0 $0x88, s6;
	s7 =	simm.s32 @p2 $0x1082  }
0x22: {  	[simem:s7], [sflag:s8] =	dma.local @!p0 [hbm:s6], $0xF7A  }
0x23: {  	s9 =	sor.u32 $0xD0000000, s2;
	s6 =	simm.s32 $0x108;
	_ =	swait.ge @!p0 [sflag:s8], $0x0  }
0x24: {  	s3 =	sadd.s32 $0x88, s3;
	s6 =	simm.s32 @!p1 $0x1082;
	[sflag:s4] =	ssyncset.s32 $0xFFFFF086  }
0x25: {  	[simem:s6], [sflag:s4] =	dma.local [hbm:s3], $0xF7A  }
0x26: {  	[smem:$0x3F97] =	sst s1;
	(tag) =	ssettag s2;
	_ =	strace s9  }
0x27: {  	s1 =	sld [smem:$0x3FA7]  }
0x28: {  	s2 =	sld [smem:$0x3FA8]  }
0x29: {  	s4 =	sld [smem:$0x3FAA]  }
0x2a: {  	p0 =	seq.s32 s5, $0x0;
	s5 =	sld [smem:$0x3FAB]  }
0x2b: {  	s6 =	sld [smem:$0x3FAC]  }
0x2c: {  	s7 =	sld [smem:$0x3FAD]  }
0x2d: {  	s3 =	simm.s32 $0x108;
	s8 =	sld [smem:$0x3FAE]  }
0x2e: {  	s3 =	simm.s32 @!p0 $0x1082;
	s9 =	sld [smem:$0x3FAF]  }
0x2f: {  	lr =	sadd.s32 s0, s3;
	s0 =	sld [smem:$0x3FA6]  }
0x30: {  	s3 =	sld [smem:$0x3FA9]  }
0x31: {  	[smem:$0x3FB2] =	sst s10  }
0x32: {  	s10 =	sld [smem:$0x3FB0];
	_ =	sdelay $0x3  }
0x33: {  	p0 =	seq.s32 s10, $0x1;
	s10 =	sld [smem:$0x3FB2];
	_ =	sdelay $0x3  }
0x34: {  	[smem:$0x3FB2] =	sst s10  }
0x35: {  	s10 =	sld [smem:$0x3FB1];
	_ =	sdelay $0x3  }
0x36: {  	p1 =	seq.s32 s10, $0x1;
	s10 =	sld [smem:$0x3FB2];
	_ =	sdelay $0x3  }
0x37: {  	[smem:$0x3FB2] =	sst s10  }
0x38: {  	s10 =	sld [smem:$0x3FB3]  }
0x39: {  	_ = 	snop;
	(pc) =	sbr.ind lr, $3  }
0x3a: {  	_ = 	snop  }
0x3b: {  	_ = 	snop  }
0x3c: {  	p2 =	seq.s32 s10, $0x1;
	s10 =	sld [smem:$0x3FB2]  }
0x3d: {  	_ =	shalt  }
0x3e: {  	_ =	shalt  }
0x3f: {  	_ =	shalt  }
0x40: {  	_ =	shalt  }
0x41: {  	_ =	shalt  }
0x42: {  	_ =	shalt  }
0x43: {  	_ =	shalt  }
0x44: {  	_ =	shalt  }
0x45: {  	_ =	shalt  }
0x46: {  	_ =	shalt  }
0x47: {  	_ =	shalt  }
0x48: {  	_ =	shalt  }
0x49: {  	_ =	shalt  }
0x4a: {  	_ =	shalt  }
0x4b: {  	_ =	shalt  }
0x4c: {  	_ =	shalt  }
0x4d: {  	_ =	shalt  }
0x4e: {  	_ =	shalt  }
0x4f: {  	_ =	shalt  }
0x50: {  	_ =	shalt  }
0x51: {  	_ =	shalt  }
0x52: {  	_ =	shalt  }
0x53: {  	_ =	shalt  }
0x54: {  	_ =	shalt  }
0x55: {  	_ =	shalt  }
0x56: {  	_ =	shalt  }
0x57: {  	_ =	shalt  }
0x58: {  	_ =	shalt  }
0x59: {  	_ =	shalt  }
0x5a: {  	_ =	shalt  }
0x5b: {  	_ =	shalt  }
0x5c: {  	_ =	shalt  }
0x5d: {  	_ =	shalt  }
0x5e: {  	_ =	shalt  }
0x5f: {  	_ =	shalt  }
0x60: {  	_ =	shalt  }
0x61: {  	_ =	shalt  }
0x62: {  	_ =	shalt  }
0x63: {  	_ =	shalt  }
0x64: {  	_ =	shalt  }
0x65: {  	_ =	shalt  }
0x66: {  	_ =	shalt  }
0x67: {  	_ =	shalt  }
0x68: {  	_ =	shalt  }
0x69: {  	_ =	shalt  }
0x6a: {  	_ =	shalt  }
0x6b: {  	_ =	shalt  }
0x6c: {  	_ =	shalt  }
0x6d: {  	_ =	shalt  }
0x6e: {  	_ =	shalt  }
0x6f: {  	_ =	shalt  }
0x70: {  	_ =	shalt  }
0x71: {  	_ =	shalt  }
0x72: {  	_ =	shalt  }
0x73: {  	_ =	shalt  }
0x74: {  	_ =	shalt  }
0x75: {  	_ =	shalt  }
0x76: {  	_ =	shalt  }
0x77: {  	_ =	shalt  }
0x78: {  	_ =	shalt  }
0x79: {  	_ =	shalt  }
0x7a: {  	_ =	shalt  }
0x7b: {  	_ =	shalt  }
0x7c: {  	_ =	shalt  }
0x7d: {  	_ =	shalt  }
0x7e: {  	_ =	shalt  }
0x7f: {  	_ =	shalt  }
0x80: {  	_ =	shalt  }
0x81: {  	_ =	shalt  }
0x82: {  	_ =	shalt  }
0x83: {  	_ =	shalt  }
0x84: {  	_ =	shalt  }
0x85: {  	_ =	shalt  }
0x86: {  	_ =	shalt  }
0x87: {  	_ =	shalt  }
.Lfunc_end0:
.L_simem_size_0:
called_computation_lowered:
.L_overlay_start_0:
0x88: {  	s2 =	sld [smem:$0x3FD9]  }
0x89: {  	s3 =	sld [smem:$0x3FFE];
	_ =	sdelay $0x1  }
0x8a: {  	s1 =	srdreg.scid  }
0x8b: {  	s0 =	sand.u32 $0x1, s1  }
0x8c: {  	s17 =	sshll.u32 s0, $0xA;
	s2 =	sadd.s32 s3, s2  }
0x8d: {  	s2 =	sadd.s32 s2, s17  }
0x8e: {  	[smem:$0x3FBE] =	sst s2  }
0x8f: {  	_ = 	snop  }
0x90: {  	s2 =	sld [smem:$0x3FC9]  }
0x91: {  	s18 =	sld [smem:$0x3FC5]  }
0x92: {  	s4 =	sld [smem:$0x3FD0];
	(tm) =	ssettm $0x1  }
0x93: {  	s5 =	sld [smem:$0x3FFB];
	_ =	sdelay $0x3  }
0x94: {  	_ =	strace s5  }
0x95: {  	s5 =	sld [smem:$0x3FFC];
	_ =	sdelay $0x3  }
0x96: {  	_ =	strace s5  }
0x97: {  	s5 =	sld [smem:$0x3FFD];
	_ =	sdelay $0x3  }
0x98: {  	_ =	strace s5  }
0x99: {  	_ =	strace $0x8FFFFFFF  }
0x9a: {  	s19 =	sld [smem:$0x3FDB];
	_ =	sdelay $0x1  }
0x9b: {  	s6 =	simm.s32 $_scs_section_size  }
0x9c: {  	s7 =	simm.s32 $_size__tile_overlayer_lowered;
	s8 =	simm.s32 $_tile_overlayer_lowered  }
0x9d: {  	s22 =	simm.s32 $0x1BFF;
	s21 =	sshll.u32 s8, $0x1;
	s5 =	sadd.s32 s6, s19  }
0x9e: {  	s9 =	simm.s32 $0x0;
	s20 =	sshll.u32 s7, $0x1;
	s7 =	sadd.s32 s21, s5  }
0x9f: {  	[timem:s9], [sflag:s22] =	dma.local [hbm:s7], s20  }
0xa0: {  	_ =	swait.ge [sflag:s22], s20  }
0xa1: {  	s6 =	ssub.s32 $0x0, s20;
	[sflag:s22] =	ssyncset.done $0x0  }
0xa2: {  	[sflag:s22] =	ssyncadd.s32 s6;
	_ =	sdelay $0x1  }
0xa3: {  	s23 =	simm.s32 $0x1B8B  }
0xa4: {  	_ =	swait.ge [sflag:s23], $0x1  }
0xa5: {  	[sflag:s23] =	ssyncset.done $0x0  }
0xa6: {  	s25 =	simm.s32 $0x1B8E;
	s24 =	sld [smem:$0x3FFE];
	[sflag:s23] =	ssyncadd.s32 $0xFFFFFFFF  }
0xa7: {  	s26 =	simm.s32 $execute0_lowered;
	[smem:$0x3FD2] =	sst s25  }
0xa8: {  	s7 =	sshll.u32 s26, $0x1;
	_ =	strace $0x80000046;
	[dreg:$0x1] =	wrdreg $0xFFFFFFFF  }
0xa9: {  	s28 =	simm.s32 $_size_execute0_lowered;
	s5 =	sadd.s32 s5, s7;
	[dreg:$0x0] =	wrdreg $0x0  }
0xaa: {  	s7 =	sshll.u32 s28, $0x1;
	[dreg:$0x2] =	wrdreg s5  }
0xab: {  	[dreg:$0x3] =	wrdreg s7  }
0xac: {  	[dreg:$0x4] =	wrdreg $0xC0  }
0xad: {  	_ =	task [dreg:s9], $0x5FFFF  }
0xae: {  	[dreg:$0x1] =	wrdreg $0xFFFFFFFF  }
0xaf: {  	[dreg:$0x0] =	wrdreg $0x60  }
0xb0: {  	[dreg:$0x2] =	wrdreg s2  }
0xb1: {  	[dreg:$0x3] =	wrdreg s4  }
0xb2: {  	[dreg:$0x4] =	wrdreg s24  }
0xb3: {  	[dreg:$0x5] =	wrdreg s18  }
0xb4: {  	[dreg:$0x6] =	wrdreg $0x0  }
0xb5: {  	[dreg:$0x7] =	wrdreg $0x9  }
0xb6: {  	_ =	task.clear_ibuf [dreg:s9], $0x8FFFF;
	_ =	strace $0x90000046  }
0xb7: {  	s29 =	simm.s32 $0x9;
	_ =	strace $0x80000048  }
0xb8: {  	_ =	swait.ge [sflag:s29], $0x1  }
0xb9: {  	[sflag:s29] =	ssyncadd.s32 $0xFFFFFFFF  }
0xba: {  	_ =	strace $0x90000048  }
0xbb: {  	_ =	sfence  }
0xbc: {  	s30 =	sld [smem:$0x0];
	_ =	sdelay $0x2  }
0xbd: {  	s31 =	sshll.u32 s1, $0xD;
	s1 =	sshrl.u32 s1, $0x2  }
0xbe: {  	s3 =	sand.u32 $0x4000, s31;
	s1 =	sadd.s32 s1, s30  }
0xbf: {  	s0 =	sor.u32 s3, s0;
	s1 =	sshll.u32 s1, $0x11  }
0xc0: {  	s0 =	sor.u32 s1, s0  }
0xc1: {  	s0 =	sadd.s32 $0x8F2B, s0  }
0xc2: {  	[sflag:s0] =	ssyncadd.remote.s32 $0x1  }
0xc3: {  	_ =	sfence.sel $0xFFFF  }
0xc4: {  	[dreg:$0x0] =	wrdreg $0xFFFFFFFF;
	(pc) =	sbr.abs _section_cstart, $3  }
0xc5: {  	[dreg:$0x1] =	wrdreg $0xFFFFFFFF  }
0xc6: {  	_ =	task.clear_ibuf [dreg:s9], $0x2FFFF;
	_ =	strace $0x9FFFFFFF  }
0xc7: {  	(tm) =	ssettm $0x7FFFFFFF  }
tec
execute0_lowered:
.L_overlay_start_1:
0x0: {  	(tag) =	ssettag $0x1  }
0x1: {  	s0 =	rddreg [dreg:$0x0]  }
0x2: {  	s1 =	rddreg [dreg:$0x1]  }
0x3: {  	s4 =	rddreg [dreg:$0x2];
	s5 =	srdreg.scid  }
0x4: {  	s2 =	rddreg [dreg:$0x3];
	s5 =	sand.u32 $0x1, s5  }
0x5: {  	s3 =	simm.s32 $0x0;
	s14 =	stileid.u32;
	s6 =	sshll.u32 s5, $0x4  }
0x6: {  	[smem:$0x7FF] =	sst s3;
	s8 =	smul.u32 $0x280, s14;
	s6 =	sor.u32 s14, s6  }
0x7: {  	s7 =	sadd.s32 $0x17A00, s4;
	s9 =	sshrl.u32 s6, $0x3;
	s6 =	smul.u32 $0x6000, s6  }
0x8: {  	s10 =	sshll.u32 s14, $0x7;
	s13 =	sadd.s32 $0x2FA00, s4;
	s11 =	smul.u32 $0x2800, s5  }
0x9: {  	s10 =	sand.u32 $0x380, s10;
	s5 =	ssub.s32 $0x2, s5;
	s6 =	sshrl.u32 s6, $0x3  }
0xa: {  	s15 =	sshrl.u32 s5, $0x1;
	s16 =	sor.u32 $0x200, s6;
	s17 =	sadd.s32 s1, s6  }
0xb: {  	s12 =	sshll.u32 s9, $0xA;
	[dreg:$0x6] =	wrdreg s17;
	s18 =	sadd.s32 s1, s16  }
0xc: {  	s9 =	smul.u32 $0x14000, s9;
	s19 =	sadd.s32 s7, s16;
	[dreg:$0x7] =	wrdreg s18  }
0xd: {  	s21 =	sadd.s32 $0x400, s6;
	s20 =	sadd.s32 s13, s16;
	[dreg:$0x8] =	wrdreg s19  }
0xe: {  	s12 =	sor.u32 s10, s12;
	s22 =	sadd.s32 s1, s21;
	[dreg:$0x9] =	wrdreg s20  }
0xf: {  	s9 =	sor.u32 s10, s9;
	s23 =	sadd.s32 s7, s21;
	[dreg:$0xa] =	wrdreg s22  }
0x10: {  	s24 =	sadd.s32 $0x600, s6;
	s10 =	sadd.s32 s13, s21;
	[dreg:$0xb] =	wrdreg s23  }
0x11: {  	s8 =	sadd.s32 s8, s11;
	s25 =	sadd.s32 s1, s24;
	[dreg:$0xc] =	wrdreg s10  }
0x12: {  	s5 =	ssub.s32 s5, s15;
	s15 =	sadd.s32 s7, s24;
	[dreg:$0xd] =	wrdreg s25  }
0x13: {  	s26 =	sadd.s32 $0x800, s6;
	s11 =	sadd.s32 s13, s24;
	[dreg:$0xe] =	wrdreg s15  }
0x14: {  	s16 =	sadd.s32 s7, s26;
	[dreg:$0xf] =	wrdreg s11  }
0x15: {  	s17 =	sadd.s32 s7, s6;
	[dreg:$0x11] =	wrdreg s16  }
0x16: {  	s24 =	sshll.u32 s14, $0x8;
	[dreg:$0x13] =	wrdreg s17  }
0x17: {  	s15 =	sadd.s32 s1, s26;
	s10 =	sadd.s32 s13, s26;
	s20 =	rddreg [dreg:$0x4]  }
0x18: {  	s18 =	sadd.s32 s13, s6;
	s6 =	sadd.s32 $0xA00, s6;
	[dreg:$0x10] =	wrdreg s15  }
0x19: {  	s22 =	sshrl.u32 s12, $0x3;
	s23 =	sshll.u32 s8, $0x4;
	[dreg:$0x12] =	wrdreg s10  }
0x1a: {  	s25 =	sshrl.u32 s9, $0x3;
	[dreg:$0x14] =	wrdreg s18;
	s1 =	sadd.s32 s1, s6  }
0x1b: {  	s26 =	sadd.s32 $0x3000, s4;
	s19 =	sadd.s32 s7, s6;
	[dreg:$0x15] =	wrdreg s1  }
0x1c: {  	s21 =	sadd.s32 s13, s6;
	s7 =	sadd.s32 s24, s4;
	[dreg:$0x16] =	wrdreg s19  }
0x1d: {  	s6 =	sadd.s32 s23, s4;
	s8 =	sadd.s32 s25, s4;
	[dreg:$0x17] =	wrdreg s21  }
0x1e: {  	s10 =	sadd.s32 $0x2A00, s4;
	_ =	strace $0x80000047;
	[dreg:$0x18] =	wrdreg s26  }
0x1f: {  	s1 =	sadd.s32 s22, s4;
	s4 =	sadd.s32 $0x3400, s4;
	[dreg:$0x19] =	wrdreg s10  }
0x20: {  	s29 =	simm.s32 $0x1AA00;
	s14 =	sadd.s32 $0x51A00, s6;
	[dreg:$0x1a] =	wrdreg s4  }
0x21: {  	s30 =	simm.s32 $0x1AA80;
	s15 =	sadd.s32 $0x51E00, s6;
	[dreg:$0x1e] =	wrdreg s14  }
0x22: {  	s31 =	simm.s32 $0x1AB00;
	s16 =	sadd.s32 $0x52200, s6;
	[dreg:$0x1f] =	wrdreg s15  }
0x23: {  	s28 =	simm.s32 $0x1B980;
	s17 =	sadd.s32 $0x52600, s6;
	[smem:$0x7F4] =	sst s16  }
0x24: {  	s9 =	simm.s32 $0x5;
	s18 =	sadd.s32 $0x52A00, s6;
	[smem:$0x7F5] =	sst s17  }
0x25: {  	s13 =	sadd.s32 $0x16A00, s7;
	s19 =	sadd.s32 $0x52E00, s6;
	[smem:$0x7F6] =	sst s18  }
0x26: {  	s21 =	sadd.s32 $0x53200, s6;
	s22 =	sadd.s32 $0x53600, s6;
	[smem:$0x7F7] =	sst s19  }
0x27: {  	s23 =	sadd.s32 $0x53A00, s6;
	s24 =	sadd.s32 $0x53E00, s6;
	[smem:$0x7F8] =	sst s21  }
0x28: {  	s25 =	sadd.s32 $0x47A00, s8;
	s6 =	simm.s32 $0x1AC80;
	[smem:$0x7F9] =	sst s22  }
0x29: {  	s7 =	simm.s32 $0x1B880;
	s8 =	simm.s32 $0x1B900;
	[smem:$0x7FA] =	sst s23  }
0x2a: {  	s11 =	sadd.s32 $0x2800, s1;
	s12 =	sadd.s32 $0xC800, s1;
	[smem:$0x7FB] =	sst s24  }
0x2b: {  	s1 =	sadd.s32 $0x16800, s1;
	[smem:$0x7FC] =	sst s25;
	s26 =	smax.u32 s5, $0x1  }
0x2c: {  	s14 =	simm.s32 $0x1A880;
	s15 =	simm.s32 $0x1BA00;
	s16 =	simm.s32 $0x6  }
0x2d: {  	s18 =	simm.s32 $0x14000;
	s19 =	simm.s32 $0x4;
	s21 =	simm.s32 $0x40  }
0x2e: {  	s25 =	simm.s32 $0x1A900;
	s17 =	simm.s32 $0x1AB80;
	[dreg:$0x1b] =	wrdreg s11  }
0x2f: {  	s4 =	simm.s32 $0x1AC00;
	s5 =	simm.s32 $0x1AD00;
	[dreg:$0x1c] =	wrdreg s12  }
0x30: {  	s22 =	simm.s32 $0x1;
	s10 =	simm.s32 $0x1DA00;
	[dreg:$0x1d] =	wrdreg s1  }
0x31: {  	s23 =	simm.s32 $0x18880;
	[smem:$0x7FD] =	sst s26;
	s26 =	simm.s32 $0x1A980  }
0x32: {  	s1 =	simm.s32 $0x2;
	s11 =	simm.s32 $0x3;
	s12 =	simm.s32 $0x0  }
.LBB2_1:
0x33: {  	[tilespmem:s14], [sflag:$0x4] =	stream.linear.gather [hbm4b:s13+s3], $0x500, $0x38;
	[tilespmem:$0x1FA00] =	vst v63  }
0x34: {  	s24 =	smov.u32 s13;
	s13 =	rddreg [dreg:$0x18]  }
0x35: {  	[tilespmem:s15], [sflag:$0x6] =	stream.linear.gather [hbm4b:s13+s3], $0x2000, $0x38;
	[tilespmem:$0x1FA00] =	vst v63  }
0x36: {  	_ =	swait.ge [sflag:s16], $0x2000  }
0x37: {  	[sflag:s16] =	ssyncset.done $0x0  }
0x38: {  	s13 =	rddreg [dreg:$0x19];
	[sflag:s16] =	ssyncadd.s32 $0xFFFFE000  }
0x39: {  	[tilespmem:s18], [sflag:$0x6] =	stream.linear.gather [hbm4b:s13+s3], $0x2800, $0x38;
	[tilespmem:$0x1FA00] =	vst v63  }
0x3a: {  	_ =	swait.ge [sflag:s16], $0x2800  }
0x3b: {  	[sflag:s16] =	ssyncset.done $0x0  }
0x3c: {  	[sflag:s16] =	ssyncadd.s32 $0xFFFFD800  }
0x3d: {  	_ =	swait.ge [sflag:s19], $0x500  }
0x3e: {  	[sflag:s19] =	ssyncset.done $0x0  }
0x3f: {  	[sflag:s19] =	ssyncadd.s32 $0xFFFFFB00  }
0x40: {  	[spmem:s20] =	stream.indirect.scatter [tilespmem:s15], [sflag:$0x2], $0x80, s14, s21, $0xb8;
	[tilespmem:$0x1FA00] =	vst v63  }
0x41: {  	_ = 	snop  }
0x42: {  	[spmem:s20] =	stream.indirect.scatter [tilespmem:s15], [sflag:$0x2], $0x80, s25, s21, $0xb8;
	[tilespmem:$0x1FA00] =	vst v63  }
0x43: {  	_ = 	snop  }
0x44: {  	[spmem:s20] =	stream.indirect.scatter [tilespmem:s15], [sflag:$0x2], $0x80, s26, s21, $0xb8;
	[tilespmem:$0x1FA00] =	vst v63  }
0x45: {  	_ = 	snop  }
0x46: {  	[spmem:s20] =	stream.indirect.scatter [tilespmem:s15], [sflag:$0x2], $0x80, s29, s21, $0xb8;
	[tilespmem:$0x1FA00] =	vst v63  }
0x47: {  	_ = 	snop  }
0x48: {  	[spmem:s20] =	stream.indirect.scatter [tilespmem:s15], [sflag:$0x2], $0x80, s30, s21, $0xb8;
	[tilespmem:$0x1FA00] =	vst v63  }
0x49: {  	_ = 	snop  }
0x4a: {  	[spmem:s20] =	stream.indirect.scatter [tilespmem:s15], [sflag:$0x2], $0x80, s31, s21, $0xb8;
	[tilespmem:$0x1FA00] =	vst v63  }
0x4b: {  	_ = 	snop  }
0x4c: {  	[spmem:s20] =	stream.indirect.scatter [tilespmem:s15], [sflag:$0x2], $0x80, s17, s21, $0xb8;
	[tilespmem:$0x1FA00] =	vst v63  }
0x4d: {  	_ = 	snop  }
0x4e: {  	[spmem:s20] =	stream.indirect.scatter [tilespmem:s15], [sflag:$0x2], $0x80, s4, s21, $0xb8;
	[tilespmem:$0x1FA00] =	vst v63  }
0x4f: {  	_ = 	snop  }
0x50: {  	[spmem:s20] =	stream.indirect.scatter [tilespmem:s15], [sflag:$0x2], $0x80, s6, s21, $0xb8;
	[tilespmem:$0x1FA00] =	vst v63  }
0x51: {  	_ = 	snop  }
0x52: {  	[spmem:s20] =	stream.indirect.scatter [tilespmem:s15], [sflag:$0x2], $0x80, s5, s21, $0xb8;
	[tilespmem:$0x1FA00] =	vst v63  }
0x53: {  	_ =	swait.ge [sflag:s1], $0x2000  }
0x54: {  	[sflag:s1] =	ssyncset.done $0x0  }
0x55: {  	[sflag:s1] =	ssyncadd.s32 $0xFFFFE000  }
0x56: {  	_ =	swait.ge [sflag:s1], $0x2000  }
0x57: {  	[sflag:s1] =	ssyncset.done $0x0  }
0x58: {  	[sflag:s1] =	ssyncadd.s32 $0xFFFFE000  }
0x59: {  	_ =	swait.ge [sflag:s1], $0x2000  }
0x5a: {  	[sflag:s1] =	ssyncset.done $0x0  }
0x5b: {  	[sflag:s1] =	ssyncadd.s32 $0xFFFFE000  }
0x5c: {  	_ =	swait.ge [sflag:s1], $0x2000  }
0x5d: {  	[sflag:s1] =	ssyncset.done $0x0  }
0x5e: {  	[sflag:s1] =	ssyncadd.s32 $0xFFFFE000  }
0x5f: {  	_ =	swait.ge [sflag:s1], $0x2000  }
0x60: {  	[sflag:s1] =	ssyncset.done $0x0  }
0x61: {  	[sflag:s1] =	ssyncadd.s32 $0xFFFFE000  }
0x62: {  	_ =	swait.ge [sflag:s1], $0x2000  }
0x63: {  	[sflag:s1] =	ssyncset.done $0x0  }
0x64: {  	[sflag:s1] =	ssyncadd.s32 $0xFFFFE000  }
0x65: {  	_ =	swait.ge [sflag:s1], $0x2000  }
0x66: {  	[sflag:s1] =	ssyncset.done $0x0  }
0x67: {  	[sflag:s1] =	ssyncadd.s32 $0xFFFFE000  }
0x68: {  	_ =	swait.ge [sflag:s1], $0x2000  }
0x69: {  	[sflag:s1] =	ssyncset.done $0x0  }
0x6a: {  	[sflag:s1] =	ssyncadd.s32 $0xFFFFE000  }
0x6b: {  	_ =	swait.ge [sflag:s1], $0x2000  }
0x6c: {  	[sflag:s1] =	ssyncset.done $0x0  }
0x6d: {  	[sflag:s1] =	ssyncadd.s32 $0xFFFFE000  }
0x6e: {  	_ =	swait.ge [sflag:s1], $0x2000  }
0x6f: {  	[sflag:s1] =	ssyncset.done $0x0  }
0x70: {  	s6 =	rddreg [dreg:$0x1b];
	[sflag:s1] =	ssyncadd.s32 $0xFFFFE000  }
0x71: {  	[tilespmem:s28], [sflag:$0x6] =	stream.linear.gather [hbm4b:s6+s3], $0x80, $0x38;
	[tilespmem:$0x1FA00] =	vst v63  }
0x72: {  	_ =	swait.ge [sflag:s16], $0x80  }
0x73: {  	[sflag:s16] =	ssyncset.done $0x0  }
0x74: {  	s17 =	rddreg [dreg:$0x1c];
	[sflag:s16] =	ssyncadd.s32 $0xFFFFFF80  }
0x75: {  	[tilespmem:s7], [sflag:$0x6] =	stream.linear.gather [hbm4b:s17+s3], $0x80, $0x38;
	[tilespmem:$0x1FA00] =	vst v63  }
0x76: {  	_ =	swait.ge [sflag:s16], $0x80  }
0x77: {  	[sflag:s16] =	ssyncset.done $0x0  }
0x78: {  	s25 =	rddreg [dreg:$0x1d];
	[sflag:s16] =	ssyncadd.s32 $0xFFFFFF80  }
0x79: {  	[tilespmem:s8], [sflag:$0x6] =	stream.linear.gather [hbm4b:s25+s3], $0x80, $0x38;
	[tilespmem:$0x1FA00] =	vst v63  }
0x7a: {  	_ =	swait.ge [sflag:s16], $0x80  }
0x7b: {  	[sflag:s16] =	ssyncset.done $0x0  }
0x7c: {  	s28 =	simm.s32 $0x18800;
	s26 =	rddreg [dreg:$0x1a];
	[sflag:s16] =	ssyncadd.s32 $0xFFFFFF80  }
0x7d: {  	[tilespmem:s28], [sflag:$0x6] =	stream.linear.gather [hbm4b:s26+s3], $0x80, $0x38;
	[tilespmem:$0x1FA00] =	vst v63  }
0x7e: {  	_ =	swait.ge [sflag:s16], $0x80  }
0x7f: {  	[sflag:s16] =	ssyncset.done $0x0  }
0x80: {  	[sflag:s16] =	ssyncadd.s32 $0xFFFFFF80  }
0x81: {  	[bflag:$0x0] =	sbarrier.arrive $0xFFFF  }
0x82: {  	s29 =	rddreg [dreg:$0x6]  }
0x83: {  	v0 =	vld [tilespmem:$0x18800];
	[tilespmem:s14], [sflag:$0x4] =	stream.linear.gather [hbm4b:s29+s3], $0xD00, $0x38  }
0x84: {  	s7 =	simm.s32 $0x16800;
	s30 =	rddreg [dreg:$0x13]  }
0x85: {  	[tilespmem:s7], [sflag:$0x5] =	stream.linear.gather [hbm4b:s30+s3], $0xD00, $0x38;
	[tilespmem:$0x1FA00] =	vst v63  }
0x86: {  	s8 =	simm.s32 $0x17800;
	s31 =	rddreg [dreg:$0x14]  }
0x87: {  	[tilespmem:s8], [sflag:$0x1] =	stream.linear.gather [hbm4b:s31+s3], $0xD00, $0x38;
	[tilespmem:$0x1FA00] =	vst v63  }
0x88: {  	_ =	swait.ge [sflag:s19], $0xD00  }
0x89: {  	[sflag:s19] =	ssyncset.done $0x0  }
0x8a: {  	[sflag:s19] =	ssyncadd.s32 $0xFFFFF300  }
0x8b: {  	_ =	swait.ge [sflag:s9], $0xD00  }
0x8c: {  	[sflag:s9] =	ssyncset.done $0x0  }
0x8d: {  	[sflag:s9] =	ssyncadd.s32 $0xFFFFF300  }
0x8e: {  	_ =	swait.ge [sflag:s22], $0xD00  }
0x8f: {  	s4 =	simm.s32 $0x1B980;
	s5 =	simm.s32 $0x1B880;
	[sflag:s22] =	ssyncset.done $0x0  }
0x90: {  	s6 =	simm.s32 $0x1B900;
	s25 =	simm.s32 $0x0;
	[sflag:s22] =	ssyncadd.s32 $0xFFFFF300  }
.LBB2_2:
0x91: {  	s13 =	sshra.s32 s25, $0x2  }
0x92: {  	s26 =	sadd.s32 $0x1A880, s13  }
0x93: {  	[tilespmem:s15], [sflag:$0x4] =	stream.indirect.gather [hbm4b:s0+s21], $0x80, s26, s21, $0xb8;
	[tilespmem:$0x1FA00] =	vst v63  }
0x94: {  	s17 =	sadd.s32 $0x1A900, s13  }
0x95: {  	[tilespmem:s10], [sflag:$0x5] =	stream.indirect.gather [hbm4b:s0+s21], $0x80, s17, s21, $0xb8;
	[tilespmem:$0x1FA00] =	vst v63  }
0x96: {  	s28 =	sadd.s32 $0x17800, s13  }
0x97: {  	[tilespmem:s23], [sflag:$0x1] =	stream.indirect.gather [hbm4b:s2+s21], $0x80, s28, s21, $0xb8;
	[tilespmem:$0x1FA00] =	vst v63  }
0x98: {  	_ =	swait.ge [sflag:s19], $0x2000  }
0x99: {  	[sflag:s19] =	ssyncset.done $0x0  }
0x9a: {  	s29 =	sadd.s32 $0x16800, s13;
	[sflag:s19] =	ssyncadd.s32 $0xFFFFE000  }
0x9b: {  	[spmem:s20] =	stream.indirect.scatter.add.f32 [tilespmem:s15], [sflag:$0x3], $0x80, s29, s21, $0xb8;
	[tilespmem:$0x1FA00] =	vst v63  }
0x9c: {  	_ =	swait.ge [sflag:s22], $0x2000  }
0x9d: {  	[sflag:s22] =	ssyncset.done $0x0  }
0x9e: {  	[sflag:s22] =	ssyncadd.s32 $0xFFFFE000  }
0x9f: {  	[spmem:s20] =	stream.indirect.scatter.add.f32 [tilespmem:s23], [sflag:$0x2], $0x80, s29, s21, $0xb8;
	[tilespmem:$0x1FA00] =	vst v63  }
0xa0: {  	v1 =	vld [tilespmem:s13+$0x16800];
	_ =	sdelay $0x7  }
0xa1: {  	[tilespmem:v1+s18+$0x0] =	vst.idx.add.f32.msk $0xffff, v0  }
0xa2: {  	v1 =	vld [tilespmem:s13+$0x16810];
	_ =	sdelay $0x7  }
0xa3: {  	[tilespmem:v1+s18+$0x0] =	vst.idx.add.f32.msk $0xffff, v0  }
0xa4: {  	v1 =	vld [tilespmem:s13+$0x16820];
	_ =	sdelay $0x7  }
0xa5: {  	[tilespmem:v1+s18+$0x0] =	vst.idx.add.f32.msk $0xffff, v0  }
0xa6: {  	v1 =	vld [tilespmem:s13+$0x16830];
	_ =	sdelay $0x7  }
0xa7: {  	[tilespmem:v1+s18+$0x0] =	vst.idx.add.f32.msk $0xffff, v0  }
0xa8: {  	_ =	swait.ge [sflag:s11], $0x2000  }
0xa9: {  	[sflag:s11] =	ssyncset.done $0x0  }
0xaa: {  	s30 =	sadd.s32 $0x17880, s13;
	[sflag:s11] =	ssyncadd.s32 $0xFFFFE000  }
0xab: {  	[tilespmem:s15], [sflag:$0x1] =	stream.indirect.gather [hbm4b:s2+s21], $0x80, s30, s21, $0xb8;
	[tilespmem:$0x1FA00] =	vst v63  }
0xac: {  	_ =	swait.ge [sflag:s9], $0x2000  }
0xad: {  	[sflag:s9] =	ssyncset.done $0x0  }
0xae: {  	s31 =	sadd.s32 $0x16880, s13;
	[sflag:s9] =	ssyncadd.s32 $0xFFFFE000  }
0xaf: {  	[spmem:s20] =	stream.indirect.scatter.add.f32 [tilespmem:s10], [sflag:$0x2], $0x80, s31, s21, $0xb8;
	[tilespmem:$0x1FA00] =	vst v63  }
0xb0: {  	_ =	swait.ge [sflag:s22], $0x2000  }
0xb1: {  	[sflag:s22] =	ssyncset.done $0x0  }
0xb2: {  	[sflag:s22] =	ssyncadd.s32 $0xFFFFE000  }
0xb3: {  	[spmem:s20] =	stream.indirect.scatter.add.f32 [tilespmem:s15], [sflag:$0x2], $0x80, s31, s21, $0xb8;
	[tilespmem:$0x1FA00] =	vst v63  }
0xb4: {  	v1 =	vld [tilespmem:s13+$0x16880];
	_ =	sdelay $0x7  }
0xb5: {  	[tilespmem:v1+s18+$0x0] =	vst.idx.add.f32.msk $0xffff, v0  }
0xb6: {  	v1 =	vld [tilespmem:s13+$0x16890];
	_ =	sdelay $0x7  }
0xb7: {  	[tilespmem:v1+s18+$0x0] =	vst.idx.add.f32.msk $0xffff, v0  }
0xb8: {  	v1 =	vld [tilespmem:s13+$0x168A0];
	_ =	sdelay $0x7  }
0xb9: {  	[tilespmem:v1+s18+$0x0] =	vst.idx.add.f32.msk $0xffff, v0  }
0xba: {  	v1 =	vld [tilespmem:s13+$0x168B0];
	_ =	sdelay $0x7  }
0xbb: {  	[tilespmem:v1+s18+$0x0] =	vst.idx.add.f32.msk $0xffff, v0  }
0xbc: {  	_ =	swait.ge [sflag:s1], $0x2000  }
0xbd: {  	[sflag:s1] =	ssyncset.done $0x0  }
0xbe: {  	[sflag:s1] =	ssyncadd.s32 $0xFFFFE000  }
0xbf: {  	p0 =	sne.s32 s25, $0x3000;
	_ =	swait.ge [sflag:s1], $0x2000  }
.Ltmp0:
0xc0: {  	[sflag:s1] =	ssyncset.done $0x0;
	(pc) =	sbr.rel @p0 .LBB2_2-.Ltmp0, $4  }
0xc1: {  	[sflag:s1] =	ssyncadd.s32 $0xFFFFE000  }
0xc2: {  	_ =	swait.ge [sflag:s1], $0x2000  }
0xc3: {  	[sflag:s1] =	ssyncset.done $0x0  }
0xc4: {  	s25 =	sadd.s32 $0x400, s25;
	[sflag:s1] =	ssyncadd.s32 $0xFFFFE000  }
0xc5: {  	s25 =	simm.s32 $0x0;
	s13 =	rddreg [dreg:$0x7]  }
0xc6: {  	[tilespmem:s14], [sflag:$0x4] =	stream.linear.gather [hbm4b:s13+s25], $0xD00, $0x38;
	[tilespmem:$0x1FA00] =	vst v63  }
0xc7: {  	s30 =	rddreg [dreg:$0x8]  }
0xc8: {  	[tilespmem:s7], [sflag:$0x5] =	stream.linear.gather [hbm4b:s30+s25], $0xD00, $0x38;
	[tilespmem:$0x1FA00] =	vst v63  }
0xc9: {  	s31 =	rddreg [dreg:$0x9]  }
0xca: {  	[tilespmem:s8], [sflag:$0x1] =	stream.linear.gather [hbm4b:s31+s25], $0xD00, $0x38;
	[tilespmem:$0x1FA00] =	vst v63  }
0xcb: {  	_ =	swait.ge [sflag:s19], $0xD00  }
0xcc: {  	[sflag:s19] =	ssyncset.done $0x0  }
0xcd: {  	[sflag:s19] =	ssyncadd.s32 $0xFFFFF300  }
0xce: {  	_ =	swait.ge [sflag:s9], $0xD00  }
0xcf: {  	[sflag:s9] =	ssyncset.done $0x0  }
0xd0: {  	[sflag:s9] =	ssyncadd.s32 $0xFFFFF300  }
0xd1: {  	_ =	swait.ge [sflag:s22], $0xD00  }
0xd2: {  	[sflag:s22] =	ssyncset.done $0x0  }
0xd3: {  	[sflag:s22] =	ssyncadd.s32 $0xFFFFF300  }
.LBB2_4:
0xd4: {  	s13 =	sshra.s32 s25, $0x2  }
0xd5: {  	s26 =	sadd.s32 $0x1A880, s13  }
0xd6: {  	[tilespmem:s15], [sflag:$0x4] =	stream.indirect.gather [hbm4b:s0+s21], $0x80, s26, s21, $0xb8;
	[tilespmem:$0x1FA00] =	vst v63  }
0xd7: {  	s17 =	sadd.s32 $0x1A900, s13  }
0xd8: {  	[tilespmem:s10], [sflag:$0x5] =	stream.indirect.gather [hbm4b:s0+s21], $0x80, s17, s21, $0xb8;
	[tilespmem:$0x1FA00] =	vst v63  }
0xd9: {  	s28 =	sadd.s32 $0x17800, s13  }
0xda: {  	[tilespmem:s23], [sflag:$0x1] =	stream.indirect.gather [hbm4b:s2+s21], $0x80, s28, s21, $0xb8;
	[tilespmem:$0x1FA00] =	vst v63  }
0xdb: {  	_ =	swait.ge [sflag:s19], $0x2000  }
0xdc: {  	[sflag:s19] =	ssyncset.done $0x0  }
0xdd: {  	s29 =	sadd.s32 $0x16800, s13;
	[sflag:s19] =	ssyncadd.s32 $0xFFFFE000  }
0xde: {  	[spmem:s20] =	stream.indirect.scatter.add.f32 [tilespmem:s15], [sflag:$0x3], $0x80, s29, s21, $0xb8;
	[tilespmem:$0x1FA00] =	vst v63  }
0xdf: {  	_ =	swait.ge [sflag:s22], $0x2000  }
0xe0: {  	[sflag:s22] =	ssyncset.done $0x0  }
0xe1: {  	[sflag:s22] =	ssyncadd.s32 $0xFFFFE000  }
0xe2: {  	[spmem:s20] =	stream.indirect.scatter.add.f32 [tilespmem:s23], [sflag:$0x2], $0x80, s29, s21, $0xb8;
	[tilespmem:$0x1FA00] =	vst v63  }
0xe3: {  	v1 =	vld [tilespmem:s13+$0x16800];
	_ =	sdelay $0x7  }
0xe4: {  	[tilespmem:v1+s18+$0x0] =	vst.idx.add.f32.msk $0xffff, v0  }
0xe5: {  	v1 =	vld [tilespmem:s13+$0x16810];
	_ =	sdelay $0x7  }
0xe6: {  	[tilespmem:v1+s18+$0x0] =	vst.idx.add.f32.msk $0xffff, v0  }
0xe7: {  	v1 =	vld [tilespmem:s13+$0x16820];
	_ =	sdelay $0x7  }
0xe8: {  	[tilespmem:v1+s18+$0x0] =	vst.idx.add.f32.msk $0xffff, v0  }
0xe9: {  	v1 =	vld [tilespmem:s13+$0x16830];
	_ =	sdelay $0x7  }
0xea: {  	[tilespmem:v1+s18+$0x0] =	vst.idx.add.f32.msk $0xffff, v0  }
0xeb: {  	_ =	swait.ge [sflag:s11], $0x2000  }
0xec: {  	[sflag:s11] =	ssyncset.done $0x0  }
0xed: {  	s30 =	sadd.s32 $0x17880, s13;
	[sflag:s11] =	ssyncadd.s32 $0xFFFFE000  }
0xee: {  	[tilespmem:s15], [sflag:$0x1] =	stream.indirect.gather [hbm4b:s2+s21], $0x80, s30, s21, $0xb8;
	[tilespmem:$0x1FA00] =	vst v63  }
0xef: {  	_ =	swait.ge [sflag:s9], $0x2000  }
0xf0: {  	[sflag:s9] =	ssyncset.done $0x0  }
0xf1: {  	s31 =	sadd.s32 $0x16880, s13;
	[sflag:s9] =	ssyncadd.s32 $0xFFFFE000  }
0xf2: {  	[spmem:s20] =	stream.indirect.scatter.add.f32 [tilespmem:s10], [sflag:$0x2], $0x80, s31, s21, $0xb8;
	[tilespmem:$0x1FA00] =	vst v63  }
0xf3: {  	_ =	swait.ge [sflag:s22], $0x2000  }
0xf4: {  	[sflag:s22] =	ssyncset.done $0x0  }
0xf5: {  	[sflag:s22] =	ssyncadd.s32 $0xFFFFE000  }
0xf6: {  	[spmem:s20] =	stream.indirect.scatter.add.f32 [tilespmem:s15], [sflag:$0x2], $0x80, s31, s21, $0xb8;
	[tilespmem:$0x1FA00] =	vst v63  }
0xf7: {  	v1 =	vld [tilespmem:s13+$0x16880];
	_ =	sdelay $0x7  }
0xf8: {  	[tilespmem:v1+s18+$0x0] =	vst.idx.add.f32.msk $0xffff, v0  }
0xf9: {  	v1 =	vld [tilespmem:s13+$0x16890];
	_ =	sdelay $0x7  }
0xfa: {  	[tilespmem:v1+s18+$0x0] =	vst.idx.add.f32.msk $0xffff, v0  }
0xfb: {  	v1 =	vld [tilespmem:s13+$0x168A0];
	_ =	sdelay $0x7  }
0xfc: {  	[tilespmem:v1+s18+$0x0] =	vst.idx.add.f32.msk $0xffff, v0  }
0xfd: {  	v1 =	vld [tilespmem:s13+$0x168B0];
	_ =	sdelay $0x7  }
0xfe: {  	[tilespmem:v1+s18+$0x0] =	vst.idx.add.f32.msk $0xffff, v0  }
0xff: {  	_ =	swait.ge [sflag:s1], $0x2000  }
0x100: {  	[sflag:s1] =	ssyncset.done $0x0  }
0x101: {  	[sflag:s1] =	ssyncadd.s32 $0xFFFFE000  }
0x102: {  	p0 =	sne.s32 s25, $0x3000;
	_ =	swait.ge [sflag:s1], $0x2000  }
.Ltmp1:
0x103: {  	[sflag:s1] =	ssyncset.done $0x0;
	(pc) =	sbr.rel @p0 .LBB2_4-.Ltmp1, $4  }
0x104: {  	[sflag:s1] =	ssyncadd.s32 $0xFFFFE000  }
0x105: {  	_ =	swait.ge [sflag:s1], $0x2000  }
0x106: {  	[sflag:s1] =	ssyncset.done $0x0  }
0x107: {  	s25 =	sadd.s32 $0x400, s25;
	[sflag:s1] =	ssyncadd.s32 $0xFFFFE000  }
0x108: {  	s25 =	simm.s32 $0x0;
	s13 =	rddreg [dreg:$0xa]  }
0x109: {  	[tilespmem:s14], [sflag:$0x4] =	stream.linear.gather [hbm4b:s13+s25], $0xD00, $0x38;
	[tilespmem:$0x1FA00] =	vst v63  }
0x10a: {  	s30 =	rddreg [dreg:$0xb]  }
0x10b: {  	[tilespmem:s7], [sflag:$0x5] =	stream.linear.gather [hbm4b:s30+s25], $0xD00, $0x38;
	[tilespmem:$0x1FA00] =	vst v63  }
0x10c: {  	s31 =	rddreg [dreg:$0xc]  }
0x10d: {  	[tilespmem:s8], [sflag:$0x1] =	stream.linear.gather [hbm4b:s31+s25], $0xD00, $0x38;
	[tilespmem:$0x1FA00] =	vst v63  }
0x10e: {  	_ =	swait.ge [sflag:s19], $0xD00  }
0x10f: {  	[sflag:s19] =	ssyncset.done $0x0  }
0x110: {  	[sflag:s19] =	ssyncadd.s32 $0xFFFFF300  }
0x111: {  	_ =	swait.ge [sflag:s9], $0xD00  }
0x112: {  	[sflag:s9] =	ssyncset.done $0x0  }
0x113: {  	[sflag:s9] =	ssyncadd.s32 $0xFFFFF300  }
0x114: {  	_ =	swait.ge [sflag:s22], $0xD00  }
0x115: {  	[sflag:s22] =	ssyncset.done $0x0  }
0x116: {  	[sflag:s22] =	ssyncadd.s32 $0xFFFFF300  }
.LBB2_6:
0x117: {  	s13 =	sshra.s32 s25, $0x2  }
0x118: {  	s26 =	sadd.s32 $0x1A880, s13  }
0x119: {  	[tilespmem:s15], [sflag:$0x4] =	stream.indirect.gather [hbm4b:s0+s21], $0x80, s26, s21, $0xb8;
	[tilespmem:$0x1FA00] =	vst v63  }
0x11a: {  	s17 =	sadd.s32 $0x1A900, s13  }
0x11b: {  	[tilespmem:s10], [sflag:$0x5] =	stream.indirect.gather [hbm4b:s0+s21], $0x80, s17, s21, $0xb8;
	[tilespmem:$0x1FA00] =	vst v63  }
0x11c: {  	s28 =	sadd.s32 $0x17800, s13  }
0x11d: {  	[tilespmem:s23], [sflag:$0x1] =	stream.indirect.gather [hbm4b:s2+s21], $0x80, s28, s21, $0xb8;
	[tilespmem:$0x1FA00] =	vst v63  }
0x11e: {  	_ =	swait.ge [sflag:s19], $0x2000  }
0x11f: {  	[sflag:s19] =	ssyncset.done $0x0  }
0x120: {  	s29 =	sadd.s32 $0x16800, s13;
	[sflag:s19] =	ssyncadd.s32 $0xFFFFE000  }
0x121: {  	[spmem:s20] =	stream.indirect.scatter.add.f32 [tilespmem:s15], [sflag:$0x3], $0x80, s29, s21, $0xb8;
	[tilespmem:$0x1FA00] =	vst v63  }
0x122: {  	_ =	swait.ge [sflag:s22], $0x2000  }
0x123: {  	[sflag:s22] =	ssyncset.done $0x0  }
0x124: {  	[sflag:s22] =	ssyncadd.s32 $0xFFFFE000  }
0x125: {  	[spmem:s20] =	stream.indirect.scatter.add.f32 [tilespmem:s23], [sflag:$0x2], $0x80, s29, s21, $0xb8;
	[tilespmem:$0x1FA00] =	vst v63  }
0x126: {  	v1 =	vld [tilespmem:s13+$0x16800];
	_ =	sdelay $0x7  }
0x127: {  	[tilespmem:v1+s18+$0x0] =	vst.idx.add.f32.msk $0xffff, v0  }
0x128: {  	v1 =	vld [tilespmem:s13+$0x16810];
	_ =	sdelay $0x7  }
0x129: {  	[tilespmem:v1+s18+$0x0] =	vst.idx.add.f32.msk $0xffff, v0  }
0x12a: {  	v1 =	vld [tilespmem:s13+$0x16820];
	_ =	sdelay $0x7  }
0x12b: {  	[tilespmem:v1+s18+$0x0] =	vst.idx.add.f32.msk $0xffff, v0  }
0x12c: {  	v1 =	vld [tilespmem:s13+$0x16830];
	_ =	sdelay $0x7  }
0x12d: {  	[tilespmem:v1+s18+$0x0] =	vst.idx.add.f32.msk $0xffff, v0  }
0x12e: {  	_ =	swait.ge [sflag:s11], $0x2000  }
0x12f: {  	[sflag:s11] =	ssyncset.done $0x0  }
0x130: {  	s30 =	sadd.s32 $0x17880, s13;
	[sflag:s11] =	ssyncadd.s32 $0xFFFFE000  }
0x131: {  	[tilespmem:s15], [sflag:$0x1] =	stream.indirect.gather [hbm4b:s2+s21], $0x80, s30, s21, $0xb8;
	[tilespmem:$0x1FA00] =	vst v63  }
0x132: {  	_ =	swait.ge [sflag:s9], $0x2000  }
0x133: {  	[sflag:s9] =	ssyncset.done $0x0  }
0x134: {  	s31 =	sadd.s32 $0x16880, s13;
	[sflag:s9] =	ssyncadd.s32 $0xFFFFE000  }
0x135: {  	[spmem:s20] =	stream.indirect.scatter.add.f32 [tilespmem:s10], [sflag:$0x2], $0x80, s31, s21, $0xb8;
	[tilespmem:$0x1FA00] =	vst v63  }
0x136: {  	_ =	swait.ge [sflag:s22], $0x2000  }
0x137: {  	[sflag:s22] =	ssyncset.done $0x0  }
0x138: {  	[sflag:s22] =	ssyncadd.s32 $0xFFFFE000  }
0x139: {  	[spmem:s20] =	stream.indirect.scatter.add.f32 [tilespmem:s15], [sflag:$0x2], $0x80, s31, s21, $0xb8;
	[tilespmem:$0x1FA00] =	vst v63  }
0x13a: {  	v1 =	vld [tilespmem:s13+$0x16880];
	_ =	sdelay $0x7  }
0x13b: {  	[tilespmem:v1+s18+$0x0] =	vst.idx.add.f32.msk $0xffff, v0  }
0x13c: {  	v1 =	vld [tilespmem:s13+$0x16890];
	_ =	sdelay $0x7  }
0x13d: {  	[tilespmem:v1+s18+$0x0] =	vst.idx.add.f32.msk $0xffff, v0  }
0x13e: {  	v1 =	vld [tilespmem:s13+$0x168A0];
	_ =	sdelay $0x7  }
0x13f: {  	[tilespmem:v1+s18+$0x0] =	vst.idx.add.f32.msk $0xffff, v0  }
0x140: {  	v1 =	vld [tilespmem:s13+$0x168B0];
	_ =	sdelay $0x7  }
0x141: {  	[tilespmem:v1+s18+$0x0] =	vst.idx.add.f32.msk $0xffff, v0  }
0x142: {  	_ =	swait.ge [sflag:s1], $0x2000  }
0x143: {  	[sflag:s1] =	ssyncset.done $0x0  }
0x144: {  	[sflag:s1] =	ssyncadd.s32 $0xFFFFE000  }
0x145: {  	p0 =	sne.s32 s25, $0x3000;
	_ =	swait.ge [sflag:s1], $0x2000  }
.Ltmp2:
0x146: {  	[sflag:s1] =	ssyncset.done $0x0;
	(pc) =	sbr.rel @p0 .LBB2_6-.Ltmp2, $4  }
0x147: {  	[sflag:s1] =	ssyncadd.s32 $0xFFFFE000  }
0x148: {  	_ =	swait.ge [sflag:s1], $0x2000  }
0x149: {  	[sflag:s1] =	ssyncset.done $0x0  }
0x14a: {  	s25 =	sadd.s32 $0x400, s25;
	[sflag:s1] =	ssyncadd.s32 $0xFFFFE000  }
0x14b: {  	s25 =	simm.s32 $0x0;
	s13 =	rddreg [dreg:$0xd]  }
0x14c: {  	[tilespmem:s14], [sflag:$0x4] =	stream.linear.gather [hbm4b:s13+s25], $0xD00, $0x38;
	[tilespmem:$0x1FA00] =	vst v63  }
0x14d: {  	s30 =	rddreg [dreg:$0xe]  }
0x14e: {  	[tilespmem:s7], [sflag:$0x5] =	stream.linear.gather [hbm4b:s30+s25], $0xD00, $0x38;
	[tilespmem:$0x1FA00] =	vst v63  }
0x14f: {  	s31 =	rddreg [dreg:$0xf]  }
0x150: {  	[tilespmem:s8], [sflag:$0x1] =	stream.linear.gather [hbm4b:s31+s25], $0xD00, $0x38;
	[tilespmem:$0x1FA00] =	vst v63  }
0x151: {  	_ =	swait.ge [sflag:s19], $0xD00  }
0x152: {  	[sflag:s19] =	ssyncset.done $0x0  }
0x153: {  	[sflag:s19] =	ssyncadd.s32 $0xFFFFF300  }
0x154: {  	_ =	swait.ge [sflag:s9], $0xD00  }
0x155: {  	[sflag:s9] =	ssyncset.done $0x0  }
0x156: {  	[sflag:s9] =	ssyncadd.s32 $0xFFFFF300  }
0x157: {  	_ =	swait.ge [sflag:s22], $0xD00  }
0x158: {  	[sflag:s22] =	ssyncset.done $0x0  }
0x159: {  	[sflag:s22] =	ssyncadd.s32 $0xFFFFF300  }
.LBB2_8:
0x15a: {  	s13 =	sshra.s32 s25, $0x2  }
0x15b: {  	s26 =	sadd.s32 $0x1A880, s13  }
0x15c: {  	[tilespmem:s15], [sflag:$0x4] =	stream.indirect.gather [hbm4b:s0+s21], $0x80, s26, s21, $0xb8;
	[tilespmem:$0x1FA00] =	vst v63  }
0x15d: {  	s17 =	sadd.s32 $0x1A900, s13  }
0x15e: {  	[tilespmem:s10], [sflag:$0x5] =	stream.indirect.gather [hbm4b:s0+s21], $0x80, s17, s21, $0xb8;
	[tilespmem:$0x1FA00] =	vst v63  }
0x15f: {  	s28 =	sadd.s32 $0x17800, s13  }
0x160: {  	[tilespmem:s23], [sflag:$0x1] =	stream.indirect.gather [hbm4b:s2+s21], $0x80, s28, s21, $0xb8;
	[tilespmem:$0x1FA00] =	vst v63  }
0x161: {  	_ =	swait.ge [sflag:s19], $0x2000  }
0x162: {  	[sflag:s19] =	ssyncset.done $0x0  }
0x163: {  	s29 =	sadd.s32 $0x16800, s13;
	[sflag:s19] =	ssyncadd.s32 $0xFFFFE000  }
0x164: {  	[spmem:s20] =	stream.indirect.scatter.add.f32 [tilespmem:s15], [sflag:$0x3], $0x80, s29, s21, $0xb8;
	[tilespmem:$0x1FA00] =	vst v63  }
0x165: {  	_ =	swait.ge [sflag:s22], $0x2000  }
0x166: {  	[sflag:s22] =	ssyncset.done $0x0  }
0x167: {  	[sflag:s22] =	ssyncadd.s32 $0xFFFFE000  }
0x168: {  	[spmem:s20] =	stream.indirect.scatter.add.f32 [tilespmem:s23], [sflag:$0x2], $0x80, s29, s21, $0xb8;
	[tilespmem:$0x1FA00] =	vst v63  }
0x169: {  	v1 =	vld [tilespmem:s13+$0x16800];
	_ =	sdelay $0x7  }
0x16a: {  	[tilespmem:v1+s18+$0x0] =	vst.idx.add.f32.msk $0xffff, v0  }
0x16b: {  	v1 =	vld [tilespmem:s13+$0x16810];
	_ =	sdelay $0x7  }
0x16c: {  	[tilespmem:v1+s18+$0x0] =	vst.idx.add.f32.msk $0xffff, v0  }
0x16d: {  	v1 =	vld [tilespmem:s13+$0x16820];
	_ =	sdelay $0x7  }
0x16e: {  	[tilespmem:v1+s18+$0x0] =	vst.idx.add.f32.msk $0xffff, v0  }
0x16f: {  	v1 =	vld [tilespmem:s13+$0x16830];
	_ =	sdelay $0x7  }
0x170: {  	[tilespmem:v1+s18+$0x0] =	vst.idx.add.f32.msk $0xffff, v0  }
0x171: {  	_ =	swait.ge [sflag:s11], $0x2000  }
0x172: {  	[sflag:s11] =	ssyncset.done $0x0  }
0x173: {  	s30 =	sadd.s32 $0x17880, s13;
	[sflag:s11] =	ssyncadd.s32 $0xFFFFE000  }
0x174: {  	[tilespmem:s15], [sflag:$0x1] =	stream.indirect.gather [hbm4b:s2+s21], $0x80, s30, s21, $0xb8;
	[tilespmem:$0x1FA00] =	vst v63  }
0x175: {  	_ =	swait.ge [sflag:s9], $0x2000  }
0x176: {  	[sflag:s9] =	ssyncset.done $0x0  }
0x177: {  	s31 =	sadd.s32 $0x16880, s13;
	[sflag:s9] =	ssyncadd.s32 $0xFFFFE000  }
0x178: {  	[spmem:s20] =	stream.indirect.scatter.add.f32 [tilespmem:s10], [sflag:$0x2], $0x80, s31, s21, $0xb8;
	[tilespmem:$0x1FA00] =	vst v63  }
0x179: {  	_ =	swait.ge [sflag:s22], $0x2000  }
0x17a: {  	[sflag:s22] =	ssyncset.done $0x0  }
0x17b: {  	[sflag:s22] =	ssyncadd.s32 $0xFFFFE000  }
0x17c: {  	[spmem:s20] =	stream.indirect.scatter.add.f32 [tilespmem:s15], [sflag:$0x2], $0x80, s31, s21, $0xb8;
	[tilespmem:$0x1FA00] =	vst v63  }
0x17d: {  	v1 =	vld [tilespmem:s13+$0x16880];
	_ =	sdelay $0x7  }
0x17e: {  	[tilespmem:v1+s18+$0x0] =	vst.idx.add.f32.msk $0xffff, v0  }
0x17f: {  	v1 =	vld [tilespmem:s13+$0x16890];
	_ =	sdelay $0x7  }
0x180: {  	[tilespmem:v1+s18+$0x0] =	vst.idx.add.f32.msk $0xffff, v0  }
0x181: {  	v1 =	vld [tilespmem:s13+$0x168A0];
	_ =	sdelay $0x7  }
0x182: {  	[tilespmem:v1+s18+$0x0] =	vst.idx.add.f32.msk $0xffff, v0  }
0x183: {  	v1 =	vld [tilespmem:s13+$0x168B0];
	_ =	sdelay $0x7  }
0x184: {  	[tilespmem:v1+s18+$0x0] =	vst.idx.add.f32.msk $0xffff, v0  }
0x185: {  	_ =	swait.ge [sflag:s1], $0x2000  }
0x186: {  	[sflag:s1] =	ssyncset.done $0x0  }
0x187: {  	[sflag:s1] =	ssyncadd.s32 $0xFFFFE000  }
0x188: {  	p0 =	sne.s32 s25, $0x3000;
	_ =	swait.ge [sflag:s1], $0x2000  }
.Ltmp3:
0x189: {  	[sflag:s1] =	ssyncset.done $0x0;
	(pc) =	sbr.rel @p0 .LBB2_8-.Ltmp3, $4  }
0x18a: {  	[sflag:s1] =	ssyncadd.s32 $0xFFFFE000  }
0x18b: {  	_ =	swait.ge [sflag:s1], $0x2000  }
0x18c: {  	[sflag:s1] =	ssyncset.done $0x0  }
0x18d: {  	s25 =	sadd.s32 $0x400, s25;
	[sflag:s1] =	ssyncadd.s32 $0xFFFFE000  }
0x18e: {  	s25 =	simm.s32 $0x0;
	s13 =	rddreg [dreg:$0x10]  }
0x18f: {  	[tilespmem:s14], [sflag:$0x4] =	stream.linear.gather [hbm4b:s13+s25], $0xD00, $0x38;
	[tilespmem:$0x1FA00] =	vst v63  }
0x190: {  	s30 =	rddreg [dreg:$0x11]  }
0x191: {  	[tilespmem:s7], [sflag:$0x5] =	stream.linear.gather [hbm4b:s30+s25], $0xD00, $0x38;
	[tilespmem:$0x1FA00] =	vst v63  }
0x192: {  	s31 =	rddreg [dreg:$0x12]  }
0x193: {  	[tilespmem:s8], [sflag:$0x1] =	stream.linear.gather [hbm4b:s31+s25], $0xD00, $0x38;
	[tilespmem:$0x1FA00] =	vst v63  }
0x194: {  	_ =	swait.ge [sflag:s19], $0xD00  }
0x195: {  	[sflag:s19] =	ssyncset.done $0x0  }
0x196: {  	[sflag:s19] =	ssyncadd.s32 $0xFFFFF300  }
0x197: {  	_ =	swait.ge [sflag:s9], $0xD00  }
0x198: {  	[sflag:s9] =	ssyncset.done $0x0  }
0x199: {  	[sflag:s9] =	ssyncadd.s32 $0xFFFFF300  }
0x19a: {  	_ =	swait.ge [sflag:s22], $0xD00  }
0x19b: {  	[sflag:s22] =	ssyncset.done $0x0  }
0x19c: {  	[sflag:s22] =	ssyncadd.s32 $0xFFFFF300  }
.LBB2_10:
0x19d: {  	s13 =	sshra.s32 s25, $0x2  }
0x19e: {  	s26 =	sadd.s32 $0x1A880, s13  }
0x19f: {  	[tilespmem:s15], [sflag:$0x4] =	stream.indirect.gather [hbm4b:s0+s21], $0x80, s26, s21, $0xb8;
	[tilespmem:$0x1FA00] =	vst v63  }
0x1a0: {  	s17 =	sadd.s32 $0x1A900, s13  }
0x1a1: {  	[tilespmem:s10], [sflag:$0x5] =	stream.indirect.gather [hbm4b:s0+s21], $0x80, s17, s21, $0xb8;
	[tilespmem:$0x1FA00] =	vst v63  }
0x1a2: {  	s28 =	sadd.s32 $0x17800, s13  }
0x1a3: {  	[tilespmem:s23], [sflag:$0x1] =	stream.indirect.gather [hbm4b:s2+s21], $0x80, s28, s21, $0xb8;
	[tilespmem:$0x1FA00] =	vst v63  }
0x1a4: {  	_ =	swait.ge [sflag:s19], $0x2000  }
0x1a5: {  	[sflag:s19] =	ssyncset.done $0x0  }
0x1a6: {  	s29 =	sadd.s32 $0x16800, s13;
	[sflag:s19] =	ssyncadd.s32 $0xFFFFE000  }
0x1a7: {  	[spmem:s20] =	stream.indirect.scatter.add.f32 [tilespmem:s15], [sflag:$0x3], $0x80, s29, s21, $0xb8;
	[tilespmem:$0x1FA00] =	vst v63  }
0x1a8: {  	_ =	swait.ge [sflag:s22], $0x2000  }
0x1a9: {  	[sflag:s22] =	ssyncset.done $0x0  }
0x1aa: {  	[sflag:s22] =	ssyncadd.s32 $0xFFFFE000  }
0x1ab: {  	[spmem:s20] =	stream.indirect.scatter.add.f32 [tilespmem:s23], [sflag:$0x2], $0x80, s29, s21, $0xb8;
	[tilespmem:$0x1FA00] =	vst v63  }
0x1ac: {  	v1 =	vld [tilespmem:s13+$0x16800];
	_ =	sdelay $0x7  }
0x1ad: {  	[tilespmem:v1+s18+$0x0] =	vst.idx.add.f32.msk $0xffff, v0  }
0x1ae: {  	v1 =	vld [tilespmem:s13+$0x16810];
	_ =	sdelay $0x7  }
0x1af: {  	[tilespmem:v1+s18+$0x0] =	vst.idx.add.f32.msk $0xffff, v0  }
0x1b0: {  	v1 =	vld [tilespmem:s13+$0x16820];
	_ =	sdelay $0x7  }
0x1b1: {  	[tilespmem:v1+s18+$0x0] =	vst.idx.add.f32.msk $0xffff, v0  }
0x1b2: {  	v1 =	vld [tilespmem:s13+$0x16830];
	_ =	sdelay $0x7  }
0x1b3: {  	[tilespmem:v1+s18+$0x0] =	vst.idx.add.f32.msk $0xffff, v0  }
0x1b4: {  	_ =	swait.ge [sflag:s11], $0x2000  }
0x1b5: {  	[sflag:s11] =	ssyncset.done $0x0  }
0x1b6: {  	s30 =	sadd.s32 $0x17880, s13;
	[sflag:s11] =	ssyncadd.s32 $0xFFFFE000  }
0x1b7: {  	[tilespmem:s15], [sflag:$0x1] =	stream.indirect.gather [hbm4b:s2+s21], $0x80, s30, s21, $0xb8;
	[tilespmem:$0x1FA00] =	vst v63  }
0x1b8: {  	_ =	swait.ge [sflag:s9], $0x2000  }
0x1b9: {  	[sflag:s9] =	ssyncset.done $0x0  }
0x1ba: {  	s31 =	sadd.s32 $0x16880, s13;
	[sflag:s9] =	ssyncadd.s32 $0xFFFFE000  }
0x1bb: {  	[spmem:s20] =	stream.indirect.scatter.add.f32 [tilespmem:s10], [sflag:$0x2], $0x80, s31, s21, $0xb8;
	[tilespmem:$0x1FA00] =	vst v63  }
0x1bc: {  	_ =	swait.ge [sflag:s22], $0x2000  }
0x1bd: {  	[sflag:s22] =	ssyncset.done $0x0  }
0x1be: {  	[sflag:s22] =	ssyncadd.s32 $0xFFFFE000  }
0x1bf: {  	[spmem:s20] =	stream.indirect.scatter.add.f32 [tilespmem:s15], [sflag:$0x2], $0x80, s31, s21, $0xb8;
	[tilespmem:$0x1FA00] =	vst v63  }
0x1c0: {  	v1 =	vld [tilespmem:s13+$0x16880];
	_ =	sdelay $0x7  }
0x1c1: {  	[tilespmem:v1+s18+$0x0] =	vst.idx.add.f32.msk $0xffff, v0  }
0x1c2: {  	v1 =	vld [tilespmem:s13+$0x16890];
	_ =	sdelay $0x7  }
0x1c3: {  	[tilespmem:v1+s18+$0x0] =	vst.idx.add.f32.msk $0xffff, v0  }
0x1c4: {  	v1 =	vld [tilespmem:s13+$0x168A0];
	_ =	sdelay $0x7  }
0x1c5: {  	[tilespmem:v1+s18+$0x0] =	vst.idx.add.f32.msk $0xffff, v0  }
0x1c6: {  	v1 =	vld [tilespmem:s13+$0x168B0];
	_ =	sdelay $0x7  }
0x1c7: {  	[tilespmem:v1+s18+$0x0] =	vst.idx.add.f32.msk $0xffff, v0  }
0x1c8: {  	_ =	swait.ge [sflag:s1], $0x2000  }
0x1c9: {  	[sflag:s1] =	ssyncset.done $0x0  }
0x1ca: {  	[sflag:s1] =	ssyncadd.s32 $0xFFFFE000  }
0x1cb: {  	p0 =	sne.s32 s25, $0x3000;
	_ =	swait.ge [sflag:s1], $0x2000  }
.Ltmp4:
0x1cc: {  	[sflag:s1] =	ssyncset.done $0x0;
	(pc) =	sbr.rel @p0 .LBB2_10-.Ltmp4, $4  }
0x1cd: {  	[sflag:s1] =	ssyncadd.s32 $0xFFFFE000  }
0x1ce: {  	_ =	swait.ge [sflag:s1], $0x2000  }
0x1cf: {  	[sflag:s1] =	ssyncset.done $0x0  }
0x1d0: {  	s25 =	sadd.s32 $0x400, s25;
	[sflag:s1] =	ssyncadd.s32 $0xFFFFE000  }
0x1d1: {  	[smem:$0x7F3] =	sst s12  }
0x1d2: {  	s25 =	simm.s32 $0x0;
	s13 =	rddreg [dreg:$0x15]  }
0x1d3: {  	[tilespmem:s14], [sflag:$0x4] =	stream.linear.gather [hbm4b:s13+s25], $0xD00, $0x38;
	[tilespmem:$0x1FA00] =	vst v63  }
0x1d4: {  	s30 =	rddreg [dreg:$0x16]  }
0x1d5: {  	[tilespmem:s7], [sflag:$0x5] =	stream.linear.gather [hbm4b:s30+s25], $0xD00, $0x38;
	[tilespmem:$0x1FA00] =	vst v63  }
0x1d6: {  	s31 =	rddreg [dreg:$0x17]  }
0x1d7: {  	[tilespmem:s8], [sflag:$0x1] =	stream.linear.gather [hbm4b:s31+s25], $0xD00, $0x38;
	[tilespmem:$0x1FA00] =	vst v63  }
0x1d8: {  	_ =	swait.ge [sflag:s19], $0xD00  }
0x1d9: {  	[sflag:s19] =	ssyncset.done $0x0  }
0x1da: {  	[sflag:s19] =	ssyncadd.s32 $0xFFFFF300  }
0x1db: {  	_ =	swait.ge [sflag:s9], $0xD00  }
0x1dc: {  	[sflag:s9] =	ssyncset.done $0x0  }
0x1dd: {  	[sflag:s9] =	ssyncadd.s32 $0xFFFFF300  }
0x1de: {  	_ =	swait.ge [sflag:s22], $0xD00  }
0x1df: {  	[sflag:s22] =	ssyncset.done $0x0  }
0x1e0: {  	[sflag:s22] =	ssyncadd.s32 $0xFFFFF300  }
.LBB2_12:
0x1e1: {  	s13 =	sshra.s32 s25, $0x2  }
0x1e2: {  	s26 =	sadd.s32 $0x1A880, s13  }
0x1e3: {  	[tilespmem:s15], [sflag:$0x4] =	stream.indirect.gather [hbm4b:s0+s21], $0x80, s26, s21, $0xb8;
	[tilespmem:$0x1FA00] =	vst v63  }
0x1e4: {  	s17 =	sadd.s32 $0x1A900, s13  }
0x1e5: {  	[tilespmem:s10], [sflag:$0x5] =	stream.indirect.gather [hbm4b:s0+s21], $0x80, s17, s21, $0xb8;
	[tilespmem:$0x1FA00] =	vst v63  }
0x1e6: {  	s28 =	sadd.s32 $0x17800, s13  }
0x1e7: {  	[tilespmem:s23], [sflag:$0x1] =	stream.indirect.gather [hbm4b:s2+s21], $0x80, s28, s21, $0xb8;
	[tilespmem:$0x1FA00] =	vst v63  }
0x1e8: {  	_ =	swait.ge [sflag:s19], $0x2000  }
0x1e9: {  	[sflag:s19] =	ssyncset.done $0x0  }
0x1ea: {  	s29 =	sadd.s32 $0x16800, s13;
	[sflag:s19] =	ssyncadd.s32 $0xFFFFE000  }
0x1eb: {  	[spmem:s20] =	stream.indirect.scatter.add.f32 [tilespmem:s15], [sflag:$0x3], $0x80, s29, s21, $0xb8;
	[tilespmem:$0x1FA00] =	vst v63  }
0x1ec: {  	_ =	swait.ge [sflag:s22], $0x2000  }
0x1ed: {  	[sflag:s22] =	ssyncset.done $0x0  }
0x1ee: {  	[sflag:s22] =	ssyncadd.s32 $0xFFFFE000  }
0x1ef: {  	[spmem:s20] =	stream.indirect.scatter.add.f32 [tilespmem:s23], [sflag:$0x2], $0x80, s29, s21, $0xb8;
	[tilespmem:$0x1FA00] =	vst v63  }
0x1f0: {  	v1 =	vld [tilespmem:s13+$0x16800];
	_ =	sdelay $0x7  }
0x1f1: {  	[tilespmem:v1+s18+$0x0] =	vst.idx.add.f32.msk $0xffff, v0  }
0x1f2: {  	v1 =	vld [tilespmem:s13+$0x16810];
	_ =	sdelay $0x7  }
0x1f3: {  	[tilespmem:v1+s18+$0x0] =	vst.idx.add.f32.msk $0xffff, v0  }
0x1f4: {  	v1 =	vld [tilespmem:s13+$0x16820];
	_ =	sdelay $0x7  }
0x1f5: {  	[tilespmem:v1+s18+$0x0] =	vst.idx.add.f32.msk $0xffff, v0  }
0x1f6: {  	v1 =	vld [tilespmem:s13+$0x16830];
	_ =	sdelay $0x7  }
0x1f7: {  	[tilespmem:v1+s18+$0x0] =	vst.idx.add.f32.msk $0xffff, v0  }
0x1f8: {  	_ =	swait.ge [sflag:s11], $0x2000  }
0x1f9: {  	[sflag:s11] =	ssyncset.done $0x0  }
0x1fa: {  	s30 =	sadd.s32 $0x17880, s13;
	[sflag:s11] =	ssyncadd.s32 $0xFFFFE000  }
0x1fb: {  	[tilespmem:s15], [sflag:$0x1] =	stream.indirect.gather [hbm4b:s2+s21], $0x80, s30, s21, $0xb8;
	[tilespmem:$0x1FA00] =	vst v63  }
0x1fc: {  	_ =	swait.ge [sflag:s9], $0x2000  }
0x1fd: {  	[sflag:s9] =	ssyncset.done $0x0  }
0x1fe: {  	s31 =	sadd.s32 $0x16880, s13;
	[sflag:s9] =	ssyncadd.s32 $0xFFFFE000  }
0x1ff: {  	[spmem:s20] =	stream.indirect.scatter.add.f32 [tilespmem:s10], [sflag:$0x2], $0x80, s31, s21, $0xb8;
	[tilespmem:$0x1FA00] =	vst v63  }
0x200: {  	_ =	swait.ge [sflag:s22], $0x2000  }
0x201: {  	[sflag:s22] =	ssyncset.done $0x0  }
0x202: {  	[sflag:s22] =	ssyncadd.s32 $0xFFFFE000  }
0x203: {  	[spmem:s20] =	stream.indirect.scatter.add.f32 [tilespmem:s15], [sflag:$0x2], $0x80, s31, s21, $0xb8;
	[tilespmem:$0x1FA00] =	vst v63  }
0x204: {  	v1 =	vld [tilespmem:s13+$0x16880];
	_ =	sdelay $0x7  }
0x205: {  	[tilespmem:v1+s18+$0x0] =	vst.idx.add.f32.msk $0xffff, v0  }
0x206: {  	v1 =	vld [tilespmem:s13+$0x16890];
	_ =	sdelay $0x7  }
0x207: {  	[tilespmem:v1+s18+$0x0] =	vst.idx.add.f32.msk $0xffff, v0  }
0x208: {  	v1 =	vld [tilespmem:s13+$0x168A0];
	_ =	sdelay $0x7  }
0x209: {  	[tilespmem:v1+s18+$0x0] =	vst.idx.add.f32.msk $0xffff, v0  }
0x20a: {  	v1 =	vld [tilespmem:s13+$0x168B0];
	_ =	sdelay $0x7  }
0x20b: {  	[tilespmem:v1+s18+$0x0] =	vst.idx.add.f32.msk $0xffff, v0  }
0x20c: {  	_ =	swait.ge [sflag:s1], $0x2000  }
0x20d: {  	[sflag:s1] =	ssyncset.done $0x0  }
0x20e: {  	[sflag:s1] =	ssyncadd.s32 $0xFFFFE000  }
0x20f: {  	p0 =	sne.s32 s25, $0x3000;
	_ =	swait.ge [sflag:s1], $0x2000  }
.Ltmp5:
0x210: {  	[sflag:s1] =	ssyncset.done $0x0;
	(pc) =	sbr.rel @p0 .LBB2_12-.Ltmp5, $4  }
0x211: {  	[sflag:s1] =	ssyncadd.s32 $0xFFFFE000  }
0x212: {  	_ =	swait.ge [sflag:s1], $0x2000  }
0x213: {  	[sflag:s1] =	ssyncset.done $0x0  }
0x214: {  	s25 =	sadd.s32 $0x400, s25;
	[sflag:s1] =	ssyncadd.s32 $0xFFFFE000  }
0x215: {  	s7 =	simm.s32 $0x10  }
0x216: {  	[tilespmem:s15], [sflag:$0x4] =	stream.indirect.gather [hbm4b:s0+s7], $0x80, s4, s7, $0xb8;
	[tilespmem:$0x1FA00] =	vst v63  }
0x217: {  	_ =	swait.ge [sflag:s19], $0x800  }
0x218: {  	[sflag:s19] =	ssyncset.done $0x0  }
0x219: {  	[sflag:s19] =	ssyncadd.s32 $0xFFFFF800  }
0x21a: {  	[tilespmem:s23], [sflag:$0x1] =	stream.indirect.gather [hbm4b:s2+s7], $0x80, s6, s7, $0xb8;
	[tilespmem:$0x1FA00] =	vst v63  }
0x21b: {  	_ =	swait.ge [sflag:s22], $0x800  }
0x21c: {  	[sflag:s22] =	ssyncset.done $0x0  }
0x21d: {  	[sflag:s22] =	ssyncadd.s32 $0xFFFFF800  }
0x21e: {  	[spmem:s20] =	stream.indirect.scatter.add.f32 [tilespmem:s15], [sflag:$0x6], $0x80, s5, s7, $0xb8;
	[tilespmem:$0x1FA00] =	vst v63  }
0x21f: {  	_ =	swait.ge [sflag:s16], $0x800  }
0x220: {  	[sflag:s16] =	ssyncset.done $0x0  }
0x221: {  	[sflag:s16] =	ssyncadd.s32 $0xFFFFF800  }
0x222: {  	[spmem:s20] =	stream.indirect.scatter.add.f32 [tilespmem:s23], [sflag:$0x6], $0x80, s5, s7, $0xb8;
	[tilespmem:$0x1FA00] =	vst v63  }
0x223: {  	_ =	swait.ge [sflag:s16], $0x800  }
0x224: {  	[sflag:s16] =	ssyncset.done $0x0  }
0x225: {  	[sflag:s16] =	ssyncadd.s32 $0xFFFFF800  }
0x226: {  	v1 =	vld [tilespmem:$0x1B880];
	_ =	sdelay $0x7  }
0x227: {  	[tilespmem:v1+s18+$0x0] =	vst.idx.add.f32.msk $0xffff, v0  }
0x228: {  	[bflag:$0x0] =	sbarrier.arrive $0xFFFF  }
0x229: {  	[tilespmem:s14], [sflag:$0x6] =	stream.linear.gather [hbm4b:s24+s3], $0x500, $0x38;
	[tilespmem:$0x1FA00] =	vst v63  }
0x22a: {  	_ =	swait.ge [sflag:s16], $0x500  }
0x22b: {  	[sflag:s16] =	ssyncset.done $0x0  }
0x22c: {  	[sflag:s16] =	ssyncadd.s32 $0xFFFFFB00  }
0x22d: {  	[tilespmem:s15], [sflag:$0x4] =	stream.indirect.gather [spmem:s20], $0x80, s14, s21, $0xb8;
	[tilespmem:$0x1FA00] =	vst v63  }
0x22e: {  	_ =	swait.ge [sflag:s19], $0x2000  }
0x22f: {  	[sflag:s19] =	ssyncset.done $0x0  }
0x230: {  	s13 =	rddreg [dreg:$0x1e];
	[sflag:s19] =	ssyncadd.s32 $0xFFFFE000  }
0x231: {  	[hbm4b:s13+s3] =	stream.linear.scatter [tilespmem:s15], [sflag:$0x2], $0x2000, $0x38;
	[tilespmem:$0x1FA00] =	vst v63  }
0x232: {  	s25 =	simm.s32 $0x1A900  }
0x233: {  	[tilespmem:s10], [sflag:$0x5] =	stream.indirect.gather [spmem:s20], $0x80, s25, s21, $0xb8;
	[tilespmem:$0x1FA00] =	vst v63  }
0x234: {  	_ =	swait.ge [sflag:s9], $0x2000  }
0x235: {  	[sflag:s9] =	ssyncset.done $0x0  }
0x236: {  	s8 =	rddreg [dreg:$0x1f];
	[sflag:s9] =	ssyncadd.s32 $0xFFFFE000  }
0x237: {  	[hbm4b:s8+s3] =	stream.linear.scatter [tilespmem:s10], [sflag:$0x3], $0x2000, $0x38;
	[tilespmem:$0x1FA00] =	vst v63  }
0x238: {  	_ =	swait.ge [sflag:s1], $0x2000  }
0x239: {  	[sflag:s1] =	ssyncset.done $0x0  }
0x23a: {  	s26 =	simm.s32 $0x1A980;
	[sflag:s1] =	ssyncadd.s32 $0xFFFFE000  }
0x23b: {  	[tilespmem:s15], [sflag:$0x4] =	stream.indirect.gather [spmem:s20], $0x80, s26, s21, $0xb8;
	[tilespmem:$0x1FA00] =	vst v63  }
0x23c: {  	_ =	swait.ge [sflag:s19], $0x2000  }
0x23d: {  	s12 =	sld [smem:$0x7F4]  }
0x23e: {  	[sflag:s19] =	ssyncset.done $0x0  }
0x23f: {  	[sflag:s19] =	ssyncadd.s32 $0xFFFFE000  }
0x240: {  	[hbm4b:s12+s3] =	stream.linear.scatter [tilespmem:s15], [sflag:$0x2], $0x2000, $0x38;
	[tilespmem:$0x1FA00] =	vst v63  }
0x241: {  	_ =	swait.ge [sflag:s11], $0x2000  }
0x242: {  	[sflag:s11] =	ssyncset.done $0x0  }
0x243: {  	s29 =	simm.s32 $0x1AA00;
	[sflag:s11] =	ssyncadd.s32 $0xFFFFE000  }
0x244: {  	[tilespmem:s10], [sflag:$0x5] =	stream.indirect.gather [spmem:s20], $0x80, s29, s21, $0xb8;
	[tilespmem:$0x1FA00] =	vst v63  }
0x245: {  	_ =	swait.ge [sflag:s9], $0x2000  }
0x246: {  	s14 =	sld [smem:$0x7F5]  }
0x247: {  	[sflag:s9] =	ssyncset.done $0x0  }
0x248: {  	[sflag:s9] =	ssyncadd.s32 $0xFFFFE000  }
0x249: {  	[hbm4b:s14+s3] =	stream.linear.scatter [tilespmem:s10], [sflag:$0x3], $0x2000, $0x38;
	[tilespmem:$0x1FA00] =	vst v63  }
0x24a: {  	_ =	swait.ge [sflag:s1], $0x2000  }
0x24b: {  	[sflag:s1] =	ssyncset.done $0x0  }
0x24c: {  	s30 =	simm.s32 $0x1AA80;
	[sflag:s1] =	ssyncadd.s32 $0xFFFFE000  }
0x24d: {  	[tilespmem:s15], [sflag:$0x4] =	stream.indirect.gather [spmem:s20], $0x80, s30, s21, $0xb8;
	[tilespmem:$0x1FA00] =	vst v63  }
0x24e: {  	_ =	swait.ge [sflag:s19], $0x2000  }
0x24f: {  	s17 =	sld [smem:$0x7F6]  }
0x250: {  	[sflag:s19] =	ssyncset.done $0x0  }
0x251: {  	[sflag:s19] =	ssyncadd.s32 $0xFFFFE000  }
0x252: {  	[hbm4b:s17+s3] =	stream.linear.scatter [tilespmem:s15], [sflag:$0x2], $0x2000, $0x38;
	[tilespmem:$0x1FA00] =	vst v63  }
0x253: {  	_ =	swait.ge [sflag:s11], $0x2000  }
0x254: {  	[sflag:s11] =	ssyncset.done $0x0  }
0x255: {  	s31 =	simm.s32 $0x1AB00;
	[sflag:s11] =	ssyncadd.s32 $0xFFFFE000  }
0x256: {  	[tilespmem:s10], [sflag:$0x5] =	stream.indirect.gather [spmem:s20], $0x80, s31, s21, $0xb8;
	[tilespmem:$0x1FA00] =	vst v63  }
0x257: {  	_ =	swait.ge [sflag:s9], $0x2000  }
0x258: {  	s4 =	sld [smem:$0x7F7]  }
0x259: {  	[sflag:s9] =	ssyncset.done $0x0  }
0x25a: {  	[sflag:s9] =	ssyncadd.s32 $0xFFFFE000  }
0x25b: {  	[hbm4b:s4+s3] =	stream.linear.scatter [tilespmem:s10], [sflag:$0x3], $0x2000, $0x38;
	[tilespmem:$0x1FA00] =	vst v63  }
0x25c: {  	_ =	swait.ge [sflag:s1], $0x2000  }
0x25d: {  	[sflag:s1] =	ssyncset.done $0x0  }
0x25e: {  	s17 =	simm.s32 $0x1AB80;
	[sflag:s1] =	ssyncadd.s32 $0xFFFFE000  }
0x25f: {  	[tilespmem:s15], [sflag:$0x4] =	stream.indirect.gather [spmem:s20], $0x80, s17, s21, $0xb8;
	[tilespmem:$0x1FA00] =	vst v63  }
0x260: {  	_ =	swait.ge [sflag:s19], $0x2000  }
0x261: {  	s5 =	sld [smem:$0x7F8]  }
0x262: {  	[sflag:s19] =	ssyncset.done $0x0  }
0x263: {  	[sflag:s19] =	ssyncadd.s32 $0xFFFFE000  }
0x264: {  	[hbm4b:s5+s3] =	stream.linear.scatter [tilespmem:s15], [sflag:$0x2], $0x2000, $0x38;
	[tilespmem:$0x1FA00] =	vst v63  }
0x265: {  	_ =	swait.ge [sflag:s11], $0x2000  }
0x266: {  	[sflag:s11] =	ssyncset.done $0x0  }
0x267: {  	s4 =	simm.s32 $0x1AC00;
	[sflag:s11] =	ssyncadd.s32 $0xFFFFE000  }
0x268: {  	[tilespmem:s10], [sflag:$0x5] =	stream.indirect.gather [spmem:s20], $0x80, s4, s21, $0xb8;
	[tilespmem:$0x1FA00] =	vst v63  }
0x269: {  	_ =	swait.ge [sflag:s9], $0x2000  }
0x26a: {  	s6 =	sld [smem:$0x7F9]  }
0x26b: {  	[sflag:s9] =	ssyncset.done $0x0  }
0x26c: {  	[sflag:s9] =	ssyncadd.s32 $0xFFFFE000  }
0x26d: {  	[hbm4b:s6+s3] =	stream.linear.scatter [tilespmem:s10], [sflag:$0x3], $0x2000, $0x38;
	[tilespmem:$0x1FA00] =	vst v63  }
0x26e: {  	_ =	swait.ge [sflag:s1], $0x2000  }
0x26f: {  	[sflag:s1] =	ssyncset.done $0x0  }
0x270: {  	s6 =	simm.s32 $0x1AC80;
	[sflag:s1] =	ssyncadd.s32 $0xFFFFE000  }
0x271: {  	[tilespmem:s15], [sflag:$0x4] =	stream.indirect.gather [spmem:s20], $0x80, s6, s21, $0xb8;
	[tilespmem:$0x1FA00] =	vst v63  }
0x272: {  	_ =	swait.ge [sflag:s19], $0x2000  }
0x273: {  	s7 =	sld [smem:$0x7FA]  }
0x274: {  	[sflag:s19] =	ssyncset.done $0x0  }
0x275: {  	[sflag:s19] =	ssyncadd.s32 $0xFFFFE000  }
0x276: {  	[hbm4b:s7+s3] =	stream.linear.scatter [tilespmem:s15], [sflag:$0x2], $0x2000, $0x38;
	[tilespmem:$0x1FA00] =	vst v63  }
0x277: {  	_ =	swait.ge [sflag:s11], $0x2000  }
0x278: {  	[sflag:s11] =	ssyncset.done $0x0  }
0x279: {  	s5 =	simm.s32 $0x1AD00;
	[sflag:s11] =	ssyncadd.s32 $0xFFFFE000  }
0x27a: {  	[tilespmem:s10], [sflag:$0x5] =	stream.indirect.gather [spmem:s20], $0x80, s5, s21, $0xb8;
	[tilespmem:$0x1FA00] =	vst v63  }
0x27b: {  	_ =	swait.ge [sflag:s9], $0x2000  }
0x27c: {  	s12 =	sld [smem:$0x7FB]  }
0x27d: {  	[sflag:s9] =	ssyncset.done $0x0  }
0x27e: {  	[sflag:s9] =	ssyncadd.s32 $0xFFFFE000  }
0x27f: {  	[hbm4b:s12+s3] =	stream.linear.scatter [tilespmem:s10], [sflag:$0x3], $0x2000, $0x38;
	[tilespmem:$0x1FA00] =	vst v63  }
0x280: {  	_ =	swait.ge [sflag:s1], $0x2000  }
0x281: {  	[sflag:s1] =	ssyncset.done $0x0  }
0x282: {  	[sflag:s1] =	ssyncadd.s32 $0xFFFFE000  }
0x283: {  	_ =	swait.ge [sflag:s11], $0x2000  }
0x284: {  	s13 =	sld [smem:$0x7FC]  }
0x285: {  	[sflag:s11] =	ssyncset.done $0x0  }
0x286: {  	s14 =	simm.s32 $0x80;
	s12 =	simm.s32 $0x400;
	[sflag:s11] =	ssyncadd.s32 $0xFFFFE000  }
0x287: {  	[hbm4b:s13+s14] =	stream.strided.scatter [tilespmem:s18], [sflag:$0x6], $0x2800, s12, s14, $0x38;
	[tilespmem:$0x1FA00] =	vst v63  }
0x288: {  	_ =	swait.ge [sflag:s16], $0x2800  }
0x289: {  	s13 =	sld [smem:$0x7F3];
	_ =	sdelay $0x2  }
0x28a: {  	s12 =	sadd.s32 $0x1, s13;
	s13 =	sld [smem:$0x7FD];
	_ =	sdelay $0x2  }
0x28b: {  	p0 =	sne.s32 s12, s13  }
.Ltmp6:
0x28c: {  	_ = 	snop;
	(pc) =	sbr.rel @p0 .LBB2_1-.Ltmp6, $4  }
0x28d: {  	_ = 	snop  }
0x28e: {  	s28 =	simm.s32 $0x1B980  }
0x28f: {  	s8 =	simm.s32 $0x1B900;
	s7 =	simm.s32 $0x1B880;
	[sflag:s16] =	ssyncset.done $0x0  }
0x290: {  	s14 =	simm.s32 $0x1A880;
	[sflag:s16] =	ssyncadd.s32 $0xFFFFD800;
	s13 =	smov.u32 s24  }
0x291: {  	_ =	sfence.sel $0x180000  }
0x292: {  	[bflag:$0x0] =	sbarrier.arrive $0xFFFF  }
0x293: {  	_ =	strace $0x90000047  }
0x294: {  	s0 =	stileid.u32;
	[bflag:$0x2] =	sbarrier.arrive $0xFFFF  }
0x295: {  	p0 =	sne.s32 s0, $0x0;
	s0 =	rddreg [dreg:$0x5]  }
0x296: {  	s0 =	sadd.s32 @!p0 $0x100000, s0  }
0x297: {  	[sflag:s0] =	ssyncadd.tile.s32 @!p0 $0x1;
	_ =	shalt  }
.Lfunc_end2:
_tile_overlayer_lowered:
.L_overlay_start_2:
0x298: {  	(tag) =	ssettag $0x2  }
0x299: {  	s0 =	rddreg [dreg:$0x0];
	s2 =	stileid.u32  }
0x29a: {  	s1 =	rddreg [dreg:$0x1];
	p0 =	sne.s32 s2, $0x0  }
0x29b: {  	s3 =	rddreg [dreg:$0x2];
	[bflag:$0x3] =	sbarrier.arrive $0xFFFF;
	s2 =	simm.s32 @!p0 $0x1C06  }
0x29c: {  	[timem:s3], [sflag:s2] =	dma.local @!p0 [hbm:s0], s1  }
0x29d: {  	s0 =	simm.s32 @!p0 $0x6  }
0x29e: {  	_ =	swait.ge @!p0 [sflag:s0], s1  }
0x29f: {  	s1 =	ssub.s32 @!p0 $0x0, s1;
	[sflag:s0] =	ssyncset.done @!p0 $0x0  }
0x2a0: {  	[sflag:s0] =	ssyncadd.s32 @!p0 s1  }
0x2a1: {  	[bflag:$0x3] =	sbarrier.arrive $0xFFFF  }
0x2a2: {  	_ =	shalt  }

</sc_bundles>
